<compile_context>
chip_gen: v7x
topology: tpu7x:2x2x1
jax: 0.10.2.dev20260603
libtpu: 0.0.44.dev20260713+nightly
codegen_flags: <defaults>
</compile_context>

<pallas_src>
import functools

import jax
import jax.numpy as jnp
from jax import lax
from jax.experimental import pallas as pl
from jax.experimental.pallas import tpu as pltpu
from jax.experimental.pallas import tpu_sc as plsc

EMBED = 32
TW = 2 * EMBED
TP = TW + 1
D_OUT = 70
B, L = 16384, 200
N = B * L
NC, NS = 2, 16
NW = NC * NS
WB = B // NW
NBLK = L // 8
UPB = 8

SIN_C = (6.283183465409584, -41.34148025958733, 81.59765524711814,
         -76.59489967393353, 41.26979637356445, -12.372272029175647)
COS_C = (0.9999999922855516, -19.739205552336067, 64.939172135788,
         -85.45116383102753, 60.176212682457354, -26.000455681228082,
         6.575502264032736)


def _horner(coeffs, z):
    r = jnp.float32(coeffs[-1])
    for c in coeffs[-2::-1]:
        r = r * z + jnp.float32(c)
    return r


def _sc_body(hour_hbm, wday_hbm, nt_hbm, comb_hbm, out_hbm,
             comb_v, h0_v, w0_v, t0_v, h1_v, w1_v, t1_v,
             out0_v, out1_v, semi0, semi1, sem0, sem1):
    wid = lax.axis_index("s") * NC + lax.axis_index("c")
    wb0 = wid * WB
    pltpu.sync_copy(comb_hbm, comb_v)
    inbufs = ((h0_v, w0_v, t0_v, semi0), (h1_v, w1_v, t1_v, semi1))
    outbufs = ((out0_v, sem0), (out1_v, sem1))

    def in_copies(blk, pb):
        h_v, w_v, t_v, semi = inbufs[pb]
        rows = pl.ds(blk * 8, 8)
        cols = pl.ds(wb0, WB)
        return (
            pltpu.make_async_copy(hour_hbm.at[rows, cols], h_v, semi),
            pltpu.make_async_copy(wday_hbm.at[rows, cols], w_v, semi),
            pltpu.make_async_copy(nt_hbm.at[rows, cols], t_v, semi),
        )

    def do_unit(u, blk, i, pb, par):
        h_v, w_v, t_v, _ = inbufs[pb]
        out_v, sem_out = outbufs[par]
        l = blk * 8 + i

        @pl.when(u >= 2)
        def _():
            pltpu.make_async_copy(
                out_v, out_hbm.at[:, 0, pl.ds(0, WB)], sem_out).wait()

        def grp_body(j, _):
            col = pl.ds(j * 16, 16)
            h = h_v[i, col]
            w = w_v[i, col]
            t = t_v[i, col]
            cidx = (h * 7 + w) * TP

            @plsc.parallel_loop(0, TW, unroll=64)
            def _(d):
                val = plsc.load_gather(comb_v, [cidx + d])
                out_v[d, pl.ds(j * 16, 16)] = val

            x = t - lax.convert_element_type(
                lax.convert_element_type(t + 0.5, jnp.int32), jnp.float32)
            z = x * x
            s1 = x * _horner(SIN_C, z)
            c1 = _horner(COS_C, z)
            s2 = 2.0 * s1 * c1
            c2 = 1.0 - 2.0 * s1 * s1
            s4 = 2.0 * s2 * c2
            c4 = 1.0 - 2.0 * s2 * s2
            for k, val in enumerate((s1, c1, s2, c2, s4, c4)):
                out_v[TW + k, pl.ds(j * 16, 16)] = val
            return 0

        @plsc.parallel_loop(0, WB // 16)
        def _(j):
            grp_body(j, 0)

        pltpu.make_async_copy(
            out_v,
            out_hbm.at[:, l, pl.ds(wb0, WB)],
            sem_out).start()

    def run_block(blk, pb):
        for c in in_copies(blk, pb):
            c.wait()

        def unit_pair(ip, _):
            i0 = ip * 2
            do_unit(blk * UPB + i0, blk, i0, pb, 0)
            do_unit(blk * UPB + i0 + 1, blk, i0 + 1, pb, 1)
            return 0

        lax.fori_loop(0, UPB // 2, unit_pair, 0)

    for c in in_copies(0, 0):
        c.start()
    for c in in_copies(1, 1):
        c.start()

    def blk_pair(bp, _):
        for pb in range(2):
            blk = bp * 2 + pb
            run_block(blk, pb)

            @pl.when(blk + 2 < NBLK)
            def _():
                for c in in_copies(blk + 2, pb):
                    c.start()
        return 0

    lax.fori_loop(0, (NBLK - 1) // 2, blk_pair, 0)
    run_block(NBLK - 1, 0)

    for par in range(2):
        out_v, sem_out = outbufs[par]
        pltpu.make_async_copy(
            out_v, out_hbm.at[:, 0, pl.ds(0, WB)], sem_out).wait()


@functools.partial(jax.jit, static_argnums=())
def _encode(hour_t, wday_t, nt_t, comb_flat):
    mesh = plsc.VectorSubcoreMesh(core_axis_name="c", subcore_axis_name="s")
    fn = pl.kernel(
        _sc_body,
        mesh=mesh,
        compiler_params=pltpu.CompilerParams(
            needs_layout_passes=False, use_tc_tiling_on_sc=True),
        out_type=jax.ShapeDtypeStruct((D_OUT, L, B), jnp.float32),
        scratch_types=[
            pltpu.VMEM((24 * 7 * TP,), jnp.float32),
            pltpu.VMEM((8, WB), jnp.int32),
            pltpu.VMEM((8, WB), jnp.int32),
            pltpu.VMEM((8, WB), jnp.float32),
            pltpu.VMEM((8, WB), jnp.int32),
            pltpu.VMEM((8, WB), jnp.int32),
            pltpu.VMEM((8, WB), jnp.float32),
            pltpu.VMEM((D_OUT, WB), jnp.float32),
            pltpu.VMEM((D_OUT, WB), jnp.float32),
            pltpu.SemaphoreType.DMA,
            pltpu.SemaphoreType.DMA,
            pltpu.SemaphoreType.DMA,
            pltpu.SemaphoreType.DMA,
        ],
    )
    return fn(hour_t, wday_t, nt_t, comb_flat)


def kernel(hour, weekday, norm_time, hour_table, weekday_table):
    hour_t = hour.T.astype(jnp.int32)
    wday_t = weekday.T.astype(jnp.int32)
    nt_t = norm_time.T
    comb_flat = jnp.concatenate([
        jnp.broadcast_to(hour_table[:, None, :], (24, 7, EMBED)),
        jnp.broadcast_to(weekday_table[None, :, :], (24, 7, EMBED)),
        jnp.zeros((24, 7, 1), jnp.float32),
    ], axis=-1).reshape(24 * 7 * TP)
    out_dlb = _encode(hour_t, wday_t, nt_t, comb_flat)
    return jnp.transpose(out_dlb, (2, 1, 0))

# --- scband reference (transcript-rebuilt; emitter-appended) ---
"""Pipeline reference for scband-time-key-encoder-31499290149142 (READ-ONLY COPY).

The authoritative reference and input builder live on the scoring server;
editing this copy changes nothing except your own understanding.
"""

import jax, jax.numpy as jnp
import numpy as np

EMBED_DIM = 32
MAX_HOUR = 24
MAX_WEEKDAY = 7
B, L = 16384, 200


def setup_inputs(seed: int = 0) -> dict:
    key = jax.random.key(seed)
    k1, k2, k3, k4, k5 = jax.random.split(key, 5)
    hour = jax.random.randint(k1, (B, L), 0, MAX_HOUR, dtype=jnp.int64 if jax.config.jax_enable_x64 else jnp.int32)
    weekday = jax.random.randint(k2, (B, L), 0, MAX_WEEKDAY, dtype=jnp.int64 if jax.config.jax_enable_x64 else jnp.int32)
    norm_time = jax.random.uniform(k3, (B, L), dtype=jnp.float32)
    hour_table = jax.random.normal(k4, (MAX_HOUR, EMBED_DIM), dtype=jnp.float32)
    weekday_table = jax.random.normal(k5, (MAX_WEEKDAY, EMBED_DIM), dtype=jnp.float32)
    return {"hour": hour, "weekday": weekday, "norm_time": norm_time,
            "hour_table": hour_table, "weekday_table": weekday_table}


def _sine_cosine_encoding(norm_time, frequencies=(1, 2, 4)):
    embeddings = []
    for freq in frequencies:
        sine = jnp.sin(2.0 * jnp.pi * freq * norm_time)
        cosine = jnp.cos(2.0 * jnp.pi * freq * norm_time)
        embeddings.append(jnp.stack([sine, cosine], axis=-1))
    return jnp.concatenate(embeddings, axis=-1)


def reference(hour, weekday, norm_time, hour_table, weekday_table):
    hour_emb = jnp.take(hour_table, hour, axis=0)
    weekday_emb = jnp.take(weekday_table, weekday, axis=0)
    discrete_emb = jnp.concatenate([hour_emb, weekday_emb], axis=-1)
    sine_cosine_emb = _sine_cosine_encoding(norm_time)
    return jnp.concatenate([discrete_emb, sine_cosine_emb], axis=-1)

if __name__ == "__main__":
    import jax
    _d = setup_inputs()
    print(jax.jit(kernel)(*tuple(_d.values())))

</pallas_src>

<mosaic_0001>
#map = affine_map<(d0, d1) -> (0, 0)>
#map1 = affine_map<(d0, d1) -> (0)>
#map2 = affine_map<(d0, d1) -> (0, 0, 0)>
module attributes {stable_mosaic.version = 14 : i64} {
  func.func @_sc_body(%arg0: i32, %arg1: i32, %arg2: memref<200x16384xi32, #tpu.memory_space<hbm>>, %arg3: memref<200x16384xi32, #tpu.memory_space<hbm>>, %arg4: memref<200x16384xf32, #tpu.memory_space<hbm>>, %arg5: memref<10920xf32, #tpu.memory_space<hbm>>, %arg6: memref<70x200x16384xf32, #tpu.memory_space<hbm>>, %arg7: memref<10920xf32, #tpu.memory_space<vmem>>, %arg8: memref<8x512xi32, #tpu.memory_space<vmem>>, %arg9: memref<8x512xi32, #tpu.memory_space<vmem>>, %arg10: memref<8x512xf32, #tpu.memory_space<vmem>>, %arg11: memref<8x512xi32, #tpu.memory_space<vmem>>, %arg12: memref<8x512xi32, #tpu.memory_space<vmem>>, %arg13: memref<8x512xf32, #tpu.memory_space<vmem>>, %arg14: memref<70x512xf32, #tpu.memory_space<vmem>>, %arg15: memref<70x512xf32, #tpu.memory_space<vmem>>, %arg16: memref<!tpu.dma_semaphore, #tpu.memory_space<semaphore_mem>>, %arg17: memref<!tpu.dma_semaphore, #tpu.memory_space<semaphore_mem>>, %arg18: memref<!tpu.dma_semaphore, #tpu.memory_space<semaphore_mem>>, %arg19: memref<!tpu.dma_semaphore, #tpu.memory_space<semaphore_mem>>) attributes {dimension_semantics = [#tpu.dimension_semantics<core_parallel>, #tpu.dimension_semantics<subcore_parallel>], iteration_bounds = array<i64: 2, 16>, scalar_prefetch = 0 : i64, scratch_operands = 13 : i64, tpu.core_type = #tpu.core_type<sc_vector_subcore>, window_params = [{transform_indices = #map}, {transform_indices = #map}, {transform_indices = #map}, {transform_indices = #map1}, {transform_indices = #map2}]} {
    %mul3A = arith.constant 2 : i32
    %mul3A_0 = arith.muli %arg1, %mul3A : i32
    %add3A = arith.addi %mul3A_0, %arg0 : i32
    %mul3A_1 = arith.constant 512 : i32
    %mul3A_2 = arith.muli %add3A, %mul3A_1 : i32
    "tpu.region"() ({
      %run_scoped3A = tpu.sem_alloc : memref<!tpu.dma_semaphore, #tpu.memory_space<semaphore_mem>>
      tpu.enqueue_dma source(%arg5 : memref<10920xf32, #tpu.memory_space<hbm>>) target(%arg7 : memref<10920xf32, #tpu.memory_space<vmem>>) target_semaphore(%run_scoped3A : memref<!tpu.dma_semaphore, #tpu.memory_space<semaphore_mem>>)
      tpu.wait_dma2 semaphore(%run_scoped3A : memref<!tpu.dma_semaphore, #tpu.memory_space<semaphore_mem>>) src(%arg5 : memref<10920xf32, #tpu.memory_space<hbm>>) dst(%arg7 : memref<10920xf32, #tpu.memory_space<vmem>>)
      tpu.yield
    }) : () -> ()
    %dma_start3A = arith.constant 0 : i32
    %dma_start3A_3 = tpu.memref_slice %arg2[%dma_start3A, %mul3A_2] : memref<200x16384xi32, #tpu.memory_space<hbm>> -> memref<8x512xi32, #tpu.memory_space<hbm>>
    %dma_start3A_4 = arith.constant 0 : i32
    %dma_start3A_5 = tpu.memref_slice %arg2[%dma_start3A_4, %mul3A_2] : memref<200x16384xi32, #tpu.memory_space<hbm>> -> memref<8x512xi32, #tpu.memory_space<hbm>>
    tpu.enqueue_dma source(%dma_start3A_5 : memref<8x512xi32, #tpu.memory_space<hbm>>) target(%arg8 : memref<8x512xi32, #tpu.memory_space<vmem>>) target_semaphore(%arg16 : memref<!tpu.dma_semaphore, #tpu.memory_space<semaphore_mem>>)
    %dma_start3A_6 = arith.constant 0 : i32
    %dma_start3A_7 = tpu.memref_slice %arg3[%dma_start3A_6, %mul3A_2] : memref<200x16384xi32, #tpu.memory_space<hbm>> -> memref<8x512xi32, #tpu.memory_space<hbm>>
    %dma_start3A_8 = arith.constant 0 : i32
    %dma_start3A_9 = tpu.memref_slice %arg3[%dma_start3A_8, %mul3A_2] : memref<200x16384xi32, #tpu.memory_space<hbm>> -> memref<8x512xi32, #tpu.memory_space<hbm>>
    tpu.enqueue_dma source(%dma_start3A_9 : memref<8x512xi32, #tpu.memory_space<hbm>>) target(%arg9 : memref<8x512xi32, #tpu.memory_space<vmem>>) target_semaphore(%arg16 : memref<!tpu.dma_semaphore, #tpu.memory_space<semaphore_mem>>)
    %dma_start3A_10 = arith.constant 0 : i32
    %dma_start3A_11 = tpu.memref_slice %arg4[%dma_start3A_10, %mul3A_2] : memref<200x16384xf32, #tpu.memory_space<hbm>> -> memref<8x512xf32, #tpu.memory_space<hbm>>
    %dma_start3A_12 = arith.constant 0 : i32
    %dma_start3A_13 = tpu.memref_slice %arg4[%dma_start3A_12, %mul3A_2] : memref<200x16384xf32, #tpu.memory_space<hbm>> -> memref<8x512xf32, #tpu.memory_space<hbm>>
    tpu.enqueue_dma source(%dma_start3A_13 : memref<8x512xf32, #tpu.memory_space<hbm>>) target(%arg10 : memref<8x512xf32, #tpu.memory_space<vmem>>) target_semaphore(%arg16 : memref<!tpu.dma_semaphore, #tpu.memory_space<semaphore_mem>>)
    %dma_start3A_14 = arith.constant 8 : i32
    %dma_start3A_15 = tpu.memref_slice %arg2[%dma_start3A_14, %mul3A_2] : memref<200x16384xi32, #tpu.memory_space<hbm>> -> memref<8x512xi32, #tpu.memory_space<hbm>>
    %dma_start3A_16 = arith.constant 8 : i32
    %dma_start3A_17 = tpu.memref_slice %arg2[%dma_start3A_16, %mul3A_2] : memref<200x16384xi32, #tpu.memory_space<hbm>> -> memref<8x512xi32, #tpu.memory_space<hbm>>
    tpu.enqueue_dma source(%dma_start3A_17 : memref<8x512xi32, #tpu.memory_space<hbm>>) target(%arg11 : memref<8x512xi32, #tpu.memory_space<vmem>>) target_semaphore(%arg17 : memref<!tpu.dma_semaphore, #tpu.memory_space<semaphore_mem>>)
    %dma_start3A_18 = arith.constant 8 : i32
    %dma_start3A_19 = tpu.memref_slice %arg3[%dma_start3A_18, %mul3A_2] : memref<200x16384xi32, #tpu.memory_space<hbm>> -> memref<8x512xi32, #tpu.memory_space<hbm>>
    %dma_start3A_20 = arith.constant 8 : i32
    %dma_start3A_21 = tpu.memref_slice %arg3[%dma_start3A_20, %mul3A_2] : memref<200x16384xi32, #tpu.memory_space<hbm>> -> memref<8x512xi32, #tpu.memory_space<hbm>>
    tpu.enqueue_dma source(%dma_start3A_21 : memref<8x512xi32, #tpu.memory_space<hbm>>) target(%arg12 : memref<8x512xi32, #tpu.memory_space<vmem>>) target_semaphore(%arg17 : memref<!tpu.dma_semaphore, #tpu.memory_space<semaphore_mem>>)
    %dma_start3A_22 = arith.constant 8 : i32
    %dma_start3A_23 = tpu.memref_slice %arg4[%dma_start3A_22, %mul3A_2] : memref<200x16384xf32, #tpu.memory_space<hbm>> -> memref<8x512xf32, #tpu.memory_space<hbm>>
    %dma_start3A_24 = arith.constant 8 : i32
    %dma_start3A_25 = tpu.memref_slice %arg4[%dma_start3A_24, %mul3A_2] : memref<200x16384xf32, #tpu.memory_space<hbm>> -> memref<8x512xf32, #tpu.memory_space<hbm>>
    tpu.enqueue_dma source(%dma_start3A_25 : memref<8x512xf32, #tpu.memory_space<hbm>>) target(%arg13 : memref<8x512xf32, #tpu.memory_space<vmem>>) target_semaphore(%arg17 : memref<!tpu.dma_semaphore, #tpu.memory_space<semaphore_mem>>)
    %scan3A = arith.constant 0 : i32
    %scan3A_26 = arith.constant 0 : i32
    %scan3A_27 = arith.constant 12 : i32
    %scan3A_28 = arith.addi %scan3A_26, %scan3A_27 : i32
    %scan3A_29 = arith.constant 1 : i32
    %scan3A_30 = scf.for %scan3A_68 = %scan3A_26 to %scan3A_28 step %scan3A_29 iter_args(%scan3A_69 = %scan3A) -> (i32)  : i32 {
      %mul3A_70 = arith.constant 2 : i32
      %mul3A_71 = arith.muli %scan3A_68, %mul3A_70 : i32
      %add3A_72 = arith.constant 0 : i32
      %add3A_73 = arith.addi %mul3A_71, %add3A_72 : i32
      %mul3A_74 = arith.constant 8 : i32
      %mul3A_75 = arith.muli %add3A_73, %mul3A_74 : i32
      %dma_wait3A_76 = tpu.memref_slice %arg2[%mul3A_75, %mul3A_2] : memref<200x16384xi32, #tpu.memory_space<hbm>> -> memref<8x512xi32, #tpu.memory_space<hbm>>
      %dma_wait3A_77 = tpu.memref_slice %arg2[%mul3A_75, %mul3A_2] : memref<200x16384xi32, #tpu.memory_space<hbm>> -> memref<8x512xi32, #tpu.memory_space<hbm>>
      tpu.wait_dma2 semaphore(%arg16 : memref<!tpu.dma_semaphore, #tpu.memory_space<semaphore_mem>>) src(%dma_wait3A_77 : memref<8x512xi32, #tpu.memory_space<hbm>>) dst(%arg8 : memref<8x512xi32, #tpu.memory_space<vmem>>)
      %dma_wait3A_78 = tpu.memref_slice %arg3[%mul3A_75, %mul3A_2] : memref<200x16384xi32, #tpu.memory_space<hbm>> -> memref<8x512xi32, #tpu.memory_space<hbm>>
      %dma_wait3A_79 = tpu.memref_slice %arg3[%mul3A_75, %mul3A_2] : memref<200x16384xi32, #tpu.memory_space<hbm>> -> memref<8x512xi32, #tpu.memory_space<hbm>>
      tpu.wait_dma2 semaphore(%arg16 : memref<!tpu.dma_semaphore, #tpu.memory_space<semaphore_mem>>) src(%dma_wait3A_79 : memref<8x512xi32, #tpu.memory_space<hbm>>) dst(%arg9 : memref<8x512xi32, #tpu.memory_space<vmem>>)
      %dma_wait3A_80 = tpu.memref_slice %arg4[%mul3A_75, %mul3A_2] : memref<200x16384xf32, #tpu.memory_space<hbm>> -> memref<8x512xf32, #tpu.memory_space<hbm>>
      %dma_wait3A_81 = tpu.memref_slice %arg4[%mul3A_75, %mul3A_2] : memref<200x16384xf32, #tpu.memory_space<hbm>> -> memref<8x512xf32, #tpu.memory_space<hbm>>
      tpu.wait_dma2 semaphore(%arg16 : memref<!tpu.dma_semaphore, #tpu.memory_space<semaphore_mem>>) src(%dma_wait3A_81 : memref<8x512xf32, #tpu.memory_space<hbm>>) dst(%arg10 : memref<8x512xf32, #tpu.memory_space<vmem>>)
      %scan3A_82 = arith.constant 0 : i32
      %scan3A_83 = arith.constant 0 : i32
      %scan3A_84 = arith.constant 4 : i32
      %scan3A_85 = arith.addi %scan3A_83, %scan3A_84 : i32
      %scan3A_86 = arith.constant 1 : i32
      %scan3A_87 = scf.for %scan3A_120 = %scan3A_83 to %scan3A_85 step %scan3A_86 iter_args(%scan3A_121 = %scan3A_82) -> (i32)  : i32 {
        %mul3A_122 = arith.constant 2 : i32
        %mul3A_123 = arith.muli %scan3A_120, %mul3A_122 : i32
        %mul3A_124 = arith.constant 8 : i32
        %mul3A_125 = arith.muli %add3A_73, %mul3A_124 : i32
        %add3A_126 = arith.addi %mul3A_125, %mul3A_123 : i32
        %mul3A_127 = arith.constant 8 : i32
        %mul3A_128 = arith.muli %add3A_73, %mul3A_127 : i32
        %add3A_129 = arith.addi %mul3A_128, %mul3A_123 : i32
        %ge3A = arith.constant 2 : i32
        %ge3A_130 = arith.cmpi sge, %add3A_126, %ge3A : i32
        %convert_element_type3A_131 = arith.extui %ge3A_130 : i1 to i32
        %cond3A_132 = arith.constant 0 : i32
        %cond3A_133 = arith.cmpi ne, %convert_element_type3A_131, %cond3A_132 : i32
        scf.if %cond3A_133 {
          %dma_wait3A_167 = arith.constant 0 : i32
          %dma_wait3A_168 = arith.constant 0 : i32
          %dma_wait3A_169 = arith.constant 0 : i32
          %dma_wait3A_170 = tpu.memref_slice %arg6[%dma_wait3A_168, %dma_wait3A_167, %dma_wait3A_169] : memref<70x200x16384xf32, #tpu.memory_space<hbm>> -> memref<70x1x512xf32, #tpu.memory_space<hbm>>
          %dma_wait3A_171 = tpu.memref_squeeze %dma_wait3A_170 : memref<70x1x512xf32, #tpu.memory_space<hbm>> -> memref<70x512xf32, #tpu.memory_space<hbm>>
          %dma_wait3A_172 = arith.constant 0 : i32
          %dma_wait3A_173 = arith.constant 0 : i32
          %dma_wait3A_174 = tpu.memref_slice %arg6[%dma_wait3A_172, %dma_wait3A_167, %dma_wait3A_173] : memref<70x200x16384xf32, #tpu.memory_space<hbm>> -> memref<70x1x512xf32, #tpu.memory_space<hbm>>
          %dma_wait3A_175 = tpu.memref_squeeze %dma_wait3A_174 : memref<70x1x512xf32, #tpu.memory_space<hbm>> -> memref<70x512xf32, #tpu.memory_space<hbm>>
          tpu.wait_dma2 semaphore(%arg18 : memref<!tpu.dma_semaphore, #tpu.memory_space<semaphore_mem>>) src(%arg14 : memref<70x512xf32, #tpu.memory_space<vmem>>) dst(%dma_wait3A_175 : memref<70x512xf32, #tpu.memory_space<hbm>>)
        } else {
        }
        %parallel_loop3A = arith.constant 0 : i32
        %parallel_loop3A_134 = arith.constant 32 : i32
        %parallel_loop3A_135 = arith.constant 1 : i32
        scf.for %parallel_loop3A_167 = %parallel_loop3A to %parallel_loop3A_134 step %parallel_loop3A_135  : i32 {
          %parallel_loop3A_168 = arith.constant 16 : i32
          %parallel_loop3A_169 = arith.muli %parallel_loop3A_167, %parallel_loop3A_168 : i32
          %parallel_loop3A_170 = arith.index_cast %mul3A_123 : i32 to index
          %parallel_loop3A_171 = arith.index_cast %parallel_loop3A_169 : i32 to index
          %parallel_loop3A_172 = tpu.vector_load %arg8[%parallel_loop3A_170, %parallel_loop3A_171] {strides = array<i32>} : memref<8x512xi32, #tpu.memory_space<vmem>>, vector<16xi32>,
          %parallel_loop3A_173 = arith.index_cast %mul3A_123 : i32 to index
          %parallel_loop3A_174 = arith.index_cast %parallel_loop3A_169 : i32 to index
          %parallel_loop3A_175 = tpu.vector_load %arg9[%parallel_loop3A_173, %parallel_loop3A_174] {strides = array<i32>} : memref<8x512xi32, #tpu.memory_space<vmem>>, vector<16xi32>,
          %parallel_loop3A_176 = arith.index_cast %mul3A_123 : i32 to index
          %parallel_loop3A_177 = arith.index_cast %parallel_loop3A_169 : i32 to index
          %parallel_loop3A_178 = tpu.vector_load %arg10[%parallel_loop3A_176, %parallel_loop3A_177] {strides = array<i32>} : memref<8x512xf32, #tpu.memory_space<vmem>>, vector<16xf32>,
          %parallel_loop3A_179 = arith.constant 7 : i32
          %parallel_loop3A_180 = vector.broadcast %parallel_loop3A_179 : i32 to vector<16xi32>
          %parallel_loop3A_181 = arith.muli %parallel_loop3A_172, %parallel_loop3A_180 : vector<16xi32>
          %parallel_loop3A_182 = arith.addi %parallel_loop3A_181, %parallel_loop3A_175 : vector<16xi32>
          %parallel_loop3A_183 = arith.constant 65 : i32
          %parallel_loop3A_184 = vector.broadcast %parallel_loop3A_183 : i32 to vector<16xi32>
          %parallel_loop3A_185 = arith.muli %parallel_loop3A_182, %parallel_loop3A_184 : vector<16xi32>
          %parallel_loop3A_186 = arith.constant 0 : i32
          %parallel_loop3A_187 = arith.constant 64 : i32
          %parallel_loop3A_188 = arith.constant 1 : i32
          scf.for %parallel_loop3A_303 = %parallel_loop3A_186 to %parallel_loop3A_187 step %parallel_loop3A_188  : i32 {
            %parallel_loop3A_304 = vector.broadcast %parallel_loop3A_303 : i32 to vector<16xi32>
            %parallel_loop3A_305 = arith.addi %parallel_loop3A_185, %parallel_loop3A_304 : vector<16xi32>
            %parallel_loop3A_306 = tpu.vector_load_idx %arg7[%parallel_loop3A_305] : memref<10920xf32, #tpu.memory_space<vmem>>[vector<16xi32>], vector<16xf32>,
            %parallel_loop3A_307 = arith.constant 16 : i32
            %parallel_loop3A_308 = arith.muli %parallel_loop3A_167, %parallel_loop3A_307 : i32
            %parallel_loop3A_309 = arith.index_cast %parallel_loop3A_303 : i32 to index
            %parallel_loop3A_310 = arith.index_cast %parallel_loop3A_308 : i32 to index
            %parallel_loop3A_311 = tpu.vector_load %arg14[%parallel_loop3A_309, %parallel_loop3A_310] {strides = array<i32>} : memref<70x512xf32, #tpu.memory_space<vmem>>, vector<16xf32>,
            tpu.vector_store %arg14[%parallel_loop3A_309, %parallel_loop3A_310], %parallel_loop3A_306 {strides = array<i32>} : memref<70x512xf32, #tpu.memory_space<vmem>>, vector<16xf32>,
          } {sc.loop_unroll_factor = 64 : i64, sc.parallel_access}
          %parallel_loop3A_189 = arith.constant 5.000000e-01 : f32
          %parallel_loop3A_190 = vector.broadcast %parallel_loop3A_189 : f32 to vector<16xf32>
          %parallel_loop3A_191 = arith.addf %parallel_loop3A_178, %parallel_loop3A_190 : vector<16xf32>
          %parallel_loop3A_192 = arith.fptosi %parallel_loop3A_191 : vector<16xf32> to vector<16xi32>
          %parallel_loop3A_193 = arith.sitofp %parallel_loop3A_192 : vector<16xi32> to vector<16xf32>
          %parallel_loop3A_194 = arith.subf %parallel_loop3A_178, %parallel_loop3A_193 : vector<16xf32>
          %parallel_loop3A_195 = arith.mulf %parallel_loop3A_194, %parallel_loop3A_194 : vector<16xf32>
          %parallel_loop3A_196 = arith.constant -12.3722725 : f32
          %parallel_loop3A_197 = vector.broadcast %parallel_loop3A_196 : f32 to vector<16xf32>
          %parallel_loop3A_198 = arith.mulf %parallel_loop3A_197, %parallel_loop3A_195 : vector<16xf32>
          %parallel_loop3A_199 = arith.constant 4.126980e+01 : f32
          %parallel_loop3A_200 = vector.broadcast %parallel_loop3A_199 : f32 to vector<16xf32>
          %parallel_loop3A_201 = arith.addf %parallel_loop3A_198, %parallel_loop3A_200 : vector<16xf32>
          %parallel_loop3A_202 = arith.mulf %parallel_loop3A_201, %parallel_loop3A_195 : vector<16xf32>
          %parallel_loop3A_203 = arith.constant -7.659490e+01 : f32
          %parallel_loop3A_204 = vector.broadcast %parallel_loop3A_203 : f32 to vector<16xf32>
          %parallel_loop3A_205 = arith.addf %parallel_loop3A_202, %parallel_loop3A_204 : vector<16xf32>
          %parallel_loop3A_206 = arith.mulf %parallel_loop3A_205, %parallel_loop3A_195 : vector<16xf32>
          %parallel_loop3A_207 = arith.constant 81.5976563 : f32
          %parallel_loop3A_208 = vector.broadcast %parallel_loop3A_207 : f32 to vector<16xf32>
          %parallel_loop3A_209 = arith.addf %parallel_loop3A_206, %parallel_loop3A_208 : vector<16xf32>
          %parallel_loop3A_210 = arith.mulf %parallel_loop3A_209, %parallel_loop3A_195 : vector<16xf32>
          %parallel_loop3A_211 = arith.constant -41.3414803 : f32
          %parallel_loop3A_212 = vector.broadcast %parallel_loop3A_211 : f32 to vector<16xf32>
          %parallel_loop3A_213 = arith.addf %parallel_loop3A_210, %parallel_loop3A_212 : vector<16xf32>
          %parallel_loop3A_214 = arith.mulf %parallel_loop3A_213, %parallel_loop3A_195 : vector<16xf32>
          %parallel_loop3A_215 = arith.constant 6.28318357 : f32
          %parallel_loop3A_216 = vector.broadcast %parallel_loop3A_215 : f32 to vector<16xf32>
          %parallel_loop3A_217 = arith.addf %parallel_loop3A_214, %parallel_loop3A_216 : vector<16xf32>
          %parallel_loop3A_218 = arith.mulf %parallel_loop3A_194, %parallel_loop3A_217 : vector<16xf32>
          %parallel_loop3A_219 = arith.constant 6.5755024 : f32
          %parallel_loop3A_220 = vector.broadcast %parallel_loop3A_219 : f32 to vector<16xf32>
          %parallel_loop3A_221 = arith.mulf %parallel_loop3A_220, %parallel_loop3A_195 : vector<16xf32>
          %parallel_loop3A_222 = arith.constant -26.0004559 : f32
          %parallel_loop3A_223 = vector.broadcast %parallel_loop3A_222 : f32 to vector<16xf32>
          %parallel_loop3A_224 = arith.addf %parallel_loop3A_221, %parallel_loop3A_223 : vector<16xf32>
          %parallel_loop3A_225 = arith.mulf %parallel_loop3A_224, %parallel_loop3A_195 : vector<16xf32>
          %parallel_loop3A_226 = arith.constant 60.1762123 : f32
          %parallel_loop3A_227 = vector.broadcast %parallel_loop3A_226 : f32 to vector<16xf32>
          %parallel_loop3A_228 = arith.addf %parallel_loop3A_225, %parallel_loop3A_227 : vector<16xf32>
          %parallel_loop3A_229 = arith.mulf %parallel_loop3A_228, %parallel_loop3A_195 : vector<16xf32>
          %parallel_loop3A_230 = arith.constant -85.4511642 : f32
          %parallel_loop3A_231 = vector.broadcast %parallel_loop3A_230 : f32 to vector<16xf32>
          %parallel_loop3A_232 = arith.addf %parallel_loop3A_229, %parallel_loop3A_231 : vector<16xf32>
          %parallel_loop3A_233 = arith.mulf %parallel_loop3A_232, %parallel_loop3A_195 : vector<16xf32>
          %parallel_loop3A_234 = arith.constant 64.9391708 : f32
          %parallel_loop3A_235 = vector.broadcast %parallel_loop3A_234 : f32 to vector<16xf32>
          %parallel_loop3A_236 = arith.addf %parallel_loop3A_233, %parallel_loop3A_235 : vector<16xf32>
          %parallel_loop3A_237 = arith.mulf %parallel_loop3A_236, %parallel_loop3A_195 : vector<16xf32>
          %parallel_loop3A_238 = arith.constant -19.7392063 : f32
          %parallel_loop3A_239 = vector.broadcast %parallel_loop3A_238 : f32 to vector<16xf32>
          %parallel_loop3A_240 = arith.addf %parallel_loop3A_237, %parallel_loop3A_239 : vector<16xf32>
          %parallel_loop3A_241 = arith.mulf %parallel_loop3A_240, %parallel_loop3A_195 : vector<16xf32>
          %parallel_loop3A_242 = arith.constant 1.000000e+00 : f32
          %parallel_loop3A_243 = vector.broadcast %parallel_loop3A_242 : f32 to vector<16xf32>
          %parallel_loop3A_244 = arith.addf %parallel_loop3A_241, %parallel_loop3A_243 : vector<16xf32>
          %parallel_loop3A_245 = arith.constant 2.000000e+00 : f32
          %parallel_loop3A_246 = vector.broadcast %parallel_loop3A_245 : f32 to vector<16xf32>
          %parallel_loop3A_247 = arith.mulf %parallel_loop3A_246, %parallel_loop3A_218 : vector<16xf32>
          %parallel_loop3A_248 = arith.mulf %parallel_loop3A_247, %parallel_loop3A_244 : vector<16xf32>
          %parallel_loop3A_249 = arith.constant 2.000000e+00 : f32
          %parallel_loop3A_250 = vector.broadcast %parallel_loop3A_249 : f32 to vector<16xf32>
          %parallel_loop3A_251 = arith.mulf %parallel_loop3A_250, %parallel_loop3A_218 : vector<16xf32>
          %parallel_loop3A_252 = arith.mulf %parallel_loop3A_251, %parallel_loop3A_218 : vector<16xf32>
          %parallel_loop3A_253 = arith.constant 1.000000e+00 : f32
          %parallel_loop3A_254 = vector.broadcast %parallel_loop3A_253 : f32 to vector<16xf32>
          %parallel_loop3A_255 = arith.subf %parallel_loop3A_254, %parallel_loop3A_252 : vector<16xf32>
          %parallel_loop3A_256 = arith.constant 2.000000e+00 : f32
          %parallel_loop3A_257 = vector.broadcast %parallel_loop3A_256 : f32 to vector<16xf32>
          %parallel_loop3A_258 = arith.mulf %parallel_loop3A_257, %parallel_loop3A_248 : vector<16xf32>
          %parallel_loop3A_259 = arith.mulf %parallel_loop3A_258, %parallel_loop3A_255 : vector<16xf32>
          %parallel_loop3A_260 = arith.constant 2.000000e+00 : f32
          %parallel_loop3A_261 = vector.broadcast %parallel_loop3A_260 : f32 to vector<16xf32>
          %parallel_loop3A_262 = arith.mulf %parallel_loop3A_261, %parallel_loop3A_248 : vector<16xf32>
          %parallel_loop3A_263 = arith.mulf %parallel_loop3A_262, %parallel_loop3A_248 : vector<16xf32>
          %parallel_loop3A_264 = arith.constant 1.000000e+00 : f32
          %parallel_loop3A_265 = vector.broadcast %parallel_loop3A_264 : f32 to vector<16xf32>
          %parallel_loop3A_266 = arith.subf %parallel_loop3A_265, %parallel_loop3A_263 : vector<16xf32>
          %parallel_loop3A_267 = arith.constant 16 : i32
          %parallel_loop3A_268 = arith.muli %parallel_loop3A_167, %parallel_loop3A_267 : i32
          %parallel_loop3A_269 = arith.constant 64 : i32
          %parallel_loop3A_270 = arith.index_cast %parallel_loop3A_269 : i32 to index
          %parallel_loop3A_271 = arith.index_cast %parallel_loop3A_268 : i32 to index
          %parallel_loop3A_272 = tpu.vector_load %arg14[%parallel_loop3A_270, %parallel_loop3A_271] {strides = array<i32>} : memref<70x512xf32, #tpu.memory_space<vmem>>, vector<16xf32>,
          tpu.vector_store %arg14[%parallel_loop3A_270, %parallel_loop3A_271], %parallel_loop3A_218 {strides = array<i32>} : memref<70x512xf32, #tpu.memory_space<vmem>>, vector<16xf32>,
          %parallel_loop3A_273 = arith.constant 16 : i32
          %parallel_loop3A_274 = arith.muli %parallel_loop3A_167, %parallel_loop3A_273 : i32
          %parallel_loop3A_275 = arith.constant 65 : i32
          %parallel_loop3A_276 = arith.index_cast %parallel_loop3A_275 : i32 to index
          %parallel_loop3A_277 = arith.index_cast %parallel_loop3A_274 : i32 to index
          %parallel_loop3A_278 = tpu.vector_load %arg14[%parallel_loop3A_276, %parallel_loop3A_277] {strides = array<i32>} : memref<70x512xf32, #tpu.memory_space<vmem>>, vector<16xf32>,
          tpu.vector_store %arg14[%parallel_loop3A_276, %parallel_loop3A_277], %parallel_loop3A_244 {strides = array<i32>} : memref<70x512xf32, #tpu.memory_space<vmem>>, vector<16xf32>,
          %parallel_loop3A_279 = arith.constant 16 : i32
          %parallel_loop3A_280 = arith.muli %parallel_loop3A_167, %parallel_loop3A_279 : i32
          %parallel_loop3A_281 = arith.constant 66 : i32
          %parallel_loop3A_282 = arith.index_cast %parallel_loop3A_281 : i32 to index
          %parallel_loop3A_283 = arith.index_cast %parallel_loop3A_280 : i32 to index
          %parallel_loop3A_284 = tpu.vector_load %arg14[%parallel_loop3A_282, %parallel_loop3A_283] {strides = array<i32>} : memref<70x512xf32, #tpu.memory_space<vmem>>, vector<16xf32>,
          tpu.vector_store %arg14[%parallel_loop3A_282, %parallel_loop3A_283], %parallel_loop3A_248 {strides = array<i32>} : memref<70x512xf32, #tpu.memory_space<vmem>>, vector<16xf32>,
          %parallel_loop3A_285 = arith.constant 16 : i32
          %parallel_loop3A_286 = arith.muli %parallel_loop3A_167, %parallel_loop3A_285 : i32
          %parallel_loop3A_287 = arith.constant 67 : i32
          %parallel_loop3A_288 = arith.index_cast %parallel_loop3A_287 : i32 to index
          %parallel_loop3A_289 = arith.index_cast %parallel_loop3A_286 : i32 to index
          %parallel_loop3A_290 = tpu.vector_load %arg14[%parallel_loop3A_288, %parallel_loop3A_289] {strides = array<i32>} : memref<70x512xf32, #tpu.memory_space<vmem>>, vector<16xf32>,
          tpu.vector_store %arg14[%parallel_loop3A_288, %parallel_loop3A_289], %parallel_loop3A_255 {strides = array<i32>} : memref<70x512xf32, #tpu.memory_space<vmem>>, vector<16xf32>,
          %parallel_loop3A_291 = arith.constant 16 : i32
          %parallel_loop3A_292 = arith.muli %parallel_loop3A_167, %parallel_loop3A_291 : i32
          %parallel_loop3A_293 = arith.constant 68 : i32
          %parallel_loop3A_294 = arith.index_cast %parallel_loop3A_293 : i32 to index
          %parallel_loop3A_295 = arith.index_cast %parallel_loop3A_292 : i32 to index
          %parallel_loop3A_296 = tpu.vector_load %arg14[%parallel_loop3A_294, %parallel_loop3A_295] {strides = array<i32>} : memref<70x512xf32, #tpu.memory_space<vmem>>, vector<16xf32>,
          tpu.vector_store %arg14[%parallel_loop3A_294, %parallel_loop3A_295], %parallel_loop3A_259 {strides = array<i32>} : memref<70x512xf32, #tpu.memory_space<vmem>>, vector<16xf32>,
          %parallel_loop3A_297 = arith.constant 16 : i32
          %parallel_loop3A_298 = arith.muli %parallel_loop3A_167, %parallel_loop3A_297 : i32
          %parallel_loop3A_299 = arith.constant 69 : i32
          %parallel_loop3A_300 = arith.index_cast %parallel_loop3A_299 : i32 to index
          %parallel_loop3A_301 = arith.index_cast %parallel_loop3A_298 : i32 to index
          %parallel_loop3A_302 = tpu.vector_load %arg14[%parallel_loop3A_300, %parallel_loop3A_301] {strides = array<i32>} : memref<70x512xf32, #tpu.memory_space<vmem>>, vector<16xf32>,
          tpu.vector_store %arg14[%parallel_loop3A_300, %parallel_loop3A_301], %parallel_loop3A_266 {strides = array<i32>} : memref<70x512xf32, #tpu.memory_space<vmem>>, vector<16xf32>,
        } {sc.loop_unroll_factor = 1 : i64, sc.parallel_access}
        %dma_start3A_136 = arith.constant 0 : i32
        %dma_start3A_137 = tpu.memref_slice %arg6[%dma_start3A_136, %add3A_129, %mul3A_2] : memref<70x200x16384xf32, #tpu.memory_space<hbm>> -> memref<70x1x512xf32, #tpu.memory_space<hbm>>
        %dma_start3A_138 = tpu.memref_squeeze %dma_start3A_137 : memref<70x1x512xf32, #tpu.memory_space<hbm>> -> memref<70x512xf32, #tpu.memory_space<hbm>>
        %dma_start3A_139 = arith.constant 0 : i32
        %dma_start3A_140 = tpu.memref_slice %arg6[%dma_start3A_139, %add3A_129, %mul3A_2] : memref<70x200x16384xf32, #tpu.memory_space<hbm>> -> memref<70x1x512xf32, #tpu.memory_space<hbm>>
        %dma_start3A_141 = tpu.memref_squeeze %dma_start3A_140 : memref<70x1x512xf32, #tpu.memory_space<hbm>> -> memref<70x512xf32, #tpu.memory_space<hbm>>
        tpu.enqueue_dma source(%arg14 : memref<70x512xf32, #tpu.memory_space<vmem>>) target(%dma_start3A_141 : memref<70x512xf32, #tpu.memory_space<hbm>>) target_semaphore(%arg18 : memref<!tpu.dma_semaphore, #tpu.memory_space<semaphore_mem>>)
        %mul3A_142 = arith.constant 8 : i32
        %mul3A_143 = arith.muli %add3A_73, %mul3A_142 : i32
        %add3A_144 = arith.addi %mul3A_143, %mul3A_123 : i32
        %add3A_145 = arith.constant 1 : i32
        %add3A_146 = arith.addi %add3A_144, %add3A_145 : i32
        %add3A_147 = arith.constant 1 : i32
        %add3A_148 = arith.addi %mul3A_123, %add3A_147 : i32
        %mul3A_149 = arith.constant 8 : i32
        %mul3A_150 = arith.muli %add3A_73, %mul3A_149 : i32
        %add3A_151 = arith.addi %mul3A_150, %add3A_148 : i32
        %ge3A_152 = arith.constant 2 : i32
        %ge3A_153 = arith.cmpi sge, %add3A_146, %ge3A_152 : i32
        %convert_element_type3A_154 = arith.extui %ge3A_153 : i1 to i32
        %cond3A_155 = arith.constant 0 : i32
        %cond3A_156 = arith.cmpi ne, %convert_element_type3A_154, %cond3A_155 : i32
        scf.if %cond3A_156 {
          %dma_wait3A_167 = arith.constant 0 : i32
          %dma_wait3A_168 = arith.constant 0 : i32
          %dma_wait3A_169 = arith.constant 0 : i32
          %dma_wait3A_170 = tpu.memref_slice %arg6[%dma_wait3A_168, %dma_wait3A_167, %dma_wait3A_169] : memref<70x200x16384xf32, #tpu.memory_space<hbm>> -> memref<70x1x512xf32, #tpu.memory_space<hbm>>
          %dma_wait3A_171 = tpu.memref_squeeze %dma_wait3A_170 : memref<70x1x512xf32, #tpu.memory_space<hbm>> -> memref<70x512xf32, #tpu.memory_space<hbm>>
          %dma_wait3A_172 = arith.constant 0 : i32
          %dma_wait3A_173 = arith.constant 0 : i32
          %dma_wait3A_174 = tpu.memref_slice %arg6[%dma_wait3A_172, %dma_wait3A_167, %dma_wait3A_173] : memref<70x200x16384xf32, #tpu.memory_space<hbm>> -> memref<70x1x512xf32, #tpu.memory_space<hbm>>
          %dma_wait3A_175 = tpu.memref_squeeze %dma_wait3A_174 : memref<70x1x512xf32, #tpu.memory_space<hbm>> -> memref<70x512xf32, #tpu.memory_space<hbm>>
          tpu.wait_dma2 semaphore(%arg19 : memref<!tpu.dma_semaphore, #tpu.memory_space<semaphore_mem>>) src(%arg15 : memref<70x512xf32, #tpu.memory_space<vmem>>) dst(%dma_wait3A_175 : memref<70x512xf32, #tpu.memory_space<hbm>>)
        } else {
        }
        %parallel_loop3A_157 = arith.constant 0 : i32
        %parallel_loop3A_158 = arith.constant 32 : i32
        %parallel_loop3A_159 = arith.constant 1 : i32
        scf.for %parallel_loop3A_167 = %parallel_loop3A_157 to %parallel_loop3A_158 step %parallel_loop3A_159  : i32 {
          %parallel_loop3A_168 = arith.constant 16 : i32
          %parallel_loop3A_169 = arith.muli %parallel_loop3A_167, %parallel_loop3A_168 : i32
          %parallel_loop3A_170 = arith.index_cast %add3A_148 : i32 to index
          %parallel_loop3A_171 = arith.index_cast %parallel_loop3A_169 : i32 to index
          %parallel_loop3A_172 = tpu.vector_load %arg8[%parallel_loop3A_170, %parallel_loop3A_171] {strides = array<i32>} : memref<8x512xi32, #tpu.memory_space<vmem>>, vector<16xi32>,
          %parallel_loop3A_173 = arith.index_cast %add3A_148 : i32 to index
          %parallel_loop3A_174 = arith.index_cast %parallel_loop3A_169 : i32 to index
          %parallel_loop3A_175 = tpu.vector_load %arg9[%parallel_loop3A_173, %parallel_loop3A_174] {strides = array<i32>} : memref<8x512xi32, #tpu.memory_space<vmem>>, vector<16xi32>,
          %parallel_loop3A_176 = arith.index_cast %add3A_148 : i32 to index
          %parallel_loop3A_177 = arith.index_cast %parallel_loop3A_169 : i32 to index
          %parallel_loop3A_178 = tpu.vector_load %arg10[%parallel_loop3A_176, %parallel_loop3A_177] {strides = array<i32>} : memref<8x512xf32, #tpu.memory_space<vmem>>, vector<16xf32>,
          %parallel_loop3A_179 = arith.constant 7 : i32
          %parallel_loop3A_180 = vector.broadcast %parallel_loop3A_179 : i32 to vector<16xi32>
          %parallel_loop3A_181 = arith.muli %parallel_loop3A_172, %parallel_loop3A_180 : vector<16xi32>
          %parallel_loop3A_182 = arith.addi %parallel_loop3A_181, %parallel_loop3A_175 : vector<16xi32>
          %parallel_loop3A_183 = arith.constant 65 : i32
          %parallel_loop3A_184 = vector.broadcast %parallel_loop3A_183 : i32 to vector<16xi32>
          %parallel_loop3A_185 = arith.muli %parallel_loop3A_182, %parallel_loop3A_184 : vector<16xi32>
          %parallel_loop3A_186 = arith.constant 0 : i32
          %parallel_loop3A_187 = arith.constant 64 : i32
          %parallel_loop3A_188 = arith.constant 1 : i32
          scf.for %parallel_loop3A_303 = %parallel_loop3A_186 to %parallel_loop3A_187 step %parallel_loop3A_188  : i32 {
            %parallel_loop3A_304 = vector.broadcast %parallel_loop3A_303 : i32 to vector<16xi32>
            %parallel_loop3A_305 = arith.addi %parallel_loop3A_185, %parallel_loop3A_304 : vector<16xi32>
            %parallel_loop3A_306 = tpu.vector_load_idx %arg7[%parallel_loop3A_305] : memref<10920xf32, #tpu.memory_space<vmem>>[vector<16xi32>], vector<16xf32>,
            %parallel_loop3A_307 = arith.constant 16 : i32
            %parallel_loop3A_308 = arith.muli %parallel_loop3A_167, %parallel_loop3A_307 : i32
            %parallel_loop3A_309 = arith.index_cast %parallel_loop3A_303 : i32 to index
            %parallel_loop3A_310 = arith.index_cast %parallel_loop3A_308 : i32 to index
            %parallel_loop3A_311 = tpu.vector_load %arg15[%parallel_loop3A_309, %parallel_loop3A_310] {strides = array<i32>} : memref<70x512xf32, #tpu.memory_space<vmem>>, vector<16xf32>,
            tpu.vector_store %arg15[%parallel_loop3A_309, %parallel_loop3A_310], %parallel_loop3A_306 {strides = array<i32>} : memref<70x512xf32, #tpu.memory_space<vmem>>, vector<16xf32>,
          } {sc.loop_unroll_factor = 64 : i64, sc.parallel_access}
          %parallel_loop3A_189 = arith.constant 5.000000e-01 : f32
          %parallel_loop3A_190 = vector.broadcast %parallel_loop3A_189 : f32 to vector<16xf32>
          %parallel_loop3A_191 = arith.addf %parallel_loop3A_178, %parallel_loop3A_190 : vector<16xf32>
          %parallel_loop3A_192 = arith.fptosi %parallel_loop3A_191 : vector<16xf32> to vector<16xi32>
          %parallel_loop3A_193 = arith.sitofp %parallel_loop3A_192 : vector<16xi32> to vector<16xf32>
          %parallel_loop3A_194 = arith.subf %parallel_loop3A_178, %parallel_loop3A_193 : vector<16xf32>
          %parallel_loop3A_195 = arith.mulf %parallel_loop3A_194, %parallel_loop3A_194 : vector<16xf32>
          %parallel_loop3A_196 = arith.constant -12.3722725 : f32
          %parallel_loop3A_197 = vector.broadcast %parallel_loop3A_196 : f32 to vector<16xf32>
          %parallel_loop3A_198 = arith.mulf %parallel_loop3A_197, %parallel_loop3A_195 : vector<16xf32>
          %parallel_loop3A_199 = arith.constant 4.126980e+01 : f32
          %parallel_loop3A_200 = vector.broadcast %parallel_loop3A_199 : f32 to vector<16xf32>
          %parallel_loop3A_201 = arith.addf %parallel_loop3A_198, %parallel_loop3A_200 : vector<16xf32>
          %parallel_loop3A_202 = arith.mulf %parallel_loop3A_201, %parallel_loop3A_195 : vector<16xf32>
          %parallel_loop3A_203 = arith.constant -7.659490e+01 : f32
          %parallel_loop3A_204 = vector.broadcast %parallel_loop3A_203 : f32 to vector<16xf32>
          %parallel_loop3A_205 = arith.addf %parallel_loop3A_202, %parallel_loop3A_204 : vector<16xf32>
          %parallel_loop3A_206 = arith.mulf %parallel_loop3A_205, %parallel_loop3A_195 : vector<16xf32>
          %parallel_loop3A_207 = arith.constant 81.5976563 : f32
          %parallel_loop3A_208 = vector.broadcast %parallel_loop3A_207 : f32 to vector<16xf32>
          %parallel_loop3A_209 = arith.addf %parallel_loop3A_206, %parallel_loop3A_208 : vector<16xf32>
          %parallel_loop3A_210 = arith.mulf %parallel_loop3A_209, %parallel_loop3A_195 : vector<16xf32>
          %parallel_loop3A_211 = arith.constant -41.3414803 : f32
          %parallel_loop3A_212 = vector.broadcast %parallel_loop3A_211 : f32 to vector<16xf32>
          %parallel_loop3A_213 = arith.addf %parallel_loop3A_210, %parallel_loop3A_212 : vector<16xf32>
          %parallel_loop3A_214 = arith.mulf %parallel_loop3A_213, %parallel_loop3A_195 : vector<16xf32>
          %parallel_loop3A_215 = arith.constant 6.28318357 : f32
          %parallel_loop3A_216 = vector.broadcast %parallel_loop3A_215 : f32 to vector<16xf32>
          %parallel_loop3A_217 = arith.addf %parallel_loop3A_214, %parallel_loop3A_216 : vector<16xf32>
          %parallel_loop3A_218 = arith.mulf %parallel_loop3A_194, %parallel_loop3A_217 : vector<16xf32>
          %parallel_loop3A_219 = arith.constant 6.5755024 : f32
          %parallel_loop3A_220 = vector.broadcast %parallel_loop3A_219 : f32 to vector<16xf32>
          %parallel_loop3A_221 = arith.mulf %parallel_loop3A_220, %parallel_loop3A_195 : vector<16xf32>
          %parallel_loop3A_222 = arith.constant -26.0004559 : f32
          %parallel_loop3A_223 = vector.broadcast %parallel_loop3A_222 : f32 to vector<16xf32>
          %parallel_loop3A_224 = arith.addf %parallel_loop3A_221, %parallel_loop3A_223 : vector<16xf32>
          %parallel_loop3A_225 = arith.mulf %parallel_loop3A_224, %parallel_loop3A_195 : vector<16xf32>
          %parallel_loop3A_226 = arith.constant 60.1762123 : f32
          %parallel_loop3A_227 = vector.broadcast %parallel_loop3A_226 : f32 to vector<16xf32>
          %parallel_loop3A_228 = arith.addf %parallel_loop3A_225, %parallel_loop3A_227 : vector<16xf32>
          %parallel_loop3A_229 = arith.mulf %parallel_loop3A_228, %parallel_loop3A_195 : vector<16xf32>
          %parallel_loop3A_230 = arith.constant -85.4511642 : f32
          %parallel_loop3A_231 = vector.broadcast %parallel_loop3A_230 : f32 to vector<16xf32>
          %parallel_loop3A_232 = arith.addf %parallel_loop3A_229, %parallel_loop3A_231 : vector<16xf32>
          %parallel_loop3A_233 = arith.mulf %parallel_loop3A_232, %parallel_loop3A_195 : vector<16xf32>
          %parallel_loop3A_234 = arith.constant 64.9391708 : f32
          %parallel_loop3A_235 = vector.broadcast %parallel_loop3A_234 : f32 to vector<16xf32>
          %parallel_loop3A_236 = arith.addf %parallel_loop3A_233, %parallel_loop3A_235 : vector<16xf32>
          %parallel_loop3A_237 = arith.mulf %parallel_loop3A_236, %parallel_loop3A_195 : vector<16xf32>
          %parallel_loop3A_238 = arith.constant -19.7392063 : f32
          %parallel_loop3A_239 = vector.broadcast %parallel_loop3A_238 : f32 to vector<16xf32>
          %parallel_loop3A_240 = arith.addf %parallel_loop3A_237, %parallel_loop3A_239 : vector<16xf32>
          %parallel_loop3A_241 = arith.mulf %parallel_loop3A_240, %parallel_loop3A_195 : vector<16xf32>
          %parallel_loop3A_242 = arith.constant 1.000000e+00 : f32
          %parallel_loop3A_243 = vector.broadcast %parallel_loop3A_242 : f32 to vector<16xf32>
          %parallel_loop3A_244 = arith.addf %parallel_loop3A_241, %parallel_loop3A_243 : vector<16xf32>
          %parallel_loop3A_245 = arith.constant 2.000000e+00 : f32
          %parallel_loop3A_246 = vector.broadcast %parallel_loop3A_245 : f32 to vector<16xf32>
          %parallel_loop3A_247 = arith.mulf %parallel_loop3A_246, %parallel_loop3A_218 : vector<16xf32>
          %parallel_loop3A_248 = arith.mulf %parallel_loop3A_247, %parallel_loop3A_244 : vector<16xf32>
          %parallel_loop3A_249 = arith.constant 2.000000e+00 : f32
          %parallel_loop3A_250 = vector.broadcast %parallel_loop3A_249 : f32 to vector<16xf32>
          %parallel_loop3A_251 = arith.mulf %parallel_loop3A_250, %parallel_loop3A_218 : vector<16xf32>
          %parallel_loop3A_252 = arith.mulf %parallel_loop3A_251, %parallel_loop3A_218 : vector<16xf32>
          %parallel_loop3A_253 = arith.constant 1.000000e+00 : f32
          %parallel_loop3A_254 = vector.broadcast %parallel_loop3A_253 : f32 to vector<16xf32>
          %parallel_loop3A_255 = arith.subf %parallel_loop3A_254, %parallel_loop3A_252 : vector<16xf32>
          %parallel_loop3A_256 = arith.constant 2.000000e+00 : f32
          %parallel_loop3A_257 = vector.broadcast %parallel_loop3A_256 : f32 to vector<16xf32>
          %parallel_loop3A_258 = arith.mulf %parallel_loop3A_257, %parallel_loop3A_248 : vector<16xf32>
          %parallel_loop3A_259 = arith.mulf %parallel_loop3A_258, %parallel_loop3A_255 : vector<16xf32>
          %parallel_loop3A_260 = arith.constant 2.000000e+00 : f32
          %parallel_loop3A_261 = vector.broadcast %parallel_loop3A_260 : f32 to vector<16xf32>
          %parallel_loop3A_262 = arith.mulf %parallel_loop3A_261, %parallel_loop3A_248 : vector<16xf32>
          %parallel_loop3A_263 = arith.mulf %parallel_loop3A_262, %parallel_loop3A_248 : vector<16xf32>
          %parallel_loop3A_264 = arith.constant 1.000000e+00 : f32
          %parallel_loop3A_265 = vector.broadcast %parallel_loop3A_264 : f32 to vector<16xf32>
          %parallel_loop3A_266 = arith.subf %parallel_loop3A_265, %parallel_loop3A_263 : vector<16xf32>
          %parallel_loop3A_267 = arith.constant 16 : i32
          %parallel_loop3A_268 = arith.muli %parallel_loop3A_167, %parallel_loop3A_267 : i32
          %parallel_loop3A_269 = arith.constant 64 : i32
          %parallel_loop3A_270 = arith.index_cast %parallel_loop3A_269 : i32 to index
          %parallel_loop3A_271 = arith.index_cast %parallel_loop3A_268 : i32 to index
          %parallel_loop3A_272 = tpu.vector_load %arg15[%parallel_loop3A_270, %parallel_loop3A_271] {strides = array<i32>} : memref<70x512xf32, #tpu.memory_space<vmem>>, vector<16xf32>,
          tpu.vector_store %arg15[%parallel_loop3A_270, %parallel_loop3A_271], %parallel_loop3A_218 {strides = array<i32>} : memref<70x512xf32, #tpu.memory_space<vmem>>, vector<16xf32>,
          %parallel_loop3A_273 = arith.constant 16 : i32
          %parallel_loop3A_274 = arith.muli %parallel_loop3A_167, %parallel_loop3A_273 : i32
          %parallel_loop3A_275 = arith.constant 65 : i32
          %parallel_loop3A_276 = arith.index_cast %parallel_loop3A_275 : i32 to index
          %parallel_loop3A_277 = arith.index_cast %parallel_loop3A_274 : i32 to index
          %parallel_loop3A_278 = tpu.vector_load %arg15[%parallel_loop3A_276, %parallel_loop3A_277] {strides = array<i32>} : memref<70x512xf32, #tpu.memory_space<vmem>>, vector<16xf32>,
          tpu.vector_store %arg15[%parallel_loop3A_276, %parallel_loop3A_277], %parallel_loop3A_244 {strides = array<i32>} : memref<70x512xf32, #tpu.memory_space<vmem>>, vector<16xf32>,
          %parallel_loop3A_279 = arith.constant 16 : i32
          %parallel_loop3A_280 = arith.muli %parallel_loop3A_167, %parallel_loop3A_279 : i32
          %parallel_loop3A_281 = arith.constant 66 : i32
          %parallel_loop3A_282 = arith.index_cast %parallel_loop3A_281 : i32 to index
          %parallel_loop3A_283 = arith.index_cast %parallel_loop3A_280 : i32 to index
          %parallel_loop3A_284 = tpu.vector_load %arg15[%parallel_loop3A_282, %parallel_loop3A_283] {strides = array<i32>} : memref<70x512xf32, #tpu.memory_space<vmem>>, vector<16xf32>,
          tpu.vector_store %arg15[%parallel_loop3A_282, %parallel_loop3A_283], %parallel_loop3A_248 {strides = array<i32>} : memref<70x512xf32, #tpu.memory_space<vmem>>, vector<16xf32>,
          %parallel_loop3A_285 = arith.constant 16 : i32
          %parallel_loop3A_286 = arith.muli %parallel_loop3A_167, %parallel_loop3A_285 : i32
          %parallel_loop3A_287 = arith.constant 67 : i32
          %parallel_loop3A_288 = arith.index_cast %parallel_loop3A_287 : i32 to index
          %parallel_loop3A_289 = arith.index_cast %parallel_loop3A_286 : i32 to index
          %parallel_loop3A_290 = tpu.vector_load %arg15[%parallel_loop3A_288, %parallel_loop3A_289] {strides = array<i32>} : memref<70x512xf32, #tpu.memory_space<vmem>>, vector<16xf32>,
          tpu.vector_store %arg15[%parallel_loop3A_288, %parallel_loop3A_289], %parallel_loop3A_255 {strides = array<i32>} : memref<70x512xf32, #tpu.memory_space<vmem>>, vector<16xf32>,
          %parallel_loop3A_291 = arith.constant 16 : i32
          %parallel_loop3A_292 = arith.muli %parallel_loop3A_167, %parallel_loop3A_291 : i32
          %parallel_loop3A_293 = arith.constant 68 : i32
          %parallel_loop3A_294 = arith.index_cast %parallel_loop3A_293 : i32 to index
          %parallel_loop3A_295 = arith.index_cast %parallel_loop3A_292 : i32 to index
          %parallel_loop3A_296 = tpu.vector_load %arg15[%parallel_loop3A_294, %parallel_loop3A_295] {strides = array<i32>} : memref<70x512xf32, #tpu.memory_space<vmem>>, vector<16xf32>,
          tpu.vector_store %arg15[%parallel_loop3A_294, %parallel_loop3A_295], %parallel_loop3A_259 {strides = array<i32>} : memref<70x512xf32, #tpu.memory_space<vmem>>, vector<16xf32>,
          %parallel_loop3A_297 = arith.constant 16 : i32
          %parallel_loop3A_298 = arith.muli %parallel_loop3A_167, %parallel_loop3A_297 : i32
          %parallel_loop3A_299 = arith.constant 69 : i32
          %parallel_loop3A_300 = arith.index_cast %parallel_loop3A_299 : i32 to index
          %parallel_loop3A_301 = arith.index_cast %parallel_loop3A_298 : i32 to index
          %parallel_loop3A_302 = tpu.vector_load %arg15[%parallel_loop3A_300, %parallel_loop3A_301] {strides = array<i32>} : memref<70x512xf32, #tpu.memory_space<vmem>>, vector<16xf32>,
          tpu.vector_store %arg15[%parallel_loop3A_300, %parallel_loop3A_301], %parallel_loop3A_266 {strides = array<i32>} : memref<70x512xf32, #tpu.memory_space<vmem>>, vector<16xf32>,
        } {sc.loop_unroll_factor = 1 : i64, sc.parallel_access}
        %dma_start3A_160 = arith.constant 0 : i32
        %dma_start3A_161 = tpu.memref_slice %arg6[%dma_start3A_160, %add3A_151, %mul3A_2] : memref<70x200x16384xf32, #tpu.memory_space<hbm>> -> memref<70x1x512xf32, #tpu.memory_space<hbm>>
        %dma_start3A_162 = tpu.memref_squeeze %dma_start3A_161 : memref<70x1x512xf32, #tpu.memory_space<hbm>> -> memref<70x512xf32, #tpu.memory_space<hbm>>
        %dma_start3A_163 = arith.constant 0 : i32
        %dma_start3A_164 = tpu.memref_slice %arg6[%dma_start3A_163, %add3A_151, %mul3A_2] : memref<70x200x16384xf32, #tpu.memory_space<hbm>> -> memref<70x1x512xf32, #tpu.memory_space<hbm>>
        %dma_start3A_165 = tpu.memref_squeeze %dma_start3A_164 : memref<70x1x512xf32, #tpu.memory_space<hbm>> -> memref<70x512xf32, #tpu.memory_space<hbm>>
        tpu.enqueue_dma source(%arg15 : memref<70x512xf32, #tpu.memory_space<vmem>>) target(%dma_start3A_165 : memref<70x512xf32, #tpu.memory_space<hbm>>) target_semaphore(%arg19 : memref<!tpu.dma_semaphore, #tpu.memory_space<semaphore_mem>>)
        %scan3A_166 = arith.constant 0 : i32
        scf.yield %scan3A_166 : i32
      }
      %scan3A_88 = arith.constant 4 : i32
      %add3A_89 = arith.constant 2 : i32
      %add3A_90 = arith.addi %add3A_73, %add3A_89 : i32
      %lt3A = arith.constant 25 : i32
      %lt3A_91 = arith.cmpi slt, %add3A_90, %lt3A : i32
      %convert_element_type3A = arith.extui %lt3A_91 : i1 to i32
      %cond3A = arith.constant 0 : i32
      %cond3A_92 = arith.cmpi ne, %convert_element_type3A, %cond3A : i32
      scf.if %cond3A_92 {
        %add3A_120 = arith.constant 2 : i32
        %add3A_121 = arith.addi %add3A_73, %add3A_120 : i32
        %mul3A_122 = arith.constant 8 : i32
        %mul3A_123 = arith.muli %add3A_121, %mul3A_122 : i32
        %dma_start3A_124 = tpu.memref_slice %arg2[%mul3A_123, %mul3A_2] : memref<200x16384xi32, #tpu.memory_space<hbm>> -> memref<8x512xi32, #tpu.memory_space<hbm>>
        %dma_start3A_125 = tpu.memref_slice %arg2[%mul3A_123, %mul3A_2] : memref<200x16384xi32, #tpu.memory_space<hbm>> -> memref<8x512xi32, #tpu.memory_space<hbm>>
        tpu.enqueue_dma source(%dma_start3A_125 : memref<8x512xi32, #tpu.memory_space<hbm>>) target(%arg8 : memref<8x512xi32, #tpu.memory_space<vmem>>) target_semaphore(%arg16 : memref<!tpu.dma_semaphore, #tpu.memory_space<semaphore_mem>>)
        %dma_start3A_126 = tpu.memref_slice %arg3[%mul3A_123, %mul3A_2] : memref<200x16384xi32, #tpu.memory_space<hbm>> -> memref<8x512xi32, #tpu.memory_space<hbm>>
        %dma_start3A_127 = tpu.memref_slice %arg3[%mul3A_123, %mul3A_2] : memref<200x16384xi32, #tpu.memory_space<hbm>> -> memref<8x512xi32, #tpu.memory_space<hbm>>
        tpu.enqueue_dma source(%dma_start3A_127 : memref<8x512xi32, #tpu.memory_space<hbm>>) target(%arg9 : memref<8x512xi32, #tpu.memory_space<vmem>>) target_semaphore(%arg16 : memref<!tpu.dma_semaphore, #tpu.memory_space<semaphore_mem>>)
        %dma_start3A_128 = tpu.memref_slice %arg4[%mul3A_123, %mul3A_2] : memref<200x16384xf32, #tpu.memory_space<hbm>> -> memref<8x512xf32, #tpu.memory_space<hbm>>
        %dma_start3A_129 = tpu.memref_slice %arg4[%mul3A_123, %mul3A_2] : memref<200x16384xf32, #tpu.memory_space<hbm>> -> memref<8x512xf32, #tpu.memory_space<hbm>>
        tpu.enqueue_dma source(%dma_start3A_129 : memref<8x512xf32, #tpu.memory_space<hbm>>) target(%arg10 : memref<8x512xf32, #tpu.memory_space<vmem>>) target_semaphore(%arg16 : memref<!tpu.dma_semaphore, #tpu.memory_space<semaphore_mem>>)
      } else {
      }
      %mul3A_93 = arith.constant 2 : i32
      %mul3A_94 = arith.muli %scan3A_68, %mul3A_93 : i32
      %add3A_95 = arith.constant 1 : i32
      %add3A_96 = arith.addi %mul3A_94, %add3A_95 : i32
      %mul3A_97 = arith.constant 8 : i32
      %mul3A_98 = arith.muli %add3A_96, %mul3A_97 : i32
      %dma_wait3A_99 = tpu.memref_slice %arg2[%mul3A_98, %mul3A_2] : memref<200x16384xi32, #tpu.memory_space<hbm>> -> memref<8x512xi32, #tpu.memory_space<hbm>>
      %dma_wait3A_100 = tpu.memref_slice %arg2[%mul3A_98, %mul3A_2] : memref<200x16384xi32, #tpu.memory_space<hbm>> -> memref<8x512xi32, #tpu.memory_space<hbm>>
      tpu.wait_dma2 semaphore(%arg17 : memref<!tpu.dma_semaphore, #tpu.memory_space<semaphore_mem>>) src(%dma_wait3A_100 : memref<8x512xi32, #tpu.memory_space<hbm>>) dst(%arg11 : memref<8x512xi32, #tpu.memory_space<vmem>>)
      %dma_wait3A_101 = tpu.memref_slice %arg3[%mul3A_98, %mul3A_2] : memref<200x16384xi32, #tpu.memory_space<hbm>> -> memref<8x512xi32, #tpu.memory_space<hbm>>
      %dma_wait3A_102 = tpu.memref_slice %arg3[%mul3A_98, %mul3A_2] : memref<200x16384xi32, #tpu.memory_space<hbm>> -> memref<8x512xi32, #tpu.memory_space<hbm>>
      tpu.wait_dma2 semaphore(%arg17 : memref<!tpu.dma_semaphore, #tpu.memory_space<semaphore_mem>>) src(%dma_wait3A_102 : memref<8x512xi32, #tpu.memory_space<hbm>>) dst(%arg12 : memref<8x512xi32, #tpu.memory_space<vmem>>)
      %dma_wait3A_103 = tpu.memref_slice %arg4[%mul3A_98, %mul3A_2] : memref<200x16384xf32, #tpu.memory_space<hbm>> -> memref<8x512xf32, #tpu.memory_space<hbm>>
      %dma_wait3A_104 = tpu.memref_slice %arg4[%mul3A_98, %mul3A_2] : memref<200x16384xf32, #tpu.memory_space<hbm>> -> memref<8x512xf32, #tpu.memory_space<hbm>>
      tpu.wait_dma2 semaphore(%arg17 : memref<!tpu.dma_semaphore, #tpu.memory_space<semaphore_mem>>) src(%dma_wait3A_104 : memref<8x512xf32, #tpu.memory_space<hbm>>) dst(%arg13 : memref<8x512xf32, #tpu.memory_space<vmem>>)
      %scan3A_105 = arith.constant 0 : i32
      %scan3A_106 = arith.constant 0 : i32
      %scan3A_107 = arith.constant 4 : i32
      %scan3A_108 = arith.addi %scan3A_106, %scan3A_107 : i32
      %scan3A_109 = arith.constant 1 : i32
      %scan3A_110 = scf.for %scan3A_120 = %scan3A_106 to %scan3A_108 step %scan3A_109 iter_args(%scan3A_121 = %scan3A_105) -> (i32)  : i32 {
        %mul3A_122 = arith.constant 2 : i32
        %mul3A_123 = arith.muli %scan3A_120, %mul3A_122 : i32
        %mul3A_124 = arith.constant 8 : i32
        %mul3A_125 = arith.muli %add3A_96, %mul3A_124 : i32
        %add3A_126 = arith.addi %mul3A_125, %mul3A_123 : i32
        %mul3A_127 = arith.constant 8 : i32
        %mul3A_128 = arith.muli %add3A_96, %mul3A_127 : i32
        %add3A_129 = arith.addi %mul3A_128, %mul3A_123 : i32
        %ge3A = arith.constant 2 : i32
        %ge3A_130 = arith.cmpi sge, %add3A_126, %ge3A : i32
        %convert_element_type3A_131 = arith.extui %ge3A_130 : i1 to i32
        %cond3A_132 = arith.constant 0 : i32
        %cond3A_133 = arith.cmpi ne, %convert_element_type3A_131, %cond3A_132 : i32
        scf.if %cond3A_133 {
          %dma_wait3A_167 = arith.constant 0 : i32
          %dma_wait3A_168 = arith.constant 0 : i32
          %dma_wait3A_169 = arith.constant 0 : i32
          %dma_wait3A_170 = tpu.memref_slice %arg6[%dma_wait3A_168, %dma_wait3A_167, %dma_wait3A_169] : memref<70x200x16384xf32, #tpu.memory_space<hbm>> -> memref<70x1x512xf32, #tpu.memory_space<hbm>>
          %dma_wait3A_171 = tpu.memref_squeeze %dma_wait3A_170 : memref<70x1x512xf32, #tpu.memory_space<hbm>> -> memref<70x512xf32, #tpu.memory_space<hbm>>
          %dma_wait3A_172 = arith.constant 0 : i32
          %dma_wait3A_173 = arith.constant 0 : i32
          %dma_wait3A_174 = tpu.memref_slice %arg6[%dma_wait3A_172, %dma_wait3A_167, %dma_wait3A_173] : memref<70x200x16384xf32, #tpu.memory_space<hbm>> -> memref<70x1x512xf32, #tpu.memory_space<hbm>>
          %dma_wait3A_175 = tpu.memref_squeeze %dma_wait3A_174 : memref<70x1x512xf32, #tpu.memory_space<hbm>> -> memref<70x512xf32, #tpu.memory_space<hbm>>
          tpu.wait_dma2 semaphore(%arg18 : memref<!tpu.dma_semaphore, #tpu.memory_space<semaphore_mem>>) src(%arg14 : memref<70x512xf32, #tpu.memory_space<vmem>>) dst(%dma_wait3A_175 : memref<70x512xf32, #tpu.memory_space<hbm>>)
        } else {
        }
        %parallel_loop3A = arith.constant 0 : i32
        %parallel_loop3A_134 = arith.constant 32 : i32
        %parallel_loop3A_135 = arith.constant 1 : i32
        scf.for %parallel_loop3A_167 = %parallel_loop3A to %parallel_loop3A_134 step %parallel_loop3A_135  : i32 {
          %parallel_loop3A_168 = arith.constant 16 : i32
          %parallel_loop3A_169 = arith.muli %parallel_loop3A_167, %parallel_loop3A_168 : i32
          %parallel_loop3A_170 = arith.index_cast %mul3A_123 : i32 to index
          %parallel_loop3A_171 = arith.index_cast %parallel_loop3A_169 : i32 to index
          %parallel_loop3A_172 = tpu.vector_load %arg11[%parallel_loop3A_170, %parallel_loop3A_171] {strides = array<i32>} : memref<8x512xi32, #tpu.memory_space<vmem>>, vector<16xi32>,
          %parallel_loop3A_173 = arith.index_cast %mul3A_123 : i32 to index
          %parallel_loop3A_174 = arith.index_cast %parallel_loop3A_169 : i32 to index
          %parallel_loop3A_175 = tpu.vector_load %arg12[%parallel_loop3A_173, %parallel_loop3A_174] {strides = array<i32>} : memref<8x512xi32, #tpu.memory_space<vmem>>, vector<16xi32>,
          %parallel_loop3A_176 = arith.index_cast %mul3A_123 : i32 to index
          %parallel_loop3A_177 = arith.index_cast %parallel_loop3A_169 : i32 to index
          %parallel_loop3A_178 = tpu.vector_load %arg13[%parallel_loop3A_176, %parallel_loop3A_177] {strides = array<i32>} : memref<8x512xf32, #tpu.memory_space<vmem>>, vector<16xf32>,
          %parallel_loop3A_179 = arith.constant 7 : i32
          %parallel_loop3A_180 = vector.broadcast %parallel_loop3A_179 : i32 to vector<16xi32>
          %parallel_loop3A_181 = arith.muli %parallel_loop3A_172, %parallel_loop3A_180 : vector<16xi32>
          %parallel_loop3A_182 = arith.addi %parallel_loop3A_181, %parallel_loop3A_175 : vector<16xi32>
          %parallel_loop3A_183 = arith.constant 65 : i32
          %parallel_loop3A_184 = vector.broadcast %parallel_loop3A_183 : i32 to vector<16xi32>
          %parallel_loop3A_185 = arith.muli %parallel_loop3A_182, %parallel_loop3A_184 : vector<16xi32>
          %parallel_loop3A_186 = arith.constant 0 : i32
          %parallel_loop3A_187 = arith.constant 64 : i32
          %parallel_loop3A_188 = arith.constant 1 : i32
          scf.for %parallel_loop3A_303 = %parallel_loop3A_186 to %parallel_loop3A_187 step %parallel_loop3A_188  : i32 {
            %parallel_loop3A_304 = vector.broadcast %parallel_loop3A_303 : i32 to vector<16xi32>
            %parallel_loop3A_305 = arith.addi %parallel_loop3A_185, %parallel_loop3A_304 : vector<16xi32>
            %parallel_loop3A_306 = tpu.vector_load_idx %arg7[%parallel_loop3A_305] : memref<10920xf32, #tpu.memory_space<vmem>>[vector<16xi32>], vector<16xf32>,
            %parallel_loop3A_307 = arith.constant 16 : i32
            %parallel_loop3A_308 = arith.muli %parallel_loop3A_167, %parallel_loop3A_307 : i32
            %parallel_loop3A_309 = arith.index_cast %parallel_loop3A_303 : i32 to index
            %parallel_loop3A_310 = arith.index_cast %parallel_loop3A_308 : i32 to index
            %parallel_loop3A_311 = tpu.vector_load %arg14[%parallel_loop3A_309, %parallel_loop3A_310] {strides = array<i32>} : memref<70x512xf32, #tpu.memory_space<vmem>>, vector<16xf32>,
            tpu.vector_store %arg14[%parallel_loop3A_309, %parallel_loop3A_310], %parallel_loop3A_306 {strides = array<i32>} : memref<70x512xf32, #tpu.memory_space<vmem>>, vector<16xf32>,
          } {sc.loop_unroll_factor = 64 : i64, sc.parallel_access}
          %parallel_loop3A_189 = arith.constant 5.000000e-01 : f32
          %parallel_loop3A_190 = vector.broadcast %parallel_loop3A_189 : f32 to vector<16xf32>
          %parallel_loop3A_191 = arith.addf %parallel_loop3A_178, %parallel_loop3A_190 : vector<16xf32>
          %parallel_loop3A_192 = arith.fptosi %parallel_loop3A_191 : vector<16xf32> to vector<16xi32>
          %parallel_loop3A_193 = arith.sitofp %parallel_loop3A_192 : vector<16xi32> to vector<16xf32>
          %parallel_loop3A_194 = arith.subf %parallel_loop3A_178, %parallel_loop3A_193 : vector<16xf32>
          %parallel_loop3A_195 = arith.mulf %parallel_loop3A_194, %parallel_loop3A_194 : vector<16xf32>
          %parallel_loop3A_196 = arith.constant -12.3722725 : f32
          %parallel_loop3A_197 = vector.broadcast %parallel_loop3A_196 : f32 to vector<16xf32>
          %parallel_loop3A_198 = arith.mulf %parallel_loop3A_197, %parallel_loop3A_195 : vector<16xf32>
          %parallel_loop3A_199 = arith.constant 4.126980e+01 : f32
          %parallel_loop3A_200 = vector.broadcast %parallel_loop3A_199 : f32 to vector<16xf32>
          %parallel_loop3A_201 = arith.addf %parallel_loop3A_198, %parallel_loop3A_200 : vector<16xf32>
          %parallel_loop3A_202 = arith.mulf %parallel_loop3A_201, %parallel_loop3A_195 : vector<16xf32>
          %parallel_loop3A_203 = arith.constant -7.659490e+01 : f32
          %parallel_loop3A_204 = vector.broadcast %parallel_loop3A_203 : f32 to vector<16xf32>
          %parallel_loop3A_205 = arith.addf %parallel_loop3A_202, %parallel_loop3A_204 : vector<16xf32>
          %parallel_loop3A_206 = arith.mulf %parallel_loop3A_205, %parallel_loop3A_195 : vector<16xf32>
          %parallel_loop3A_207 = arith.constant 81.5976563 : f32
          %parallel_loop3A_208 = vector.broadcast %parallel_loop3A_207 : f32 to vector<16xf32>
          %parallel_loop3A_209 = arith.addf %parallel_loop3A_206, %parallel_loop3A_208 : vector<16xf32>
          %parallel_loop3A_210 = arith.mulf %parallel_loop3A_209, %parallel_loop3A_195 : vector<16xf32>
          %parallel_loop3A_211 = arith.constant -41.3414803 : f32
          %parallel_loop3A_212 = vector.broadcast %parallel_loop3A_211 : f32 to vector<16xf32>
          %parallel_loop3A_213 = arith.addf %parallel_loop3A_210, %parallel_loop3A_212 : vector<16xf32>
          %parallel_loop3A_214 = arith.mulf %parallel_loop3A_213, %parallel_loop3A_195 : vector<16xf32>
          %parallel_loop3A_215 = arith.constant 6.28318357 : f32
          %parallel_loop3A_216 = vector.broadcast %parallel_loop3A_215 : f32 to vector<16xf32>
          %parallel_loop3A_217 = arith.addf %parallel_loop3A_214, %parallel_loop3A_216 : vector<16xf32>
          %parallel_loop3A_218 = arith.mulf %parallel_loop3A_194, %parallel_loop3A_217 : vector<16xf32>
          %parallel_loop3A_219 = arith.constant 6.5755024 : f32
          %parallel_loop3A_220 = vector.broadcast %parallel_loop3A_219 : f32 to vector<16xf32>
          %parallel_loop3A_221 = arith.mulf %parallel_loop3A_220, %parallel_loop3A_195 : vector<16xf32>
          %parallel_loop3A_222 = arith.constant -26.0004559 : f32
          %parallel_loop3A_223 = vector.broadcast %parallel_loop3A_222 : f32 to vector<16xf32>
          %parallel_loop3A_224 = arith.addf %parallel_loop3A_221, %parallel_loop3A_223 : vector<16xf32>
          %parallel_loop3A_225 = arith.mulf %parallel_loop3A_224, %parallel_loop3A_195 : vector<16xf32>
          %parallel_loop3A_226 = arith.constant 60.1762123 : f32
          %parallel_loop3A_227 = vector.broadcast %parallel_loop3A_226 : f32 to vector<16xf32>
          %parallel_loop3A_228 = arith.addf %parallel_loop3A_225, %parallel_loop3A_227 : vector<16xf32>
          %parallel_loop3A_229 = arith.mulf %parallel_loop3A_228, %parallel_loop3A_195 : vector<16xf32>
          %parallel_loop3A_230 = arith.constant -85.4511642 : f32
          %parallel_loop3A_231 = vector.broadcast %parallel_loop3A_230 : f32 to vector<16xf32>
          %parallel_loop3A_232 = arith.addf %parallel_loop3A_229, %parallel_loop3A_231 : vector<16xf32>
          %parallel_loop3A_233 = arith.mulf %parallel_loop3A_232, %parallel_loop3A_195 : vector<16xf32>
          %parallel_loop3A_234 = arith.constant 64.9391708 : f32
          %parallel_loop3A_235 = vector.broadcast %parallel_loop3A_234 : f32 to vector<16xf32>
          %parallel_loop3A_236 = arith.addf %parallel_loop3A_233, %parallel_loop3A_235 : vector<16xf32>
          %parallel_loop3A_237 = arith.mulf %parallel_loop3A_236, %parallel_loop3A_195 : vector<16xf32>
          %parallel_loop3A_238 = arith.constant -19.7392063 : f32
          %parallel_loop3A_239 = vector.broadcast %parallel_loop3A_238 : f32 to vector<16xf32>
          %parallel_loop3A_240 = arith.addf %parallel_loop3A_237, %parallel_loop3A_239 : vector<16xf32>
          %parallel_loop3A_241 = arith.mulf %parallel_loop3A_240, %parallel_loop3A_195 : vector<16xf32>
          %parallel_loop3A_242 = arith.constant 1.000000e+00 : f32
          %parallel_loop3A_243 = vector.broadcast %parallel_loop3A_242 : f32 to vector<16xf32>
          %parallel_loop3A_244 = arith.addf %parallel_loop3A_241, %parallel_loop3A_243 : vector<16xf32>
          %parallel_loop3A_245 = arith.constant 2.000000e+00 : f32
          %parallel_loop3A_246 = vector.broadcast %parallel_loop3A_245 : f32 to vector<16xf32>
          %parallel_loop3A_247 = arith.mulf %parallel_loop3A_246, %parallel_loop3A_218 : vector<16xf32>
          %parallel_loop3A_248 = arith.mulf %parallel_loop3A_247, %parallel_loop3A_244 : vector<16xf32>
          %parallel_loop3A_249 = arith.constant 2.000000e+00 : f32
          %parallel_loop3A_250 = vector.broadcast %parallel_loop3A_249 : f32 to vector<16xf32>
          %parallel_loop3A_251 = arith.mulf %parallel_loop3A_250, %parallel_loop3A_218 : vector<16xf32>
          %parallel_loop3A_252 = arith.mulf %parallel_loop3A_251, %parallel_loop3A_218 : vector<16xf32>
          %parallel_loop3A_253 = arith.constant 1.000000e+00 : f32
          %parallel_loop3A_254 = vector.broadcast %parallel_loop3A_253 : f32 to vector<16xf32>
          %parallel_loop3A_255 = arith.subf %parallel_loop3A_254, %parallel_loop3A_252 : vector<16xf32>
          %parallel_loop3A_256 = arith.constant 2.000000e+00 : f32
          %parallel_loop3A_257 = vector.broadcast %parallel_loop3A_256 : f32 to vector<16xf32>
          %parallel_loop3A_258 = arith.mulf %parallel_loop3A_257, %parallel_loop3A_248 : vector<16xf32>
          %parallel_loop3A_259 = arith.mulf %parallel_loop3A_258, %parallel_loop3A_255 : vector<16xf32>
          %parallel_loop3A_260 = arith.constant 2.000000e+00 : f32
          %parallel_loop3A_261 = vector.broadcast %parallel_loop3A_260 : f32 to vector<16xf32>
          %parallel_loop3A_262 = arith.mulf %parallel_loop3A_261, %parallel_loop3A_248 : vector<16xf32>
          %parallel_loop3A_263 = arith.mulf %parallel_loop3A_262, %parallel_loop3A_248 : vector<16xf32>
          %parallel_loop3A_264 = arith.constant 1.000000e+00 : f32
          %parallel_loop3A_265 = vector.broadcast %parallel_loop3A_264 : f32 to vector<16xf32>
          %parallel_loop3A_266 = arith.subf %parallel_loop3A_265, %parallel_loop3A_263 : vector<16xf32>
          %parallel_loop3A_267 = arith.constant 16 : i32
          %parallel_loop3A_268 = arith.muli %parallel_loop3A_167, %parallel_loop3A_267 : i32
          %parallel_loop3A_269 = arith.constant 64 : i32
          %parallel_loop3A_270 = arith.index_cast %parallel_loop3A_269 : i32 to index
          %parallel_loop3A_271 = arith.index_cast %parallel_loop3A_268 : i32 to index
          %parallel_loop3A_272 = tpu.vector_load %arg14[%parallel_loop3A_270, %parallel_loop3A_271] {strides = array<i32>} : memref<70x512xf32, #tpu.memory_space<vmem>>, vector<16xf32>,
          tpu.vector_store %arg14[%parallel_loop3A_270, %parallel_loop3A_271], %parallel_loop3A_218 {strides = array<i32>} : memref<70x512xf32, #tpu.memory_space<vmem>>, vector<16xf32>,
          %parallel_loop3A_273 = arith.constant 16 : i32
          %parallel_loop3A_274 = arith.muli %parallel_loop3A_167, %parallel_loop3A_273 : i32
          %parallel_loop3A_275 = arith.constant 65 : i32
          %parallel_loop3A_276 = arith.index_cast %parallel_loop3A_275 : i32 to index
          %parallel_loop3A_277 = arith.index_cast %parallel_loop3A_274 : i32 to index
          %parallel_loop3A_278 = tpu.vector_load %arg14[%parallel_loop3A_276, %parallel_loop3A_277] {strides = array<i32>} : memref<70x512xf32, #tpu.memory_space<vmem>>, vector<16xf32>,
          tpu.vector_store %arg14[%parallel_loop3A_276, %parallel_loop3A_277], %parallel_loop3A_244 {strides = array<i32>} : memref<70x512xf32, #tpu.memory_space<vmem>>, vector<16xf32>,
          %parallel_loop3A_279 = arith.constant 16 : i32
          %parallel_loop3A_280 = arith.muli %parallel_loop3A_167, %parallel_loop3A_279 : i32
          %parallel_loop3A_281 = arith.constant 66 : i32
          %parallel_loop3A_282 = arith.index_cast %parallel_loop3A_281 : i32 to index
          %parallel_loop3A_283 = arith.index_cast %parallel_loop3A_280 : i32 to index
          %parallel_loop3A_284 = tpu.vector_load %arg14[%parallel_loop3A_282, %parallel_loop3A_283] {strides = array<i32>} : memref<70x512xf32, #tpu.memory_space<vmem>>, vector<16xf32>,
          tpu.vector_store %arg14[%parallel_loop3A_282, %parallel_loop3A_283], %parallel_loop3A_248 {strides = array<i32>} : memref<70x512xf32, #tpu.memory_space<vmem>>, vector<16xf32>,
          %parallel_loop3A_285 = arith.constant 16 : i32
          %parallel_loop3A_286 = arith.muli %parallel_loop3A_167, %parallel_loop3A_285 : i32
          %parallel_loop3A_287 = arith.constant 67 : i32
          %parallel_loop3A_288 = arith.index_cast %parallel_loop3A_287 : i32 to index
          %parallel_loop3A_289 = arith.index_cast %parallel_loop3A_286 : i32 to index
          %parallel_loop3A_290 = tpu.vector_load %arg14[%parallel_loop3A_288, %parallel_loop3A_289] {strides = array<i32>} : memref<70x512xf32, #tpu.memory_space<vmem>>, vector<16xf32>,
          tpu.vector_store %arg14[%parallel_loop3A_288, %parallel_loop3A_289], %parallel_loop3A_255 {strides = array<i32>} : memref<70x512xf32, #tpu.memory_space<vmem>>, vector<16xf32>,
          %parallel_loop3A_291 = arith.constant 16 : i32
          %parallel_loop3A_292 = arith.muli %parallel_loop3A_167, %parallel_loop3A_291 : i32
          %parallel_loop3A_293 = arith.constant 68 : i32
          %parallel_loop3A_294 = arith.index_cast %parallel_loop3A_293 : i32 to index
          %parallel_loop3A_295 = arith.index_cast %parallel_loop3A_292 : i32 to index
          %parallel_loop3A_296 = tpu.vector_load %arg14[%parallel_loop3A_294, %parallel_loop3A_295] {strides = array<i32>} : memref<70x512xf32, #tpu.memory_space<vmem>>, vector<16xf32>,
          tpu.vector_store %arg14[%parallel_loop3A_294, %parallel_loop3A_295], %parallel_loop3A_259 {strides = array<i32>} : memref<70x512xf32, #tpu.memory_space<vmem>>, vector<16xf32>,
          %parallel_loop3A_297 = arith.constant 16 : i32
          %parallel_loop3A_298 = arith.muli %parallel_loop3A_167, %parallel_loop3A_297 : i32
          %parallel_loop3A_299 = arith.constant 69 : i32
          %parallel_loop3A_300 = arith.index_cast %parallel_loop3A_299 : i32 to index
          %parallel_loop3A_301 = arith.index_cast %parallel_loop3A_298 : i32 to index
          %parallel_loop3A_302 = tpu.vector_load %arg14[%parallel_loop3A_300, %parallel_loop3A_301] {strides = array<i32>} : memref<70x512xf32, #tpu.memory_space<vmem>>, vector<16xf32>,
          tpu.vector_store %arg14[%parallel_loop3A_300, %parallel_loop3A_301], %parallel_loop3A_266 {strides = array<i32>} : memref<70x512xf32, #tpu.memory_space<vmem>>, vector<16xf32>,
        } {sc.loop_unroll_factor = 1 : i64, sc.parallel_access}
        %dma_start3A_136 = arith.constant 0 : i32
        %dma_start3A_137 = tpu.memref_slice %arg6[%dma_start3A_136, %add3A_129, %mul3A_2] : memref<70x200x16384xf32, #tpu.memory_space<hbm>> -> memref<70x1x512xf32, #tpu.memory_space<hbm>>
        %dma_start3A_138 = tpu.memref_squeeze %dma_start3A_137 : memref<70x1x512xf32, #tpu.memory_space<hbm>> -> memref<70x512xf32, #tpu.memory_space<hbm>>
        %dma_start3A_139 = arith.constant 0 : i32
        %dma_start3A_140 = tpu.memref_slice %arg6[%dma_start3A_139, %add3A_129, %mul3A_2] : memref<70x200x16384xf32, #tpu.memory_space<hbm>> -> memref<70x1x512xf32, #tpu.memory_space<hbm>>
        %dma_start3A_141 = tpu.memref_squeeze %dma_start3A_140 : memref<70x1x512xf32, #tpu.memory_space<hbm>> -> memref<70x512xf32, #tpu.memory_space<hbm>>
        tpu.enqueue_dma source(%arg14 : memref<70x512xf32, #tpu.memory_space<vmem>>) target(%dma_start3A_141 : memref<70x512xf32, #tpu.memory_space<hbm>>) target_semaphore(%arg18 : memref<!tpu.dma_semaphore, #tpu.memory_space<semaphore_mem>>)
        %mul3A_142 = arith.constant 8 : i32
        %mul3A_143 = arith.muli %add3A_96, %mul3A_142 : i32
        %add3A_144 = arith.addi %mul3A_143, %mul3A_123 : i32
        %add3A_145 = arith.constant 1 : i32
        %add3A_146 = arith.addi %add3A_144, %add3A_145 : i32
        %add3A_147 = arith.constant 1 : i32
        %add3A_148 = arith.addi %mul3A_123, %add3A_147 : i32
        %mul3A_149 = arith.constant 8 : i32
        %mul3A_150 = arith.muli %add3A_96, %mul3A_149 : i32
        %add3A_151 = arith.addi %mul3A_150, %add3A_148 : i32
        %ge3A_152 = arith.constant 2 : i32
        %ge3A_153 = arith.cmpi sge, %add3A_146, %ge3A_152 : i32
        %convert_element_type3A_154 = arith.extui %ge3A_153 : i1 to i32
        %cond3A_155 = arith.constant 0 : i32
        %cond3A_156 = arith.cmpi ne, %convert_element_type3A_154, %cond3A_155 : i32
        scf.if %cond3A_156 {
          %dma_wait3A_167 = arith.constant 0 : i32
          %dma_wait3A_168 = arith.constant 0 : i32
          %dma_wait3A_169 = arith.constant 0 : i32
          %dma_wait3A_170 = tpu.memref_slice %arg6[%dma_wait3A_168, %dma_wait3A_167, %dma_wait3A_169] : memref<70x200x16384xf32, #tpu.memory_space<hbm>> -> memref<70x1x512xf32, #tpu.memory_space<hbm>>
          %dma_wait3A_171 = tpu.memref_squeeze %dma_wait3A_170 : memref<70x1x512xf32, #tpu.memory_space<hbm>> -> memref<70x512xf32, #tpu.memory_space<hbm>>
          %dma_wait3A_172 = arith.constant 0 : i32
          %dma_wait3A_173 = arith.constant 0 : i32
          %dma_wait3A_174 = tpu.memref_slice %arg6[%dma_wait3A_172, %dma_wait3A_167, %dma_wait3A_173] : memref<70x200x16384xf32, #tpu.memory_space<hbm>> -> memref<70x1x512xf32, #tpu.memory_space<hbm>>
          %dma_wait3A_175 = tpu.memref_squeeze %dma_wait3A_174 : memref<70x1x512xf32, #tpu.memory_space<hbm>> -> memref<70x512xf32, #tpu.memory_space<hbm>>
          tpu.wait_dma2 semaphore(%arg19 : memref<!tpu.dma_semaphore, #tpu.memory_space<semaphore_mem>>) src(%arg15 : memref<70x512xf32, #tpu.memory_space<vmem>>) dst(%dma_wait3A_175 : memref<70x512xf32, #tpu.memory_space<hbm>>)
        } else {
        }
        %parallel_loop3A_157 = arith.constant 0 : i32
        %parallel_loop3A_158 = arith.constant 32 : i32
        %parallel_loop3A_159 = arith.constant 1 : i32
        scf.for %parallel_loop3A_167 = %parallel_loop3A_157 to %parallel_loop3A_158 step %parallel_loop3A_159  : i32 {
          %parallel_loop3A_168 = arith.constant 16 : i32
          %parallel_loop3A_169 = arith.muli %parallel_loop3A_167, %parallel_loop3A_168 : i32
          %parallel_loop3A_170 = arith.index_cast %add3A_148 : i32 to index
          %parallel_loop3A_171 = arith.index_cast %parallel_loop3A_169 : i32 to index
          %parallel_loop3A_172 = tpu.vector_load %arg11[%parallel_loop3A_170, %parallel_loop3A_171] {strides = array<i32>} : memref<8x512xi32, #tpu.memory_space<vmem>>, vector<16xi32>,
          %parallel_loop3A_173 = arith.index_cast %add3A_148 : i32 to index
          %parallel_loop3A_174 = arith.index_cast %parallel_loop3A_169 : i32 to index
          %parallel_loop3A_175 = tpu.vector_load %arg12[%parallel_loop3A_173, %parallel_loop3A_174] {strides = array<i32>} : memref<8x512xi32, #tpu.memory_space<vmem>>, vector<16xi32>,
          %parallel_loop3A_176 = arith.index_cast %add3A_148 : i32 to index
          %parallel_loop3A_177 = arith.index_cast %parallel_loop3A_169 : i32 to index
          %parallel_loop3A_178 = tpu.vector_load %arg13[%parallel_loop3A_176, %parallel_loop3A_177] {strides = array<i32>} : memref<8x512xf32, #tpu.memory_space<vmem>>, vector<16xf32>,
          %parallel_loop3A_179 = arith.constant 7 : i32
          %parallel_loop3A_180 = vector.broadcast %parallel_loop3A_179 : i32 to vector<16xi32>
          %parallel_loop3A_181 = arith.muli %parallel_loop3A_172, %parallel_loop3A_180 : vector<16xi32>
          %parallel_loop3A_182 = arith.addi %parallel_loop3A_181, %parallel_loop3A_175 : vector<16xi32>
          %parallel_loop3A_183 = arith.constant 65 : i32
          %parallel_loop3A_184 = vector.broadcast %parallel_loop3A_183 : i32 to vector<16xi32>
          %parallel_loop3A_185 = arith.muli %parallel_loop3A_182, %parallel_loop3A_184 : vector<16xi32>
          %parallel_loop3A_186 = arith.constant 0 : i32
          %parallel_loop3A_187 = arith.constant 64 : i32
          %parallel_loop3A_188 = arith.constant 1 : i32
          scf.for %parallel_loop3A_303 = %parallel_loop3A_186 to %parallel_loop3A_187 step %parallel_loop3A_188  : i32 {
            %parallel_loop3A_304 = vector.broadcast %parallel_loop3A_303 : i32 to vector<16xi32>
            %parallel_loop3A_305 = arith.addi %parallel_loop3A_185, %parallel_loop3A_304 : vector<16xi32>
            %parallel_loop3A_306 = tpu.vector_load_idx %arg7[%parallel_loop3A_305] : memref<10920xf32, #tpu.memory_space<vmem>>[vector<16xi32>], vector<16xf32>,
            %parallel_loop3A_307 = arith.constant 16 : i32
            %parallel_loop3A_308 = arith.muli %parallel_loop3A_167, %parallel_loop3A_307 : i32
            %parallel_loop3A_309 = arith.index_cast %parallel_loop3A_303 : i32 to index
            %parallel_loop3A_310 = arith.index_cast %parallel_loop3A_308 : i32 to index
            %parallel_loop3A_311 = tpu.vector_load %arg15[%parallel_loop3A_309, %parallel_loop3A_310] {strides = array<i32>} : memref<70x512xf32, #tpu.memory_space<vmem>>, vector<16xf32>,
            tpu.vector_store %arg15[%parallel_loop3A_309, %parallel_loop3A_310], %parallel_loop3A_306 {strides = array<i32>} : memref<70x512xf32, #tpu.memory_space<vmem>>, vector<16xf32>,
          } {sc.loop_unroll_factor = 64 : i64, sc.parallel_access}
          %parallel_loop3A_189 = arith.constant 5.000000e-01 : f32
          %parallel_loop3A_190 = vector.broadcast %parallel_loop3A_189 : f32 to vector<16xf32>
          %parallel_loop3A_191 = arith.addf %parallel_loop3A_178, %parallel_loop3A_190 : vector<16xf32>
          %parallel_loop3A_192 = arith.fptosi %parallel_loop3A_191 : vector<16xf32> to vector<16xi32>
          %parallel_loop3A_193 = arith.sitofp %parallel_loop3A_192 : vector<16xi32> to vector<16xf32>
          %parallel_loop3A_194 = arith.subf %parallel_loop3A_178, %parallel_loop3A_193 : vector<16xf32>
          %parallel_loop3A_195 = arith.mulf %parallel_loop3A_194, %parallel_loop3A_194 : vector<16xf32>
          %parallel_loop3A_196 = arith.constant -12.3722725 : f32
          %parallel_loop3A_197 = vector.broadcast %parallel_loop3A_196 : f32 to vector<16xf32>
          %parallel_loop3A_198 = arith.mulf %parallel_loop3A_197, %parallel_loop3A_195 : vector<16xf32>
          %parallel_loop3A_199 = arith.constant 4.126980e+01 : f32
          %parallel_loop3A_200 = vector.broadcast %parallel_loop3A_199 : f32 to vector<16xf32>
          %parallel_loop3A_201 = arith.addf %parallel_loop3A_198, %parallel_loop3A_200 : vector<16xf32>
          %parallel_loop3A_202 = arith.mulf %parallel_loop3A_201, %parallel_loop3A_195 : vector<16xf32>
          %parallel_loop3A_203 = arith.constant -7.659490e+01 : f32
          %parallel_loop3A_204 = vector.broadcast %parallel_loop3A_203 : f32 to vector<16xf32>
          %parallel_loop3A_205 = arith.addf %parallel_loop3A_202, %parallel_loop3A_204 : vector<16xf32>
          %parallel_loop3A_206 = arith.mulf %parallel_loop3A_205, %parallel_loop3A_195 : vector<16xf32>
          %parallel_loop3A_207 = arith.constant 81.5976563 : f32
          %parallel_loop3A_208 = vector.broadcast %parallel_loop3A_207 : f32 to vector<16xf32>
          %parallel_loop3A_209 = arith.addf %parallel_loop3A_206, %parallel_loop3A_208 : vector<16xf32>
          %parallel_loop3A_210 = arith.mulf %parallel_loop3A_209, %parallel_loop3A_195 : vector<16xf32>
          %parallel_loop3A_211 = arith.constant -41.3414803 : f32
          %parallel_loop3A_212 = vector.broadcast %parallel_loop3A_211 : f32 to vector<16xf32>
          %parallel_loop3A_213 = arith.addf %parallel_loop3A_210, %parallel_loop3A_212 : vector<16xf32>
          %parallel_loop3A_214 = arith.mulf %parallel_loop3A_213, %parallel_loop3A_195 : vector<16xf32>
          %parallel_loop3A_215 = arith.constant 6.28318357 : f32
          %parallel_loop3A_216 = vector.broadcast %parallel_loop3A_215 : f32 to vector<16xf32>
          %parallel_loop3A_217 = arith.addf %parallel_loop3A_214, %parallel_loop3A_216 : vector<16xf32>
          %parallel_loop3A_218 = arith.mulf %parallel_loop3A_194, %parallel_loop3A_217 : vector<16xf32>
          %parallel_loop3A_219 = arith.constant 6.5755024 : f32
          %parallel_loop3A_220 = vector.broadcast %parallel_loop3A_219 : f32 to vector<16xf32>
          %parallel_loop3A_221 = arith.mulf %parallel_loop3A_220, %parallel_loop3A_195 : vector<16xf32>
          %parallel_loop3A_222 = arith.constant -26.0004559 : f32
          %parallel_loop3A_223 = vector.broadcast %parallel_loop3A_222 : f32 to vector<16xf32>
          %parallel_loop3A_224 = arith.addf %parallel_loop3A_221, %parallel_loop3A_223 : vector<16xf32>
          %parallel_loop3A_225 = arith.mulf %parallel_loop3A_224, %parallel_loop3A_195 : vector<16xf32>
          %parallel_loop3A_226 = arith.constant 60.1762123 : f32
          %parallel_loop3A_227 = vector.broadcast %parallel_loop3A_226 : f32 to vector<16xf32>
          %parallel_loop3A_228 = arith.addf %parallel_loop3A_225, %parallel_loop3A_227 : vector<16xf32>
          %parallel_loop3A_229 = arith.mulf %parallel_loop3A_228, %parallel_loop3A_195 : vector<16xf32>
          %parallel_loop3A_230 = arith.constant -85.4511642 : f32
          %parallel_loop3A_231 = vector.broadcast %parallel_loop3A_230 : f32 to vector<16xf32>
          %parallel_loop3A_232 = arith.addf %parallel_loop3A_229, %parallel_loop3A_231 : vector<16xf32>
          %parallel_loop3A_233 = arith.mulf %parallel_loop3A_232, %parallel_loop3A_195 : vector<16xf32>
          %parallel_loop3A_234 = arith.constant 64.9391708 : f32
          %parallel_loop3A_235 = vector.broadcast %parallel_loop3A_234 : f32 to vector<16xf32>
          %parallel_loop3A_236 = arith.addf %parallel_loop3A_233, %parallel_loop3A_235 : vector<16xf32>
          %parallel_loop3A_237 = arith.mulf %parallel_loop3A_236, %parallel_loop3A_195 : vector<16xf32>
          %parallel_loop3A_238 = arith.constant -19.7392063 : f32
          %parallel_loop3A_239 = vector.broadcast %parallel_loop3A_238 : f32 to vector<16xf32>
          %parallel_loop3A_240 = arith.addf %parallel_loop3A_237, %parallel_loop3A_239 : vector<16xf32>
          %parallel_loop3A_241 = arith.mulf %parallel_loop3A_240, %parallel_loop3A_195 : vector<16xf32>
          %parallel_loop3A_242 = arith.constant 1.000000e+00 : f32
          %parallel_loop3A_243 = vector.broadcast %parallel_loop3A_242 : f32 to vector<16xf32>
          %parallel_loop3A_244 = arith.addf %parallel_loop3A_241, %parallel_loop3A_243 : vector<16xf32>
          %parallel_loop3A_245 = arith.constant 2.000000e+00 : f32
          %parallel_loop3A_246 = vector.broadcast %parallel_loop3A_245 : f32 to vector<16xf32>
          %parallel_loop3A_247 = arith.mulf %parallel_loop3A_246, %parallel_loop3A_218 : vector<16xf32>
          %parallel_loop3A_248 = arith.mulf %parallel_loop3A_247, %parallel_loop3A_244 : vector<16xf32>
          %parallel_loop3A_249 = arith.constant 2.000000e+00 : f32
          %parallel_loop3A_250 = vector.broadcast %parallel_loop3A_249 : f32 to vector<16xf32>
          %parallel_loop3A_251 = arith.mulf %parallel_loop3A_250, %parallel_loop3A_218 : vector<16xf32>
          %parallel_loop3A_252 = arith.mulf %parallel_loop3A_251, %parallel_loop3A_218 : vector<16xf32>
          %parallel_loop3A_253 = arith.constant 1.000000e+00 : f32
          %parallel_loop3A_254 = vector.broadcast %parallel_loop3A_253 : f32 to vector<16xf32>
          %parallel_loop3A_255 = arith.subf %parallel_loop3A_254, %parallel_loop3A_252 : vector<16xf32>
          %parallel_loop3A_256 = arith.constant 2.000000e+00 : f32
          %parallel_loop3A_257 = vector.broadcast %parallel_loop3A_256 : f32 to vector<16xf32>
          %parallel_loop3A_258 = arith.mulf %parallel_loop3A_257, %parallel_loop3A_248 : vector<16xf32>
          %parallel_loop3A_259 = arith.mulf %parallel_loop3A_258, %parallel_loop3A_255 : vector<16xf32>
          %parallel_loop3A_260 = arith.constant 2.000000e+00 : f32
          %parallel_loop3A_261 = vector.broadcast %parallel_loop3A_260 : f32 to vector<16xf32>
          %parallel_loop3A_262 = arith.mulf %parallel_loop3A_261, %parallel_loop3A_248 : vector<16xf32>
          %parallel_loop3A_263 = arith.mulf %parallel_loop3A_262, %parallel_loop3A_248 : vector<16xf32>
          %parallel_loop3A_264 = arith.constant 1.000000e+00 : f32
          %parallel_loop3A_265 = vector.broadcast %parallel_loop3A_264 : f32 to vector<16xf32>
          %parallel_loop3A_266 = arith.subf %parallel_loop3A_265, %parallel_loop3A_263 : vector<16xf32>
          %parallel_loop3A_267 = arith.constant 16 : i32
          %parallel_loop3A_268 = arith.muli %parallel_loop3A_167, %parallel_loop3A_267 : i32
          %parallel_loop3A_269 = arith.constant 64 : i32
          %parallel_loop3A_270 = arith.index_cast %parallel_loop3A_269 : i32 to index
          %parallel_loop3A_271 = arith.index_cast %parallel_loop3A_268 : i32 to index
          %parallel_loop3A_272 = tpu.vector_load %arg15[%parallel_loop3A_270, %parallel_loop3A_271] {strides = array<i32>} : memref<70x512xf32, #tpu.memory_space<vmem>>, vector<16xf32>,
          tpu.vector_store %arg15[%parallel_loop3A_270, %parallel_loop3A_271], %parallel_loop3A_218 {strides = array<i32>} : memref<70x512xf32, #tpu.memory_space<vmem>>, vector<16xf32>,
          %parallel_loop3A_273 = arith.constant 16 : i32
          %parallel_loop3A_274 = arith.muli %parallel_loop3A_167, %parallel_loop3A_273 : i32
          %parallel_loop3A_275 = arith.constant 65 : i32
          %parallel_loop3A_276 = arith.index_cast %parallel_loop3A_275 : i32 to index
          %parallel_loop3A_277 = arith.index_cast %parallel_loop3A_274 : i32 to index
          %parallel_loop3A_278 = tpu.vector_load %arg15[%parallel_loop3A_276, %parallel_loop3A_277] {strides = array<i32>} : memref<70x512xf32, #tpu.memory_space<vmem>>, vector<16xf32>,
          tpu.vector_store %arg15[%parallel_loop3A_276, %parallel_loop3A_277], %parallel_loop3A_244 {strides = array<i32>} : memref<70x512xf32, #tpu.memory_space<vmem>>, vector<16xf32>,
          %parallel_loop3A_279 = arith.constant 16 : i32
          %parallel_loop3A_280 = arith.muli %parallel_loop3A_167, %parallel_loop3A_279 : i32
          %parallel_loop3A_281 = arith.constant 66 : i32
          %parallel_loop3A_282 = arith.index_cast %parallel_loop3A_281 : i32 to index
          %parallel_loop3A_283 = arith.index_cast %parallel_loop3A_280 : i32 to index
          %parallel_loop3A_284 = tpu.vector_load %arg15[%parallel_loop3A_282, %parallel_loop3A_283] {strides = array<i32>} : memref<70x512xf32, #tpu.memory_space<vmem>>, vector<16xf32>,
          tpu.vector_store %arg15[%parallel_loop3A_282, %parallel_loop3A_283], %parallel_loop3A_248 {strides = array<i32>} : memref<70x512xf32, #tpu.memory_space<vmem>>, vector<16xf32>,
          %parallel_loop3A_285 = arith.constant 16 : i32
          %parallel_loop3A_286 = arith.muli %parallel_loop3A_167, %parallel_loop3A_285 : i32
          %parallel_loop3A_287 = arith.constant 67 : i32
          %parallel_loop3A_288 = arith.index_cast %parallel_loop3A_287 : i32 to index
          %parallel_loop3A_289 = arith.index_cast %parallel_loop3A_286 : i32 to index
          %parallel_loop3A_290 = tpu.vector_load %arg15[%parallel_loop3A_288, %parallel_loop3A_289] {strides = array<i32>} : memref<70x512xf32, #tpu.memory_space<vmem>>, vector<16xf32>,
          tpu.vector_store %arg15[%parallel_loop3A_288, %parallel_loop3A_289], %parallel_loop3A_255 {strides = array<i32>} : memref<70x512xf32, #tpu.memory_space<vmem>>, vector<16xf32>,
          %parallel_loop3A_291 = arith.constant 16 : i32
          %parallel_loop3A_292 = arith.muli %parallel_loop3A_167, %parallel_loop3A_291 : i32
          %parallel_loop3A_293 = arith.constant 68 : i32
          %parallel_loop3A_294 = arith.index_cast %parallel_loop3A_293 : i32 to index
          %parallel_loop3A_295 = arith.index_cast %parallel_loop3A_292 : i32 to index
          %parallel_loop3A_296 = tpu.vector_load %arg15[%parallel_loop3A_294, %parallel_loop3A_295] {strides = array<i32>} : memref<70x512xf32, #tpu.memory_space<vmem>>, vector<16xf32>,
          tpu.vector_store %arg15[%parallel_loop3A_294, %parallel_loop3A_295], %parallel_loop3A_259 {strides = array<i32>} : memref<70x512xf32, #tpu.memory_space<vmem>>, vector<16xf32>,
          %parallel_loop3A_297 = arith.constant 16 : i32
          %parallel_loop3A_298 = arith.muli %parallel_loop3A_167, %parallel_loop3A_297 : i32
          %parallel_loop3A_299 = arith.constant 69 : i32
          %parallel_loop3A_300 = arith.index_cast %parallel_loop3A_299 : i32 to index
          %parallel_loop3A_301 = arith.index_cast %parallel_loop3A_298 : i32 to index
          %parallel_loop3A_302 = tpu.vector_load %arg15[%parallel_loop3A_300, %parallel_loop3A_301] {strides = array<i32>} : memref<70x512xf32, #tpu.memory_space<vmem>>, vector<16xf32>,
          tpu.vector_store %arg15[%parallel_loop3A_300, %parallel_loop3A_301], %parallel_loop3A_266 {strides = array<i32>} : memref<70x512xf32, #tpu.memory_space<vmem>>, vector<16xf32>,
        } {sc.loop_unroll_factor = 1 : i64, sc.parallel_access}
        %dma_start3A_160 = arith.constant 0 : i32
        %dma_start3A_161 = tpu.memref_slice %arg6[%dma_start3A_160, %add3A_151, %mul3A_2] : memref<70x200x16384xf32, #tpu.memory_space<hbm>> -> memref<70x1x512xf32, #tpu.memory_space<hbm>>
        %dma_start3A_162 = tpu.memref_squeeze %dma_start3A_161 : memref<70x1x512xf32, #tpu.memory_space<hbm>> -> memref<70x512xf32, #tpu.memory_space<hbm>>
        %dma_start3A_163 = arith.constant 0 : i32
        %dma_start3A_164 = tpu.memref_slice %arg6[%dma_start3A_163, %add3A_151, %mul3A_2] : memref<70x200x16384xf32, #tpu.memory_space<hbm>> -> memref<70x1x512xf32, #tpu.memory_space<hbm>>
        %dma_start3A_165 = tpu.memref_squeeze %dma_start3A_164 : memref<70x1x512xf32, #tpu.memory_space<hbm>> -> memref<70x512xf32, #tpu.memory_space<hbm>>
        tpu.enqueue_dma source(%arg15 : memref<70x512xf32, #tpu.memory_space<vmem>>) target(%dma_start3A_165 : memref<70x512xf32, #tpu.memory_space<hbm>>) target_semaphore(%arg19 : memref<!tpu.dma_semaphore, #tpu.memory_space<semaphore_mem>>)
        %scan3A_166 = arith.constant 0 : i32
        scf.yield %scan3A_166 : i32
      }
      %scan3A_111 = arith.constant 4 : i32
      %add3A_112 = arith.constant 2 : i32
      %add3A_113 = arith.addi %add3A_96, %add3A_112 : i32
      %lt3A_114 = arith.constant 25 : i32
      %lt3A_115 = arith.cmpi slt, %add3A_113, %lt3A_114 : i32
      %convert_element_type3A_116 = arith.extui %lt3A_115 : i1 to i32
      %cond3A_117 = arith.constant 0 : i32
      %cond3A_118 = arith.cmpi ne, %convert_element_type3A_116, %cond3A_117 : i32
      scf.if %cond3A_118 {
        %add3A_120 = arith.constant 2 : i32
        %add3A_121 = arith.addi %add3A_96, %add3A_120 : i32
        %mul3A_122 = arith.constant 8 : i32
        %mul3A_123 = arith.muli %add3A_121, %mul3A_122 : i32
        %dma_start3A_124 = tpu.memref_slice %arg2[%mul3A_123, %mul3A_2] : memref<200x16384xi32, #tpu.memory_space<hbm>> -> memref<8x512xi32, #tpu.memory_space<hbm>>
        %dma_start3A_125 = tpu.memref_slice %arg2[%mul3A_123, %mul3A_2] : memref<200x16384xi32, #tpu.memory_space<hbm>> -> memref<8x512xi32, #tpu.memory_space<hbm>>
        tpu.enqueue_dma source(%dma_start3A_125 : memref<8x512xi32, #tpu.memory_space<hbm>>) target(%arg11 : memref<8x512xi32, #tpu.memory_space<vmem>>) target_semaphore(%arg17 : memref<!tpu.dma_semaphore, #tpu.memory_space<semaphore_mem>>)
        %dma_start3A_126 = tpu.memref_slice %arg3[%mul3A_123, %mul3A_2] : memref<200x16384xi32, #tpu.memory_space<hbm>> -> memref<8x512xi32, #tpu.memory_space<hbm>>
        %dma_start3A_127 = tpu.memref_slice %arg3[%mul3A_123, %mul3A_2] : memref<200x16384xi32, #tpu.memory_space<hbm>> -> memref<8x512xi32, #tpu.memory_space<hbm>>
        tpu.enqueue_dma source(%dma_start3A_127 : memref<8x512xi32, #tpu.memory_space<hbm>>) target(%arg12 : memref<8x512xi32, #tpu.memory_space<vmem>>) target_semaphore(%arg17 : memref<!tpu.dma_semaphore, #tpu.memory_space<semaphore_mem>>)
        %dma_start3A_128 = tpu.memref_slice %arg4[%mul3A_123, %mul3A_2] : memref<200x16384xf32, #tpu.memory_space<hbm>> -> memref<8x512xf32, #tpu.memory_space<hbm>>
        %dma_start3A_129 = tpu.memref_slice %arg4[%mul3A_123, %mul3A_2] : memref<200x16384xf32, #tpu.memory_space<hbm>> -> memref<8x512xf32, #tpu.memory_space<hbm>>
        tpu.enqueue_dma source(%dma_start3A_129 : memref<8x512xf32, #tpu.memory_space<hbm>>) target(%arg13 : memref<8x512xf32, #tpu.memory_space<vmem>>) target_semaphore(%arg17 : memref<!tpu.dma_semaphore, #tpu.memory_space<semaphore_mem>>)
      } else {
      }
      %scan3A_119 = arith.constant 0 : i32
      scf.yield %scan3A_119 : i32
    }
    %scan3A_31 = arith.constant 12 : i32
    %dma_wait3A = arith.constant 192 : i32
    %dma_wait3A_32 = tpu.memref_slice %arg2[%dma_wait3A, %mul3A_2] : memref<200x16384xi32, #tpu.memory_space<hbm>> -> memref<8x512xi32, #tpu.memory_space<hbm>>
    %dma_wait3A_33 = arith.constant 192 : i32
    %dma_wait3A_34 = tpu.memref_slice %arg2[%dma_wait3A_33, %mul3A_2] : memref<200x16384xi32, #tpu.memory_space<hbm>> -> memref<8x512xi32, #tpu.memory_space<hbm>>
    tpu.wait_dma2 semaphore(%arg16 : memref<!tpu.dma_semaphore, #tpu.memory_space<semaphore_mem>>) src(%dma_wait3A_34 : memref<8x512xi32, #tpu.memory_space<hbm>>) dst(%arg8 : memref<8x512xi32, #tpu.memory_space<vmem>>)
    %dma_wait3A_35 = arith.constant 192 : i32
    %dma_wait3A_36 = tpu.memref_slice %arg3[%dma_wait3A_35, %mul3A_2] : memref<200x16384xi32, #tpu.memory_space<hbm>> -> memref<8x512xi32, #tpu.memory_space<hbm>>
    %dma_wait3A_37 = arith.constant 192 : i32
    %dma_wait3A_38 = tpu.memref_slice %arg3[%dma_wait3A_37, %mul3A_2] : memref<200x16384xi32, #tpu.memory_space<hbm>> -> memref<8x512xi32, #tpu.memory_space<hbm>>
    tpu.wait_dma2 semaphore(%arg16 : memref<!tpu.dma_semaphore, #tpu.memory_space<semaphore_mem>>) src(%dma_wait3A_38 : memref<8x512xi32, #tpu.memory_space<hbm>>) dst(%arg9 : memref<8x512xi32, #tpu.memory_space<vmem>>)
    %dma_wait3A_39 = arith.constant 192 : i32
    %dma_wait3A_40 = tpu.memref_slice %arg4[%dma_wait3A_39, %mul3A_2] : memref<200x16384xf32, #tpu.memory_space<hbm>> -> memref<8x512xf32, #tpu.memory_space<hbm>>
    %dma_wait3A_41 = arith.constant 192 : i32
    %dma_wait3A_42 = tpu.memref_slice %arg4[%dma_wait3A_41, %mul3A_2] : memref<200x16384xf32, #tpu.memory_space<hbm>> -> memref<8x512xf32, #tpu.memory_space<hbm>>
    tpu.wait_dma2 semaphore(%arg16 : memref<!tpu.dma_semaphore, #tpu.memory_space<semaphore_mem>>) src(%dma_wait3A_42 : memref<8x512xf32, #tpu.memory_space<hbm>>) dst(%arg10 : memref<8x512xf32, #tpu.memory_space<vmem>>)
    %scan3A_43 = arith.constant 0 : i32
    %scan3A_44 = arith.constant 0 : i32
    %scan3A_45 = arith.constant 4 : i32
    %scan3A_46 = arith.addi %scan3A_44, %scan3A_45 : i32
    %scan3A_47 = arith.constant 1 : i32
    %scan3A_48 = scf.for %scan3A_68 = %scan3A_44 to %scan3A_46 step %scan3A_47 iter_args(%scan3A_69 = %scan3A_43) -> (i32)  : i32 {
      %mul3A_70 = arith.constant 2 : i32
      %mul3A_71 = arith.muli %scan3A_68, %mul3A_70 : i32
      %add3A_72 = arith.constant 192 : i32
      %add3A_73 = arith.addi %add3A_72, %mul3A_71 : i32
      %add3A_74 = arith.constant 192 : i32
      %add3A_75 = arith.addi %add3A_74, %mul3A_71 : i32
      %ge3A = arith.constant 2 : i32
      %ge3A_76 = arith.cmpi sge, %add3A_73, %ge3A : i32
      %convert_element_type3A = arith.extui %ge3A_76 : i1 to i32
      %cond3A = arith.constant 0 : i32
      %cond3A_77 = arith.cmpi ne, %convert_element_type3A, %cond3A : i32
      scf.if %cond3A_77 {
        %dma_wait3A_109 = arith.constant 0 : i32
        %dma_wait3A_110 = arith.constant 0 : i32
        %dma_wait3A_111 = arith.constant 0 : i32
        %dma_wait3A_112 = tpu.memref_slice %arg6[%dma_wait3A_110, %dma_wait3A_109, %dma_wait3A_111] : memref<70x200x16384xf32, #tpu.memory_space<hbm>> -> memref<70x1x512xf32, #tpu.memory_space<hbm>>
        %dma_wait3A_113 = tpu.memref_squeeze %dma_wait3A_112 : memref<70x1x512xf32, #tpu.memory_space<hbm>> -> memref<70x512xf32, #tpu.memory_space<hbm>>
        %dma_wait3A_114 = arith.constant 0 : i32
        %dma_wait3A_115 = arith.constant 0 : i32
        %dma_wait3A_116 = tpu.memref_slice %arg6[%dma_wait3A_114, %dma_wait3A_109, %dma_wait3A_115] : memref<70x200x16384xf32, #tpu.memory_space<hbm>> -> memref<70x1x512xf32, #tpu.memory_space<hbm>>
        %dma_wait3A_117 = tpu.memref_squeeze %dma_wait3A_116 : memref<70x1x512xf32, #tpu.memory_space<hbm>> -> memref<70x512xf32, #tpu.memory_space<hbm>>
        tpu.wait_dma2 semaphore(%arg18 : memref<!tpu.dma_semaphore, #tpu.memory_space<semaphore_mem>>) src(%arg14 : memref<70x512xf32, #tpu.memory_space<vmem>>) dst(%dma_wait3A_117 : memref<70x512xf32, #tpu.memory_space<hbm>>)
      } else {
      }
      %parallel_loop3A = arith.constant 0 : i32
      %parallel_loop3A_78 = arith.constant 32 : i32
      %parallel_loop3A_79 = arith.constant 1 : i32
      scf.for %parallel_loop3A_109 = %parallel_loop3A to %parallel_loop3A_78 step %parallel_loop3A_79  : i32 {
        %parallel_loop3A_110 = arith.constant 16 : i32
        %parallel_loop3A_111 = arith.muli %parallel_loop3A_109, %parallel_loop3A_110 : i32
        %parallel_loop3A_112 = arith.index_cast %mul3A_71 : i32 to index
        %parallel_loop3A_113 = arith.index_cast %parallel_loop3A_111 : i32 to index
        %parallel_loop3A_114 = tpu.vector_load %arg8[%parallel_loop3A_112, %parallel_loop3A_113] {strides = array<i32>} : memref<8x512xi32, #tpu.memory_space<vmem>>, vector<16xi32>,
        %parallel_loop3A_115 = arith.index_cast %mul3A_71 : i32 to index
        %parallel_loop3A_116 = arith.index_cast %parallel_loop3A_111 : i32 to index
        %parallel_loop3A_117 = tpu.vector_load %arg9[%parallel_loop3A_115, %parallel_loop3A_116] {strides = array<i32>} : memref<8x512xi32, #tpu.memory_space<vmem>>, vector<16xi32>,
        %parallel_loop3A_118 = arith.index_cast %mul3A_71 : i32 to index
        %parallel_loop3A_119 = arith.index_cast %parallel_loop3A_111 : i32 to index
        %parallel_loop3A_120 = tpu.vector_load %arg10[%parallel_loop3A_118, %parallel_loop3A_119] {strides = array<i32>} : memref<8x512xf32, #tpu.memory_space<vmem>>, vector<16xf32>,
        %parallel_loop3A_121 = arith.constant 7 : i32
        %parallel_loop3A_122 = vector.broadcast %parallel_loop3A_121 : i32 to vector<16xi32>
        %parallel_loop3A_123 = arith.muli %parallel_loop3A_114, %parallel_loop3A_122 : vector<16xi32>
        %parallel_loop3A_124 = arith.addi %parallel_loop3A_123, %parallel_loop3A_117 : vector<16xi32>
        %parallel_loop3A_125 = arith.constant 65 : i32
        %parallel_loop3A_126 = vector.broadcast %parallel_loop3A_125 : i32 to vector<16xi32>
        %parallel_loop3A_127 = arith.muli %parallel_loop3A_124, %parallel_loop3A_126 : vector<16xi32>
        %parallel_loop3A_128 = arith.constant 0 : i32
        %parallel_loop3A_129 = arith.constant 64 : i32
        %parallel_loop3A_130 = arith.constant 1 : i32
        scf.for %parallel_loop3A_245 = %parallel_loop3A_128 to %parallel_loop3A_129 step %parallel_loop3A_130  : i32 {
          %parallel_loop3A_246 = vector.broadcast %parallel_loop3A_245 : i32 to vector<16xi32>
          %parallel_loop3A_247 = arith.addi %parallel_loop3A_127, %parallel_loop3A_246 : vector<16xi32>
          %parallel_loop3A_248 = tpu.vector_load_idx %arg7[%parallel_loop3A_247] : memref<10920xf32, #tpu.memory_space<vmem>>[vector<16xi32>], vector<16xf32>,
          %parallel_loop3A_249 = arith.constant 16 : i32
          %parallel_loop3A_250 = arith.muli %parallel_loop3A_109, %parallel_loop3A_249 : i32
          %parallel_loop3A_251 = arith.index_cast %parallel_loop3A_245 : i32 to index
          %parallel_loop3A_252 = arith.index_cast %parallel_loop3A_250 : i32 to index
          %parallel_loop3A_253 = tpu.vector_load %arg14[%parallel_loop3A_251, %parallel_loop3A_252] {strides = array<i32>} : memref<70x512xf32, #tpu.memory_space<vmem>>, vector<16xf32>,
          tpu.vector_store %arg14[%parallel_loop3A_251, %parallel_loop3A_252], %parallel_loop3A_248 {strides = array<i32>} : memref<70x512xf32, #tpu.memory_space<vmem>>, vector<16xf32>,
        } {sc.loop_unroll_factor = 64 : i64, sc.parallel_access}
        %parallel_loop3A_131 = arith.constant 5.000000e-01 : f32
        %parallel_loop3A_132 = vector.broadcast %parallel_loop3A_131 : f32 to vector<16xf32>
        %parallel_loop3A_133 = arith.addf %parallel_loop3A_120, %parallel_loop3A_132 : vector<16xf32>
        %parallel_loop3A_134 = arith.fptosi %parallel_loop3A_133 : vector<16xf32> to vector<16xi32>
        %parallel_loop3A_135 = arith.sitofp %parallel_loop3A_134 : vector<16xi32> to vector<16xf32>
        %parallel_loop3A_136 = arith.subf %parallel_loop3A_120, %parallel_loop3A_135 : vector<16xf32>
        %parallel_loop3A_137 = arith.mulf %parallel_loop3A_136, %parallel_loop3A_136 : vector<16xf32>
        %parallel_loop3A_138 = arith.constant -12.3722725 : f32
        %parallel_loop3A_139 = vector.broadcast %parallel_loop3A_138 : f32 to vector<16xf32>
        %parallel_loop3A_140 = arith.mulf %parallel_loop3A_139, %parallel_loop3A_137 : vector<16xf32>
        %parallel_loop3A_141 = arith.constant 4.126980e+01 : f32
        %parallel_loop3A_142 = vector.broadcast %parallel_loop3A_141 : f32 to vector<16xf32>
        %parallel_loop3A_143 = arith.addf %parallel_loop3A_140, %parallel_loop3A_142 : vector<16xf32>
        %parallel_loop3A_144 = arith.mulf %parallel_loop3A_143, %parallel_loop3A_137 : vector<16xf32>
        %parallel_loop3A_145 = arith.constant -7.659490e+01 : f32
        %parallel_loop3A_146 = vector.broadcast %parallel_loop3A_145 : f32 to vector<16xf32>
        %parallel_loop3A_147 = arith.addf %parallel_loop3A_144, %parallel_loop3A_146 : vector<16xf32>
        %parallel_loop3A_148 = arith.mulf %parallel_loop3A_147, %parallel_loop3A_137 : vector<16xf32>
        %parallel_loop3A_149 = arith.constant 81.5976563 : f32
        %parallel_loop3A_150 = vector.broadcast %parallel_loop3A_149 : f32 to vector<16xf32>
        %parallel_loop3A_151 = arith.addf %parallel_loop3A_148, %parallel_loop3A_150 : vector<16xf32>
        %parallel_loop3A_152 = arith.mulf %parallel_loop3A_151, %parallel_loop3A_137 : vector<16xf32>
        %parallel_loop3A_153 = arith.constant -41.3414803 : f32
        %parallel_loop3A_154 = vector.broadcast %parallel_loop3A_153 : f32 to vector<16xf32>
        %parallel_loop3A_155 = arith.addf %parallel_loop3A_152, %parallel_loop3A_154 : vector<16xf32>
        %parallel_loop3A_156 = arith.mulf %parallel_loop3A_155, %parallel_loop3A_137 : vector<16xf32>
        %parallel_loop3A_157 = arith.constant 6.28318357 : f32
        %parallel_loop3A_158 = vector.broadcast %parallel_loop3A_157 : f32 to vector<16xf32>
        %parallel_loop3A_159 = arith.addf %parallel_loop3A_156, %parallel_loop3A_158 : vector<16xf32>
        %parallel_loop3A_160 = arith.mulf %parallel_loop3A_136, %parallel_loop3A_159 : vector<16xf32>
        %parallel_loop3A_161 = arith.constant 6.5755024 : f32
        %parallel_loop3A_162 = vector.broadcast %parallel_loop3A_161 : f32 to vector<16xf32>
        %parallel_loop3A_163 = arith.mulf %parallel_loop3A_162, %parallel_loop3A_137 : vector<16xf32>
        %parallel_loop3A_164 = arith.constant -26.0004559 : f32
        %parallel_loop3A_165 = vector.broadcast %parallel_loop3A_164 : f32 to vector<16xf32>
        %parallel_loop3A_166 = arith.addf %parallel_loop3A_163, %parallel_loop3A_165 : vector<16xf32>
        %parallel_loop3A_167 = arith.mulf %parallel_loop3A_166, %parallel_loop3A_137 : vector<16xf32>
        %parallel_loop3A_168 = arith.constant 60.1762123 : f32
        %parallel_loop3A_169 = vector.broadcast %parallel_loop3A_168 : f32 to vector<16xf32>
        %parallel_loop3A_170 = arith.addf %parallel_loop3A_167, %parallel_loop3A_169 : vector<16xf32>
        %parallel_loop3A_171 = arith.mulf %parallel_loop3A_170, %parallel_loop3A_137 : vector<16xf32>
        %parallel_loop3A_172 = arith.constant -85.4511642 : f32
        %parallel_loop3A_173 = vector.broadcast %parallel_loop3A_172 : f32 to vector<16xf32>
        %parallel_loop3A_174 = arith.addf %parallel_loop3A_171, %parallel_loop3A_173 : vector<16xf32>
        %parallel_loop3A_175 = arith.mulf %parallel_loop3A_174, %parallel_loop3A_137 : vector<16xf32>
        %parallel_loop3A_176 = arith.constant 64.9391708 : f32
        %parallel_loop3A_177 = vector.broadcast %parallel_loop3A_176 : f32 to vector<16xf32>
        %parallel_loop3A_178 = arith.addf %parallel_loop3A_175, %parallel_loop3A_177 : vector<16xf32>
        %parallel_loop3A_179 = arith.mulf %parallel_loop3A_178, %parallel_loop3A_137 : vector<16xf32>
        %parallel_loop3A_180 = arith.constant -19.7392063 : f32
        %parallel_loop3A_181 = vector.broadcast %parallel_loop3A_180 : f32 to vector<16xf32>
        %parallel_loop3A_182 = arith.addf %parallel_loop3A_179, %parallel_loop3A_181 : vector<16xf32>
        %parallel_loop3A_183 = arith.mulf %parallel_loop3A_182, %parallel_loop3A_137 : vector<16xf32>
        %parallel_loop3A_184 = arith.constant 1.000000e+00 : f32
        %parallel_loop3A_185 = vector.broadcast %parallel_loop3A_184 : f32 to vector<16xf32>
        %parallel_loop3A_186 = arith.addf %parallel_loop3A_183, %parallel_loop3A_185 : vector<16xf32>
        %parallel_loop3A_187 = arith.constant 2.000000e+00 : f32
        %parallel_loop3A_188 = vector.broadcast %parallel_loop3A_187 : f32 to vector<16xf32>
        %parallel_loop3A_189 = arith.mulf %parallel_loop3A_188, %parallel_loop3A_160 : vector<16xf32>
        %parallel_loop3A_190 = arith.mulf %parallel_loop3A_189, %parallel_loop3A_186 : vector<16xf32>
        %parallel_loop3A_191 = arith.constant 2.000000e+00 : f32
        %parallel_loop3A_192 = vector.broadcast %parallel_loop3A_191 : f32 to vector<16xf32>
        %parallel_loop3A_193 = arith.mulf %parallel_loop3A_192, %parallel_loop3A_160 : vector<16xf32>
        %parallel_loop3A_194 = arith.mulf %parallel_loop3A_193, %parallel_loop3A_160 : vector<16xf32>
        %parallel_loop3A_195 = arith.constant 1.000000e+00 : f32
        %parallel_loop3A_196 = vector.broadcast %parallel_loop3A_195 : f32 to vector<16xf32>
        %parallel_loop3A_197 = arith.subf %parallel_loop3A_196, %parallel_loop3A_194 : vector<16xf32>
        %parallel_loop3A_198 = arith.constant 2.000000e+00 : f32
        %parallel_loop3A_199 = vector.broadcast %parallel_loop3A_198 : f32 to vector<16xf32>
        %parallel_loop3A_200 = arith.mulf %parallel_loop3A_199, %parallel_loop3A_190 : vector<16xf32>
        %parallel_loop3A_201 = arith.mulf %parallel_loop3A_200, %parallel_loop3A_197 : vector<16xf32>
        %parallel_loop3A_202 = arith.constant 2.000000e+00 : f32
        %parallel_loop3A_203 = vector.broadcast %parallel_loop3A_202 : f32 to vector<16xf32>
        %parallel_loop3A_204 = arith.mulf %parallel_loop3A_203, %parallel_loop3A_190 : vector<16xf32>
        %parallel_loop3A_205 = arith.mulf %parallel_loop3A_204, %parallel_loop3A_190 : vector<16xf32>
        %parallel_loop3A_206 = arith.constant 1.000000e+00 : f32
        %parallel_loop3A_207 = vector.broadcast %parallel_loop3A_206 : f32 to vector<16xf32>
        %parallel_loop3A_208 = arith.subf %parallel_loop3A_207, %parallel_loop3A_205 : vector<16xf32>
        %parallel_loop3A_209 = arith.constant 16 : i32
        %parallel_loop3A_210 = arith.muli %parallel_loop3A_109, %parallel_loop3A_209 : i32
        %parallel_loop3A_211 = arith.constant 64 : i32
        %parallel_loop3A_212 = arith.index_cast %parallel_loop3A_211 : i32 to index
        %parallel_loop3A_213 = arith.index_cast %parallel_loop3A_210 : i32 to index
        %parallel_loop3A_214 = tpu.vector_load %arg14[%parallel_loop3A_212, %parallel_loop3A_213] {strides = array<i32>} : memref<70x512xf32, #tpu.memory_space<vmem>>, vector<16xf32>,
        tpu.vector_store %arg14[%parallel_loop3A_212, %parallel_loop3A_213], %parallel_loop3A_160 {strides = array<i32>} : memref<70x512xf32, #tpu.memory_space<vmem>>, vector<16xf32>,
        %parallel_loop3A_215 = arith.constant 16 : i32
        %parallel_loop3A_216 = arith.muli %parallel_loop3A_109, %parallel_loop3A_215 : i32
        %parallel_loop3A_217 = arith.constant 65 : i32
        %parallel_loop3A_218 = arith.index_cast %parallel_loop3A_217 : i32 to index
        %parallel_loop3A_219 = arith.index_cast %parallel_loop3A_216 : i32 to index
        %parallel_loop3A_220 = tpu.vector_load %arg14[%parallel_loop3A_218, %parallel_loop3A_219] {strides = array<i32>} : memref<70x512xf32, #tpu.memory_space<vmem>>, vector<16xf32>,
        tpu.vector_store %arg14[%parallel_loop3A_218, %parallel_loop3A_219], %parallel_loop3A_186 {strides = array<i32>} : memref<70x512xf32, #tpu.memory_space<vmem>>, vector<16xf32>,
        %parallel_loop3A_221 = arith.constant 16 : i32
        %parallel_loop3A_222 = arith.muli %parallel_loop3A_109, %parallel_loop3A_221 : i32
        %parallel_loop3A_223 = arith.constant 66 : i32
        %parallel_loop3A_224 = arith.index_cast %parallel_loop3A_223 : i32 to index
        %parallel_loop3A_225 = arith.index_cast %parallel_loop3A_222 : i32 to index
        %parallel_loop3A_226 = tpu.vector_load %arg14[%parallel_loop3A_224, %parallel_loop3A_225] {strides = array<i32>} : memref<70x512xf32, #tpu.memory_space<vmem>>, vector<16xf32>,
        tpu.vector_store %arg14[%parallel_loop3A_224, %parallel_loop3A_225], %parallel_loop3A_190 {strides = array<i32>} : memref<70x512xf32, #tpu.memory_space<vmem>>, vector<16xf32>,
        %parallel_loop3A_227 = arith.constant 16 : i32
        %parallel_loop3A_228 = arith.muli %parallel_loop3A_109, %parallel_loop3A_227 : i32
        %parallel_loop3A_229 = arith.constant 67 : i32
        %parallel_loop3A_230 = arith.index_cast %parallel_loop3A_229 : i32 to index
        %parallel_loop3A_231 = arith.index_cast %parallel_loop3A_228 : i32 to index
        %parallel_loop3A_232 = tpu.vector_load %arg14[%parallel_loop3A_230, %parallel_loop3A_231] {strides = array<i32>} : memref<70x512xf32, #tpu.memory_space<vmem>>, vector<16xf32>,
        tpu.vector_store %arg14[%parallel_loop3A_230, %parallel_loop3A_231], %parallel_loop3A_197 {strides = array<i32>} : memref<70x512xf32, #tpu.memory_space<vmem>>, vector<16xf32>,
        %parallel_loop3A_233 = arith.constant 16 : i32
        %parallel_loop3A_234 = arith.muli %parallel_loop3A_109, %parallel_loop3A_233 : i32
        %parallel_loop3A_235 = arith.constant 68 : i32
        %parallel_loop3A_236 = arith.index_cast %parallel_loop3A_235 : i32 to index
        %parallel_loop3A_237 = arith.index_cast %parallel_loop3A_234 : i32 to index
        %parallel_loop3A_238 = tpu.vector_load %arg14[%parallel_loop3A_236, %parallel_loop3A_237] {strides = array<i32>} : memref<70x512xf32, #tpu.memory_space<vmem>>, vector<16xf32>,
        tpu.vector_store %arg14[%parallel_loop3A_236, %parallel_loop3A_237], %parallel_loop3A_201 {strides = array<i32>} : memref<70x512xf32, #tpu.memory_space<vmem>>, vector<16xf32>,
        %parallel_loop3A_239 = arith.constant 16 : i32
        %parallel_loop3A_240 = arith.muli %parallel_loop3A_109, %parallel_loop3A_239 : i32
        %parallel_loop3A_241 = arith.constant 69 : i32
        %parallel_loop3A_242 = arith.index_cast %parallel_loop3A_241 : i32 to index
        %parallel_loop3A_243 = arith.index_cast %parallel_loop3A_240 : i32 to index
        %parallel_loop3A_244 = tpu.vector_load %arg14[%parallel_loop3A_242, %parallel_loop3A_243] {strides = array<i32>} : memref<70x512xf32, #tpu.memory_space<vmem>>, vector<16xf32>,
        tpu.vector_store %arg14[%parallel_loop3A_242, %parallel_loop3A_243], %parallel_loop3A_208 {strides = array<i32>} : memref<70x512xf32, #tpu.memory_space<vmem>>, vector<16xf32>,
      } {sc.loop_unroll_factor = 1 : i64, sc.parallel_access}
      %dma_start3A_80 = arith.constant 0 : i32
      %dma_start3A_81 = tpu.memref_slice %arg6[%dma_start3A_80, %add3A_75, %mul3A_2] : memref<70x200x16384xf32, #tpu.memory_space<hbm>> -> memref<70x1x512xf32, #tpu.memory_space<hbm>>
      %dma_start3A_82 = tpu.memref_squeeze %dma_start3A_81 : memref<70x1x512xf32, #tpu.memory_space<hbm>> -> memref<70x512xf32, #tpu.memory_space<hbm>>
      %dma_start3A_83 = arith.constant 0 : i32
      %dma_start3A_84 = tpu.memref_slice %arg6[%dma_start3A_83, %add3A_75, %mul3A_2] : memref<70x200x16384xf32, #tpu.memory_space<hbm>> -> memref<70x1x512xf32, #tpu.memory_space<hbm>>
      %dma_start3A_85 = tpu.memref_squeeze %dma_start3A_84 : memref<70x1x512xf32, #tpu.memory_space<hbm>> -> memref<70x512xf32, #tpu.memory_space<hbm>>
      tpu.enqueue_dma source(%arg14 : memref<70x512xf32, #tpu.memory_space<vmem>>) target(%dma_start3A_85 : memref<70x512xf32, #tpu.memory_space<hbm>>) target_semaphore(%arg18 : memref<!tpu.dma_semaphore, #tpu.memory_space<semaphore_mem>>)
      %add3A_86 = arith.constant 192 : i32
      %add3A_87 = arith.addi %add3A_86, %mul3A_71 : i32
      %add3A_88 = arith.constant 1 : i32
      %add3A_89 = arith.addi %add3A_87, %add3A_88 : i32
      %add3A_90 = arith.constant 1 : i32
      %add3A_91 = arith.addi %mul3A_71, %add3A_90 : i32
      %add3A_92 = arith.constant 192 : i32
      %add3A_93 = arith.addi %add3A_92, %add3A_91 : i32
      %ge3A_94 = arith.constant 2 : i32
      %ge3A_95 = arith.cmpi sge, %add3A_89, %ge3A_94 : i32
      %convert_element_type3A_96 = arith.extui %ge3A_95 : i1 to i32
      %cond3A_97 = arith.constant 0 : i32
      %cond3A_98 = arith.cmpi ne, %convert_element_type3A_96, %cond3A_97 : i32
      scf.if %cond3A_98 {
        %dma_wait3A_109 = arith.constant 0 : i32
        %dma_wait3A_110 = arith.constant 0 : i32
        %dma_wait3A_111 = arith.constant 0 : i32
        %dma_wait3A_112 = tpu.memref_slice %arg6[%dma_wait3A_110, %dma_wait3A_109, %dma_wait3A_111] : memref<70x200x16384xf32, #tpu.memory_space<hbm>> -> memref<70x1x512xf32, #tpu.memory_space<hbm>>
        %dma_wait3A_113 = tpu.memref_squeeze %dma_wait3A_112 : memref<70x1x512xf32, #tpu.memory_space<hbm>> -> memref<70x512xf32, #tpu.memory_space<hbm>>
        %dma_wait3A_114 = arith.constant 0 : i32
        %dma_wait3A_115 = arith.constant 0 : i32
        %dma_wait3A_116 = tpu.memref_slice %arg6[%dma_wait3A_114, %dma_wait3A_109, %dma_wait3A_115] : memref<70x200x16384xf32, #tpu.memory_space<hbm>> -> memref<70x1x512xf32, #tpu.memory_space<hbm>>
        %dma_wait3A_117 = tpu.memref_squeeze %dma_wait3A_116 : memref<70x1x512xf32, #tpu.memory_space<hbm>> -> memref<70x512xf32, #tpu.memory_space<hbm>>
        tpu.wait_dma2 semaphore(%arg19 : memref<!tpu.dma_semaphore, #tpu.memory_space<semaphore_mem>>) src(%arg15 : memref<70x512xf32, #tpu.memory_space<vmem>>) dst(%dma_wait3A_117 : memref<70x512xf32, #tpu.memory_space<hbm>>)
      } else {
      }
      %parallel_loop3A_99 = arith.constant 0 : i32
      %parallel_loop3A_100 = arith.constant 32 : i32
      %parallel_loop3A_101 = arith.constant 1 : i32
      scf.for %parallel_loop3A_109 = %parallel_loop3A_99 to %parallel_loop3A_100 step %parallel_loop3A_101  : i32 {
        %parallel_loop3A_110 = arith.constant 16 : i32
        %parallel_loop3A_111 = arith.muli %parallel_loop3A_109, %parallel_loop3A_110 : i32
        %parallel_loop3A_112 = arith.index_cast %add3A_91 : i32 to index
        %parallel_loop3A_113 = arith.index_cast %parallel_loop3A_111 : i32 to index
        %parallel_loop3A_114 = tpu.vector_load %arg8[%parallel_loop3A_112, %parallel_loop3A_113] {strides = array<i32>} : memref<8x512xi32, #tpu.memory_space<vmem>>, vector<16xi32>,
        %parallel_loop3A_115 = arith.index_cast %add3A_91 : i32 to index
        %parallel_loop3A_116 = arith.index_cast %parallel_loop3A_111 : i32 to index
        %parallel_loop3A_117 = tpu.vector_load %arg9[%parallel_loop3A_115, %parallel_loop3A_116] {strides = array<i32>} : memref<8x512xi32, #tpu.memory_space<vmem>>, vector<16xi32>,
        %parallel_loop3A_118 = arith.index_cast %add3A_91 : i32 to index
        %parallel_loop3A_119 = arith.index_cast %parallel_loop3A_111 : i32 to index
        %parallel_loop3A_120 = tpu.vector_load %arg10[%parallel_loop3A_118, %parallel_loop3A_119] {strides = array<i32>} : memref<8x512xf32, #tpu.memory_space<vmem>>, vector<16xf32>,
        %parallel_loop3A_121 = arith.constant 7 : i32
        %parallel_loop3A_122 = vector.broadcast %parallel_loop3A_121 : i32 to vector<16xi32>
        %parallel_loop3A_123 = arith.muli %parallel_loop3A_114, %parallel_loop3A_122 : vector<16xi32>
        %parallel_loop3A_124 = arith.addi %parallel_loop3A_123, %parallel_loop3A_117 : vector<16xi32>
        %parallel_loop3A_125 = arith.constant 65 : i32
        %parallel_loop3A_126 = vector.broadcast %parallel_loop3A_125 : i32 to vector<16xi32>
        %parallel_loop3A_127 = arith.muli %parallel_loop3A_124, %parallel_loop3A_126 : vector<16xi32>
        %parallel_loop3A_128 = arith.constant 0 : i32
        %parallel_loop3A_129 = arith.constant 64 : i32
        %parallel_loop3A_130 = arith.constant 1 : i32
        scf.for %parallel_loop3A_245 = %parallel_loop3A_128 to %parallel_loop3A_129 step %parallel_loop3A_130  : i32 {
          %parallel_loop3A_246 = vector.broadcast %parallel_loop3A_245 : i32 to vector<16xi32>
          %parallel_loop3A_247 = arith.addi %parallel_loop3A_127, %parallel_loop3A_246 : vector<16xi32>
          %parallel_loop3A_248 = tpu.vector_load_idx %arg7[%parallel_loop3A_247] : memref<10920xf32, #tpu.memory_space<vmem>>[vector<16xi32>], vector<16xf32>,
          %parallel_loop3A_249 = arith.constant 16 : i32
          %parallel_loop3A_250 = arith.muli %parallel_loop3A_109, %parallel_loop3A_249 : i32
          %parallel_loop3A_251 = arith.index_cast %parallel_loop3A_245 : i32 to index
          %parallel_loop3A_252 = arith.index_cast %parallel_loop3A_250 : i32 to index
          %parallel_loop3A_253 = tpu.vector_load %arg15[%parallel_loop3A_251, %parallel_loop3A_252] {strides = array<i32>} : memref<70x512xf32, #tpu.memory_space<vmem>>, vector<16xf32>,
          tpu.vector_store %arg15[%parallel_loop3A_251, %parallel_loop3A_252], %parallel_loop3A_248 {strides = array<i32>} : memref<70x512xf32, #tpu.memory_space<vmem>>, vector<16xf32>,
        } {sc.loop_unroll_factor = 64 : i64, sc.parallel_access}
        %parallel_loop3A_131 = arith.constant 5.000000e-01 : f32
        %parallel_loop3A_132 = vector.broadcast %parallel_loop3A_131 : f32 to vector<16xf32>
        %parallel_loop3A_133 = arith.addf %parallel_loop3A_120, %parallel_loop3A_132 : vector<16xf32>
        %parallel_loop3A_134 = arith.fptosi %parallel_loop3A_133 : vector<16xf32> to vector<16xi32>
        %parallel_loop3A_135 = arith.sitofp %parallel_loop3A_134 : vector<16xi32> to vector<16xf32>
        %parallel_loop3A_136 = arith.subf %parallel_loop3A_120, %parallel_loop3A_135 : vector<16xf32>
        %parallel_loop3A_137 = arith.mulf %parallel_loop3A_136, %parallel_loop3A_136 : vector<16xf32>
        %parallel_loop3A_138 = arith.constant -12.3722725 : f32
        %parallel_loop3A_139 = vector.broadcast %parallel_loop3A_138 : f32 to vector<16xf32>
        %parallel_loop3A_140 = arith.mulf %parallel_loop3A_139, %parallel_loop3A_137 : vector<16xf32>
        %parallel_loop3A_141 = arith.constant 4.126980e+01 : f32
        %parallel_loop3A_142 = vector.broadcast %parallel_loop3A_141 : f32 to vector<16xf32>
        %parallel_loop3A_143 = arith.addf %parallel_loop3A_140, %parallel_loop3A_142 : vector<16xf32>
        %parallel_loop3A_144 = arith.mulf %parallel_loop3A_143, %parallel_loop3A_137 : vector<16xf32>
        %parallel_loop3A_145 = arith.constant -7.659490e+01 : f32
        %parallel_loop3A_146 = vector.broadcast %parallel_loop3A_145 : f32 to vector<16xf32>
        %parallel_loop3A_147 = arith.addf %parallel_loop3A_144, %parallel_loop3A_146 : vector<16xf32>
        %parallel_loop3A_148 = arith.mulf %parallel_loop3A_147, %parallel_loop3A_137 : vector<16xf32>
        %parallel_loop3A_149 = arith.constant 81.5976563 : f32
        %parallel_loop3A_150 = vector.broadcast %parallel_loop3A_149 : f32 to vector<16xf32>
        %parallel_loop3A_151 = arith.addf %parallel_loop3A_148, %parallel_loop3A_150 : vector<16xf32>
        %parallel_loop3A_152 = arith.mulf %parallel_loop3A_151, %parallel_loop3A_137 : vector<16xf32>
        %parallel_loop3A_153 = arith.constant -41.3414803 : f32
        %parallel_loop3A_154 = vector.broadcast %parallel_loop3A_153 : f32 to vector<16xf32>
        %parallel_loop3A_155 = arith.addf %parallel_loop3A_152, %parallel_loop3A_154 : vector<16xf32>
        %parallel_loop3A_156 = arith.mulf %parallel_loop3A_155, %parallel_loop3A_137 : vector<16xf32>
        %parallel_loop3A_157 = arith.constant 6.28318357 : f32
        %parallel_loop3A_158 = vector.broadcast %parallel_loop3A_157 : f32 to vector<16xf32>
        %parallel_loop3A_159 = arith.addf %parallel_loop3A_156, %parallel_loop3A_158 : vector<16xf32>
        %parallel_loop3A_160 = arith.mulf %parallel_loop3A_136, %parallel_loop3A_159 : vector<16xf32>
        %parallel_loop3A_161 = arith.constant 6.5755024 : f32
        %parallel_loop3A_162 = vector.broadcast %parallel_loop3A_161 : f32 to vector<16xf32>
        %parallel_loop3A_163 = arith.mulf %parallel_loop3A_162, %parallel_loop3A_137 : vector<16xf32>
        %parallel_loop3A_164 = arith.constant -26.0004559 : f32
        %parallel_loop3A_165 = vector.broadcast %parallel_loop3A_164 : f32 to vector<16xf32>
        %parallel_loop3A_166 = arith.addf %parallel_loop3A_163, %parallel_loop3A_165 : vector<16xf32>
        %parallel_loop3A_167 = arith.mulf %parallel_loop3A_166, %parallel_loop3A_137 : vector<16xf32>
        %parallel_loop3A_168 = arith.constant 60.1762123 : f32
        %parallel_loop3A_169 = vector.broadcast %parallel_loop3A_168 : f32 to vector<16xf32>
        %parallel_loop3A_170 = arith.addf %parallel_loop3A_167, %parallel_loop3A_169 : vector<16xf32>
        %parallel_loop3A_171 = arith.mulf %parallel_loop3A_170, %parallel_loop3A_137 : vector<16xf32>
        %parallel_loop3A_172 = arith.constant -85.4511642 : f32
        %parallel_loop3A_173 = vector.broadcast %parallel_loop3A_172 : f32 to vector<16xf32>
        %parallel_loop3A_174 = arith.addf %parallel_loop3A_171, %parallel_loop3A_173 : vector<16xf32>
        %parallel_loop3A_175 = arith.mulf %parallel_loop3A_174, %parallel_loop3A_137 : vector<16xf32>
        %parallel_loop3A_176 = arith.constant 64.9391708 : f32
        %parallel_loop3A_177 = vector.broadcast %parallel_loop3A_176 : f32 to vector<16xf32>
        %parallel_loop3A_178 = arith.addf %parallel_loop3A_175, %parallel_loop3A_177 : vector<16xf32>
        %parallel_loop3A_179 = arith.mulf %parallel_loop3A_178, %parallel_loop3A_137 : vector<16xf32>
        %parallel_loop3A_180 = arith.constant -19.7392063 : f32
        %parallel_loop3A_181 = vector.broadcast %parallel_loop3A_180 : f32 to vector<16xf32>
        %parallel_loop3A_182 = arith.addf %parallel_loop3A_179, %parallel_loop3A_181 : vector<16xf32>
        %parallel_loop3A_183 = arith.mulf %parallel_loop3A_182, %parallel_loop3A_137 : vector<16xf32>
        %parallel_loop3A_184 = arith.constant 1.000000e+00 : f32
        %parallel_loop3A_185 = vector.broadcast %parallel_loop3A_184 : f32 to vector<16xf32>
        %parallel_loop3A_186 = arith.addf %parallel_loop3A_183, %parallel_loop3A_185 : vector<16xf32>
        %parallel_loop3A_187 = arith.constant 2.000000e+00 : f32
        %parallel_loop3A_188 = vector.broadcast %parallel_loop3A_187 : f32 to vector<16xf32>
        %parallel_loop3A_189 = arith.mulf %parallel_loop3A_188, %parallel_loop3A_160 : vector<16xf32>
        %parallel_loop3A_190 = arith.mulf %parallel_loop3A_189, %parallel_loop3A_186 : vector<16xf32>
        %parallel_loop3A_191 = arith.constant 2.000000e+00 : f32
        %parallel_loop3A_192 = vector.broadcast %parallel_loop3A_191 : f32 to vector<16xf32>
        %parallel_loop3A_193 = arith.mulf %parallel_loop3A_192, %parallel_loop3A_160 : vector<16xf32>
        %parallel_loop3A_194 = arith.mulf %parallel_loop3A_193, %parallel_loop3A_160 : vector<16xf32>
        %parallel_loop3A_195 = arith.constant 1.000000e+00 : f32
        %parallel_loop3A_196 = vector.broadcast %parallel_loop3A_195 : f32 to vector<16xf32>
        %parallel_loop3A_197 = arith.subf %parallel_loop3A_196, %parallel_loop3A_194 : vector<16xf32>
        %parallel_loop3A_198 = arith.constant 2.000000e+00 : f32
        %parallel_loop3A_199 = vector.broadcast %parallel_loop3A_198 : f32 to vector<16xf32>
        %parallel_loop3A_200 = arith.mulf %parallel_loop3A_199, %parallel_loop3A_190 : vector<16xf32>
        %parallel_loop3A_201 = arith.mulf %parallel_loop3A_200, %parallel_loop3A_197 : vector<16xf32>
        %parallel_loop3A_202 = arith.constant 2.000000e+00 : f32
        %parallel_loop3A_203 = vector.broadcast %parallel_loop3A_202 : f32 to vector<16xf32>
        %parallel_loop3A_204 = arith.mulf %parallel_loop3A_203, %parallel_loop3A_190 : vector<16xf32>
        %parallel_loop3A_205 = arith.mulf %parallel_loop3A_204, %parallel_loop3A_190 : vector<16xf32>
        %parallel_loop3A_206 = arith.constant 1.000000e+00 : f32
        %parallel_loop3A_207 = vector.broadcast %parallel_loop3A_206 : f32 to vector<16xf32>
        %parallel_loop3A_208 = arith.subf %parallel_loop3A_207, %parallel_loop3A_205 : vector<16xf32>
        %parallel_loop3A_209 = arith.constant 16 : i32
        %parallel_loop3A_210 = arith.muli %parallel_loop3A_109, %parallel_loop3A_209 : i32
        %parallel_loop3A_211 = arith.constant 64 : i32
        %parallel_loop3A_212 = arith.index_cast %parallel_loop3A_211 : i32 to index
        %parallel_loop3A_213 = arith.index_cast %parallel_loop3A_210 : i32 to index
        %parallel_loop3A_214 = tpu.vector_load %arg15[%parallel_loop3A_212, %parallel_loop3A_213] {strides = array<i32>} : memref<70x512xf32, #tpu.memory_space<vmem>>, vector<16xf32>,
        tpu.vector_store %arg15[%parallel_loop3A_212, %parallel_loop3A_213], %parallel_loop3A_160 {strides = array<i32>} : memref<70x512xf32, #tpu.memory_space<vmem>>, vector<16xf32>,
        %parallel_loop3A_215 = arith.constant 16 : i32
        %parallel_loop3A_216 = arith.muli %parallel_loop3A_109, %parallel_loop3A_215 : i32
        %parallel_loop3A_217 = arith.constant 65 : i32
        %parallel_loop3A_218 = arith.index_cast %parallel_loop3A_217 : i32 to index
        %parallel_loop3A_219 = arith.index_cast %parallel_loop3A_216 : i32 to index
        %parallel_loop3A_220 = tpu.vector_load %arg15[%parallel_loop3A_218, %parallel_loop3A_219] {strides = array<i32>} : memref<70x512xf32, #tpu.memory_space<vmem>>, vector<16xf32>,
        tpu.vector_store %arg15[%parallel_loop3A_218, %parallel_loop3A_219], %parallel_loop3A_186 {strides = array<i32>} : memref<70x512xf32, #tpu.memory_space<vmem>>, vector<16xf32>,
        %parallel_loop3A_221 = arith.constant 16 : i32
        %parallel_loop3A_222 = arith.muli %parallel_loop3A_109, %parallel_loop3A_221 : i32
        %parallel_loop3A_223 = arith.constant 66 : i32
        %parallel_loop3A_224 = arith.index_cast %parallel_loop3A_223 : i32 to index
        %parallel_loop3A_225 = arith.index_cast %parallel_loop3A_222 : i32 to index
        %parallel_loop3A_226 = tpu.vector_load %arg15[%parallel_loop3A_224, %parallel_loop3A_225] {strides = array<i32>} : memref<70x512xf32, #tpu.memory_space<vmem>>, vector<16xf32>,
        tpu.vector_store %arg15[%parallel_loop3A_224, %parallel_loop3A_225], %parallel_loop3A_190 {strides = array<i32>} : memref<70x512xf32, #tpu.memory_space<vmem>>, vector<16xf32>,
        %parallel_loop3A_227 = arith.constant 16 : i32
        %parallel_loop3A_228 = arith.muli %parallel_loop3A_109, %parallel_loop3A_227 : i32
        %parallel_loop3A_229 = arith.constant 67 : i32
        %parallel_loop3A_230 = arith.index_cast %parallel_loop3A_229 : i32 to index
        %parallel_loop3A_231 = arith.index_cast %parallel_loop3A_228 : i32 to index
        %parallel_loop3A_232 = tpu.vector_load %arg15[%parallel_loop3A_230, %parallel_loop3A_231] {strides = array<i32>} : memref<70x512xf32, #tpu.memory_space<vmem>>, vector<16xf32>,
        tpu.vector_store %arg15[%parallel_loop3A_230, %parallel_loop3A_231], %parallel_loop3A_197 {strides = array<i32>} : memref<70x512xf32, #tpu.memory_space<vmem>>, vector<16xf32>,
        %parallel_loop3A_233 = arith.constant 16 : i32
        %parallel_loop3A_234 = arith.muli %parallel_loop3A_109, %parallel_loop3A_233 : i32
        %parallel_loop3A_235 = arith.constant 68 : i32
        %parallel_loop3A_236 = arith.index_cast %parallel_loop3A_235 : i32 to index
        %parallel_loop3A_237 = arith.index_cast %parallel_loop3A_234 : i32 to index
        %parallel_loop3A_238 = tpu.vector_load %arg15[%parallel_loop3A_236, %parallel_loop3A_237] {strides = array<i32>} : memref<70x512xf32, #tpu.memory_space<vmem>>, vector<16xf32>,
        tpu.vector_store %arg15[%parallel_loop3A_236, %parallel_loop3A_237], %parallel_loop3A_201 {strides = array<i32>} : memref<70x512xf32, #tpu.memory_space<vmem>>, vector<16xf32>,
        %parallel_loop3A_239 = arith.constant 16 : i32
        %parallel_loop3A_240 = arith.muli %parallel_loop3A_109, %parallel_loop3A_239 : i32
        %parallel_loop3A_241 = arith.constant 69 : i32
        %parallel_loop3A_242 = arith.index_cast %parallel_loop3A_241 : i32 to index
        %parallel_loop3A_243 = arith.index_cast %parallel_loop3A_240 : i32 to index
        %parallel_loop3A_244 = tpu.vector_load %arg15[%parallel_loop3A_242, %parallel_loop3A_243] {strides = array<i32>} : memref<70x512xf32, #tpu.memory_space<vmem>>, vector<16xf32>,
        tpu.vector_store %arg15[%parallel_loop3A_242, %parallel_loop3A_243], %parallel_loop3A_208 {strides = array<i32>} : memref<70x512xf32, #tpu.memory_space<vmem>>, vector<16xf32>,
      } {sc.loop_unroll_factor = 1 : i64, sc.parallel_access}
      %dma_start3A_102 = arith.constant 0 : i32
      %dma_start3A_103 = tpu.memref_slice %arg6[%dma_start3A_102, %add3A_93, %mul3A_2] : memref<70x200x16384xf32, #tpu.memory_space<hbm>> -> memref<70x1x512xf32, #tpu.memory_space<hbm>>
      %dma_start3A_104 = tpu.memref_squeeze %dma_start3A_103 : memref<70x1x512xf32, #tpu.memory_space<hbm>> -> memref<70x512xf32, #tpu.memory_space<hbm>>
      %dma_start3A_105 = arith.constant 0 : i32
      %dma_start3A_106 = tpu.memref_slice %arg6[%dma_start3A_105, %add3A_93, %mul3A_2] : memref<70x200x16384xf32, #tpu.memory_space<hbm>> -> memref<70x1x512xf32, #tpu.memory_space<hbm>>
      %dma_start3A_107 = tpu.memref_squeeze %dma_start3A_106 : memref<70x1x512xf32, #tpu.memory_space<hbm>> -> memref<70x512xf32, #tpu.memory_space<hbm>>
      tpu.enqueue_dma source(%arg15 : memref<70x512xf32, #tpu.memory_space<vmem>>) target(%dma_start3A_107 : memref<70x512xf32, #tpu.memory_space<hbm>>) target_semaphore(%arg19 : memref<!tpu.dma_semaphore, #tpu.memory_space<semaphore_mem>>)
      %scan3A_108 = arith.constant 0 : i32
      scf.yield %scan3A_108 : i32
    }
    %scan3A_49 = arith.constant 4 : i32
    %dma_wait3A_50 = arith.constant 0 : i32
    %dma_wait3A_51 = arith.constant 0 : i32
    %dma_wait3A_52 = arith.constant 0 : i32
    %dma_wait3A_53 = tpu.memref_slice %arg6[%dma_wait3A_51, %dma_wait3A_50, %dma_wait3A_52] : memref<70x200x16384xf32, #tpu.memory_space<hbm>> -> memref<70x1x512xf32, #tpu.memory_space<hbm>>
    %dma_wait3A_54 = tpu.memref_squeeze %dma_wait3A_53 : memref<70x1x512xf32, #tpu.memory_space<hbm>> -> memref<70x512xf32, #tpu.memory_space<hbm>>
    %dma_wait3A_55 = arith.constant 0 : i32
    %dma_wait3A_56 = arith.constant 0 : i32
    %dma_wait3A_57 = tpu.memref_slice %arg6[%dma_wait3A_55, %dma_wait3A_50, %dma_wait3A_56] : memref<70x200x16384xf32, #tpu.memory_space<hbm>> -> memref<70x1x512xf32, #tpu.memory_space<hbm>>
    %dma_wait3A_58 = tpu.memref_squeeze %dma_wait3A_57 : memref<70x1x512xf32, #tpu.memory_space<hbm>> -> memref<70x512xf32, #tpu.memory_space<hbm>>
    tpu.wait_dma2 semaphore(%arg18 : memref<!tpu.dma_semaphore, #tpu.memory_space<semaphore_mem>>) src(%arg14 : memref<70x512xf32, #tpu.memory_space<vmem>>) dst(%dma_wait3A_58 : memref<70x512xf32, #tpu.memory_space<hbm>>)
    %dma_wait3A_59 = arith.constant 0 : i32
    %dma_wait3A_60 = arith.constant 0 : i32
    %dma_wait3A_61 = arith.constant 0 : i32
    %dma_wait3A_62 = tpu.memref_slice %arg6[%dma_wait3A_60, %dma_wait3A_59, %dma_wait3A_61] : memref<70x200x16384xf32, #tpu.memory_space<hbm>> -> memref<70x1x512xf32, #tpu.memory_space<hbm>>
    %dma_wait3A_63 = tpu.memref_squeeze %dma_wait3A_62 : memref<70x1x512xf32, #tpu.memory_space<hbm>> -> memref<70x512xf32, #tpu.memory_space<hbm>>
    %dma_wait3A_64 = arith.constant 0 : i32
    %dma_wait3A_65 = arith.constant 0 : i32
    %dma_wait3A_66 = tpu.memref_slice %arg6[%dma_wait3A_64, %dma_wait3A_59, %dma_wait3A_65] : memref<70x200x16384xf32, #tpu.memory_space<hbm>> -> memref<70x1x512xf32, #tpu.memory_space<hbm>>
    %dma_wait3A_67 = tpu.memref_squeeze %dma_wait3A_66 : memref<70x1x512xf32, #tpu.memory_space<hbm>> -> memref<70x512xf32, #tpu.memory_space<hbm>>
    tpu.wait_dma2 semaphore(%arg19 : memref<!tpu.dma_semaphore, #tpu.memory_space<semaphore_mem>>) src(%arg15 : memref<70x512xf32, #tpu.memory_space<vmem>>) dst(%dma_wait3A_67 : memref<70x512xf32, #tpu.memory_space<hbm>>)
    return
  }
}

</mosaic_0001>

<sc_bundles>
// kernel: _encode.3.cloned.1.call-start
scs
__scs_entry_jumppad:
0x0: {  	(pc) =	sbr.rel $0x88, $3  }
0x1: {  	(tag) =	ssettag $0x0;
	lr =	simm.s32 $0x1  }
0x2: {  	[smem:$0x3F9D] =	sst lr;
	_ =	strace $0xD0000000  }
0x3: {  	_ = 	snop  }
0x4: {  	_ = 	snop  }
0x5: {  	_ = 	snop  }
0x6: {  	_ = 	snop  }
0x7: {  	_ = 	snop  }
__scs_overlays_trampoline_lowered:
0x8: {  	[smem:$0x3FAC] =	sst s0  }
0x9: {  	[smem:$0x3FAD] =	sst s1  }
0xa: {  	[smem:$0x3FAE] =	sst s2  }
0xb: {  	[smem:$0x3FAF] =	sst s3  }
0xc: {  	[smem:$0x3FB0] =	sst s4  }
0xd: {  	[smem:$0x3FB1] =	sst s5  }
0xe: {  	[smem:$0x3FB2] =	sst s6  }
0xf: {  	[smem:$0x3FB3] =	sst s7  }
0x10: {  	[smem:$0x3FB4] =	sst s8  }
0x11: {  	[smem:$0x3FB5] =	sst s9;
	s0 =	simm.s32 @!p0 $0x0  }
0x12: {  	s1 =	sld [smem:$0x3F9B];
	s0 =	simm.s32 @p0 $0x1  }
0x13: {  	[smem:$0x3FB6] =	sst s0;
	s0 =	simm.s32 @!p1 $0x0  }
0x14: {  	s2 =	sld [smem:$0x3F9A];
	s0 =	simm.s32 @p1 $0x1  }
0x15: {  	[smem:$0x3FB7] =	sst s0;
	s0 =	simm.s32 @!p2 $0x0  }
0x16: {  	s3 =	sld [smem:$0x3FDB];
	s0 =	simm.s32 @p2 $0x1  }
0x17: {  	s4 =	simm.s32 $0x1BF5;
	[smem:$0x3FB9] =	sst s0  }
0x18: {  	s0 =	sld [smem:$0x3F9C];
	_ =	swait.ge [sflag:s4], $0x0  }
0x19: {  	s7 =	sld [smem:$0x3F9D]  }
0x1a: {  	s8 =	sadd.s32 $0xFFFFE003, lr  }
0x1b: {  	s9 =	sadd.s32 $0xFFFFFEF7, lr;
	s5 =	simm.s32 $0xFFFFFFFF;
	p2 =	slt.u32 s8, $0xFFFFF086  }
0x1c: {  	p1 =	slt.u32 s9, $0xF7A;
	s5 =	simm.s32 @!p2 $0x0  }
0x1d: {  	s5 =	simm.s32 @p1 $0x1;
	p0 =	seq.s32 s7, s2  }
0x1e: {  	s7 =	smul.u32 @!p0 $0xF7A, s2;
	p2 =	seq.s32 @!p0 s5, $0x0  }
0x1f: {  	s9 =	smul.u32 $0xF7A, s1;
	s8 =	simm.s32 @!p0 $0x1BF5;
	p2 =	por !p2, p0  }
0x20: {  	[sflag:s8] =	ssyncset.s32 @!p0 $0xFFFFF086;
	s6 =	sadd.s32 @!p0 s3, s7;
	s7 =	simm.s32 @!p0 $0x108  }
0x21: {  	s3 =	sadd.s32 s3, s9;
	s6 =	sadd.s32 @!p0 $0x88, s6;
	s7 =	simm.s32 @p2 $0x1082  }
0x22: {  	[simem:s7], [sflag:s8] =	dma.local @!p0 [hbm:s6], $0xF7A  }
0x23: {  	s9 =	sor.u32 $0xD0000000, s2;
	s6 =	simm.s32 $0x108;
	_ =	swait.ge @!p0 [sflag:s8], $0x0  }
0x24: {  	s3 =	sadd.s32 $0x88, s3;
	s6 =	simm.s32 @!p1 $0x1082;
	[sflag:s4] =	ssyncset.s32 $0xFFFFF086  }
0x25: {  	[simem:s6], [sflag:s4] =	dma.local [hbm:s3], $0xF7A  }
0x26: {  	[smem:$0x3F9D] =	sst s1;
	(tag) =	ssettag s2;
	_ =	strace s9  }
0x27: {  	s1 =	sld [smem:$0x3FAD]  }
0x28: {  	s2 =	sld [smem:$0x3FAE]  }
0x29: {  	s4 =	sld [smem:$0x3FB0]  }
0x2a: {  	p0 =	seq.s32 s5, $0x0;
	s5 =	sld [smem:$0x3FB1]  }
0x2b: {  	s6 =	sld [smem:$0x3FB2]  }
0x2c: {  	s7 =	sld [smem:$0x3FB3]  }
0x2d: {  	s3 =	simm.s32 $0x108;
	s8 =	sld [smem:$0x3FB4]  }
0x2e: {  	s3 =	simm.s32 @!p0 $0x1082;
	s9 =	sld [smem:$0x3FB5]  }
0x2f: {  	lr =	sadd.s32 s0, s3;
	s0 =	sld [smem:$0x3FAC]  }
0x30: {  	s3 =	sld [smem:$0x3FAF]  }
0x31: {  	[smem:$0x3FB8] =	sst s10  }
0x32: {  	s10 =	sld [smem:$0x3FB6];
	_ =	sdelay $0x3  }
0x33: {  	p0 =	seq.s32 s10, $0x1;
	s10 =	sld [smem:$0x3FB8];
	_ =	sdelay $0x3  }
0x34: {  	[smem:$0x3FB8] =	sst s10  }
0x35: {  	s10 =	sld [smem:$0x3FB7];
	_ =	sdelay $0x3  }
0x36: {  	p1 =	seq.s32 s10, $0x1;
	s10 =	sld [smem:$0x3FB8];
	_ =	sdelay $0x3  }
0x37: {  	[smem:$0x3FB8] =	sst s10  }
0x38: {  	s10 =	sld [smem:$0x3FB9]  }
0x39: {  	_ = 	snop;
	(pc) =	sbr.ind lr, $3  }
0x3a: {  	_ = 	snop  }
0x3b: {  	_ = 	snop  }
0x3c: {  	p2 =	seq.s32 s10, $0x1;
	s10 =	sld [smem:$0x3FB8]  }
0x3d: {  	_ =	shalt  }
0x3e: {  	_ =	shalt  }
0x3f: {  	_ =	shalt  }
0x40: {  	_ =	shalt  }
0x41: {  	_ =	shalt  }
0x42: {  	_ =	shalt  }
0x43: {  	_ =	shalt  }
0x44: {  	_ =	shalt  }
0x45: {  	_ =	shalt  }
0x46: {  	_ =	shalt  }
0x47: {  	_ =	shalt  }
0x48: {  	_ =	shalt  }
0x49: {  	_ =	shalt  }
0x4a: {  	_ =	shalt  }
0x4b: {  	_ =	shalt  }
0x4c: {  	_ =	shalt  }
0x4d: {  	_ =	shalt  }
0x4e: {  	_ =	shalt  }
0x4f: {  	_ =	shalt  }
0x50: {  	_ =	shalt  }
0x51: {  	_ =	shalt  }
0x52: {  	_ =	shalt  }
0x53: {  	_ =	shalt  }
0x54: {  	_ =	shalt  }
0x55: {  	_ =	shalt  }
0x56: {  	_ =	shalt  }
0x57: {  	_ =	shalt  }
0x58: {  	_ =	shalt  }
0x59: {  	_ =	shalt  }
0x5a: {  	_ =	shalt  }
0x5b: {  	_ =	shalt  }
0x5c: {  	_ =	shalt  }
0x5d: {  	_ =	shalt  }
0x5e: {  	_ =	shalt  }
0x5f: {  	_ =	shalt  }
0x60: {  	_ =	shalt  }
0x61: {  	_ =	shalt  }
0x62: {  	_ =	shalt  }
0x63: {  	_ =	shalt  }
0x64: {  	_ =	shalt  }
0x65: {  	_ =	shalt  }
0x66: {  	_ =	shalt  }
0x67: {  	_ =	shalt  }
0x68: {  	_ =	shalt  }
0x69: {  	_ =	shalt  }
0x6a: {  	_ =	shalt  }
0x6b: {  	_ =	shalt  }
0x6c: {  	_ =	shalt  }
0x6d: {  	_ =	shalt  }
0x6e: {  	_ =	shalt  }
0x6f: {  	_ =	shalt  }
0x70: {  	_ =	shalt  }
0x71: {  	_ =	shalt  }
0x72: {  	_ =	shalt  }
0x73: {  	_ =	shalt  }
0x74: {  	_ =	shalt  }
0x75: {  	_ =	shalt  }
0x76: {  	_ =	shalt  }
0x77: {  	_ =	shalt  }
0x78: {  	_ =	shalt  }
0x79: {  	_ =	shalt  }
0x7a: {  	_ =	shalt  }
0x7b: {  	_ =	shalt  }
0x7c: {  	_ =	shalt  }
0x7d: {  	_ =	shalt  }
0x7e: {  	_ =	shalt  }
0x7f: {  	_ =	shalt  }
0x80: {  	_ =	shalt  }
0x81: {  	_ =	shalt  }
0x82: {  	_ =	shalt  }
0x83: {  	_ =	shalt  }
0x84: {  	_ =	shalt  }
0x85: {  	_ =	shalt  }
0x86: {  	_ =	shalt  }
0x87: {  	_ =	shalt  }
.Lfunc_end0:
.L_simem_size_0:
called_computation_lowered:
.L_overlay_start_0:
0x88: {  	s2 =	sld [smem:$0x3FD9]  }
0x89: {  	s3 =	sld [smem:$0x3FFE];
	_ =	sdelay $0x1  }
0x8a: {  	s1 =	srdreg.scid  }
0x8b: {  	s0 =	sand.u32 $0x1, s1  }
0x8c: {  	s18 =	sshll.u32 s0, $0xA;
	s2 =	sadd.s32 s3, s2  }
0x8d: {  	s2 =	sadd.s32 s2, s18  }
0x8e: {  	[smem:$0x3FC4] =	sst s2  }
0x8f: {  	_ = 	snop  }
0x90: {  	s2 =	sld [smem:$0x3FC9]  }
0x91: {  	s19 =	sld [smem:$0x3FC8]  }
0x92: {  	s4 =	sld [smem:$0x3FC7]  }
0x93: {  	s5 =	sld [smem:$0x3FC6]  }
0x94: {  	s6 =	sld [smem:$0x3FD0];
	(tm) =	ssettm $0x1  }
0x95: {  	s7 =	sld [smem:$0x3FFB];
	_ =	sdelay $0x3  }
0x96: {  	_ =	strace s7  }
0x97: {  	s7 =	sld [smem:$0x3FFC];
	_ =	sdelay $0x3  }
0x98: {  	_ =	strace s7  }
0x99: {  	s7 =	sld [smem:$0x3FFD];
	_ =	sdelay $0x3  }
0x9a: {  	_ =	strace s7  }
0x9b: {  	_ =	strace $0x8FFFFFFF  }
0x9c: {  	s20 =	sld [smem:$0x3FDB];
	_ =	sdelay $0x1  }
0x9d: {  	s8 =	simm.s32 $_scs_section_size  }
0x9e: {  	s9 =	simm.s32 $_size__tile_overlayer_lowered;
	s10 =	simm.s32 $_tile_overlayer_lowered  }
0x9f: {  	s23 =	simm.s32 $0x1BFF;
	s22 =	sshll.u32 s10, $0x1;
	s7 =	sadd.s32 s8, s20  }
0xa0: {  	s11 =	simm.s32 $0x0;
	s21 =	sshll.u32 s9, $0x1;
	s9 =	sadd.s32 s22, s7  }
0xa1: {  	[timem:s11], [sflag:s23] =	dma.local [hbm:s9], s21  }
0xa2: {  	_ =	swait.ge [sflag:s23], s21  }
0xa3: {  	s8 =	ssub.s32 $0x0, s21;
	[sflag:s23] =	ssyncset.done $0x0  }
0xa4: {  	[sflag:s23] =	ssyncadd.s32 s8;
	_ =	sdelay $0x1  }
0xa5: {  	s24 =	simm.s32 $0x1B8B  }
0xa6: {  	_ =	swait.ge [sflag:s24], $0x1  }
0xa7: {  	[sflag:s24] =	ssyncset.done $0x0  }
0xa8: {  	s25 =	simm.s32 $0x1B8E;
	[sflag:s24] =	ssyncadd.s32 $0xFFFFFFFF  }
0xa9: {  	s26 =	simm.s32 $execute0_lowered;
	[smem:$0x3FD2] =	sst s25  }
0xaa: {  	s8 =	sshll.u32 s26, $0x1;
	_ =	strace $0x80000046;
	[dreg:$0x1] =	wrdreg $0xFFFFFFFF  }
0xab: {  	s28 =	simm.s32 $_size_execute0_lowered;
	s7 =	sadd.s32 s7, s8;
	[dreg:$0x0] =	wrdreg $0x0  }
0xac: {  	s8 =	sshll.u32 s28, $0x1;
	[dreg:$0x2] =	wrdreg s7  }
0xad: {  	[dreg:$0x3] =	wrdreg s8  }
0xae: {  	[dreg:$0x4] =	wrdreg $0xC0  }
0xaf: {  	_ =	task [dreg:s11], $0x5FFFF  }
0xb0: {  	[dreg:$0x1] =	wrdreg $0xFFFFFFFF  }
0xb1: {  	[dreg:$0x0] =	wrdreg $0x60  }
0xb2: {  	[dreg:$0x2] =	wrdreg s2  }
0xb3: {  	[dreg:$0x3] =	wrdreg s19  }
0xb4: {  	[dreg:$0x4] =	wrdreg s4  }
0xb5: {  	[dreg:$0x5] =	wrdreg s5  }
0xb6: {  	[dreg:$0x6] =	wrdreg s6  }
0xb7: {  	[dreg:$0x7] =	wrdreg $0x9  }
0xb8: {  	_ =	task.clear_ibuf [dreg:s11], $0x8FFFF;
	_ =	strace $0x90000046  }
0xb9: {  	s29 =	simm.s32 $0x9;
	_ =	strace $0x80000048  }
0xba: {  	_ =	swait.ge [sflag:s29], $0x1  }
0xbb: {  	[sflag:s29] =	ssyncadd.s32 $0xFFFFFFFF  }
0xbc: {  	_ =	strace $0x90000048  }
0xbd: {  	_ =	sfence  }
0xbe: {  	s30 =	sld [smem:$0x0];
	_ =	sdelay $0x2  }
0xbf: {  	s31 =	sshll.u32 s1, $0xD;
	s1 =	sshrl.u32 s1, $0x2  }
0xc0: {  	s3 =	sand.u32 $0x4000, s31;
	s1 =	sadd.s32 s1, s30  }
0xc1: {  	s0 =	sor.u32 s3, s0;
	s1 =	sshll.u32 s1, $0x11  }
0xc2: {  	s0 =	sor.u32 s1, s0  }
0xc3: {  	s0 =	sadd.s32 $0x8F2B, s0  }
0xc4: {  	[sflag:s0] =	ssyncadd.remote.s32 $0x1  }
0xc5: {  	_ =	sfence.sel $0xFFFF  }
0xc6: {  	[dreg:$0x0] =	wrdreg $0xFFFFFFFF;
	(pc) =	sbr.abs _section_cstart, $3  }
0xc7: {  	[dreg:$0x1] =	wrdreg $0xFFFFFFFF  }
0xc8: {  	_ =	task.clear_ibuf [dreg:s11], $0x2FFFF;
	_ =	strace $0x9FFFFFFF  }
0xc9: {  	(tm) =	ssettm $0x7FFFFFFF  }
tec
execute0_lowered:
.L_overlay_start_1:
0x0: {  	(tag) =	ssettag $0x1  }
0x1: {  	s4 =	rddreg [dreg:$0x0]  }
0x2: {  	s5 =	rddreg [dreg:$0x1]  }
0x3: {  	s8 =	rddreg [dreg:$0x2]  }
0x4: {  	s6 =	rddreg [dreg:$0x4];
	s0 =	srdreg.scid  }
0x5: {  	s7 =	simm.s32 $0x0;
	s2 =	stileid.u32;
	s30 =	simm.s32 $0x80  }
0x6: {  	s31 =	simm.s32 $0x320000;
	s13 =	simm.s32 $0x17F00;
	s28 =	simm.s32 $0x19700  }
0x7: {  	s0 =	sand.u32 $0x1, s0;
	[smem:$0x7FF] =	sst s7;
	s24 =	sadd.s32 $0x4000, s6  }
0x8: {  	s25 =	sadd.s32 $0x60000, s6;
	_ =	strace $0x80000047;
	[dreg:$0xf] =	wrdreg s24  }
0x9: {  	s2 =	sshll.u32 s2, $0xD;
	s26 =	sadd.s32 $0x60010, s6;
	[dreg:$0x10] =	wrdreg s25  }
0xa: {  	s1 =	ssub.s32 $0x2, s0;
	s0 =	sshll.u32 s0, $0xC;
	[dreg:$0x11] =	wrdreg s26  }
0xb: {  	s25 =	simm.s32 $0x18F00;
	s26 =	simm.s32 $0x19300;
	s24 =	simm.s32 $0x1A300  }
0xc: {  	s3 =	sshrl.u32 s1, $0x1;
	s29 =	sor.u32 s0, s2;
	s2 =	simm.s32 $0x4  }
0xd: {  	s14 =	ssub.s32 s1, s3;
	s22 =	sor.u32 $0x40000, s29;
	[dreg:$0x6] =	wrdreg s29  }
0xe: {  	s15 =	sshrl.u32 s29, $0x3;
	s23 =	sor.u32 $0x60000, s29;
	[dreg:$0xd] =	wrdreg s22  }
0xf: {  	s3 =	simm.s32 $0x0;
	s16 =	sadd.s32 s4, s15;
	[dreg:$0xe] =	wrdreg s23  }
0x10: {  	s17 =	sadd.s32 s5, s15;
	s18 =	sor.u32 $0x4000, s15;
	[dreg:$0x7] =	wrdreg s16  }
0x11: {  	s1 =	sadd.s32 s8, s15;
	s0 =	smax.u32 s14, $0x1;
	[dreg:$0x8] =	wrdreg s17  }
0x12: {  	s14 =	simm.s32 $0x18300;
	s22 =	simm.s32 $0x19B00;
	[dreg:$0x9] =	wrdreg s1  }
0x13: {  	s23 =	simm.s32 $0x19F00;
	s19 =	sadd.s32 s4, s18;
	[dreg:$0x12] =	wrdreg s0  }
0x14: {  	s20 =	sadd.s32 s5, s18;
	s21 =	sadd.s32 s8, s18;
	[dreg:$0xa] =	wrdreg s19  }
0x15: {  	s16 =	simm.s32 $0x1A700;
	s1 =	simm.s32 $0x3;
	[dreg:$0xb] =	wrdreg s20  }
0x16: {  	[dreg:$0xc] =	wrdreg s21;
	s20 =	simm.s32 $0x18700;
	s21 =	simm.s32 $0x18B00  }
.LBB2_1:
0x17: {  	[dreg:$0x13] =	wrdreg s3  }
0x18: {  	s0 =	rddreg [dreg:$0x3];
	s19 =	simm.s32 $0x5  }
0x19: {  	[tilespmem:s7], [sflag:$0x5] =	stream.linear.gather [hbm4b:s0+s7], $0x2B00, $0x38;
	[tilespmem:$0x1AB00] =	vst v63  }
0x1a: {  	_ =	swait.ge [sflag:s19], $0x2B00  }
0x1b: {  	[sflag:s19] =	ssyncset.done $0x0  }
0x1c: {  	s4 =	simm.s32 $0x2B00;
	s3 =	rddreg [dreg:$0x7];
	[sflag:s19] =	ssyncadd.s32 $0xFFFFD500  }
0x1d: {  	[tilespmem:s4], [sflag:$0x1] =	stream.linear.gather [hbm4b:s3+s7], $0x1000, $0x38;
	[tilespmem:$0x1AB00] =	vst v63  }
0x1e: {  	s8 =	simm.s32 $0x3B00;
	s5 =	rddreg [dreg:$0x8]  }
0x1f: {  	[tilespmem:s8], [sflag:$0x1] =	stream.linear.gather [hbm4b:s5+s7], $0x1000, $0x38;
	[tilespmem:$0x1AB00] =	vst v63  }
0x20: {  	s10 =	simm.s32 $0x4B00;
	s9 =	rddreg [dreg:$0x9]  }
0x21: {  	[tilespmem:s10], [sflag:$0x1] =	stream.linear.gather [hbm4b:s9+s7], $0x1000, $0x38;
	[tilespmem:$0x1AB00] =	vst v63  }
0x22: {  	s12 =	simm.s32 $0x5B00;
	s11 =	rddreg [dreg:$0xa]  }
0x23: {  	[tilespmem:s12], [sflag:$0x2] =	stream.linear.gather [hbm4b:s11+s7], $0x1000, $0x38;
	[tilespmem:$0x1AB00] =	vst v63  }
0x24: {  	s17 =	simm.s32 $0x6B00;
	s15 =	rddreg [dreg:$0xb]  }
0x25: {  	[tilespmem:s17], [sflag:$0x2] =	stream.linear.gather [hbm4b:s15+s7], $0x1000, $0x38;
	[tilespmem:$0x1AB00] =	vst v63  }
0x26: {  	s18 =	rddreg [dreg:$0xc];
	s19 =	simm.s32 $0x7B00;
	s3 =	simm.s32 $0x0  }
0x27: {  	[tilespmem:s19], [sflag:$0x2] =	stream.linear.gather [hbm4b:s18+s7], $0x1000, $0x38;
	[tilespmem:$0x1AB00] =	vst v63  }
.LBB2_2:
0x28: {  	s0 =	simm.s32 $0x1  }
0x29: {  	_ =	swait.ge [sflag:s0], $0x1000  }
0x2a: {  	[sflag:s0] =	ssyncset.done $0x0  }
0x2b: {  	[sflag:s0] =	ssyncadd.s32 $0xFFFFF000  }
0x2c: {  	_ =	swait.ge [sflag:s0], $0x1000  }
0x2d: {  	[sflag:s0] =	ssyncset.done $0x0  }
0x2e: {  	[sflag:s0] =	ssyncadd.s32 $0xFFFFF000  }
0x2f: {  	s4 =	sshll.u32 s3, $0x12;
	_ =	swait.ge [sflag:s0], $0x1000  }
0x30: {  	s18 =	simm.s32 $0x0;
	s19 =	simm.s32 $0x0;
	[sflag:s0] =	ssyncset.done $0x0  }
0x31: {  	s15 =	sor.u32 s29, s4;
	[dreg:$0x14] =	wrdreg s4;
	[sflag:s0] =	ssyncadd.s32 $0xFFFFF000  }
.LBB2_3:
0x32: {  	s0 =	sor.u32 s3, s19  }
0x33: {  	p0 =	seq.s32 s0, $0x0  }
0x34: {  	s0 =	simm.s32 @!p0 $0x3  }
0x35: {  	s8 =	sshll.u32 s19, $0x8;
	s4 =	sand.u32 $0xC00, s18;
	_ =	swait.ge @!p0 [sflag:s0], $0x8C00  }
0x36: {  	s9 =	sand.u32 $0x70, s18;
	s5 =	sadd.s32 s8, s4;
	[sflag:s0] =	ssyncset.done @!p0 $0x0  }
0x37: {  	s11 =	sor.u32 s9, s5;
	[sflag:s0] =	ssyncadd.s32 @!p0 $0xFFFF7400  }
0x38: {  	v0 =	vld [tilespmem:s11+$0x2B00];
	_ =	sdelay $0x1  }
0x39: {  	v1 =	vld [tilespmem:s11+$0x3B00];
	_ =	sdelay $0x2  }
0x3a: {  	v0 =	vmul.u32 $0x7, v0;
	_ =	sdelay $0x1  }
0x3b: {  	v0 =	vadd.s32 v1, v0  }
0x3c: {  	v2 =	vmul.u32 $0x41, v0;
	_ =	sdelay $0x1  }
0x3d: {  	v0 =	vadd.s32 $0x1, v2;
	_ =	sdelay $0x4  }
0x3e: {  	v43 =	vld.idx.msk [tilespmem:v0+s7+$0x0], $0xffff;
	v0 =	vadd.s32 $0x6, v2;
	_ =	sdelay $0x1  }
0x3f: {  	v4 =	vadd.s32 $0x3, v2  }
0x40: {  	v5 =	vadd.s32 $0x4, v2  }
0x41: {  	v7 =	vadd.s32 $0x5, v2  }
0x42: {  	v58 =	vld.idx.msk [tilespmem:v0+s7+$0x0], $0xffff;
	v0 =	vadd.s32 $0xB, v2  }
0x43: {  	v6 =	vld [tilespmem:s11+$0x4B00];
	v9 =	vadd.s32 $0x7, v2  }
0x44: {  	v52 =	vld.idx.msk [tilespmem:v4+s7+$0x0], $0xffff;
	v4 =	vadd.s32 $0x8, v2  }
0x45: {  	v53 =	vld.idx.msk [tilespmem:v5+s7+$0x0], $0xffff;
	v5 =	vadd.s32 $0x9, v2  }
0x46: {  	v57 =	vld.idx.msk [tilespmem:v7+s7+$0x0], $0xffff;
	v7 =	vadd.s32 $0xA, v2  }
0x47: {  	v61 =	vld.idx.msk [tilespmem:v0+s7+$0x0], $0xffff;
	v0 =	vadd.s32 $0x10, v2  }
0x48: {  	v23 =	vld.idx.msk [tilespmem:v9+s7+$0x0], $0xffff;
	v9 =	vadd.s32 $0xC, v2  }
0x49: {  	v3 =	vadd.s32 $0x2, v2;
	v37 =	vld.idx.msk [tilespmem:v4+s7+$0x0], $0xffff  }
0x4a: {  	v4 =	vadd.s32 $0xD, v2;
	v62 =	vld.idx.msk [tilespmem:v5+s7+$0x0], $0xffff  }
0x4b: {  	v5 =	vadd.s32 $0xE, v2;
	v60 =	vld.idx.msk [tilespmem:v7+s7+$0x0], $0xffff  }
0x4c: {  	v7 =	vadd.s32 $0xF, v2;
	v0 =	vld.idx.msk [tilespmem:v0+s7+$0x0], $0xffff  }
0x4d: {  	v59 =	vld.idx.msk [tilespmem:v9+s7+$0x0], $0xffff;
	v9 =	vadd.s32 $0x11, v2  }
0x4e: {  	v46 =	vld.idx.msk [tilespmem:v3+s7+$0x0], $0xffff  }
0x4f: {  	v56 =	vld.idx.msk [tilespmem:v4+s7+$0x0], $0xffff  }
0x50: {  	v54 =	vld.idx.msk [tilespmem:v5+s7+$0x0], $0xffff  }
0x51: {  	v55 =	vld.idx.msk [tilespmem:v7+s7+$0x0], $0xffff;
	[tilespmem:$0x1FF90] =	vst v0  }
0x52: {  	v1 =	vld.idx.msk [tilespmem:v9+s7+$0x0], $0xffff  }
0x53: {  	v4 =	vadd.s32 $0x12, v2;
	_ =	sdelay $0x3  }
0x54: {  	[tilespmem:$0x1FFA0] =	vst v1  }
0x55: {  	v1 =	vld.idx.msk [tilespmem:v4+s7+$0x0], $0xffff  }
0x56: {  	v5 =	vadd.s32 $0x13, v2;
	_ =	sdelay $0x3  }
0x57: {  	[tilespmem:$0x1FFB0] =	vst v1  }
0x58: {  	v1 =	vld.idx.msk [tilespmem:v5+s7+$0x0], $0xffff  }
0x59: {  	v7 =	vadd.s32 $0x14, v2;
	_ =	sdelay $0x3  }
0x5a: {  	[tilespmem:$0x1FFC0] =	vst v1  }
0x5b: {  	v1 =	vld.idx.msk [tilespmem:v7+s7+$0x0], $0xffff  }
0x5c: {  	v0 =	vadd.s32 $0x15, v2;
	_ =	sdelay $0x3  }
0x5d: {  	[tilespmem:$0x1FFD0] =	vst v1  }
0x5e: {  	v0 =	vld.idx.msk [tilespmem:v0+s7+$0x0], $0xffff  }
0x5f: {  	v9 =	vadd.s32 $0x16, v2;
	_ =	sdelay $0x3  }
0x60: {  	[tilespmem:$0x1FFE0] =	vst v0  }
0x61: {  	v1 =	vld.idx.msk [tilespmem:v9+s7+$0x0], $0xffff  }
0x62: {  	v4 =	vadd.s32 $0x17, v2  }
0x63: {  	v0 =	vadd.s32 $0x1A, v2  }
0x64: {  	v5 =	vadd.s32 $0x18, v2  }
0x65: {  	v7 =	vadd.s32 $0x19, v2  }
0x66: {  	v11 =	vadd.f32 $5.000000000e-01, v6;
	v9 =	vadd.s32 $0x1B, v2;
	[tilespmem:$0x1FFF0] =	vst v1  }
0x67: {  	v63 =	vld.idx.msk [tilespmem:v4+s7+$0x0], $0xffff;
	v4 =	vadd.s32 $0x1C, v2  }
0x68: {  	v11 =	vtrunc.f32 v11;
	v49 =	vld.idx.msk [tilespmem:v0+s7+$0x0], $0xffff;
	v0 =	vadd.s32 $0x1F, v2  }
0x69: {  	v11 =	vcvt.f32.s32 v11;
	v50 =	vld.idx.msk [tilespmem:v5+s7+$0x0], $0xffff;
	v5 =	vadd.s32 $0x1D, v2  }
0x6a: {  	v51 =	vld.idx.msk [tilespmem:v7+s7+$0x0], $0xffff;
	v7 =	vadd.s32 $0x1E, v2  }
0x6b: {  	v11 =	vcvt.s32.f32 v11;
	v47 =	vld.idx.msk [tilespmem:v9+s7+$0x0], $0xffff;
	v9 =	vadd.s32 $0x20, v2  }
0x6c: {  	v48 =	vld.idx.msk [tilespmem:v4+s7+$0x0], $0xffff;
	v4 =	vadd.s32 $0x21, v2  }
0x6d: {  	v6 =	vsub.f32 v6, v11;
	v38 =	vld.idx.msk [tilespmem:v0+s7+$0x0], $0xffff;
	v0 =	vadd.s32 $0x24, v2  }
0x6e: {  	v44 =	vld.idx.msk [tilespmem:v5+s7+$0x0], $0xffff;
	v5 =	vadd.s32 $0x22, v2  }
0x6f: {  	v11 =	vmul.f32 v6, v6;
	v45 =	vld.idx.msk [tilespmem:v7+s7+$0x0], $0xffff;
	v7 =	vadd.s32 $0x23, v2  }
0x70: {  	v42 =	vld.idx.msk [tilespmem:v9+s7+$0x0], $0xffff;
	v9 =	vadd.s32 $0x25, v2  }
0x71: {  	v13 =	vmul.f32 $-1.237227250e+01, v11;
	v15 =	vmul.f32 $6.575502400e+00, v11;
	v39 =	vld.idx.msk [tilespmem:v4+s7+$0x0], $0xffff;
	v4 =	vadd.s32 $0x26, v2  }
0x72: {  	v36 =	vld.idx.msk [tilespmem:v0+s7+$0x0], $0xffff;
	v0 =	vadd.s32 $0x29, v2  }
0x73: {  	v13 =	vadd.f32 $4.126979830e+01, v13;
	v15 =	vadd.f32 $-2.600045590e+01, v15;
	v40 =	vld.idx.msk [tilespmem:v5+s7+$0x0], $0xffff;
	v5 =	vadd.s32 $0x27, v2  }
0x74: {  	v35 =	vld.idx.msk [tilespmem:v7+s7+$0x0], $0xffff;
	v7 =	vadd.s32 $0x28, v2  }
0x75: {  	v13 =	vmul.f32 v13, v11;
	v15 =	vmul.f32 v15, v11;
	v33 =	vld.idx.msk [tilespmem:v9+s7+$0x0], $0xffff;
	v9 =	vadd.s32 $0x2A, v2  }
0x76: {  	v34 =	vld.idx.msk [tilespmem:v4+s7+$0x0], $0xffff;
	v4 =	vadd.s32 $0x2B, v2  }
0x77: {  	v13 =	vadd.f32 $-7.659490200e+01, v13;
	v15 =	vadd.f32 $6.017621230e+01, v15;
	v30 =	vld.idx.msk [tilespmem:v0+s7+$0x0], $0xffff;
	v0 =	vadd.s32 $0x2E, v2  }
0x78: {  	v31 =	vld.idx.msk [tilespmem:v5+s7+$0x0], $0xffff;
	v5 =	vadd.s32 $0x2C, v2  }
0x79: {  	v13 =	vmul.f32 v13, v11;
	v15 =	vmul.f32 v15, v11;
	v32 =	vld.idx.msk [tilespmem:v7+s7+$0x0], $0xffff;
	v7 =	vadd.s32 $0x2D, v2  }
0x7a: {  	v29 =	vld.idx.msk [tilespmem:v9+s7+$0x0], $0xffff;
	v9 =	vadd.s32 $0x2F, v2  }
0x7b: {  	v13 =	vadd.f32 $8.159765630e+01, v13;
	v15 =	vadd.f32 $-8.545116420e+01, v15;
	v28 =	vld.idx.msk [tilespmem:v4+s7+$0x0], $0xffff;
	v4 =	vadd.s32 $0x30, v2  }
0x7c: {  	v25 =	vld.idx.msk [tilespmem:v0+s7+$0x0], $0xffff;
	v0 =	vadd.s32 $0x33, v2  }
0x7d: {  	v13 =	vmul.f32 v13, v11;
	v15 =	vmul.f32 v15, v11;
	v27 =	vld.idx.msk [tilespmem:v5+s7+$0x0], $0xffff;
	v5 =	vadd.s32 $0x31, v2  }
0x7e: {  	v26 =	vld.idx.msk [tilespmem:v7+s7+$0x0], $0xffff;
	v7 =	vadd.s32 $0x32, v2  }
0x7f: {  	v13 =	vadd.f32 $-4.134148030e+01, v13;
	v15 =	vadd.f32 $6.493917080e+01, v15;
	v24 =	vld.idx.msk [tilespmem:v9+s7+$0x0], $0xffff;
	v9 =	vadd.s32 $0x34, v2  }
0x80: {  	v22 =	vld.idx.msk [tilespmem:v4+s7+$0x0], $0xffff;
	v4 =	vadd.s32 $0x35, v2  }
0x81: {  	v13 =	vmul.f32 v13, v11;
	v15 =	vmul.f32 v15, v11;
	v18 =	vld.idx.msk [tilespmem:v0+s7+$0x0], $0xffff;
	v0 =	vadd.s32 $0x38, v2  }
0x82: {  	v21 =	vld.idx.msk [tilespmem:v5+s7+$0x0], $0xffff  }
0x83: {  	v13 =	vadd.f32 $6.283183570e+00, v13;
	v15 =	vadd.f32 $-1.973920630e+01, v15;
	v20 =	vld.idx.msk [tilespmem:v7+s7+$0x0], $0xffff  }
0x84: {  	v5 =	vadd.s32 $0x36, v2;
	v17 =	vld.idx.msk [tilespmem:v9+s7+$0x0], $0xffff  }
0x85: {  	v41 =	vmul.f32 v13, v6;
	v6 =	vmul.f32 v15, v11;
	v7 =	vadd.s32 $0x37, v2;
	v15 =	vld.idx.msk [tilespmem:v4+s7+$0x0], $0xffff  }
0x86: {  	v9 =	vadd.s32 $0x39, v2;
	v11 =	vld.idx.msk [tilespmem:v0+s7+$0x0], $0xffff  }
0x87: {  	v4 =	vadd.s32 $0x3A, v2;
	v0 =	vld.idx.msk [tilespmem:v2+s7+$0x0], $0xffff  }
0x88: {  	v8 =	vadd.s32 $0x3C, v2  }
0x89: {  	v16 =	vld.idx.msk [tilespmem:v5+s7+$0x0], $0xffff  }
0x8a: {  	v13 =	vld.idx.msk [tilespmem:v7+s7+$0x0], $0xffff  }
0x8b: {  	v5 =	vld.idx.msk [tilespmem:v9+s7+$0x0], $0xffff  }
0x8c: {  	v4 =	vld.idx.msk [tilespmem:v4+s7+$0x0], $0xffff;
	[tilespmem:$0x1FF70] =	vst v0  }
0x8d: {  	v10 =	vadd.s32 $0x3B, v2;
	v0 =	vld.idx.msk [tilespmem:v8+s7+$0x0], $0xffff;
	_ =	sdelay $0x2  }
0x8e: {  	v14 =	vadd.f32 $1.000000000e+00, v6;
	v6 =	vadd.f32 v41, v41  }
0x8f: {  	s17 =	sor.u32 s18, s18  }
0x90: {  	s17 =	sor.u32 $0x380, s17;
	v3 =	vmul.f32 v14, v6;
	v7 =	vmul.f32 v6, v41;
	v6 =	vld.idx.msk [tilespmem:v10+s7+$0x0], $0xffff;
	[tilespmem:$0x1FF80] =	vst v0  }
0x91: {  	s4 =	sor.u32 s9, s4;
	[tilespmem:s17+$0x8B00] =	vst v23  }
0x92: {  	[tilespmem:s4+$0x8B80] =	vst v43  }
0x93: {  	[tilespmem:s4+$0x8C00] =	vst v46  }
0x94: {  	[tilespmem:s4+$0x8C80] =	vst v52  }
0x95: {  	[tilespmem:s4+$0x8D00] =	vst v53  }
0x96: {  	[tilespmem:s4+$0x8D80] =	vst v57  }
0x97: {  	[tilespmem:s4+$0x8E00] =	vst v58  }
0x98: {  	[tilespmem:s4+$0x9B00] =	vst v37  }
0x99: {  	v9 =	vadd.s32 $0x3D, v2;
	[tilespmem:s4+$0x9B80] =	vst v62  }
0x9a: {  	v12 =	vadd.s32 $0x3E, v2;
	v1 =	vadd.f32 v3, v3;
	[tilespmem:s4+$0x9C00] =	vst v60  }
0x9b: {  	v19 =	vadd.s32 $0x3F, v2;
	[tilespmem:s4+$0x9C80] =	vst v61  }
0x9c: {  	v8 =	vmul.f32 v1, v3;
	[tilespmem:s4+$0x9D00] =	vst v59  }
0x9d: {  	v10 =	vsub.f32 $1.000000000e+00, v7;
	[tilespmem:s4+$0x9D80] =	vst v56  }
0x9e: {  	v8 =	vsub.f32 $1.000000000e+00, v8;
	v7 =	vld.idx.msk [tilespmem:v9+s7+$0x0], $0xffff;
	[tilespmem:s4+$0x9E00] =	vst v54  }
0x9f: {  	v1 =	vmul.f32 v10, v1;
	v9 =	vld.idx.msk [tilespmem:v12+s7+$0x0], $0xffff;
	[tilespmem:s4+$0x9E80] =	vst v55  }
0xa0: {  	v12 =	vld.idx.msk [tilespmem:v19+s7+$0x0], $0xffff;
	[tilespmem:s4+$0x10D80] =	vst v8  }
0xa1: {  	[tilespmem:s4+$0x10D00] =	vst v1  }
0xa2: {  	[tilespmem:s4+$0x10C80] =	vst v10  }
0xa3: {  	[tilespmem:s4+$0x10C00] =	vst v3  }
0xa4: {  	[tilespmem:s4+$0x10B80] =	vst v14  }
0xa5: {  	[tilespmem:s4+$0x10B00] =	vst v41  }
0xa6: {  	v0 =	vld [tilespmem:$0x1FF90];
	_ =	sdelay $0x4  }
0xa7: {  	[tilespmem:s4+$0xAB00] =	vst v0  }
0xa8: {  	v0 =	vld [tilespmem:$0x1FFA0];
	_ =	sdelay $0x2  }
0xa9: {  	s29 =	simm.s32 $0x80  }
0xaa: {  	s5 =	simm.s32 $0x10;
	s0 =	sand.u32 $0xC00, s29  }
0xab: {  	s10 =	sadd.s32 s8, s0;
	s17 =	sand.u32 $0x70, s5;
	[tilespmem:s4+$0xAB80] =	vst v0  }
0xac: {  	s12 =	sor.u32 s17, s10;
	v0 =	vld [tilespmem:$0x1FFB0]  }
0xad: {  	v1 =	vld [tilespmem:s12+$0x2B00];
	_ =	sdelay $0x1  }
0xae: {  	v3 =	vld [tilespmem:s12+$0x3B00];
	_ =	sdelay $0x1  }
0xaf: {  	[tilespmem:s4+$0xAC00] =	vst v0  }
0xb0: {  	v1 =	vmul.u32 $0x7, v1;
	v0 =	vld [tilespmem:$0x1FFC0];
	_ =	sdelay $0x1  }
0xb1: {  	v1 =	vadd.s32 v3, v1  }
0xb2: {  	v41 =	vmul.u32 $0x41, v1;
	_ =	sdelay $0x1  }
0xb3: {  	v3 =	vadd.s32 $0x1, v41;
	[tilespmem:s4+$0xAC80] =	vst v0  }
0xb4: {  	v8 =	vadd.s32 $0x2, v41;
	v0 =	vld [tilespmem:$0x1FFD0];
	_ =	sdelay $0x1  }
0xb5: {  	v57 =	vld [tilespmem:s12+$0x4B00];
	v10 =	vadd.s32 $0x3, v41  }
0xb6: {  	v14 =	vadd.s32 $0x4, v41;
	v1 =	vld.idx.msk [tilespmem:v41+s7+$0x0], $0xffff  }
0xb7: {  	v19 =	vadd.s32 $0x5, v41;
	v3 =	vld.idx.msk [tilespmem:v3+s7+$0x0], $0xffff  }
0xb8: {  	v23 =	vadd.s32 $0x6, v41;
	v8 =	vld.idx.msk [tilespmem:v8+s7+$0x0], $0xffff;
	[tilespmem:s4+$0xAD00] =	vst v0  }
0xb9: {  	v59 =	vadd.s32 $0x7, v41;
	v0 =	vld [tilespmem:$0x1FFE0]  }
0xba: {  	v10 =	vld.idx.msk [tilespmem:v10+s7+$0x0], $0xffff  }
0xbb: {  	v60 =	vadd.s32 $0x8, v41;
	v14 =	vld.idx.msk [tilespmem:v14+s7+$0x0], $0xffff  }
0xbc: {  	v61 =	vadd.s32 $0x9, v41;
	v19 =	vld.idx.msk [tilespmem:v19+s7+$0x0], $0xffff  }
0xbd: {  	v62 =	vadd.s32 $0xA, v41;
	v23 =	vld.idx.msk [tilespmem:v23+s7+$0x0], $0xffff  }
0xbe: {  	v53 =	vadd.s32 $0xB, v41;
	v54 =	vld.idx.msk [tilespmem:v59+s7+$0x0], $0xffff;
	[tilespmem:s4+$0xAD80] =	vst v0  }
0xbf: {  	v55 =	vadd.s32 $0xC, v41;
	v0 =	vld [tilespmem:$0x1FFF0]  }
0xc0: {  	v37 =	vld.idx.msk [tilespmem:v60+s7+$0x0], $0xffff  }
0xc1: {  	v43 =	vld.idx.msk [tilespmem:v61+s7+$0x0], $0xffff  }
0xc2: {  	v46 =	vld.idx.msk [tilespmem:v62+s7+$0x0], $0xffff  }
0xc3: {  	v58 =	vadd.s32 $0xE, v41;
	v60 =	vadd.s32 $0xD, v41;
	v52 =	vld.idx.msk [tilespmem:v53+s7+$0x0], $0xffff;
	[tilespmem:s4+$0xAE80] =	vst v63  }
0xc4: {  	s9 =	simm.s32 $0x20;
	v61 =	vadd.s32 $0xF, v41;
	v59 =	vadd.s32 $0x10, v41;
	v53 =	vld.idx.msk [tilespmem:v55+s7+$0x0], $0xffff;
	v55 =	vadd.s32 $0x11, v41;
	[tilespmem:s4+$0xAE00] =	vst v0  }
.LBB2_4:
0xc5: {  	_ =	sdelay $0x2  }
0xc6: {  	v0 =	vld.idx.msk [tilespmem:v60+s7+$0x0], $0xffff;
	_ =	sdelay $0x2  }
0xc7: {  	[tilespmem:s4+$0xBB00] =	vst v50  }
0xc8: {  	[tilespmem:s4+$0xBB80] =	vst v51  }
0xc9: {  	[tilespmem:$0x1FF20] =	vst v0;
	v0 =	vld.idx.msk [tilespmem:v58+s7+$0x0], $0xffff  }
0xca: {  	[tilespmem:s4+$0xBC00] =	vst v49  }
0xcb: {  	[tilespmem:s4+$0xBC80] =	vst v47  }
0xcc: {  	v56 =	vadd.s32 $0x12, v41;
	[tilespmem:s4+$0xBD00] =	vst v48  }
0xcd: {  	v48 =	vadd.s32 $0x17, v41;
	[tilespmem:s4+$0xBD80] =	vst v44  }
0xce: {  	[tilespmem:$0x1FF30] =	vst v0;
	v0 =	vld.idx.msk [tilespmem:v61+s7+$0x0], $0xffff  }
0xcf: {  	[tilespmem:s4+$0xBE80] =	vst v38;
	v38 =	vadd.s32 $0x1A, v41;
	v2 =	vld [tilespmem:$0x1FF80]  }
0xd0: {  	v63 =	vadd.f32 $5.000000000e-01, v57;
	[tilespmem:s4+$0xCB00] =	vst v42;
	v42 =	vadd.s32 $0x1B, v41;
	v58 =	vld.idx.msk [tilespmem:v59+s7+$0x0], $0xffff  }
0xd1: {  	[tilespmem:s4+$0xCB80] =	vst v39;
	v39 =	vadd.s32 $0x1C, v41;
	v60 =	vld.idx.msk [tilespmem:v56+s7+$0x0], $0xffff  }
0xd2: {  	[tilespmem:s4+$0xCD80] =	vst v33;
	v33 =	vadd.s32 $0x20, v41;
	v62 =	vtrunc.f32 v63;
	v56 =	vld.idx.msk [tilespmem:v48+s7+$0x0], $0xffff  }
0xd3: {  	v51 =	vadd.s32 $0x14, v41;
	v47 =	vcvt.f32.s32 v62;
	[tilespmem:$0x1FF40] =	vst v0;
	v0 =	vld.idx.msk [tilespmem:v55+s7+$0x0], $0xffff  }
0xd4: {  	[tilespmem:s4+$0xCE00] =	vst v34;
	v34 =	vadd.s32 $0x21, v41;
	v49 =	vld.idx.msk [tilespmem:v38+s7+$0x0], $0xffff  }
0xd5: {  	[tilespmem:s4+$0xDC00] =	vst v29;
	v29 =	vadd.s32 $0x25, v41;
	v63 =	vcvt.s32.f32 v47;
	v47 =	vld.idx.msk [tilespmem:v42+s7+$0x0], $0xffff  }
0xd6: {  	[tilespmem:s4+$0xDC80] =	vst v28;
	v28 =	vadd.s32 $0x26, v41;
	v48 =	vld.idx.msk [tilespmem:v39+s7+$0x0], $0xffff  }
0xd7: {  	[tilespmem:s4+$0xBE00] =	vst v45;
	v62 =	vadd.s32 $0x1F, v41;
	v42 =	vld.idx.msk [tilespmem:v33+s7+$0x0], $0xffff  }
0xd8: {  	v50 =	vadd.s32 $0x13, v41;
	[tilespmem:$0x1FF50] =	vst v0;
	v0 =	vld.idx.msk [tilespmem:v51+s7+$0x0], $0xffff  }
0xd9: {  	v44 =	vadd.s32 $0x18, v41;
	[tilespmem:s4+$0xCC00] =	vst v40;
	v39 =	vld.idx.msk [tilespmem:v34+s7+$0x0], $0xffff  }
0xda: {  	v40 =	vadd.s32 $0x1D, v41;
	[tilespmem:s4+$0xCC80] =	vst v35;
	v33 =	vld.idx.msk [tilespmem:v29+s7+$0x0], $0xffff  }
0xdb: {  	[tilespmem:s4+$0xCE80] =	vst v31;
	v31 =	vadd.s32 $0x22, v41;
	v34 =	vld.idx.msk [tilespmem:v28+s7+$0x0], $0xffff;
	v57 =	vsub.f32 v57, v63  }
0xdc: {  	v45 =	vadd.s32 $0x19, v41;
	[tilespmem:s4+$0xCD00] =	vst v36;
	v38 =	vld.idx.msk [tilespmem:v62+s7+$0x0], $0xffff  }
0xdd: {  	v35 =	vadd.s32 $0x1E, v41;
	v61 =	vld.idx.msk [tilespmem:v50+s7+$0x0], $0xffff;
	[tilespmem:$0x1FF60] =	vst v0;
	v0 =	vmul.f32 v57, v57  }
0xde: {  	[tilespmem:s4+$0xDB00] =	vst v32;
	v32 =	vadd.s32 $0x23, v41;
	v50 =	vld.idx.msk [tilespmem:v44+s7+$0x0], $0xffff  }
0xdf: {  	[tilespmem:s4+$0xDD80] =	vst v26;
	v26 =	vadd.s32 $0x28, v41;
	v44 =	vld.idx.msk [tilespmem:v40+s7+$0x0], $0xffff;
	v62 =	vmul.f32 $6.575502400e+00, v0  }
0xe0: {  	[tilespmem:s4+$0xDB80] =	vst v30;
	v30 =	vadd.s32 $0x24, v41;
	v40 =	vld.idx.msk [tilespmem:v31+s7+$0x0], $0xffff;
	v63 =	vmul.f32 $-1.237227250e+01, v0  }
0xe1: {  	[tilespmem:s4+$0xDD00] =	vst v27;
	v27 =	vadd.s32 $0x27, v41;
	v51 =	vld.idx.msk [tilespmem:v45+s7+$0x0], $0xffff;
	v36 =	vadd.f32 $-2.600045590e+01, v62  }
0xe2: {  	[tilespmem:s4+$0xDE00] =	vst v25;
	v25 =	vadd.s32 $0x29, v41;
	v45 =	vld.idx.msk [tilespmem:v35+s7+$0x0], $0xffff;
	v63 =	vadd.f32 $4.126979830e+01, v63  }
0xe3: {  	[tilespmem:s4+$0xDE80] =	vst v24;
	v24 =	vadd.s32 $0x2A, v41;
	v35 =	vld.idx.msk [tilespmem:v32+s7+$0x0], $0xffff;
	v62 =	vmul.f32 v36, v0  }
0xe4: {  	[tilespmem:s4+$0xEB00] =	vst v22;
	v22 =	vadd.s32 $0x2B, v41;
	v32 =	vld.idx.msk [tilespmem:v26+s7+$0x0], $0xffff;
	v31 =	vmul.f32 v63, v0  }
0xe5: {  	[tilespmem:s4+$0xEB80] =	vst v21;
	v21 =	vadd.s32 $0x2C, v41;
	v36 =	vld.idx.msk [tilespmem:v30+s7+$0x0], $0xffff;
	v30 =	vadd.f32 $6.017621230e+01, v62  }
0xe6: {  	[tilespmem:s4+$0xEC00] =	vst v20;
	v20 =	vadd.s32 $0x2D, v41;
	v29 =	vadd.f32 $-7.659490200e+01, v31;
	v31 =	vld.idx.msk [tilespmem:v27+s7+$0x0], $0xffff  }
0xe7: {  	[tilespmem:s4+$0xEC80] =	vst v18;
	v18 =	vadd.s32 $0x2E, v41;
	v28 =	vmul.f32 v30, v0;
	v30 =	vld.idx.msk [tilespmem:v25+s7+$0x0], $0xffff  }
0xe8: {  	[tilespmem:s4+$0xED00] =	vst v17;
	v17 =	vadd.s32 $0x2F, v41;
	v27 =	vmul.f32 v29, v0;
	v29 =	vld.idx.msk [tilespmem:v24+s7+$0x0], $0xffff  }
0xe9: {  	[tilespmem:s4+$0xED80] =	vst v15;
	v15 =	vadd.s32 $0x30, v41;
	v26 =	vadd.f32 $-8.545116420e+01, v28;
	v28 =	vld.idx.msk [tilespmem:v22+s7+$0x0], $0xffff  }
0xea: {  	[tilespmem:s4+$0xEE00] =	vst v16;
	v16 =	vadd.s32 $0x31, v41;
	v25 =	vadd.f32 $8.159765630e+01, v27;
	v27 =	vld.idx.msk [tilespmem:v21+s7+$0x0], $0xffff  }
0xeb: {  	[tilespmem:s4+$0xEE80] =	vst v13;
	v13 =	vadd.s32 $0x32, v41;
	v24 =	vmul.f32 v26, v0;
	v26 =	vld.idx.msk [tilespmem:v20+s7+$0x0], $0xffff  }
0xec: {  	[tilespmem:s4+$0xFB00] =	vst v11;
	v11 =	vadd.s32 $0x33, v41;
	v22 =	vmul.f32 v25, v0;
	v25 =	vld.idx.msk [tilespmem:v18+s7+$0x0], $0xffff  }
0xed: {  	v21 =	vadd.f32 $6.493917080e+01, v24;
	v24 =	vld.idx.msk [tilespmem:v17+s7+$0x0], $0xffff  }
0xee: {  	[tilespmem:s4+$0xFD00] =	vst v2;
	v2 =	vadd.s32 $0x37, v41;
	v20 =	vadd.f32 $-4.134148030e+01, v22;
	v22 =	vld.idx.msk [tilespmem:v15+s7+$0x0], $0xffff  }
0xef: {  	v59 =	vadd.s32 $0x15, v41;
	v18 =	vmul.f32 v21, v0;
	v21 =	vld.idx.msk [tilespmem:v16+s7+$0x0], $0xffff  }
0xf0: {  	[tilespmem:s4+$0xFB80] =	vst v5;
	v5 =	vadd.s32 $0x34, v41;
	v17 =	vmul.f32 v20, v0;
	v20 =	vld.idx.msk [tilespmem:v13+s7+$0x0], $0xffff  }
0xf1: {  	[tilespmem:s4+$0xFC00] =	vst v4;
	v4 =	vadd.s32 $0x35, v41;
	v16 =	vadd.f32 $-1.973920630e+01, v18;
	v18 =	vld.idx.msk [tilespmem:v11+s7+$0x0], $0xffff  }
0xf2: {  	[tilespmem:s4+$0xFC80] =	vst v6;
	v6 =	vadd.s32 $0x36, v41;
	v15 =	vadd.f32 $6.283183570e+00, v17;
	v11 =	vld [tilespmem:$0x1FF70]  }
0xf3: {  	v13 =	vld.idx.msk [tilespmem:v2+s7+$0x0], $0xffff;
	v2 =	vadd.s32 $0x3C, v41  }
0xf4: {  	[tilespmem:s4+$0xFD80] =	vst v7;
	v7 =	vadd.s32 $0x38, v41;
	v59 =	vld.idx.msk [tilespmem:v59+s7+$0x0], $0xffff;
	v57 =	vmul.f32 v15, v57;
	v0 =	vmul.f32 v16, v0  }
0xf5: {  	v55 =	vadd.s32 $0x16, v41;
	v17 =	vld.idx.msk [tilespmem:v5+s7+$0x0], $0xffff  }
0xf6: {  	[tilespmem:s4+$0xFE00] =	vst v9;
	v5 =	vadd.s32 $0x39, v41;
	v15 =	vld.idx.msk [tilespmem:v4+s7+$0x0], $0xffff;
	v0 =	vadd.f32 $1.000000000e+00, v0;
	v9 =	vadd.f32 v57, v57  }
0xf7: {  	v16 =	vld.idx.msk [tilespmem:v6+s7+$0x0], $0xffff;
	[tilespmem:s4+$0x8B00] =	vst v11;
	v11 =	vmov v1;
	v1 =	vadd.s32 $0x3B, v41  }
0xf8: {  	v4 =	vadd.s32 $0x3A, v41;
	v2 =	vld.idx.msk [tilespmem:v2+s7+$0x0], $0xffff;
	v62 =	vmul.f32 v0, v9;
	v6 =	vmul.f32 v9, v57  }
0xf9: {  	[tilespmem:$0x1FF70] =	vst v11;
	v11 =	vld.idx.msk [tilespmem:v7+s7+$0x0], $0xffff;
	v7 =	vadd.s32 $0x3D, v41  }
0xfa: {  	[tilespmem:s4+$0xFE80] =	vst v12;
	v55 =	vld.idx.msk [tilespmem:v55+s7+$0x0], $0xffff;
	v9 =	vadd.s32 $0x3E, v41;
	v63 =	vsub.f32 $1.000000000e+00, v6;
	v12 =	vadd.f32 v62, v62  }
0xfb: {  	v5 =	vld.idx.msk [tilespmem:v5+s7+$0x0], $0xffff;
	v41 =	vadd.s32 $0x3F, v41  }
0xfc: {  	v6 =	vld.idx.msk [tilespmem:v1+s7+$0x0], $0xffff;
	v1 =	vmul.f32 v63, v12;
	v12 =	vmul.f32 v12, v62  }
0xfd: {  	s11 =	sor.u32 s29, s5;
	s29 =	sadd.s32 $0x80, s29;
	v4 =	vld.idx.msk [tilespmem:v4+s7+$0x0], $0xffff  }
0xfe: {  	s10 =	sand.u32 $0xC00, s29;
	s11 =	sor.u32 $0x380, s11;
	[tilespmem:$0x1FF80] =	vst v2;
	v7 =	vld.idx.msk [tilespmem:v7+s7+$0x0], $0xffff;
	v2 =	vsub.f32 $1.000000000e+00, v12  }
0xff: {  	s12 =	sadd.s32 s8, s10;
	[tilespmem:s11+$0x8B00] =	vst v54;
	s4 =	sor.u32 s17, s0;
	s17 =	sand.u32 $0x70, s9;
	v9 =	vld.idx.msk [tilespmem:v9+s7+$0x0], $0xffff  }
0x100: {  	s12 =	sor.u32 s17, s12;
	v12 =	vld.idx.msk [tilespmem:v41+s7+$0x0], $0xffff;
	[tilespmem:s4+$0x10D80] =	vst v2  }
0x101: {  	v2 =	vld [tilespmem:s12+$0x2B00];
	[tilespmem:s4+$0x10D00] =	vst v1  }
0x102: {  	[tilespmem:s4+$0x10C80] =	vst v63  }
0x103: {  	v1 =	vld [tilespmem:s12+$0x3B00];
	[tilespmem:s4+$0x10C00] =	vst v62  }
0x104: {  	[tilespmem:s4+$0x10B80] =	vst v0  }
0x105: {  	[tilespmem:s4+$0x10B00] =	vst v57  }
0x106: {  	[tilespmem:s4+$0x8B80] =	vst v3  }
0x107: {  	[tilespmem:s4+$0x8C00] =	vst v8  }
0x108: {  	[tilespmem:s4+$0x8C80] =	vst v10  }
0x109: {  	[tilespmem:s4+$0x8D00] =	vst v14  }
0x10a: {  	[tilespmem:s4+$0x8E00] =	vst v23;
	v23 =	vld [tilespmem:$0x1FF20]  }
0x10b: {  	[tilespmem:s4+$0x8D80] =	vst v19  }
0x10c: {  	[tilespmem:s4+$0x9B00] =	vst v37;
	v0 =	vmul.u32 $0x7, v2  }
0x10d: {  	[tilespmem:s4+$0x9B80] =	vst v43  }
0x10e: {  	v57 =	vld [tilespmem:s12+$0x4B00];
	v0 =	vadd.s32 v1, v0  }
0x10f: {  	[tilespmem:s4+$0x9D80] =	vst v23;
	v23 =	vld [tilespmem:$0x1FF30];
	v41 =	vmul.u32 $0x41, v0;
	_ =	sdelay $0x1  }
0x110: {  	v0 =	vadd.s32 $0x1, v41  }
0x111: {  	v2 =	vadd.s32 $0x2, v41  }
0x112: {  	v62 =	vld [tilespmem:$0x1FF50];
	v10 =	vadd.s32 $0x3, v41  }
0x113: {  	v14 =	vadd.s32 $0x4, v41;
	[tilespmem:s4+$0x9E00] =	vst v23;
	v23 =	vld [tilespmem:$0x1FF40]  }
0x114: {  	v63 =	vadd.s32 $0x8, v41;
	v1 =	vld.idx.msk [tilespmem:v41+s7+$0x0], $0xffff  }
0x115: {  	v3 =	vld.idx.msk [tilespmem:v0+s7+$0x0], $0xffff  }
0x116: {  	[tilespmem:s4+$0x9C00] =	vst v46;
	v0 =	vadd.s32 $0x6, v41;
	v8 =	vld.idx.msk [tilespmem:v2+s7+$0x0], $0xffff  }
0x117: {  	[tilespmem:s4+$0x9C80] =	vst v52;
	v2 =	vadd.s32 $0x7, v41;
	v10 =	vld.idx.msk [tilespmem:v10+s7+$0x0], $0xffff  }
0x118: {  	[tilespmem:s4+$0x9D00] =	vst v53;
	v19 =	vadd.s32 $0x5, v41;
	v14 =	vld.idx.msk [tilespmem:v14+s7+$0x0], $0xffff  }
0x119: {  	[tilespmem:s4+$0xAB00] =	vst v58;
	v43 =	vadd.s32 $0x9, v41;
	v37 =	vld.idx.msk [tilespmem:v63+s7+$0x0], $0xffff  }
0x11a: {  	[tilespmem:s4+$0xAC00] =	vst v60;
	v46 =	vadd.s32 $0xA, v41;
	v63 =	vld [tilespmem:$0x1FF60]  }
0x11b: {  	[tilespmem:s4+$0x9E80] =	vst v23;
	v23 =	vld.idx.msk [tilespmem:v0+s7+$0x0], $0xffff;
	v0 =	vadd.s32 $0xB, v41  }
0x11c: {  	p1 =	sne.s32 s9, $0x1F0;
	[tilespmem:s4+$0xAC80] =	vst v61;
	v54 =	vld.idx.msk [tilespmem:v2+s7+$0x0], $0xffff;
	v2 =	vadd.s32 $0xC, v41  }
.Ltmp0:
0x11d: {  	[tilespmem:s4+$0xAD80] =	vst v59;
	v19 =	vld.idx.msk [tilespmem:v19+s7+$0x0], $0xffff;
	(pc) =	sbr.rel @p1 .LBB2_4-.Ltmp0, $4  }
0x11e: {  	[tilespmem:s4+$0xAE00] =	vst v55;
	v43 =	vld.idx.msk [tilespmem:v43+s7+$0x0], $0xffff  }
0x11f: {  	[tilespmem:s4+$0xAE80] =	vst v56;
	v46 =	vld.idx.msk [tilespmem:v46+s7+$0x0], $0xffff  }
0x120: {  	[tilespmem:s4+$0xAB80] =	vst v62;
	v60 =	vadd.s32 $0xD, v41;
	v58 =	vadd.s32 $0xE, v41;
	v52 =	vld.idx.msk [tilespmem:v0+s7+$0x0], $0xffff  }
0x121: {  	s5 =	smov.u32 s9;
	s0 =	smov.u32 s10;
	s9 =	sadd.s32 $0x10, s9;
	v61 =	vadd.s32 $0xF, v41;
	v59 =	vadd.s32 $0x10, v41;
	v55 =	vadd.s32 $0x11, v41;
	[tilespmem:s4+$0xAD00] =	vst v63;
	v53 =	vld.idx.msk [tilespmem:v2+s7+$0x0], $0xffff  }
0x122: {  	_ =	sdelay $0x3  }
0x123: {  	v0 =	vld.idx.msk [tilespmem:v60+s7+$0x0], $0xffff;
	_ =	sdelay $0x4  }
0x124: {  	[tilespmem:$0x1FE70] =	vst v0  }
0x125: {  	v2 =	vld.idx.msk [tilespmem:v58+s7+$0x0], $0xffff;
	_ =	sdelay $0x4  }
0x126: {  	[tilespmem:$0x1FE80] =	vst v2  }
0x127: {  	v56 =	vld.idx.msk [tilespmem:v61+s7+$0x0], $0xffff;
	_ =	sdelay $0x4  }
0x128: {  	[tilespmem:$0x1FE90] =	vst v56  }
0x129: {  	v56 =	vld.idx.msk [tilespmem:v59+s7+$0x0], $0xffff;
	_ =	sdelay $0x4  }
0x12a: {  	[tilespmem:$0x1FEA0] =	vst v56  }
0x12b: {  	v55 =	vld.idx.msk [tilespmem:v55+s7+$0x0], $0xffff  }
0x12c: {  	v0 =	vadd.s32 $0x12, v41;
	_ =	sdelay $0x3  }
0x12d: {  	[tilespmem:$0x1FEB0] =	vst v55  }
0x12e: {  	v0 =	vld.idx.msk [tilespmem:v0+s7+$0x0], $0xffff  }
0x12f: {  	v2 =	vadd.s32 $0x13, v41;
	_ =	sdelay $0x3  }
0x130: {  	[tilespmem:$0x1FEC0] =	vst v0  }
0x131: {  	v0 =	vld.idx.msk [tilespmem:v2+s7+$0x0], $0xffff  }
0x132: {  	v62 =	vadd.s32 $0x14, v41;
	_ =	sdelay $0x3  }
0x133: {  	[tilespmem:$0x1FED0] =	vst v0  }
0x134: {  	v0 =	vld.idx.msk [tilespmem:v62+s7+$0x0], $0xffff;
	_ =	sdelay $0x4  }
0x135: {  	[tilespmem:$0x1FEE0] =	vst v0  }
0x136: {  	[tilespmem:s4+$0xBB00] =	vst v50  }
0x137: {  	[tilespmem:s4+$0xBB80] =	vst v51  }
0x138: {  	[tilespmem:s4+$0xBC00] =	vst v49  }
0x139: {  	v0 =	vadd.f32 $5.000000000e-01, v57;
	[tilespmem:s4+$0xBC80] =	vst v47  }
0x13a: {  	[tilespmem:s4+$0xBD00] =	vst v48  }
0x13b: {  	v55 =	vadd.s32 $0x16, v41;
	[tilespmem:s4+$0xBD80] =	vst v44;
	v0 =	vtrunc.f32 v0  }
0x13c: {  	v63 =	vadd.s32 $0x15, v41;
	[tilespmem:s4+$0xBE00] =	vst v45;
	v0 =	vcvt.f32.s32 v0  }
0x13d: {  	v56 =	vadd.s32 $0x17, v41;
	[tilespmem:s4+$0xBE80] =	vst v38  }
0x13e: {  	v58 =	vadd.s32 $0x19, v41;
	[tilespmem:s4+$0xCB00] =	vst v42;
	v0 =	vcvt.s32.f32 v0  }
0x13f: {  	v59 =	vadd.s32 $0x1A, v41;
	[tilespmem:s4+$0xCB80] =	vst v39  }
0x140: {  	v62 =	vld.idx.msk [tilespmem:v55+s7+$0x0], $0xffff;
	v55 =	vadd.s32 $0x1B, v41;
	[tilespmem:s4+$0xCC00] =	vst v40;
	v44 =	vsub.f32 v57, v0  }
0x141: {  	v2 =	vadd.s32 $0x18, v41;
	v63 =	vld.idx.msk [tilespmem:v63+s7+$0x0], $0xffff;
	[tilespmem:s4+$0xCC80] =	vst v35  }
0x142: {  	v61 =	vld.idx.msk [tilespmem:v56+s7+$0x0], $0xffff;
	v56 =	vadd.s32 $0x1C, v41;
	[tilespmem:s4+$0xCD00] =	vst v36;
	v57 =	vmul.f32 v44, v44  }
0x143: {  	v51 =	vld.idx.msk [tilespmem:v58+s7+$0x0], $0xffff;
	v58 =	vadd.s32 $0x1E, v41;
	[tilespmem:s4+$0xCD80] =	vst v33  }
0x144: {  	v50 =	vld.idx.msk [tilespmem:v59+s7+$0x0], $0xffff;
	v59 =	vadd.s32 $0x1F, v41;
	[tilespmem:s4+$0xCE00] =	vst v34;
	v0 =	vmul.f32 $6.575502400e+00, v57  }
0x145: {  	[tilespmem:s4+$0xCE80] =	vst v31;
	v49 =	vld.idx.msk [tilespmem:v55+s7+$0x0], $0xffff;
	v55 =	vadd.s32 $0x20, v41  }
0x146: {  	v60 =	vld.idx.msk [tilespmem:v2+s7+$0x0], $0xffff;
	v2 =	vadd.s32 $0x1D, v41;
	[tilespmem:s4+$0xDB00] =	vst v32;
	v0 =	vadd.f32 $-2.600045590e+01, v0  }
0x147: {  	[tilespmem:s4+$0xDB80] =	vst v30;
	v48 =	vld.idx.msk [tilespmem:v56+s7+$0x0], $0xffff;
	v56 =	vadd.s32 $0x21, v41  }
0x148: {  	[tilespmem:s4+$0xDC00] =	vst v29;
	v45 =	vld.idx.msk [tilespmem:v58+s7+$0x0], $0xffff;
	v58 =	vadd.s32 $0x23, v41;
	v0 =	vmul.f32 v0, v57  }
0x149: {  	v38 =	vadd.s32 $0x22, v41;
	[tilespmem:s4+$0xDC80] =	vst v28;
	v42 =	vld.idx.msk [tilespmem:v59+s7+$0x0], $0xffff  }
0x14a: {  	[tilespmem:s4+$0xDD00] =	vst v27;
	v59 =	vadd.s32 $0x24, v41;
	v40 =	vld.idx.msk [tilespmem:v55+s7+$0x0], $0xffff;
	v55 =	vmul.f32 $-1.237227250e+01, v57;
	v0 =	vadd.f32 $6.017621230e+01, v0  }
0x14b: {  	[tilespmem:s4+$0xDD80] =	vst v26;
	v47 =	vld.idx.msk [tilespmem:v2+s7+$0x0], $0xffff;
	v2 =	vadd.s32 $0x25, v41  }
0x14c: {  	[tilespmem:s4+$0xDE00] =	vst v25;
	v39 =	vld.idx.msk [tilespmem:v56+s7+$0x0], $0xffff;
	v56 =	vadd.s32 $0x26, v41;
	v55 =	vadd.f32 $4.126979830e+01, v55;
	v0 =	vmul.f32 v0, v57  }
0x14d: {  	[tilespmem:s4+$0xDE80] =	vst v24;
	v35 =	vld.idx.msk [tilespmem:v58+s7+$0x0], $0xffff;
	v58 =	vadd.s32 $0x28, v41  }
0x14e: {  	[tilespmem:s4+$0xEB00] =	vst v22;
	v36 =	vld.idx.msk [tilespmem:v38+s7+$0x0], $0xffff;
	v38 =	vadd.s32 $0x27, v41;
	v55 =	vmul.f32 v55, v57;
	v0 =	vadd.f32 $-8.545116420e+01, v0  }
0x14f: {  	[tilespmem:s4+$0xEB80] =	vst v21;
	v34 =	vld.idx.msk [tilespmem:v59+s7+$0x0], $0xffff;
	v59 =	vadd.s32 $0x29, v41  }
0x150: {  	[tilespmem:s4+$0xEC00] =	vst v20;
	v33 =	vld.idx.msk [tilespmem:v2+s7+$0x0], $0xffff;
	v2 =	vadd.s32 $0x2A, v41;
	v55 =	vadd.f32 $-7.659490200e+01, v55;
	v0 =	vmul.f32 v0, v57  }
0x151: {  	[tilespmem:s4+$0xEC80] =	vst v18;
	v32 =	vld.idx.msk [tilespmem:v56+s7+$0x0], $0xffff;
	v56 =	vadd.s32 $0x2B, v41  }
0x152: {  	[tilespmem:s4+$0xED00] =	vst v17;
	v30 =	vld.idx.msk [tilespmem:v58+s7+$0x0], $0xffff;
	v58 =	vadd.s32 $0x2D, v41;
	v55 =	vmul.f32 v55, v57;
	v0 =	vadd.f32 $6.493917080e+01, v0  }
0x153: {  	[tilespmem:s4+$0xED80] =	vst v15;
	v31 =	vld.idx.msk [tilespmem:v38+s7+$0x0], $0xffff;
	v38 =	vadd.s32 $0x2C, v41  }
0x154: {  	[tilespmem:s4+$0xEE00] =	vst v16;
	v29 =	vld.idx.msk [tilespmem:v59+s7+$0x0], $0xffff;
	v59 =	vadd.s32 $0x2E, v41;
	v27 =	vadd.f32 $8.159765630e+01, v55;
	v0 =	vmul.f32 v0, v57  }
0x155: {  	[tilespmem:s4+$0xEE80] =	vst v13;
	v28 =	vld.idx.msk [tilespmem:v2+s7+$0x0], $0xffff  }
0x156: {  	[tilespmem:s4+$0xFB00] =	vst v11;
	v55 =	vadd.s32 $0x2F, v41;
	v26 =	vld.idx.msk [tilespmem:v56+s7+$0x0], $0xffff;
	v25 =	vmul.f32 v27, v57;
	v0 =	vadd.f32 $-1.973920630e+01, v0  }
0x157: {  	[tilespmem:s4+$0xFB80] =	vst v5;
	v56 =	vadd.s32 $0x30, v41;
	v24 =	vld.idx.msk [tilespmem:v58+s7+$0x0], $0xffff  }
0x158: {  	[tilespmem:s4+$0xFC00] =	vst v4;
	v27 =	vld.idx.msk [tilespmem:v38+s7+$0x0], $0xffff;
	v38 =	vadd.s32 $0x31, v41;
	v22 =	vadd.f32 $-4.134148030e+01, v25;
	v0 =	vmul.f32 v0, v57  }
0x159: {  	[tilespmem:s4+$0xFC80] =	vst v6;
	v25 =	vld.idx.msk [tilespmem:v59+s7+$0x0], $0xffff;
	v59 =	vadd.s32 $0x33, v41  }
0x15a: {  	v20 =	vmul.f32 v22, v57;
	v57 =	vadd.s32 $0x3C, v41;
	v2 =	vadd.f32 $1.000000000e+00, v0;
	v0 =	vld [tilespmem:$0x1FF80]  }
0x15b: {  	v21 =	vld.idx.msk [tilespmem:v55+s7+$0x0], $0xffff  }
0x15c: {  	v58 =	vadd.s32 $0x32, v41;
	v22 =	vld.idx.msk [tilespmem:v56+s7+$0x0], $0xffff;
	[tilespmem:s4+$0xFD80] =	vst v7  }
0x15d: {  	v55 =	vadd.s32 $0x34, v41;
	v18 =	vld.idx.msk [tilespmem:v38+s7+$0x0], $0xffff;
	[tilespmem:s4+$0xFE00] =	vst v9  }
0x15e: {  	s5 =	sor.u32 s29, s5;
	v56 =	vadd.s32 $0x35, v41;
	v15 =	vld.idx.msk [tilespmem:v59+s7+$0x0], $0xffff;
	[tilespmem:s4+$0xFE80] =	vst v12  }
0x15f: {  	s12 =	sor.u32 $0x380, s5;
	v38 =	vadd.s32 $0x36, v41;
	v17 =	vadd.f32 $6.283183570e+00, v20;
	v9 =	vld.idx.msk [tilespmem:v57+s7+$0x0], $0xffff;
	[tilespmem:s4+$0xFD00] =	vst v0  }
0x160: {  	s0 =	sor.u32 s17, s0;
	v59 =	vadd.s32 $0x38, v41;
	v57 =	vld [tilespmem:$0x1FF70];
	[tilespmem:s12+$0x8B00] =	vst v54  }
0x161: {  	v20 =	vld.idx.msk [tilespmem:v58+s7+$0x0], $0xffff;
	v16 =	vmul.f32 v17, v44;
	v44 =	vadd.s32 $0x39, v41;
	[tilespmem:s0+$0x8B80] =	vst v3  }
0x162: {  	v58 =	vadd.s32 $0x37, v41;
	v17 =	vld.idx.msk [tilespmem:v55+s7+$0x0], $0xffff;
	[tilespmem:s0+$0x8C00] =	vst v8  }
0x163: {  	v55 =	vadd.s32 $0x3A, v41;
	v13 =	vld.idx.msk [tilespmem:v56+s7+$0x0], $0xffff;
	[tilespmem:s0+$0x8C80] =	vst v10  }
0x164: {  	v56 =	vadd.s32 $0x3B, v41;
	v11 =	vld.idx.msk [tilespmem:v38+s7+$0x0], $0xffff;
	[tilespmem:s0+$0x8D00] =	vst v14  }
0x165: {  	v4 =	vld.idx.msk [tilespmem:v59+s7+$0x0], $0xffff;
	v59 =	vadd.s32 $0x3D, v41;
	[tilespmem:s0+$0x8D80] =	vst v19  }
0x166: {  	v38 =	vadd.f32 v16, v16;
	v6 =	vld.idx.msk [tilespmem:v44+s7+$0x0], $0xffff;
	v44 =	vadd.s32 $0x3E, v41;
	[tilespmem:s0+$0x8E00] =	vst v23  }
0x167: {  	v5 =	vld.idx.msk [tilespmem:v58+s7+$0x0], $0xffff;
	v41 =	vadd.s32 $0x3F, v41;
	[tilespmem:s0+$0x9B00] =	vst v37  }
0x168: {  	v7 =	vmul.f32 v38, v16;
	v55 =	vld.idx.msk [tilespmem:v55+s7+$0x0], $0xffff;
	[tilespmem:s0+$0x9B80] =	vst v43  }
0x169: {  	v58 =	vmul.f32 v2, v38;
	v38 =	vld.idx.msk [tilespmem:v56+s7+$0x0], $0xffff;
	[tilespmem:s0+$0x9C00] =	vst v46  }
0x16a: {  	v7 =	vsub.f32 $1.000000000e+00, v7;
	[tilespmem:s0+$0x9C80] =	vst v52;
	v12 =	vld.idx.msk [tilespmem:v59+s7+$0x0], $0xffff  }
0x16b: {  	[tilespmem:s0+$0x9D00] =	vst v53;
	v44 =	vld.idx.msk [tilespmem:v44+s7+$0x0], $0xffff  }
0x16c: {  	v0 =	vadd.f32 v58, v58;
	v41 =	vld.idx.msk [tilespmem:v41+s7+$0x0], $0xffff;
	[tilespmem:s0+$0x10C80] =	vst v7  }
0x16d: {  	[tilespmem:s0+$0x10C00] =	vst v58  }
0x16e: {  	v56 =	vmul.f32 v0, v58;
	v0 =	vmul.f32 v7, v0;
	[tilespmem:s0+$0x10B80] =	vst v2  }
0x16f: {  	[tilespmem:s0+$0x10B00] =	vst v16  }
0x170: {  	v56 =	vsub.f32 $1.000000000e+00, v56;
	[tilespmem:s0+$0x10D00] =	vst v0  }
0x171: {  	[tilespmem:s4+$0x8B00] =	vst v57  }
0x172: {  	[tilespmem:s0+$0x10D80] =	vst v56  }
0x173: {  	v0 =	vld [tilespmem:$0x1FE70];
	_ =	sdelay $0x4  }
0x174: {  	[tilespmem:s0+$0x9D80] =	vst v0  }
0x175: {  	v0 =	vld [tilespmem:$0x1FE80];
	_ =	sdelay $0x4  }
0x176: {  	[tilespmem:s0+$0x9E00] =	vst v0  }
0x177: {  	v0 =	vld [tilespmem:$0x1FE90];
	_ =	sdelay $0x4  }
0x178: {  	[tilespmem:s0+$0x9E80] =	vst v0  }
0x179: {  	v0 =	vld [tilespmem:$0x1FEA0];
	_ =	sdelay $0x4  }
0x17a: {  	[tilespmem:s0+$0xAB00] =	vst v0  }
0x17b: {  	v0 =	vld [tilespmem:$0x1FEB0];
	_ =	sdelay $0x4  }
0x17c: {  	[tilespmem:s0+$0xAB80] =	vst v0  }
0x17d: {  	v0 =	vld [tilespmem:$0x1FEC0];
	_ =	sdelay $0x4  }
0x17e: {  	[tilespmem:s0+$0xAC00] =	vst v0  }
0x17f: {  	v0 =	vld [tilespmem:$0x1FED0];
	_ =	sdelay $0x4  }
0x180: {  	[tilespmem:s0+$0xAC80] =	vst v0  }
0x181: {  	v0 =	vld [tilespmem:$0x1FEE0];
	[tilespmem:s0+$0xAD80] =	vst v63  }
0x182: {  	[tilespmem:s0+$0xAE00] =	vst v62  }
0x183: {  	[tilespmem:s0+$0xAE80] =	vst v61  }
0x184: {  	[tilespmem:s0+$0xBB00] =	vst v60  }
0x185: {  	[tilespmem:s0+$0xBB80] =	vst v51  }
0x186: {  	[tilespmem:s0+$0xBC00] =	vst v50  }
0x187: {  	[tilespmem:s0+$0xBC80] =	vst v49  }
0x188: {  	[tilespmem:s0+$0xBD00] =	vst v48  }
0x189: {  	[tilespmem:s0+$0xBD80] =	vst v47  }
0x18a: {  	[tilespmem:s0+$0xBE00] =	vst v45  }
0x18b: {  	[tilespmem:s0+$0xBE80] =	vst v42  }
0x18c: {  	[tilespmem:s0+$0xCB00] =	vst v40  }
0x18d: {  	[tilespmem:s0+$0xCB80] =	vst v39  }
0x18e: {  	[tilespmem:s0+$0xCC00] =	vst v36  }
0x18f: {  	[tilespmem:s0+$0xCC80] =	vst v35  }
0x190: {  	[tilespmem:s0+$0xCD00] =	vst v34  }
0x191: {  	[tilespmem:s0+$0xCD80] =	vst v33  }
0x192: {  	[tilespmem:s0+$0xCE00] =	vst v32  }
0x193: {  	[tilespmem:s0+$0xCE80] =	vst v31  }
0x194: {  	[tilespmem:s0+$0xDB00] =	vst v30  }
0x195: {  	[tilespmem:s0+$0xDB80] =	vst v29  }
0x196: {  	[tilespmem:s0+$0xDC00] =	vst v28  }
0x197: {  	[tilespmem:s0+$0xDC80] =	vst v26  }
0x198: {  	[tilespmem:s0+$0xDD00] =	vst v27  }
0x199: {  	[tilespmem:s0+$0xDD80] =	vst v24  }
0x19a: {  	[tilespmem:s0+$0xDE00] =	vst v25  }
0x19b: {  	[tilespmem:s0+$0xDE80] =	vst v21  }
0x19c: {  	[tilespmem:s0+$0xEB00] =	vst v22  }
0x19d: {  	[tilespmem:s0+$0xEB80] =	vst v18  }
0x19e: {  	[tilespmem:s0+$0xEC00] =	vst v20  }
0x19f: {  	[tilespmem:s0+$0xEC80] =	vst v15  }
0x1a0: {  	[tilespmem:s0+$0xED00] =	vst v17  }
0x1a1: {  	[tilespmem:s0+$0xED80] =	vst v13  }
0x1a2: {  	[tilespmem:s0+$0xEE00] =	vst v11  }
0x1a3: {  	[tilespmem:s0+$0xEE80] =	vst v5  }
0x1a4: {  	[tilespmem:s0+$0xFB00] =	vst v4  }
0x1a5: {  	[tilespmem:s0+$0xFB80] =	vst v6  }
0x1a6: {  	[tilespmem:s0+$0xFC00] =	vst v55  }
0x1a7: {  	[tilespmem:s0+$0xFC80] =	vst v38  }
0x1a8: {  	[tilespmem:s0+$0xFD00] =	vst v9  }
0x1a9: {  	[tilespmem:s0+$0xFD80] =	vst v12  }
0x1aa: {  	[tilespmem:s0+$0xFE00] =	vst v44  }
0x1ab: {  	s5 =	sadd.s32 s15, s8;
	[tilespmem:s0+$0xFE80] =	vst v41  }
0x1ac: {  	s4 =	sshrl.u32 s5, $0x3;
	[tilespmem:s0+$0x8B00] =	vst v1  }
0x1ad: {  	s9 =	simm.s32 $0x8B00;
	[tilespmem:s0+$0xAD00] =	vst v0;
	s0 =	sadd.s32 s6, s4  }
0x1ae: {  	[hbm4b:s0+s30] =	stream.strided.scatter [tilespmem:s9], [sflag:$0x3], $0x400, s31, s30, $0x38;
	[tilespmem:$0x1AB00] =	vst v63  }
0x1af: {  	s11 =	simm.s32 $0x8F00;
	s10 =	sadd.s32 $0x80, s0  }
0x1b0: {  	[hbm4b:s10+s30] =	stream.strided.scatter [tilespmem:s11], [sflag:$0x3], $0x400, s31, s30, $0x38;
	[tilespmem:$0x1AB00] =	vst v63  }
0x1b1: {  	s17 =	simm.s32 $0x9300;
	s12 =	sadd.s32 $0x100, s0  }
0x1b2: {  	[hbm4b:s12+s30] =	stream.strided.scatter [tilespmem:s17], [sflag:$0x3], $0x400, s31, s30, $0x38;
	[tilespmem:$0x1AB00] =	vst v63  }
0x1b3: {  	s5 =	sadd.s32 $0x180, s0;
	s9 =	simm.s32 $0x9700  }
0x1b4: {  	[hbm4b:s5+s30] =	stream.strided.scatter [tilespmem:s9], [sflag:$0x3], $0x400, s31, s30, $0x38;
	[tilespmem:$0x1AB00] =	vst v63  }
0x1b5: {  	s4 =	sadd.s32 $0x320000, s0;
	s10 =	simm.s32 $0x9B00  }
0x1b6: {  	[hbm4b:s4+s30] =	stream.strided.scatter [tilespmem:s10], [sflag:$0x3], $0x400, s31, s30, $0x38;
	[tilespmem:$0x1AB00] =	vst v63  }
0x1b7: {  	s11 =	sadd.s32 $0x80, s4;
	s9 =	simm.s32 $0x9F00  }
0x1b8: {  	[hbm4b:s11+s30] =	stream.strided.scatter [tilespmem:s9], [sflag:$0x3], $0x400, s31, s30, $0x38;
	[tilespmem:$0x1AB00] =	vst v63  }
0x1b9: {  	s12 =	sadd.s32 $0x100, s4;
	s17 =	simm.s32 $0xA300  }
0x1ba: {  	[hbm4b:s12+s30] =	stream.strided.scatter [tilespmem:s17], [sflag:$0x3], $0x400, s31, s30, $0x38;
	[tilespmem:$0x1AB00] =	vst v63  }
0x1bb: {  	s4 =	sadd.s32 $0x180, s4;
	s10 =	simm.s32 $0xA700  }
0x1bc: {  	[hbm4b:s4+s30] =	stream.strided.scatter [tilespmem:s10], [sflag:$0x3], $0x400, s31, s30, $0x38;
	[tilespmem:$0x1AB00] =	vst v63  }
0x1bd: {  	s11 =	simm.s32 $0xAB00;
	s4 =	sadd.s32 $0x640000, s0  }
0x1be: {  	[hbm4b:s4+s30] =	stream.strided.scatter [tilespmem:s11], [sflag:$0x3], $0x400, s31, s30, $0x38;
	[tilespmem:$0x1AB00] =	vst v63  }
0x1bf: {  	s17 =	simm.s32 $0xAF00;
	s12 =	sadd.s32 $0x80, s4  }
0x1c0: {  	[hbm4b:s12+s30] =	stream.strided.scatter [tilespmem:s17], [sflag:$0x3], $0x400, s31, s30, $0x38;
	[tilespmem:$0x1AB00] =	vst v63  }
0x1c1: {  	s10 =	sadd.s32 $0x100, s4;
	s11 =	simm.s32 $0xB300  }
0x1c2: {  	[hbm4b:s10+s30] =	stream.strided.scatter [tilespmem:s11], [sflag:$0x3], $0x400, s31, s30, $0x38;
	[tilespmem:$0x1AB00] =	vst v63  }
0x1c3: {  	s4 =	sadd.s32 $0x180, s4;
	s12 =	simm.s32 $0xB700  }
0x1c4: {  	[hbm4b:s4+s30] =	stream.strided.scatter [tilespmem:s12], [sflag:$0x3], $0x400, s31, s30, $0x38;
	[tilespmem:$0x1AB00] =	vst v63  }
0x1c5: {  	s17 =	simm.s32 $0xBB00;
	s4 =	sadd.s32 $0x960000, s0  }
0x1c6: {  	[hbm4b:s4+s30] =	stream.strided.scatter [tilespmem:s17], [sflag:$0x3], $0x400, s31, s30, $0x38;
	[tilespmem:$0x1AB00] =	vst v63  }
0x1c7: {  	s10 =	simm.s32 $0xBF00;
	s9 =	sadd.s32 $0x80, s4  }
0x1c8: {  	[hbm4b:s9+s30] =	stream.strided.scatter [tilespmem:s10], [sflag:$0x3], $0x400, s31, s30, $0x38;
	[tilespmem:$0x1AB00] =	vst v63  }
0x1c9: {  	s12 =	simm.s32 $0xC300;
	s11 =	sadd.s32 $0x100, s4  }
0x1ca: {  	[hbm4b:s11+s30] =	stream.strided.scatter [tilespmem:s12], [sflag:$0x3], $0x400, s31, s30, $0x38;
	[tilespmem:$0x1AB00] =	vst v63  }
0x1cb: {  	s4 =	sadd.s32 $0x180, s4;
	s17 =	simm.s32 $0xC700  }
0x1cc: {  	[hbm4b:s4+s30] =	stream.strided.scatter [tilespmem:s17], [sflag:$0x3], $0x400, s31, s30, $0x38;
	[tilespmem:$0x1AB00] =	vst v63  }
0x1cd: {  	s9 =	simm.s32 $0xCB00;
	s4 =	sadd.s32 $0xC80000, s0  }
0x1ce: {  	[hbm4b:s4+s30] =	stream.strided.scatter [tilespmem:s9], [sflag:$0x3], $0x400, s31, s30, $0x38;
	[tilespmem:$0x1AB00] =	vst v63  }
0x1cf: {  	s11 =	simm.s32 $0xCF00;
	s10 =	sadd.s32 $0x80, s4  }
0x1d0: {  	[hbm4b:s10+s30] =	stream.strided.scatter [tilespmem:s11], [sflag:$0x3], $0x400, s31, s30, $0x38;
	[tilespmem:$0x1AB00] =	vst v63  }
0x1d1: {  	s17 =	simm.s32 $0xD300;
	s12 =	sadd.s32 $0x100, s4  }
0x1d2: {  	[hbm4b:s12+s30] =	stream.strided.scatter [tilespmem:s17], [sflag:$0x3], $0x400, s31, s30, $0x38;
	[tilespmem:$0x1AB00] =	vst v63  }
0x1d3: {  	s4 =	sadd.s32 $0x180, s4;
	s10 =	simm.s32 $0xD700  }
0x1d4: {  	[hbm4b:s4+s30] =	stream.strided.scatter [tilespmem:s10], [sflag:$0x3], $0x400, s31, s30, $0x38;
	[tilespmem:$0x1AB00] =	vst v63  }
0x1d5: {  	s11 =	simm.s32 $0xDB00;
	s4 =	sadd.s32 $0xFA0000, s0  }
0x1d6: {  	[hbm4b:s4+s30] =	stream.strided.scatter [tilespmem:s11], [sflag:$0x3], $0x400, s31, s30, $0x38;
	[tilespmem:$0x1AB00] =	vst v63  }
0x1d7: {  	s17 =	simm.s32 $0xDF00;
	s12 =	sadd.s32 $0x80, s4  }
0x1d8: {  	[hbm4b:s12+s30] =	stream.strided.scatter [tilespmem:s17], [sflag:$0x3], $0x400, s31, s30, $0x38;
	[tilespmem:$0x1AB00] =	vst v63  }
0x1d9: {  	s10 =	sadd.s32 $0x100, s4;
	s11 =	simm.s32 $0xE300  }
0x1da: {  	[hbm4b:s10+s30] =	stream.strided.scatter [tilespmem:s11], [sflag:$0x3], $0x400, s31, s30, $0x38;
	[tilespmem:$0x1AB00] =	vst v63  }
0x1db: {  	s4 =	sadd.s32 $0x180, s4;
	s12 =	simm.s32 $0xE700  }
0x1dc: {  	[hbm4b:s4+s30] =	stream.strided.scatter [tilespmem:s12], [sflag:$0x3], $0x400, s31, s30, $0x38;
	[tilespmem:$0x1AB00] =	vst v63  }
0x1dd: {  	s17 =	simm.s32 $0xEB00;
	s4 =	sadd.s32 $0x12C0000, s0  }
0x1de: {  	[hbm4b:s4+s30] =	stream.strided.scatter [tilespmem:s17], [sflag:$0x3], $0x400, s31, s30, $0x38;
	[tilespmem:$0x1AB00] =	vst v63  }
0x1df: {  	s10 =	simm.s32 $0xEF00;
	s9 =	sadd.s32 $0x80, s4  }
0x1e0: {  	[hbm4b:s9+s30] =	stream.strided.scatter [tilespmem:s10], [sflag:$0x3], $0x400, s31, s30, $0x38;
	[tilespmem:$0x1AB00] =	vst v63  }
0x1e1: {  	s12 =	simm.s32 $0xF300;
	s11 =	sadd.s32 $0x100, s4  }
0x1e2: {  	[hbm4b:s11+s30] =	stream.strided.scatter [tilespmem:s12], [sflag:$0x3], $0x400, s31, s30, $0x38;
	[tilespmem:$0x1AB00] =	vst v63  }
0x1e3: {  	s4 =	sadd.s32 $0x180, s4;
	s17 =	simm.s32 $0xF700  }
0x1e4: {  	[hbm4b:s4+s30] =	stream.strided.scatter [tilespmem:s17], [sflag:$0x3], $0x400, s31, s30, $0x38;
	[tilespmem:$0x1AB00] =	vst v63  }
0x1e5: {  	s9 =	simm.s32 $0xFB00;
	s4 =	sadd.s32 $0x15E0000, s0  }
0x1e6: {  	[hbm4b:s4+s30] =	stream.strided.scatter [tilespmem:s9], [sflag:$0x3], $0x400, s31, s30, $0x38;
	[tilespmem:$0x1AB00] =	vst v63  }
0x1e7: {  	s11 =	simm.s32 $0xFF00;
	s10 =	sadd.s32 $0x80, s4  }
0x1e8: {  	[hbm4b:s10+s30] =	stream.strided.scatter [tilespmem:s11], [sflag:$0x3], $0x400, s31, s30, $0x38;
	[tilespmem:$0x1AB00] =	vst v63  }
0x1e9: {  	s17 =	simm.s32 $0x10300;
	s12 =	sadd.s32 $0x100, s4  }
0x1ea: {  	[hbm4b:s12+s30] =	stream.strided.scatter [tilespmem:s17], [sflag:$0x3], $0x400, s31, s30, $0x38;
	[tilespmem:$0x1AB00] =	vst v63  }
0x1eb: {  	s4 =	sadd.s32 $0x180, s4;
	s10 =	simm.s32 $0x10700  }
0x1ec: {  	[hbm4b:s4+s30] =	stream.strided.scatter [tilespmem:s10], [sflag:$0x3], $0x400, s31, s30, $0x38;
	[tilespmem:$0x1AB00] =	vst v63  }
0x1ed: {  	s0 =	sadd.s32 $0x1900000, s0;
	s11 =	simm.s32 $0x10B00  }
0x1ee: {  	[hbm4b:s0+s30] =	stream.strided.scatter [tilespmem:s11], [sflag:$0x3], $0x300, s31, s30, $0x38;
	[tilespmem:$0x1AB00] =	vst v63  }
0x1ef: {  	s12 =	sadd.s32 $0x80, s0;
	s17 =	simm.s32 $0x10F00  }
0x1f0: {  	[hbm4b:s12+s30] =	stream.strided.scatter [tilespmem:s17], [sflag:$0x3], $0x300, s31, s30, $0x38;
	[tilespmem:$0x1AB00] =	vst v63  }
0x1f1: {  	s5 =	sadd.s32 $0x100, s0;
	s9 =	simm.s32 $0x11300;
	s10 =	simm.s32 $0x11700  }
0x1f2: {  	[hbm4b:s5+s30] =	stream.strided.scatter [tilespmem:s9], [sflag:$0x3], $0x300, s31, s30, $0x38;
	[tilespmem:$0x1AB00] =	vst v63  }
0x1f3: {  	s0 =	sadd.s32 $0x180, s0;
	s11 =	simm.s32 $0x0;
	s9 =	simm.s32 @!p0 $0x4  }
0x1f4: {  	[hbm4b:s0+s30] =	stream.strided.scatter [tilespmem:s10], [sflag:$0x3], $0x300, s31, s30, $0x38;
	[tilespmem:$0x1AB00] =	vst v63  }
0x1f5: {  	s8 =	sor.u32 $0x80, s8;
	s12 =	sand.u32 $0xC00, s11;
	_ =	swait.ge @!p0 [sflag:s9], $0x8C00  }
0x1f6: {  	s17 =	sand.u32 $0x70, s11;
	s10 =	sadd.s32 s8, s12;
	[sflag:s9] =	ssyncset.done @!p0 $0x0  }
0x1f7: {  	s10 =	sor.u32 s17, s10;
	[sflag:s9] =	ssyncadd.s32 @!p0 $0xFFFF7400  }
0x1f8: {  	v0 =	vld [tilespmem:s10+$0x2B00];
	_ =	sdelay $0x1  }
0x1f9: {  	v1 =	vld [tilespmem:s10+$0x3B00];
	_ =	sdelay $0x2  }
0x1fa: {  	v0 =	vmul.u32 $0x7, v0;
	_ =	sdelay $0x1  }
0x1fb: {  	v0 =	vadd.s32 v1, v0  }
0x1fc: {  	v12 =	vmul.u32 $0x41, v0;
	_ =	sdelay $0x1  }
0x1fd: {  	v0 =	vadd.s32 $0x1, v12  }
0x1fe: {  	v1 =	vadd.s32 $0x2, v12  }
0x1ff: {  	v2 =	vadd.s32 $0x3, v12  }
0x200: {  	v3 =	vadd.s32 $0x4, v12  }
0x201: {  	v7 =	vld [tilespmem:s10+$0x4B00];
	v4 =	vadd.s32 $0x5, v12  }
0x202: {  	v8 =	vadd.s32 $0xC, v12;
	v6 =	vld.idx.msk [tilespmem:v0+s7+$0x0], $0xffff  }
0x203: {  	v9 =	vadd.s32 $0xD, v12;
	v56 =	vld.idx.msk [tilespmem:v1+s7+$0x0], $0xffff  }
0x204: {  	v0 =	vadd.s32 $0x6, v12;
	v13 =	vld.idx.msk [tilespmem:v2+s7+$0x0], $0xffff  }
0x205: {  	v1 =	vadd.s32 $0x7, v12;
	v55 =	vld.idx.msk [tilespmem:v3+s7+$0x0], $0xffff  }
0x206: {  	v2 =	vadd.s32 $0x8, v12;
	v17 =	vld.idx.msk [tilespmem:v4+s7+$0x0], $0xffff  }
0x207: {  	v3 =	vadd.s32 $0x9, v12;
	v45 =	vld.idx.msk [tilespmem:v8+s7+$0x0], $0xffff  }
0x208: {  	v4 =	vadd.s32 $0xA, v12;
	v49 =	vld.idx.msk [tilespmem:v9+s7+$0x0], $0xffff  }
0x209: {  	v20 =	vld.idx.msk [tilespmem:v0+s7+$0x0], $0xffff;
	v0 =	vadd.s32 $0xB, v12  }
0x20a: {  	v9 =	vadd.s32 $0x12, v12;
	v18 =	vld.idx.msk [tilespmem:v1+s7+$0x0], $0xffff  }
0x20b: {  	v8 =	vadd.s32 $0x11, v12;
	v5 =	vld.idx.msk [tilespmem:v2+s7+$0x0], $0xffff  }
0x20c: {  	v22 =	vld.idx.msk [tilespmem:v3+s7+$0x0], $0xffff;
	v3 =	vadd.s32 $0xE, v12  }
0x20d: {  	v2 =	vld.idx.msk [tilespmem:v4+s7+$0x0], $0xffff;
	v4 =	vadd.s32 $0xF, v12  }
0x20e: {  	v44 =	vld.idx.msk [tilespmem:v0+s7+$0x0], $0xffff;
	v0 =	vadd.s32 $0x10, v12  }
0x20f: {  	v51 =	vld.idx.msk [tilespmem:v9+s7+$0x0], $0xffff;
	v9 =	vadd.s32 $0x17, v12  }
0x210: {  	v46 =	vld.idx.msk [tilespmem:v8+s7+$0x0], $0xffff  }
0x211: {  	v52 =	vld.idx.msk [tilespmem:v3+s7+$0x0], $0xffff;
	v3 =	vadd.s32 $0x13, v12  }
0x212: {  	v53 =	vld.idx.msk [tilespmem:v4+s7+$0x0], $0xffff;
	v4 =	vadd.s32 $0x14, v12  }
0x213: {  	v54 =	vld.idx.msk [tilespmem:v0+s7+$0x0], $0xffff;
	v0 =	vadd.s32 $0x15, v12  }
0x214: {  	v8 =	vadd.s32 $0x16, v12;
	v1 =	vld.idx.msk [tilespmem:v9+s7+$0x0], $0xffff  }
0x215: {  	v11 =	vadd.s32 $0x19, v12  }
0x216: {  	v43 =	vld.idx.msk [tilespmem:v3+s7+$0x0], $0xffff  }
0x217: {  	v3 =	vadd.s32 $0x18, v12;
	v42 =	vld.idx.msk [tilespmem:v4+s7+$0x0], $0xffff  }
0x218: {  	v10 =	vadd.f32 $5.000000000e-01, v7;
	v4 =	vld.idx.msk [tilespmem:v0+s7+$0x0], $0xffff;
	v0 =	vadd.s32 $0x1A, v12  }
0x219: {  	v41 =	vld.idx.msk [tilespmem:v8+s7+$0x0], $0xffff;
	[tilespmem:$0x1FF00] =	vst v1  }
0x21a: {  	v14 =	vtrunc.f32 v10;
	v47 =	vld.idx.msk [tilespmem:v11+s7+$0x0], $0xffff;
	v11 =	vadd.s32 $0x1E, v12  }
0x21b: {  	v14 =	vcvt.f32.s32 v14  }
0x21c: {  	v8 =	vadd.s32 $0x1B, v12;
	v10 =	vld.idx.msk [tilespmem:v3+s7+$0x0], $0xffff  }
0x21d: {  	v9 =	vadd.s32 $0x1C, v12;
	v3 =	vld.idx.msk [tilespmem:v0+s7+$0x0], $0xffff;
	v0 =	vcvt.s32.f32 v14;
	_ =	sdelay $0x1  }
0x21e: {  	v15 =	vadd.s32 $0x1D, v12;
	v7 =	vsub.f32 v7, v0;
	v0 =	vld.idx.msk [tilespmem:v11+s7+$0x0], $0xffff  }
0x21f: {  	v16 =	vadd.s32 $0x1F, v12  }
0x220: {  	v48 =	vld.idx.msk [tilespmem:v8+s7+$0x0], $0xffff;
	v8 =	vadd.s32 $0x20, v12  }
0x221: {  	v50 =	vld.idx.msk [tilespmem:v9+s7+$0x0], $0xffff;
	v9 =	vadd.s32 $0x21, v12  }
0x222: {  	v14 =	vadd.s32 $0x22, v12  }
0x223: {  	v15 =	vld.idx.msk [tilespmem:v15+s7+$0x0], $0xffff;
	v11 =	vadd.s32 $0x23, v12;
	[tilespmem:$0x1FF10] =	vst v0  }
0x224: {  	v62 =	vadd.s32 $0x39, v12;
	v57 =	vmul.f32 v7, v7;
	v25 =	vld.idx.msk [tilespmem:v16+s7+$0x0], $0xffff  }
0x225: {  	v29 =	vld.idx.msk [tilespmem:v8+s7+$0x0], $0xffff  }
0x226: {  	v19 =	vmul.f32 $-1.237227250e+01, v57;
	v16 =	vadd.s32 $0x24, v12;
	v30 =	vld.idx.msk [tilespmem:v9+s7+$0x0], $0xffff  }
0x227: {  	v21 =	vmul.f32 $6.575502400e+00, v57;
	v8 =	vadd.s32 $0x25, v12;
	v31 =	vld.idx.msk [tilespmem:v14+s7+$0x0], $0xffff  }
0x228: {  	s5 =	sor.u32 s17, s12;
	v9 =	vadd.s32 $0x26, v12;
	v19 =	vadd.f32 $4.126979830e+01, v19;
	v34 =	vld.idx.msk [tilespmem:v11+s7+$0x0], $0xffff  }
0x229: {  	v21 =	vadd.f32 $-2.600045590e+01, v21;
	v11 =	vadd.s32 $0x28, v12;
	[tilespmem:s5+$0x12B00] =	vst v5;
	v5 =	vld.idx.msk [tilespmem:v62+s7+$0x0], $0xffff  }
0x22a: {  	v14 =	vadd.s32 $0x27, v12;
	v0 =	vld.idx.msk [tilespmem:v12+s7+$0x0], $0xffff;
	v19 =	vmul.f32 v19, v57  }
0x22b: {  	v21 =	vmul.f32 v21, v57;
	v35 =	vld.idx.msk [tilespmem:v16+s7+$0x0], $0xffff;
	v16 =	vadd.s32 $0x29, v12  }
0x22c: {  	v19 =	vadd.f32 $-7.659490200e+01, v19;
	v39 =	vld.idx.msk [tilespmem:v8+s7+$0x0], $0xffff;
	v8 =	vadd.s32 $0x2A, v12  }
0x22d: {  	v21 =	vadd.f32 $6.017621230e+01, v21;
	v36 =	vld.idx.msk [tilespmem:v9+s7+$0x0], $0xffff;
	v9 =	vadd.s32 $0x2B, v12  }
0x22e: {  	v37 =	vld.idx.msk [tilespmem:v11+s7+$0x0], $0xffff;
	v11 =	vadd.s32 $0x2D, v12;
	v19 =	vmul.f32 v19, v57  }
0x22f: {  	v40 =	vld.idx.msk [tilespmem:v14+s7+$0x0], $0xffff;
	v14 =	vadd.s32 $0x2C, v12;
	v21 =	vmul.f32 v21, v57  }
0x230: {  	v19 =	vadd.f32 $8.159765630e+01, v19;
	v38 =	vld.idx.msk [tilespmem:v16+s7+$0x0], $0xffff;
	v16 =	vadd.s32 $0x2E, v12  }
0x231: {  	v21 =	vadd.f32 $-8.545116420e+01, v21;
	v32 =	vld.idx.msk [tilespmem:v8+s7+$0x0], $0xffff;
	v8 =	vadd.s32 $0x2F, v12  }
0x232: {  	v33 =	vld.idx.msk [tilespmem:v9+s7+$0x0], $0xffff;
	v9 =	vadd.s32 $0x30, v12;
	v19 =	vmul.f32 v19, v57  }
0x233: {  	v21 =	vmul.f32 v21, v57;
	v27 =	vld.idx.msk [tilespmem:v11+s7+$0x0], $0xffff;
	v11 =	vadd.s32 $0x32, v12  }
0x234: {  	v26 =	vld.idx.msk [tilespmem:v14+s7+$0x0], $0xffff;
	v14 =	vadd.s32 $0x31, v12;
	v19 =	vadd.f32 $-4.134148030e+01, v19  }
0x235: {  	v60 =	vadd.s32 $0x36, v12;
	v21 =	vadd.f32 $6.493917080e+01, v21;
	v24 =	vld.idx.msk [tilespmem:v16+s7+$0x0], $0xffff  }
0x236: {  	v58 =	vmul.f32 v19, v57;
	v28 =	vld.idx.msk [tilespmem:v8+s7+$0x0], $0xffff;
	v8 =	vadd.s32 $0x34, v12  }
0x237: {  	v59 =	vmul.f32 v21, v57;
	v16 =	vadd.s32 $0x33, v12;
	v23 =	vld.idx.msk [tilespmem:v9+s7+$0x0], $0xffff  }
0x238: {  	v9 =	vadd.s32 $0x35, v12;
	v19 =	vld.idx.msk [tilespmem:v11+s7+$0x0], $0xffff;
	v11 =	vadd.f32 $6.283183570e+00, v58  }
0x239: {  	v21 =	vld.idx.msk [tilespmem:v14+s7+$0x0], $0xffff;
	v58 =	vadd.f32 $-1.973920630e+01, v59;
	v59 =	vadd.s32 $0x38, v12  }
0x23a: {  	v61 =	vadd.s32 $0x37, v12;
	v63 =	vmul.f32 v11, v7;
	v7 =	vld.idx.msk [tilespmem:v60+s7+$0x0], $0xffff  }
0x23b: {  	v14 =	vld.idx.msk [tilespmem:v8+s7+$0x0], $0xffff;
	v8 =	vmul.f32 v58, v57;
	v57 =	vadd.s32 $0x3A, v12  }
0x23c: {  	v16 =	vld.idx.msk [tilespmem:v16+s7+$0x0], $0xffff  }
0x23d: {  	s4 =	sadd.s32 $0x11B00, s5;
	v11 =	vld.idx.msk [tilespmem:v9+s7+$0x0], $0xffff  }
0x23e: {  	[tilespmem:s4+$0x80] =	vst v6;
	v9 =	vld.idx.msk [tilespmem:v59+s7+$0x0], $0xffff  }
0x23f: {  	[tilespmem:s4+$0x100] =	vst v56;
	v58 =	vadd.f32 $1.000000000e+00, v8;
	v8 =	vld.idx.msk [tilespmem:v61+s7+$0x0], $0xffff  }
0x240: {  	v6 =	vld.idx.msk [tilespmem:v57+s7+$0x0], $0xffff;
	[tilespmem:$0x1FEF0] =	vst v0  }
0x241: {  	[tilespmem:s4+$0x180] =	vst v13  }
0x242: {  	v1 =	vadd.s32 $0x3B, v12;
	[tilespmem:s4+$0x200] =	vst v55  }
0x243: {  	s11 =	sor.u32 s11, s11;
	v61 =	vadd.s32 $0x3C, v12;
	[tilespmem:s4+$0x280] =	vst v17  }
0x244: {  	s9 =	sor.u32 $0x380, s11;
	v62 =	vadd.s32 $0x3D, v12;
	v60 =	vadd.f32 v63, v63;
	[tilespmem:s4+$0x300] =	vst v20  }
0x245: {  	v56 =	vadd.s32 $0x3F, v12;
	[tilespmem:s9+$0x11B00] =	vst v18  }
0x246: {  	v59 =	vmul.f32 v58, v60;
	v60 =	vmul.f32 v60, v63;
	v57 =	vadd.s32 $0x3E, v12;
	[tilespmem:s5+$0x12B80] =	vst v22  }
0x247: {  	v13 =	vld.idx.msk [tilespmem:v1+s7+$0x0], $0xffff;
	[tilespmem:s5+$0x12C00] =	vst v2  }
0x248: {  	s29 =	simm.s32 $0x80;
	v0 =	vadd.f32 v59, v59;
	[tilespmem:s5+$0x12C80] =	vst v44;
	v12 =	vld.idx.msk [tilespmem:v61+s7+$0x0], $0xffff;
	v61 =	vsub.f32 $1.000000000e+00, v60  }
0x249: {  	s0 =	simm.s32 $0x10;
	v17 =	vld.idx.msk [tilespmem:v62+s7+$0x0], $0xffff;
	s4 =	sand.u32 $0xC00, s29;
	[tilespmem:s5+$0x12D00] =	vst v45  }
0x24a: {  	s17 =	sand.u32 $0x70, s0;
	v18 =	vld.idx.msk [tilespmem:v56+s7+$0x0], $0xffff;
	[tilespmem:s5+$0x12D80] =	vst v49;
	s12 =	sadd.s32 s8, s4;
	v1 =	vmul.f32 v0, v59;
	v0 =	vmul.f32 v61, v0  }
0x24b: {  	[tilespmem:s5+$0x12E00] =	vst v52;
	s9 =	sor.u32 s17, s12;
	v20 =	vld.idx.msk [tilespmem:v57+s7+$0x0], $0xffff  }
0x24c: {  	v1 =	vsub.f32 $1.000000000e+00, v1;
	[tilespmem:s5+$0x19D00] =	vst v0;
	v0 =	vld [tilespmem:s9+$0x2B00]  }
0x24d: {  	[tilespmem:s5+$0x12E80] =	vst v53  }
0x24e: {  	[tilespmem:s5+$0x19D80] =	vst v1;
	v1 =	vld [tilespmem:s9+$0x3B00]  }
0x24f: {  	[tilespmem:s5+$0x13B00] =	vst v54  }
0x250: {  	[tilespmem:s5+$0x13B80] =	vst v46  }
0x251: {  	[tilespmem:s5+$0x13C00] =	vst v51;
	v0 =	vmul.u32 $0x7, v0  }
0x252: {  	[tilespmem:s5+$0x13C80] =	vst v43  }
0x253: {  	[tilespmem:s5+$0x13D00] =	vst v42;
	v0 =	vadd.s32 v1, v0  }
0x254: {  	[tilespmem:s5+$0x13D80] =	vst v4;
	v1 =	vmul.u32 $0x41, v0  }
0x255: {  	[tilespmem:s5+$0x13E00] =	vst v41  }
0x256: {  	[tilespmem:s5+$0x19C80] =	vst v61;
	v0 =	vadd.s32 $0x1, v1  }
0x257: {  	[tilespmem:s5+$0x19C00] =	vst v59  }
0x258: {  	[tilespmem:s5+$0x19B80] =	vst v58  }
0x259: {  	[tilespmem:s5+$0x19B00] =	vst v63  }
0x25a: {  	v41 =	vld [tilespmem:$0x1FF00]  }
0x25b: {  	v46 =	vld.idx.msk [tilespmem:v0+s7+$0x0], $0xffff;
	v0 =	vadd.s32 $0x6, v1  }
0x25c: {  	v22 =	vadd.s32 $0x2, v1  }
0x25d: {  	v58 =	vadd.s32 $0x3, v1  }
0x25e: {  	v49 =	vld [tilespmem:s9+$0x4B00];
	v59 =	vadd.s32 $0x4, v1  }
0x25f: {  	[tilespmem:s5+$0x14B00] =	vst v10;
	v60 =	vadd.s32 $0x5, v1;
	v2 =	vld.idx.msk [tilespmem:v1+s7+$0x0], $0xffff  }
0x260: {  	[tilespmem:s5+$0x13E80] =	vst v41;
	v41 =	vld.idx.msk [tilespmem:v0+s7+$0x0], $0xffff;
	v0 =	vadd.s32 $0xB, v1  }
0x261: {  	[tilespmem:s5+$0x14B80] =	vst v47;
	v45 =	vld.idx.msk [tilespmem:v22+s7+$0x0], $0xffff  }
0x262: {  	[tilespmem:s5+$0x14C00] =	vst v3;
	v4 =	vadd.s32 $0x8, v1;
	v44 =	vld.idx.msk [tilespmem:v58+s7+$0x0], $0xffff  }
0x263: {  	[tilespmem:s5+$0x14C80] =	vst v48;
	v61 =	vadd.s32 $0x9, v1;
	v43 =	vld.idx.msk [tilespmem:v59+s7+$0x0], $0xffff  }
0x264: {  	[tilespmem:s5+$0x14D00] =	vst v50;
	v62 =	vadd.s32 $0xA, v1;
	v42 =	vld.idx.msk [tilespmem:v60+s7+$0x0], $0xffff  }
0x265: {  	[tilespmem:s5+$0x14D80] =	vst v15;
	v63 =	vadd.s32 $0xC, v1;
	v10 =	vld.idx.msk [tilespmem:v0+s7+$0x0], $0xffff  }
0x266: {  	v22 =	vadd.s32 $0x7, v1;
	v0 =	vld [tilespmem:$0x1FF10]  }
0x267: {  	v47 =	vld.idx.msk [tilespmem:v4+s7+$0x0], $0xffff  }
0x268: {  	v3 =	vld.idx.msk [tilespmem:v61+s7+$0x0], $0xffff  }
0x269: {  	v4 =	vld.idx.msk [tilespmem:v62+s7+$0x0], $0xffff  }
0x26a: {  	v52 =	vadd.s32 $0xD, v1;
	v50 =	vadd.s32 $0xE, v1;
	v15 =	vld.idx.msk [tilespmem:v63+s7+$0x0], $0xffff  }
0x26b: {  	s9 =	simm.s32 $0x20;
	v53 =	vadd.s32 $0xF, v1;
	v51 =	vadd.s32 $0x10, v1;
	v54 =	vadd.s32 $0x11, v1;
	v22 =	vld.idx.msk [tilespmem:v22+s7+$0x0], $0xffff;
	[tilespmem:s5+$0x14E00] =	vst v0  }
.LBB2_6:
0x26c: {  	_ =	sdelay $0x2  }
0x26d: {  	v0 =	vld.idx.msk [tilespmem:v52+s7+$0x0], $0xffff  }
0x26e: {  	[tilespmem:s5+$0x14E80] =	vst v25;
	v25 =	vld.idx.msk [tilespmem:v50+s7+$0x0], $0xffff  }
0x26f: {  	[tilespmem:s5+$0x15B00] =	vst v29;
	v29 =	vld.idx.msk [tilespmem:v53+s7+$0x0], $0xffff;
	_ =	sdelay $0x1  }
0x270: {  	[tilespmem:s5+$0x15B80] =	vst v30  }
0x271: {  	[tilespmem:$0x1FE40] =	vst v0;
	v0 =	vadd.s32 $0x12, v1  }
0x272: {  	[tilespmem:$0x1FE50] =	vst v25;
	v25 =	vadd.s32 $0x13, v1  }
0x273: {  	v51 =	vld.idx.msk [tilespmem:v51+s7+$0x0], $0xffff;
	[tilespmem:$0x1FE60] =	vst v29;
	v29 =	vadd.s32 $0x14, v1  }
0x274: {  	v30 =	vadd.s32 $0x15, v1;
	[tilespmem:s5+$0x15C00] =	vst v31;
	v52 =	vld.idx.msk [tilespmem:v54+s7+$0x0], $0xffff  }
0x275: {  	v31 =	vadd.s32 $0x16, v1;
	[tilespmem:s5+$0x18C80] =	vst v13;
	v13 =	vld [tilespmem:$0x1FEF0]  }
0x276: {  	v53 =	vld.idx.msk [tilespmem:v0+s7+$0x0], $0xffff;
	v0 =	vadd.s32 $0x17, v1  }
0x277: {  	[tilespmem:s5+$0x15C80] =	vst v34;
	v50 =	vld.idx.msk [tilespmem:v25+s7+$0x0], $0xffff;
	v25 =	vadd.s32 $0x18, v1  }
0x278: {  	[tilespmem:s5+$0x15D00] =	vst v35;
	v63 =	vadd.f32 $5.000000000e-01, v49;
	v55 =	vld.idx.msk [tilespmem:v29+s7+$0x0], $0xffff;
	v29 =	vadd.s32 $0x19, v1  }
0x279: {  	[tilespmem:s5+$0x15D80] =	vst v39;
	v56 =	vld.idx.msk [tilespmem:v30+s7+$0x0], $0xffff;
	v30 =	vadd.s32 $0x1A, v1  }
0x27a: {  	[tilespmem:s5+$0x15E00] =	vst v36;
	v34 =	vtrunc.f32 v63;
	v57 =	vld.idx.msk [tilespmem:v31+s7+$0x0], $0xffff;
	v31 =	vadd.s32 $0x1B, v1  }
0x27b: {  	[tilespmem:s5+$0x15E80] =	vst v40;
	v34 =	vcvt.f32.s32 v34;
	v58 =	vld.idx.msk [tilespmem:v0+s7+$0x0], $0xffff;
	v0 =	vadd.s32 $0x1C, v1  }
0x27c: {  	[tilespmem:s5+$0x16B00] =	vst v37;
	v59 =	vld.idx.msk [tilespmem:v25+s7+$0x0], $0xffff;
	v25 =	vadd.s32 $0x1D, v1  }
0x27d: {  	[tilespmem:s5+$0x16B80] =	vst v38;
	v39 =	vcvt.s32.f32 v34;
	v60 =	vld.idx.msk [tilespmem:v29+s7+$0x0], $0xffff;
	v29 =	vadd.s32 $0x1E, v1  }
0x27e: {  	[tilespmem:s5+$0x16C00] =	vst v32;
	v61 =	vld.idx.msk [tilespmem:v30+s7+$0x0], $0xffff;
	v30 =	vadd.s32 $0x1F, v1  }
0x27f: {  	[tilespmem:s5+$0x16D00] =	vst v26;
	v26 =	vadd.s32 $0x20, v1;
	v49 =	vsub.f32 v49, v39;
	v62 =	vld.idx.msk [tilespmem:v31+s7+$0x0], $0xffff  }
0x280: {  	[tilespmem:s5+$0x16D80] =	vst v27;
	v27 =	vadd.s32 $0x21, v1;
	v63 =	vld.idx.msk [tilespmem:v0+s7+$0x0], $0xffff  }
0x281: {  	[tilespmem:s5+$0x17B00] =	vst v23;
	v23 =	vadd.s32 $0x24, v1;
	v54 =	vld.idx.msk [tilespmem:v25+s7+$0x0], $0xffff;
	v0 =	vmul.f32 v49, v49  }
0x282: {  	[tilespmem:s5+$0x16E00] =	vst v24;
	v24 =	vadd.s32 $0x22, v1;
	v48 =	vld.idx.msk [tilespmem:v29+s7+$0x0], $0xffff  }
0x283: {  	[tilespmem:s5+$0x17C00] =	vst v19;
	v19 =	vadd.s32 $0x26, v1;
	v25 =	vld.idx.msk [tilespmem:v30+s7+$0x0], $0xffff;
	v31 =	vmul.f32 $-1.237227250e+01, v0;
	v40 =	vmul.f32 $6.575502400e+00, v0  }
0x284: {  	[tilespmem:s5+$0x17B80] =	vst v21;
	v21 =	vadd.s32 $0x25, v1;
	v29 =	vld.idx.msk [tilespmem:v26+s7+$0x0], $0xffff  }
0x285: {  	[tilespmem:s5+$0x17D00] =	vst v14;
	v14 =	vadd.s32 $0x28, v1;
	v30 =	vld.idx.msk [tilespmem:v27+s7+$0x0], $0xffff;
	v26 =	vadd.f32 $4.126979830e+01, v31;
	v27 =	vadd.f32 $-2.600045590e+01, v40  }
0x286: {  	[tilespmem:s5+$0x17C80] =	vst v16;
	v16 =	vadd.s32 $0x27, v1;
	v35 =	vld.idx.msk [tilespmem:v23+s7+$0x0], $0xffff  }
0x287: {  	[tilespmem:s5+$0x17E00] =	vst v7;
	v7 =	vadd.s32 $0x2A, v1;
	v31 =	vld.idx.msk [tilespmem:v24+s7+$0x0], $0xffff;
	v24 =	vmul.f32 v26, v0;
	v26 =	vmul.f32 v27, v0  }
0x288: {  	[tilespmem:s5+$0x17D80] =	vst v11;
	v11 =	vadd.s32 $0x29, v1;
	v36 =	vld.idx.msk [tilespmem:v19+s7+$0x0], $0xffff  }
0x289: {  	[tilespmem:s5+$0x16E80] =	vst v28;
	v28 =	vadd.s32 $0x23, v1;
	v39 =	vld.idx.msk [tilespmem:v21+s7+$0x0], $0xffff;
	v21 =	vadd.f32 $-7.659490200e+01, v24;
	v23 =	vadd.f32 $6.017621230e+01, v26  }
0x28a: {  	[tilespmem:s5+$0x17E80] =	vst v8;
	v8 =	vadd.s32 $0x2B, v1;
	v37 =	vld.idx.msk [tilespmem:v14+s7+$0x0], $0xffff  }
0x28b: {  	[tilespmem:s5+$0x18B80] =	vst v5;
	v5 =	vadd.s32 $0x2D, v1;
	v40 =	vld.idx.msk [tilespmem:v16+s7+$0x0], $0xffff;
	v16 =	vmul.f32 v21, v0;
	v19 =	vmul.f32 v23, v0  }
0x28c: {  	[tilespmem:s5+$0x16C80] =	vst v33;
	v32 =	vld.idx.msk [tilespmem:v7+s7+$0x0], $0xffff;
	v7 =	vadd.s32 $0x2F, v1  }
0x28d: {  	[tilespmem:s5+$0x18B00] =	vst v9;
	v9 =	vadd.s32 $0x2C, v1;
	v38 =	vld.idx.msk [tilespmem:v11+s7+$0x0], $0xffff;
	v11 =	vadd.f32 $8.159765630e+01, v16;
	v14 =	vadd.f32 $-8.545116420e+01, v19  }
0x28e: {  	[tilespmem:s5+$0x18C00] =	vst v6;
	v6 =	vadd.s32 $0x2E, v1;
	v34 =	vld.idx.msk [tilespmem:v28+s7+$0x0], $0xffff  }
0x28f: {  	[tilespmem:s5+$0x18D00] =	vst v12;
	v33 =	vld.idx.msk [tilespmem:v8+s7+$0x0], $0xffff;
	v8 =	vadd.s32 $0x30, v1;
	v11 =	vmul.f32 v11, v0;
	v12 =	vmul.f32 v14, v0  }
0x290: {  	v27 =	vld.idx.msk [tilespmem:v5+s7+$0x0], $0xffff;
	v5 =	vadd.s32 $0x32, v1  }
0x291: {  	[tilespmem:s5+$0x11B00] =	vst v13;
	v13 =	vmovc v2;
	v2 =	vadd.s32 $0x34, v1;
	v28 =	vld.idx.msk [tilespmem:v7+s7+$0x0], $0xffff;
	v11 =	vadd.f32 $-4.134148030e+01, v11;
	v12 =	vadd.f32 $6.493917080e+01, v12  }
0x292: {  	v26 =	vld.idx.msk [tilespmem:v9+s7+$0x0], $0xffff;
	v9 =	vadd.s32 $0x31, v1  }
0x293: {  	v24 =	vld.idx.msk [tilespmem:v6+s7+$0x0], $0xffff;
	v6 =	vadd.s32 $0x33, v1;
	v7 =	vmul.f32 v11, v0;
	v11 =	vmul.f32 v12, v0  }
0x294: {  	v23 =	vld.idx.msk [tilespmem:v8+s7+$0x0], $0xffff;
	v8 =	vadd.s32 $0x35, v1  }
0x295: {  	v19 =	vld.idx.msk [tilespmem:v5+s7+$0x0], $0xffff;
	v5 =	vadd.s32 $0x37, v1;
	v7 =	vadd.f32 $6.283183570e+00, v7;
	v11 =	vadd.f32 $-1.973920630e+01, v11  }
0x296: {  	v14 =	vld.idx.msk [tilespmem:v2+s7+$0x0], $0xffff;
	v2 =	vadd.s32 $0x39, v1  }
0x297: {  	[tilespmem:s5+$0x18D80] =	vst v17;
	v21 =	vld.idx.msk [tilespmem:v9+s7+$0x0], $0xffff;
	v9 =	vadd.s32 $0x36, v1;
	v49 =	vmul.f32 v7, v49;
	v0 =	vmul.f32 v11, v0  }
0x298: {  	[tilespmem:s5+$0x18E00] =	vst v20;
	v16 =	vld.idx.msk [tilespmem:v6+s7+$0x0], $0xffff;
	v6 =	vadd.s32 $0x38, v1  }
0x299: {  	[tilespmem:$0x1FEF0] =	vst v13;
	v12 =	vadd.s32 $0x3A, v1;
	v11 =	vld.idx.msk [tilespmem:v8+s7+$0x0], $0xffff;
	v0 =	vadd.f32 $1.000000000e+00, v0;
	v13 =	vadd.f32 v49, v49  }
0x29a: {  	[tilespmem:s5+$0x18E80] =	vst v18;
	v17 =	vadd.s32 $0x3B, v1;
	v18 =	vadd.s32 $0x3C, v1;
	v20 =	vadd.s32 $0x3D, v1;
	s11 =	sor.u32 s29, s0;
	s5 =	sor.u32 s17, s4;
	v8 =	vld.idx.msk [tilespmem:v5+s7+$0x0], $0xffff  }
0x29b: {  	s11 =	sor.u32 $0x380, s11;
	[tilespmem:s5+$0x12B00] =	vst v47;
	v5 =	vld.idx.msk [tilespmem:v2+s7+$0x0], $0xffff;
	v2 =	vadd.s32 $0x3E, v1;
	v1 =	vadd.s32 $0x3F, v1;
	v47 =	vmul.f32 v0, v13  }
0x29c: {  	[tilespmem:s11+$0x11B00] =	vst v22;
	s10 =	sadd.s32 $0x11B00, s5;
	v7 =	vld.idx.msk [tilespmem:v9+s7+$0x0], $0xffff  }
0x29d: {  	[tilespmem:s10+$0x80] =	vst v46;
	v9 =	vld.idx.msk [tilespmem:v6+s7+$0x0], $0xffff;
	v13 =	vmul.f32 v13, v49;
	v46 =	vadd.f32 v47, v47  }
0x29e: {  	[tilespmem:s10+$0x100] =	vst v45;
	v6 =	vld.idx.msk [tilespmem:v12+s7+$0x0], $0xffff  }
0x29f: {  	[tilespmem:s10+$0x180] =	vst v44;
	v12 =	vld.idx.msk [tilespmem:v18+s7+$0x0], $0xffff;
	v45 =	vsub.f32 $1.000000000e+00, v13;
	v44 =	vmul.f32 v46, v47  }
0x2a0: {  	s29 =	sadd.s32 $0x80, s29;
	[tilespmem:s10+$0x200] =	vst v43;
	v18 =	vld.idx.msk [tilespmem:v1+s7+$0x0], $0xffff  }
0x2a1: {  	s4 =	sand.u32 $0xC00, s29;
	[tilespmem:s10+$0x280] =	vst v42;
	v13 =	vld.idx.msk [tilespmem:v17+s7+$0x0], $0xffff;
	v43 =	vmul.f32 v45, v46;
	v46 =	vsub.f32 $1.000000000e+00, v44  }
0x2a2: {  	s17 =	sand.u32 $0x70, s9;
	s12 =	sadd.s32 s8, s4;
	[tilespmem:s10+$0x300] =	vst v41;
	v17 =	vld.idx.msk [tilespmem:v20+s7+$0x0], $0xffff  }
0x2a3: {  	s12 =	sor.u32 s17, s12;
	v20 =	vld.idx.msk [tilespmem:v2+s7+$0x0], $0xffff;
	[tilespmem:s5+$0x19D80] =	vst v46  }
0x2a4: {  	v1 =	vld [tilespmem:s12+$0x2B00];
	[tilespmem:s5+$0x19D00] =	vst v43  }
0x2a5: {  	[tilespmem:s5+$0x19C80] =	vst v45  }
0x2a6: {  	v2 =	vld [tilespmem:s12+$0x3B00];
	_ =	sdelay $0x2  }
0x2a7: {  	[tilespmem:s5+$0x19B80] =	vst v0;
	v0 =	vmul.u32 $0x7, v1;
	_ =	sdelay $0x1  }
0x2a8: {  	v0 =	vadd.s32 v2, v0;
	v2 =	vld [tilespmem:$0x1FE50]  }
0x2a9: {  	[tilespmem:s5+$0x19C00] =	vst v47  }
0x2aa: {  	[tilespmem:s5+$0x19B00] =	vst v49  }
0x2ab: {  	[tilespmem:s5+$0x12B80] =	vst v3  }
0x2ac: {  	[tilespmem:s5+$0x12C00] =	vst v4;
	v1 =	vmul.u32 $0x41, v0;
	v0 =	vld [tilespmem:$0x1FE40]  }
0x2ad: {  	[tilespmem:s5+$0x12E00] =	vst v2;
	v2 =	vld [tilespmem:$0x1FE60]  }
0x2ae: {  	[tilespmem:s5+$0x12C80] =	vst v10  }
0x2af: {  	[tilespmem:s5+$0x12D00] =	vst v15;
	v3 =	vadd.s32 $0x2, v1  }
0x2b0: {  	[tilespmem:s5+$0x13B00] =	vst v51;
	v4 =	vadd.s32 $0x3, v1  }
0x2b1: {  	[tilespmem:s5+$0x12D80] =	vst v0;
	v0 =	vadd.s32 $0x1, v1  }
0x2b2: {  	v10 =	vadd.s32 $0x4, v1;
	[tilespmem:s5+$0x12E80] =	vst v2  }
0x2b3: {  	v15 =	vadd.s32 $0x5, v1;
	v49 =	vld [tilespmem:s12+$0x4B00];
	[tilespmem:s5+$0x13B80] =	vst v52  }
0x2b4: {  	v45 =	vld.idx.msk [tilespmem:v3+s7+$0x0], $0xffff;
	[tilespmem:s5+$0x13C00] =	vst v53  }
0x2b5: {  	v3 =	vadd.s32 $0x7, v1;
	v44 =	vld.idx.msk [tilespmem:v4+s7+$0x0], $0xffff;
	[tilespmem:s5+$0x13C80] =	vst v50  }
0x2b6: {  	v46 =	vld.idx.msk [tilespmem:v0+s7+$0x0], $0xffff;
	v0 =	vadd.s32 $0x6, v1;
	[tilespmem:s5+$0x13D00] =	vst v55  }
0x2b7: {  	v4 =	vadd.s32 $0x8, v1;
	v43 =	vld.idx.msk [tilespmem:v10+s7+$0x0], $0xffff;
	[tilespmem:s5+$0x13D80] =	vst v56  }
0x2b8: {  	v10 =	vadd.s32 $0x9, v1;
	v42 =	vld.idx.msk [tilespmem:v15+s7+$0x0], $0xffff;
	[tilespmem:s5+$0x13E00] =	vst v57  }
0x2b9: {  	v15 =	vadd.s32 $0xA, v1;
	v2 =	vld.idx.msk [tilespmem:v1+s7+$0x0], $0xffff;
	[tilespmem:s5+$0x13E80] =	vst v58  }
0x2ba: {  	[tilespmem:s5+$0x14B00] =	vst v59;
	v59 =	vadd.s32 $0xC, v1;
	v22 =	vld.idx.msk [tilespmem:v3+s7+$0x0], $0xffff  }
0x2bb: {  	p0 =	sne.s32 s9, $0x1F0;
	[tilespmem:s5+$0x14B80] =	vst v60;
	v41 =	vld.idx.msk [tilespmem:v0+s7+$0x0], $0xffff;
	v0 =	vadd.s32 $0xB, v1  }
.Ltmp1:
0x2bc: {  	[tilespmem:s5+$0x14C00] =	vst v61;
	v47 =	vld.idx.msk [tilespmem:v4+s7+$0x0], $0xffff;
	(pc) =	sbr.rel @p0 .LBB2_6-.Ltmp1, $4  }
0x2bd: {  	[tilespmem:s5+$0x14C80] =	vst v62;
	v3 =	vld.idx.msk [tilespmem:v10+s7+$0x0], $0xffff  }
0x2be: {  	[tilespmem:s5+$0x14D00] =	vst v63;
	v4 =	vld.idx.msk [tilespmem:v15+s7+$0x0], $0xffff  }
0x2bf: {  	v51 =	vadd.s32 $0x10, v1;
	v52 =	vadd.s32 $0xD, v1;
	[tilespmem:s5+$0x14D80] =	vst v54;
	v15 =	vld.idx.msk [tilespmem:v59+s7+$0x0], $0xffff  }
0x2c0: {  	s0 =	smov.u32 s9;
	s9 =	sadd.s32 $0x10, s9;
	v50 =	vadd.s32 $0xE, v1;
	v53 =	vadd.s32 $0xF, v1;
	v54 =	vadd.s32 $0x11, v1;
	[tilespmem:s5+$0x14E00] =	vst v48;
	v10 =	vld.idx.msk [tilespmem:v0+s7+$0x0], $0xffff  }
0x2c1: {  	_ =	sdelay $0x3  }
0x2c2: {  	v0 =	vld.idx.msk [tilespmem:v52+s7+$0x0], $0xffff;
	_ =	sdelay $0x4  }
0x2c3: {  	[tilespmem:$0x1FE20] =	vst v0  }
0x2c4: {  	v0 =	vld.idx.msk [tilespmem:v50+s7+$0x0], $0xffff;
	_ =	sdelay $0x2  }
0x2c5: {  	v62 =	vadd.f32 $5.000000000e-01, v49  }
0x2c6: {  	v55 =	vadd.s32 $0x12, v1  }
0x2c7: {  	v56 =	vadd.s32 $0x13, v1;
	v62 =	vtrunc.f32 v62;
	[tilespmem:$0x1FE30] =	vst v0  }
0x2c8: {  	v57 =	vadd.s32 $0x14, v1;
	v62 =	vcvt.f32.s32 v62;
	v50 =	vld.idx.msk [tilespmem:v53+s7+$0x0], $0xffff  }
0x2c9: {  	v58 =	vadd.s32 $0x15, v1;
	v51 =	vld.idx.msk [tilespmem:v51+s7+$0x0], $0xffff  }
0x2ca: {  	v59 =	vadd.s32 $0x16, v1;
	v62 =	vcvt.s32.f32 v62;
	v52 =	vld.idx.msk [tilespmem:v54+s7+$0x0], $0xffff  }
0x2cb: {  	v60 =	vadd.s32 $0x17, v1;
	v53 =	vld.idx.msk [tilespmem:v55+s7+$0x0], $0xffff;
	[tilespmem:s5+$0x14E80] =	vst v25  }
0x2cc: {  	v61 =	vadd.s32 $0x18, v1;
	v49 =	vsub.f32 v49, v62;
	v54 =	vld.idx.msk [tilespmem:v56+s7+$0x0], $0xffff;
	[tilespmem:s5+$0x15B00] =	vst v29  }
0x2cd: {  	v0 =	vadd.s32 $0x1B, v1;
	v55 =	vld.idx.msk [tilespmem:v57+s7+$0x0], $0xffff;
	[tilespmem:s5+$0x15B80] =	vst v30  }
0x2ce: {  	v62 =	vmul.f32 v49, v49;
	v57 =	vadd.s32 $0x19, v1;
	v56 =	vld.idx.msk [tilespmem:v58+s7+$0x0], $0xffff;
	[tilespmem:s5+$0x15C00] =	vst v31  }
0x2cf: {  	v58 =	vadd.s32 $0x1A, v1;
	v48 =	vld.idx.msk [tilespmem:v59+s7+$0x0], $0xffff;
	[tilespmem:s5+$0x15C80] =	vst v34  }
0x2d0: {  	v63 =	vmul.f32 $-1.237227250e+01, v62;
	v29 =	vld.idx.msk [tilespmem:v60+s7+$0x0], $0xffff;
	v60 =	vadd.s32 $0x1C, v1;
	[tilespmem:s5+$0x15D00] =	vst v35  }
0x2d1: {  	v30 =	vld.idx.msk [tilespmem:v61+s7+$0x0], $0xffff;
	v61 =	vadd.s32 $0x1D, v1;
	[tilespmem:s5+$0x15D80] =	vst v39  }
0x2d2: {  	v25 =	vadd.s32 $0x1F, v1;
	[tilespmem:s5+$0x15E00] =	vst v36;
	v63 =	vadd.f32 $4.126979830e+01, v63;
	v35 =	vld.idx.msk [tilespmem:v0+s7+$0x0], $0xffff  }
0x2d3: {  	[tilespmem:s5+$0x15E80] =	vst v40;
	v0 =	vadd.s32 $0x20, v1;
	v31 =	vld.idx.msk [tilespmem:v57+s7+$0x0], $0xffff  }
0x2d4: {  	[tilespmem:s5+$0x16B00] =	vst v37;
	v63 =	vmul.f32 v63, v62;
	v57 =	vadd.s32 $0x1E, v1;
	v34 =	vld.idx.msk [tilespmem:v58+s7+$0x0], $0xffff  }
0x2d5: {  	[tilespmem:s5+$0x16B80] =	vst v38;
	v39 =	vld.idx.msk [tilespmem:v60+s7+$0x0], $0xffff;
	v60 =	vadd.s32 $0x21, v1  }
0x2d6: {  	[tilespmem:s5+$0x16C00] =	vst v32;
	v36 =	vld.idx.msk [tilespmem:v61+s7+$0x0], $0xffff;
	v61 =	vadd.s32 $0x22, v1;
	v63 =	vadd.f32 $-7.659490200e+01, v63  }
0x2d7: {  	[tilespmem:s5+$0x16C80] =	vst v33;
	v37 =	vld.idx.msk [tilespmem:v25+s7+$0x0], $0xffff;
	v58 =	vadd.s32 $0x24, v1  }
0x2d8: {  	[tilespmem:s5+$0x17B80] =	vst v21;
	v25 =	vmul.f32 $6.575502400e+00, v62;
	v21 =	vmul.f32 v63, v62;
	v63 =	vadd.s32 $0x2D, v1;
	v38 =	vld.idx.msk [tilespmem:v0+s7+$0x0], $0xffff  }
0x2d9: {  	[tilespmem:s5+$0x16D00] =	vst v26;
	v0 =	vadd.s32 $0x25, v1;
	v40 =	vld.idx.msk [tilespmem:v57+s7+$0x0], $0xffff  }
0x2da: {  	[tilespmem:s5+$0x16D80] =	vst v27;
	v59 =	vadd.f32 $-2.600045590e+01, v25;
	v57 =	vadd.s32 $0x23, v1;
	v32 =	vld.idx.msk [tilespmem:v60+s7+$0x0], $0xffff  }
0x2db: {  	[tilespmem:s5+$0x16E00] =	vst v24;
	v60 =	vadd.s32 $0x26, v1;
	v33 =	vld.idx.msk [tilespmem:v61+s7+$0x0], $0xffff  }
0x2dc: {  	[tilespmem:s5+$0x16E80] =	vst v28;
	v59 =	vmul.f32 v59, v62;
	v27 =	vld.idx.msk [tilespmem:v58+s7+$0x0], $0xffff;
	v58 =	vadd.s32 $0x29, v1  }
0x2dd: {  	[tilespmem:s5+$0x17E00] =	vst v7;
	v61 =	vadd.s32 $0x27, v1;
	v7 =	vld.idx.msk [tilespmem:v63+s7+$0x0], $0xffff  }
0x2de: {  	[tilespmem:s5+$0x17B00] =	vst v23;
	v59 =	vadd.f32 $6.017621230e+01, v59;
	v63 =	vadd.s32 $0x32, v1;
	v25 =	vld.idx.msk [tilespmem:v0+s7+$0x0], $0xffff  }
0x2df: {  	[tilespmem:s5+$0x17C00] =	vst v19;
	v0 =	vadd.s32 $0x2A, v1;
	v26 =	vld.idx.msk [tilespmem:v57+s7+$0x0], $0xffff  }
0x2e0: {  	[tilespmem:s5+$0x17C80] =	vst v16;
	v59 =	vmul.f32 v59, v62;
	v28 =	vld.idx.msk [tilespmem:v60+s7+$0x0], $0xffff;
	v60 =	vadd.s32 $0x2B, v1  }
0x2e1: {  	[tilespmem:s5+$0x17D00] =	vst v14;
	v23 =	vld.idx.msk [tilespmem:v58+s7+$0x0], $0xffff;
	v58 =	vadd.s32 $0x2E, v1  }
0x2e2: {  	[tilespmem:s5+$0x17D80] =	vst v11;
	v16 =	vadd.f32 $8.159765630e+01, v21;
	v57 =	vadd.s32 $0x28, v1;
	v24 =	vld.idx.msk [tilespmem:v61+s7+$0x0], $0xffff;
	v21 =	vadd.f32 $-8.545116420e+01, v59  }
0x2e3: {  	[tilespmem:s5+$0x18C80] =	vst v13;
	v61 =	vadd.s32 $0x2C, v1;
	v13 =	vld.idx.msk [tilespmem:v63+s7+$0x0], $0xffff  }
0x2e4: {  	[tilespmem:s5+$0x17E80] =	vst v8;
	v11 =	vmul.f32 v16, v62;
	v59 =	vadd.s32 $0x2F, v1;
	v19 =	vld.idx.msk [tilespmem:v0+s7+$0x0], $0xffff;
	v0 =	vmul.f32 v21, v62  }
0x2e5: {  	[tilespmem:s5+$0x18B00] =	vst v9;
	v14 =	vld.idx.msk [tilespmem:v60+s7+$0x0], $0xffff;
	v60 =	vadd.s32 $0x30, v1  }
0x2e6: {  	[tilespmem:s5+$0x18B80] =	vst v5;
	v8 =	vadd.f32 $-4.134148030e+01, v11;
	v16 =	vld.idx.msk [tilespmem:v58+s7+$0x0], $0xffff;
	v58 =	vadd.s32 $0x33, v1;
	v0 =	vadd.f32 $6.493917080e+01, v0  }
0x2e7: {  	[tilespmem:s5+$0x18C00] =	vst v6;
	v57 =	vld.idx.msk [tilespmem:v57+s7+$0x0], $0xffff  }
0x2e8: {  	[tilespmem:s5+$0x18D00] =	vst v12;
	v5 =	vmul.f32 v8, v62;
	v21 =	vld.idx.msk [tilespmem:v61+s7+$0x0], $0xffff;
	v61 =	vadd.s32 $0x31, v1;
	v8 =	vmul.f32 v0, v62  }
0x2e9: {  	[tilespmem:s5+$0x18D80] =	vst v17;
	v9 =	vld.idx.msk [tilespmem:v59+s7+$0x0], $0xffff;
	v59 =	vadd.s32 $0x34, v1  }
0x2ea: {  	s4 =	sor.u32 s17, s4;
	[tilespmem:s5+$0x18E00] =	vst v20;
	v11 =	vld.idx.msk [tilespmem:v60+s7+$0x0], $0xffff;
	v60 =	vadd.s32 $0x35, v1;
	v8 =	vadd.f32 $-1.973920630e+01, v8  }
0x2eb: {  	s12 =	sadd.s32 $0x11B00, s4;
	[tilespmem:s5+$0x18E80] =	vst v18;
	v0 =	vadd.s32 $0x36, v1;
	v12 =	vld.idx.msk [tilespmem:v58+s7+$0x0], $0xffff  }
0x2ec: {  	v5 =	vadd.f32 $6.283183570e+00, v5;
	v58 =	vadd.s32 $0x38, v1;
	v8 =	vmul.f32 v8, v62;
	v62 =	vld [tilespmem:$0x1FEF0];
	[tilespmem:s12+$0x80] =	vst v46  }
0x2ed: {  	v63 =	vadd.s32 $0x37, v1;
	v6 =	vld.idx.msk [tilespmem:v61+s7+$0x0], $0xffff;
	[tilespmem:s12+$0x100] =	vst v45  }
0x2ee: {  	v5 =	vmul.f32 v5, v49;
	v49 =	vadd.s32 $0x39, v1;
	v17 =	vld.idx.msk [tilespmem:v59+s7+$0x0], $0xffff;
	[tilespmem:s12+$0x180] =	vst v44  }
0x2ef: {  	v59 =	vadd.s32 $0x3A, v1;
	[tilespmem:s12+$0x200] =	vst v43;
	v20 =	vld.idx.msk [tilespmem:v60+s7+$0x0], $0xffff  }
0x2f0: {  	v18 =	vadd.f32 v5, v5;
	v61 =	vadd.s32 $0x3B, v1;
	[tilespmem:s12+$0x280] =	vst v42;
	v8 =	vadd.f32 $1.000000000e+00, v8;
	v60 =	vld.idx.msk [tilespmem:v0+s7+$0x0], $0xffff  }
0x2f1: {  	[tilespmem:s12+$0x300] =	vst v41;
	v46 =	vld.idx.msk [tilespmem:v58+s7+$0x0], $0xffff;
	v0 =	vadd.s32 $0x3D, v1  }
0x2f2: {  	s0 =	sor.u32 s29, s0;
	v58 =	vmul.f32 v8, v18;
	[tilespmem:s5+$0x11B00] =	vst v62;
	v62 =	vld.idx.msk [tilespmem:v63+s7+$0x0], $0xffff;
	v63 =	vadd.s32 $0x3C, v1  }
0x2f3: {  	s0 =	sor.u32 $0x380, s0;
	v45 =	vld.idx.msk [tilespmem:v49+s7+$0x0], $0xffff;
	v49 =	vadd.s32 $0x3E, v1;
	[tilespmem:s4+$0x12B00] =	vst v47  }
0x2f4: {  	[tilespmem:s0+$0x11B00] =	vst v22;
	v44 =	vld.idx.msk [tilespmem:v59+s7+$0x0], $0xffff;
	v1 =	vadd.s32 $0x3F, v1;
	v59 =	vadd.f32 v58, v58  }
0x2f5: {  	[tilespmem:s4+$0x12B80] =	vst v3;
	v43 =	vld.idx.msk [tilespmem:v61+s7+$0x0], $0xffff;
	v18 =	vmul.f32 v18, v5  }
0x2f6: {  	[tilespmem:s4+$0x12C00] =	vst v4;
	v61 =	vmul.f32 v59, v58;
	v0 =	vld.idx.msk [tilespmem:v0+s7+$0x0], $0xffff  }
0x2f7: {  	[tilespmem:s4+$0x12C80] =	vst v10;
	v18 =	vsub.f32 $1.000000000e+00, v18;
	v42 =	vld.idx.msk [tilespmem:v63+s7+$0x0], $0xffff  }
0x2f8: {  	[tilespmem:s4+$0x12D00] =	vst v15;
	v41 =	vsub.f32 $1.000000000e+00, v61;
	v61 =	vld.idx.msk [tilespmem:v49+s7+$0x0], $0xffff  }
0x2f9: {  	v1 =	vld.idx.msk [tilespmem:v1+s7+$0x0], $0xffff;
	[tilespmem:s4+$0x19C80] =	vst v18  }
0x2fa: {  	[tilespmem:s4+$0x19C00] =	vst v58  }
0x2fb: {  	[tilespmem:s4+$0x19B80] =	vst v8  }
0x2fc: {  	v63 =	vmul.f32 v18, v59;
	[tilespmem:s4+$0x19B00] =	vst v5  }
0x2fd: {  	[tilespmem:s4+$0x19D80] =	vst v41  }
0x2fe: {  	[tilespmem:s4+$0x19D00] =	vst v63  }
0x2ff: {  	v3 =	vld [tilespmem:$0x1FE20];
	_ =	sdelay $0x4  }
0x300: {  	[tilespmem:s4+$0x12D80] =	vst v3  }
0x301: {  	v3 =	vld [tilespmem:$0x1FE30];
	[tilespmem:s4+$0x12E80] =	vst v50  }
0x302: {  	[tilespmem:s4+$0x13B00] =	vst v51  }
0x303: {  	[tilespmem:s4+$0x13B80] =	vst v52  }
0x304: {  	[tilespmem:s4+$0x13C00] =	vst v53  }
0x305: {  	[tilespmem:s4+$0x13C80] =	vst v54  }
0x306: {  	[tilespmem:s4+$0x13D00] =	vst v55  }
0x307: {  	[tilespmem:s4+$0x13D80] =	vst v56  }
0x308: {  	[tilespmem:s4+$0x13E00] =	vst v48  }
0x309: {  	[tilespmem:s4+$0x13E80] =	vst v29  }
0x30a: {  	[tilespmem:s4+$0x14B00] =	vst v30  }
0x30b: {  	[tilespmem:s4+$0x14B80] =	vst v31  }
0x30c: {  	[tilespmem:s4+$0x14C00] =	vst v34  }
0x30d: {  	[tilespmem:s4+$0x14C80] =	vst v35  }
0x30e: {  	[tilespmem:s4+$0x14D00] =	vst v39  }
0x30f: {  	[tilespmem:s4+$0x14D80] =	vst v36  }
0x310: {  	[tilespmem:s4+$0x14E00] =	vst v40  }
0x311: {  	[tilespmem:s4+$0x14E80] =	vst v37  }
0x312: {  	[tilespmem:s4+$0x15B00] =	vst v38  }
0x313: {  	[tilespmem:s4+$0x15B80] =	vst v32  }
0x314: {  	[tilespmem:s4+$0x15C00] =	vst v33  }
0x315: {  	[tilespmem:s4+$0x15C80] =	vst v26  }
0x316: {  	[tilespmem:s4+$0x15D00] =	vst v27  }
0x317: {  	[tilespmem:s4+$0x15D80] =	vst v25  }
0x318: {  	[tilespmem:s4+$0x15E00] =	vst v28  }
0x319: {  	[tilespmem:s4+$0x15E80] =	vst v24  }
0x31a: {  	[tilespmem:s4+$0x16B00] =	vst v57  }
0x31b: {  	[tilespmem:s4+$0x16B80] =	vst v23  }
0x31c: {  	[tilespmem:s4+$0x16C00] =	vst v19  }
0x31d: {  	[tilespmem:s4+$0x16C80] =	vst v14  }
0x31e: {  	[tilespmem:s4+$0x16D00] =	vst v21  }
0x31f: {  	[tilespmem:s4+$0x16D80] =	vst v7  }
0x320: {  	[tilespmem:s4+$0x16E00] =	vst v16  }
0x321: {  	[tilespmem:s4+$0x16E80] =	vst v9  }
0x322: {  	[tilespmem:s4+$0x17B00] =	vst v11  }
0x323: {  	[tilespmem:s4+$0x17B80] =	vst v6  }
0x324: {  	[tilespmem:s4+$0x17C00] =	vst v13  }
0x325: {  	[tilespmem:s4+$0x17C80] =	vst v12  }
0x326: {  	[tilespmem:s4+$0x17D00] =	vst v17  }
0x327: {  	[tilespmem:s4+$0x17D80] =	vst v20  }
0x328: {  	[tilespmem:s4+$0x17E00] =	vst v60  }
0x329: {  	[tilespmem:s4+$0x17E80] =	vst v62  }
0x32a: {  	[tilespmem:s4+$0x18B00] =	vst v46  }
0x32b: {  	[tilespmem:s4+$0x18B80] =	vst v45  }
0x32c: {  	[tilespmem:s4+$0x18C00] =	vst v44  }
0x32d: {  	[tilespmem:s4+$0x18C80] =	vst v43  }
0x32e: {  	[tilespmem:s4+$0x18D00] =	vst v42  }
0x32f: {  	[tilespmem:s4+$0x18D80] =	vst v0  }
0x330: {  	[tilespmem:s4+$0x18E00] =	vst v61  }
0x331: {  	s17 =	sadd.s32 s15, s8;
	[tilespmem:s4+$0x18E80] =	vst v1  }
0x332: {  	s0 =	sshrl.u32 s17, $0x3;
	[tilespmem:s4+$0x11B00] =	vst v2  }
0x333: {  	s29 =	simm.s32 $0x11B00;
	s0 =	sadd.s32 s6, s0;
	[tilespmem:s4+$0x12E00] =	vst v3  }
0x334: {  	[hbm4b:s0+s30] =	stream.strided.scatter [tilespmem:s29], [sflag:$0x4], $0x400, s31, s30, $0x38;
	[tilespmem:$0x1AB00] =	vst v63  }
0x335: {  	s8 =	simm.s32 $0x11F00;
	s5 =	sadd.s32 $0x80, s0  }
0x336: {  	[hbm4b:s5+s30] =	stream.strided.scatter [tilespmem:s8], [sflag:$0x4], $0x400, s31, s30, $0x38;
	[tilespmem:$0x1AB00] =	vst v63  }
0x337: {  	s10 =	simm.s32 $0x12300;
	s9 =	sadd.s32 $0x100, s0  }
0x338: {  	[hbm4b:s9+s30] =	stream.strided.scatter [tilespmem:s10], [sflag:$0x4], $0x400, s31, s30, $0x38;
	[tilespmem:$0x1AB00] =	vst v63  }
0x339: {  	s12 =	simm.s32 $0x12700;
	s11 =	sadd.s32 $0x180, s0  }
0x33a: {  	[hbm4b:s11+s30] =	stream.strided.scatter [tilespmem:s12], [sflag:$0x4], $0x400, s31, s30, $0x38;
	[tilespmem:$0x1AB00] =	vst v63  }
0x33b: {  	s17 =	sadd.s32 $0x320000, s0;
	s29 =	simm.s32 $0x12B00  }
0x33c: {  	[hbm4b:s17+s30] =	stream.strided.scatter [tilespmem:s29], [sflag:$0x4], $0x400, s31, s30, $0x38;
	[tilespmem:$0x1AB00] =	vst v63  }
0x33d: {  	s8 =	sadd.s32 $0x80, s17;
	s9 =	simm.s32 $0x12F00  }
0x33e: {  	[hbm4b:s8+s30] =	stream.strided.scatter [tilespmem:s9], [sflag:$0x4], $0x400, s31, s30, $0x38;
	[tilespmem:$0x1AB00] =	vst v63  }
0x33f: {  	s10 =	sadd.s32 $0x100, s17;
	s11 =	simm.s32 $0x13300  }
0x340: {  	[hbm4b:s10+s30] =	stream.strided.scatter [tilespmem:s11], [sflag:$0x4], $0x400, s31, s30, $0x38;
	[tilespmem:$0x1AB00] =	vst v63  }
0x341: {  	s4 =	sadd.s32 $0x180, s17;
	s12 =	simm.s32 $0x13700  }
0x342: {  	[hbm4b:s4+s30] =	stream.strided.scatter [tilespmem:s12], [sflag:$0x4], $0x400, s31, s30, $0x38;
	[tilespmem:$0x1AB00] =	vst v63  }
0x343: {  	s17 =	sadd.s32 $0x640000, s0;
	s29 =	simm.s32 $0x13B00  }
0x344: {  	[hbm4b:s17+s30] =	stream.strided.scatter [tilespmem:s29], [sflag:$0x4], $0x400, s31, s30, $0x38;
	[tilespmem:$0x1AB00] =	vst v63  }
0x345: {  	s8 =	sadd.s32 $0x80, s17;
	s9 =	simm.s32 $0x13F00  }
0x346: {  	[hbm4b:s8+s30] =	stream.strided.scatter [tilespmem:s9], [sflag:$0x4], $0x400, s31, s30, $0x38;
	[tilespmem:$0x1AB00] =	vst v63  }
0x347: {  	s10 =	sadd.s32 $0x100, s17;
	s11 =	simm.s32 $0x14300  }
0x348: {  	[hbm4b:s10+s30] =	stream.strided.scatter [tilespmem:s11], [sflag:$0x4], $0x400, s31, s30, $0x38;
	[tilespmem:$0x1AB00] =	vst v63  }
0x349: {  	s4 =	sadd.s32 $0x180, s17;
	s12 =	simm.s32 $0x14700  }
0x34a: {  	[hbm4b:s4+s30] =	stream.strided.scatter [tilespmem:s12], [sflag:$0x4], $0x400, s31, s30, $0x38;
	[tilespmem:$0x1AB00] =	vst v63  }
0x34b: {  	s17 =	sadd.s32 $0x960000, s0;
	s29 =	simm.s32 $0x14B00  }
0x34c: {  	[hbm4b:s17+s30] =	stream.strided.scatter [tilespmem:s29], [sflag:$0x4], $0x400, s31, s30, $0x38;
	[tilespmem:$0x1AB00] =	vst v63  }
0x34d: {  	s8 =	sadd.s32 $0x80, s17;
	s9 =	simm.s32 $0x14F00  }
0x34e: {  	[hbm4b:s8+s30] =	stream.strided.scatter [tilespmem:s9], [sflag:$0x4], $0x400, s31, s30, $0x38;
	[tilespmem:$0x1AB00] =	vst v63  }
0x34f: {  	s10 =	sadd.s32 $0x100, s17;
	s11 =	simm.s32 $0x15300  }
0x350: {  	[hbm4b:s10+s30] =	stream.strided.scatter [tilespmem:s11], [sflag:$0x4], $0x400, s31, s30, $0x38;
	[tilespmem:$0x1AB00] =	vst v63  }
0x351: {  	s4 =	sadd.s32 $0x180, s17;
	s12 =	simm.s32 $0x15700  }
0x352: {  	[hbm4b:s4+s30] =	stream.strided.scatter [tilespmem:s12], [sflag:$0x4], $0x400, s31, s30, $0x38;
	[tilespmem:$0x1AB00] =	vst v63  }
0x353: {  	s17 =	sadd.s32 $0xC80000, s0;
	s29 =	simm.s32 $0x15B00  }
0x354: {  	[hbm4b:s17+s30] =	stream.strided.scatter [tilespmem:s29], [sflag:$0x4], $0x400, s31, s30, $0x38;
	[tilespmem:$0x1AB00] =	vst v63  }
0x355: {  	s8 =	sadd.s32 $0x80, s17;
	s9 =	simm.s32 $0x15F00  }
0x356: {  	[hbm4b:s8+s30] =	stream.strided.scatter [tilespmem:s9], [sflag:$0x4], $0x400, s31, s30, $0x38;
	[tilespmem:$0x1AB00] =	vst v63  }
0x357: {  	s10 =	sadd.s32 $0x100, s17;
	s11 =	simm.s32 $0x16300  }
0x358: {  	[hbm4b:s10+s30] =	stream.strided.scatter [tilespmem:s11], [sflag:$0x4], $0x400, s31, s30, $0x38;
	[tilespmem:$0x1AB00] =	vst v63  }
0x359: {  	s4 =	sadd.s32 $0x180, s17;
	s12 =	simm.s32 $0x16700  }
0x35a: {  	[hbm4b:s4+s30] =	stream.strided.scatter [tilespmem:s12], [sflag:$0x4], $0x400, s31, s30, $0x38;
	[tilespmem:$0x1AB00] =	vst v63  }
0x35b: {  	s17 =	sadd.s32 $0xFA0000, s0;
	s29 =	simm.s32 $0x16B00  }
0x35c: {  	[hbm4b:s17+s30] =	stream.strided.scatter [tilespmem:s29], [sflag:$0x4], $0x400, s31, s30, $0x38;
	[tilespmem:$0x1AB00] =	vst v63  }
0x35d: {  	s8 =	sadd.s32 $0x80, s17;
	s9 =	simm.s32 $0x16F00  }
0x35e: {  	[hbm4b:s8+s30] =	stream.strided.scatter [tilespmem:s9], [sflag:$0x4], $0x400, s31, s30, $0x38;
	[tilespmem:$0x1AB00] =	vst v63  }
0x35f: {  	s10 =	sadd.s32 $0x100, s17;
	s11 =	simm.s32 $0x17300  }
0x360: {  	[hbm4b:s10+s30] =	stream.strided.scatter [tilespmem:s11], [sflag:$0x4], $0x400, s31, s30, $0x38;
	[tilespmem:$0x1AB00] =	vst v63  }
0x361: {  	s4 =	sadd.s32 $0x180, s17;
	s12 =	simm.s32 $0x17700  }
0x362: {  	[hbm4b:s4+s30] =	stream.strided.scatter [tilespmem:s12], [sflag:$0x4], $0x400, s31, s30, $0x38;
	[tilespmem:$0x1AB00] =	vst v63  }
0x363: {  	s17 =	sadd.s32 $0x12C0000, s0;
	s29 =	simm.s32 $0x17B00  }
0x364: {  	[hbm4b:s17+s30] =	stream.strided.scatter [tilespmem:s29], [sflag:$0x4], $0x400, s31, s30, $0x38;
	[tilespmem:$0x1AB00] =	vst v63  }
0x365: {  	s8 =	sadd.s32 $0x80, s17  }
0x366: {  	[hbm4b:s8+s30] =	stream.strided.scatter [tilespmem:s13], [sflag:$0x4], $0x400, s31, s30, $0x38;
	[tilespmem:$0x1AB00] =	vst v63  }
0x367: {  	s9 =	sadd.s32 $0x100, s17  }
0x368: {  	[hbm4b:s9+s30] =	stream.strided.scatter [tilespmem:s14], [sflag:$0x4], $0x400, s31, s30, $0x38;
	[tilespmem:$0x1AB00] =	vst v63  }
0x369: {  	s4 =	sadd.s32 $0x180, s17  }
0x36a: {  	[hbm4b:s4+s30] =	stream.strided.scatter [tilespmem:s20], [sflag:$0x4], $0x400, s31, s30, $0x38;
	[tilespmem:$0x1AB00] =	vst v63  }
0x36b: {  	s10 =	sadd.s32 $0x15E0000, s0  }
0x36c: {  	[hbm4b:s10+s30] =	stream.strided.scatter [tilespmem:s21], [sflag:$0x4], $0x400, s31, s30, $0x38;
	[tilespmem:$0x1AB00] =	vst v63  }
0x36d: {  	s11 =	sadd.s32 $0x80, s10  }
0x36e: {  	[hbm4b:s11+s30] =	stream.strided.scatter [tilespmem:s25], [sflag:$0x4], $0x400, s31, s30, $0x38;
	[tilespmem:$0x1AB00] =	vst v63  }
0x36f: {  	s12 =	sadd.s32 $0x100, s10  }
0x370: {  	[hbm4b:s12+s30] =	stream.strided.scatter [tilespmem:s26], [sflag:$0x4], $0x400, s31, s30, $0x38;
	[tilespmem:$0x1AB00] =	vst v63  }
0x371: {  	s4 =	sadd.s32 $0x180, s10  }
0x372: {  	[hbm4b:s4+s30] =	stream.strided.scatter [tilespmem:s28], [sflag:$0x4], $0x400, s31, s30, $0x38;
	[tilespmem:$0x1AB00] =	vst v63  }
0x373: {  	s19 =	sadd.s32 $0x1, s19;
	s0 =	sadd.s32 $0x1900000, s0  }
0x374: {  	[hbm4b:s0+s30] =	stream.strided.scatter [tilespmem:s22], [sflag:$0x4], $0x300, s31, s30, $0x38;
	[tilespmem:$0x1AB00] =	vst v63  }
0x375: {  	p0 =	sne.s32 s19, $0x4;
	s17 =	sadd.s32 $0x80, s0  }
0x376: {  	[hbm4b:s17+s30] =	stream.strided.scatter [tilespmem:s23], [sflag:$0x4], $0x300, s31, s30, $0x38;
	[tilespmem:$0x1AB00] =	vst v63  }
.Ltmp2:
0x377: {  	_ = 	snop;
	(pc) =	sbr.rel @p0 .LBB2_3-.Ltmp2, $4  }
0x378: {  	s29 =	sadd.s32 $0x100, s0  }
0x379: {  	[hbm4b:s29+s30] =	stream.strided.scatter [tilespmem:s24], [sflag:$0x4], $0x300, s31, s30, $0x38;
	[tilespmem:$0x1AB00] =	vst v63  }
0x37a: {  	s0 =	sadd.s32 $0x180, s0  }
0x37b: {  	[hbm4b:s0+s30] =	stream.strided.scatter [tilespmem:s16], [sflag:$0x4], $0x300, s31, s30, $0x38;
	[tilespmem:$0x1AB00] =	vst v63  }
0x37c: {  	s0 =	rddreg [dreg:$0xd]  }
0x37d: {  	s4 =	rddreg [dreg:$0x14]  }
0x37e: {  	s0 =	sadd.s32 s0, s4  }
0x37f: {  	s10 =	rddreg [dreg:$0x0];
	s18 =	simm.s32 $0x0;
	s0 =	sshrl.u32 s0, $0x3  }
0x380: {  	s5 =	simm.s32 $0x2B00;
	s11 =	rddreg [dreg:$0x1];
	s4 =	sadd.s32 s10, s0  }
0x381: {  	[tilespmem:s5], [sflag:$0x1] =	stream.linear.gather [hbm4b:s4+s18], $0x1000, $0x38;
	[tilespmem:$0x1AB00] =	vst v63  }
0x382: {  	s12 =	simm.s32 $0x3B00;
	s17 =	rddreg [dreg:$0x2];
	s4 =	sadd.s32 s11, s0  }
0x383: {  	[tilespmem:s12], [sflag:$0x1] =	stream.linear.gather [hbm4b:s4+s18], $0x1000, $0x38;
	[tilespmem:$0x1AB00] =	vst v63  }
0x384: {  	s19 =	simm.s32 $0x4B00;
	s29 =	simm.s32 $0x2;
	s0 =	sadd.s32 s17, s0  }
0x385: {  	[tilespmem:s19], [sflag:$0x1] =	stream.linear.gather [hbm4b:s0+s18], $0x1000, $0x38;
	[tilespmem:$0x1AB00] =	vst v63  }
0x386: {  	_ =	swait.ge [sflag:s29], $0x1000  }
0x387: {  	[sflag:s29] =	ssyncset.done $0x0  }
0x388: {  	[sflag:s29] =	ssyncadd.s32 $0xFFFFF000  }
0x389: {  	_ =	swait.ge [sflag:s29], $0x1000  }
0x38a: {  	[sflag:s29] =	ssyncset.done $0x0  }
0x38b: {  	[sflag:s29] =	ssyncadd.s32 $0xFFFFF000  }
0x38c: {  	_ =	swait.ge [sflag:s29], $0x1000  }
0x38d: {  	[sflag:s29] =	ssyncset.done $0x0  }
0x38e: {  	s19 =	simm.s32 $0x0;
	[sflag:s29] =	ssyncadd.s32 $0xFFFFF000  }
.LBB2_9:
0x38f: {  	_ =	swait.ge [sflag:s1], $0x8C00;
	s8 =	sshll.u32 s19, $0x8;
	s4 =	sand.u32 $0xC00, s18  }
0x390: {  	s9 =	sand.u32 $0x70, s18;
	[sflag:s1] =	ssyncset.done $0x0;
	s0 =	sadd.s32 s8, s4  }
0x391: {  	[sflag:s1] =	ssyncadd.s32 $0xFFFF7400;
	s0 =	sor.u32 s9, s0  }
0x392: {  	v0 =	vld [tilespmem:s0+$0x5B00];
	_ =	sdelay $0x1  }
0x393: {  	v1 =	vld [tilespmem:s0+$0x6B00];
	_ =	sdelay $0x2  }
0x394: {  	v0 =	vmul.u32 $0x7, v0;
	_ =	sdelay $0x1  }
0x395: {  	v0 =	vadd.s32 v1, v0  }
0x396: {  	v2 =	vmul.u32 $0x41, v0;
	_ =	sdelay $0x1  }
0x397: {  	v0 =	vadd.s32 $0x1, v2;
	_ =	sdelay $0x4  }
0x398: {  	v43 =	vld.idx.msk [tilespmem:v0+s7+$0x0], $0xffff;
	v0 =	vadd.s32 $0x6, v2;
	_ =	sdelay $0x1  }
0x399: {  	v4 =	vadd.s32 $0x3, v2  }
0x39a: {  	v5 =	vadd.s32 $0x4, v2  }
0x39b: {  	v7 =	vadd.s32 $0x5, v2  }
0x39c: {  	v58 =	vld.idx.msk [tilespmem:v0+s7+$0x0], $0xffff;
	v0 =	vadd.s32 $0xB, v2  }
0x39d: {  	v6 =	vld [tilespmem:s0+$0x7B00];
	v9 =	vadd.s32 $0x7, v2  }
0x39e: {  	v52 =	vld.idx.msk [tilespmem:v4+s7+$0x0], $0xffff;
	v4 =	vadd.s32 $0x8, v2  }
0x39f: {  	v53 =	vld.idx.msk [tilespmem:v5+s7+$0x0], $0xffff;
	v5 =	vadd.s32 $0x9, v2  }
0x3a0: {  	v57 =	vld.idx.msk [tilespmem:v7+s7+$0x0], $0xffff;
	v7 =	vadd.s32 $0xA, v2  }
0x3a1: {  	v61 =	vld.idx.msk [tilespmem:v0+s7+$0x0], $0xffff;
	v0 =	vadd.s32 $0x10, v2  }
0x3a2: {  	v23 =	vld.idx.msk [tilespmem:v9+s7+$0x0], $0xffff;
	v9 =	vadd.s32 $0xC, v2  }
0x3a3: {  	v3 =	vadd.s32 $0x2, v2;
	v37 =	vld.idx.msk [tilespmem:v4+s7+$0x0], $0xffff  }
0x3a4: {  	v4 =	vadd.s32 $0xD, v2;
	v62 =	vld.idx.msk [tilespmem:v5+s7+$0x0], $0xffff  }
0x3a5: {  	v5 =	vadd.s32 $0xE, v2;
	v60 =	vld.idx.msk [tilespmem:v7+s7+$0x0], $0xffff  }
0x3a6: {  	v7 =	vadd.s32 $0xF, v2;
	v0 =	vld.idx.msk [tilespmem:v0+s7+$0x0], $0xffff  }
0x3a7: {  	v59 =	vld.idx.msk [tilespmem:v9+s7+$0x0], $0xffff;
	v9 =	vadd.s32 $0x11, v2  }
0x3a8: {  	v46 =	vld.idx.msk [tilespmem:v3+s7+$0x0], $0xffff  }
0x3a9: {  	v56 =	vld.idx.msk [tilespmem:v4+s7+$0x0], $0xffff  }
0x3aa: {  	v54 =	vld.idx.msk [tilespmem:v5+s7+$0x0], $0xffff  }
0x3ab: {  	v55 =	vld.idx.msk [tilespmem:v7+s7+$0x0], $0xffff;
	[tilespmem:$0x1FDB0] =	vst v0  }
0x3ac: {  	v1 =	vld.idx.msk [tilespmem:v9+s7+$0x0], $0xffff  }
0x3ad: {  	v4 =	vadd.s32 $0x12, v2;
	_ =	sdelay $0x3  }
0x3ae: {  	[tilespmem:$0x1FDC0] =	vst v1  }
0x3af: {  	v1 =	vld.idx.msk [tilespmem:v4+s7+$0x0], $0xffff  }
0x3b0: {  	v5 =	vadd.s32 $0x13, v2;
	_ =	sdelay $0x3  }
0x3b1: {  	[tilespmem:$0x1FDD0] =	vst v1  }
0x3b2: {  	v1 =	vld.idx.msk [tilespmem:v5+s7+$0x0], $0xffff  }
0x3b3: {  	v7 =	vadd.s32 $0x14, v2;
	_ =	sdelay $0x3  }
0x3b4: {  	[tilespmem:$0x1FDE0] =	vst v1  }
0x3b5: {  	v1 =	vld.idx.msk [tilespmem:v7+s7+$0x0], $0xffff  }
0x3b6: {  	v0 =	vadd.s32 $0x15, v2;
	_ =	sdelay $0x3  }
0x3b7: {  	[tilespmem:$0x1FDF0] =	vst v1  }
0x3b8: {  	v0 =	vld.idx.msk [tilespmem:v0+s7+$0x0], $0xffff  }
0x3b9: {  	v9 =	vadd.s32 $0x16, v2;
	_ =	sdelay $0x3  }
0x3ba: {  	[tilespmem:$0x1FE00] =	vst v0  }
0x3bb: {  	v1 =	vld.idx.msk [tilespmem:v9+s7+$0x0], $0xffff  }
0x3bc: {  	v4 =	vadd.s32 $0x17, v2  }
0x3bd: {  	v0 =	vadd.s32 $0x1A, v2  }
0x3be: {  	v5 =	vadd.s32 $0x18, v2  }
0x3bf: {  	v7 =	vadd.s32 $0x19, v2  }
0x3c0: {  	v11 =	vadd.f32 $5.000000000e-01, v6;
	v9 =	vadd.s32 $0x1B, v2;
	[tilespmem:$0x1FE10] =	vst v1  }
0x3c1: {  	v63 =	vld.idx.msk [tilespmem:v4+s7+$0x0], $0xffff;
	v4 =	vadd.s32 $0x1C, v2  }
0x3c2: {  	v11 =	vtrunc.f32 v11;
	v49 =	vld.idx.msk [tilespmem:v0+s7+$0x0], $0xffff;
	v0 =	vadd.s32 $0x1F, v2  }
0x3c3: {  	v11 =	vcvt.f32.s32 v11;
	v50 =	vld.idx.msk [tilespmem:v5+s7+$0x0], $0xffff;
	v5 =	vadd.s32 $0x1D, v2  }
0x3c4: {  	v51 =	vld.idx.msk [tilespmem:v7+s7+$0x0], $0xffff;
	v7 =	vadd.s32 $0x1E, v2  }
0x3c5: {  	v11 =	vcvt.s32.f32 v11;
	v47 =	vld.idx.msk [tilespmem:v9+s7+$0x0], $0xffff;
	v9 =	vadd.s32 $0x20, v2  }
0x3c6: {  	v48 =	vld.idx.msk [tilespmem:v4+s7+$0x0], $0xffff;
	v4 =	vadd.s32 $0x21, v2  }
0x3c7: {  	v6 =	vsub.f32 v6, v11;
	v38 =	vld.idx.msk [tilespmem:v0+s7+$0x0], $0xffff;
	v0 =	vadd.s32 $0x24, v2  }
0x3c8: {  	v44 =	vld.idx.msk [tilespmem:v5+s7+$0x0], $0xffff;
	v5 =	vadd.s32 $0x22, v2  }
0x3c9: {  	v11 =	vmul.f32 v6, v6;
	v45 =	vld.idx.msk [tilespmem:v7+s7+$0x0], $0xffff;
	v7 =	vadd.s32 $0x23, v2  }
0x3ca: {  	v42 =	vld.idx.msk [tilespmem:v9+s7+$0x0], $0xffff;
	v9 =	vadd.s32 $0x25, v2  }
0x3cb: {  	v13 =	vmul.f32 $-1.237227250e+01, v11;
	v15 =	vmul.f32 $6.575502400e+00, v11;
	v39 =	vld.idx.msk [tilespmem:v4+s7+$0x0], $0xffff;
	v4 =	vadd.s32 $0x26, v2  }
0x3cc: {  	v36 =	vld.idx.msk [tilespmem:v0+s7+$0x0], $0xffff;
	v0 =	vadd.s32 $0x29, v2  }
0x3cd: {  	v13 =	vadd.f32 $4.126979830e+01, v13;
	v15 =	vadd.f32 $-2.600045590e+01, v15;
	v40 =	vld.idx.msk [tilespmem:v5+s7+$0x0], $0xffff;
	v5 =	vadd.s32 $0x27, v2  }
0x3ce: {  	v35 =	vld.idx.msk [tilespmem:v7+s7+$0x0], $0xffff;
	v7 =	vadd.s32 $0x28, v2  }
0x3cf: {  	v13 =	vmul.f32 v13, v11;
	v15 =	vmul.f32 v15, v11;
	v33 =	vld.idx.msk [tilespmem:v9+s7+$0x0], $0xffff;
	v9 =	vadd.s32 $0x2A, v2  }
0x3d0: {  	v34 =	vld.idx.msk [tilespmem:v4+s7+$0x0], $0xffff;
	v4 =	vadd.s32 $0x2B, v2  }
0x3d1: {  	v13 =	vadd.f32 $-7.659490200e+01, v13;
	v15 =	vadd.f32 $6.017621230e+01, v15;
	v30 =	vld.idx.msk [tilespmem:v0+s7+$0x0], $0xffff;
	v0 =	vadd.s32 $0x2E, v2  }
0x3d2: {  	v31 =	vld.idx.msk [tilespmem:v5+s7+$0x0], $0xffff;
	v5 =	vadd.s32 $0x2C, v2  }
0x3d3: {  	v13 =	vmul.f32 v13, v11;
	v15 =	vmul.f32 v15, v11;
	v32 =	vld.idx.msk [tilespmem:v7+s7+$0x0], $0xffff;
	v7 =	vadd.s32 $0x2D, v2  }
0x3d4: {  	v29 =	vld.idx.msk [tilespmem:v9+s7+$0x0], $0xffff;
	v9 =	vadd.s32 $0x2F, v2  }
0x3d5: {  	v13 =	vadd.f32 $8.159765630e+01, v13;
	v15 =	vadd.f32 $-8.545116420e+01, v15;
	v28 =	vld.idx.msk [tilespmem:v4+s7+$0x0], $0xffff;
	v4 =	vadd.s32 $0x30, v2  }
0x3d6: {  	v25 =	vld.idx.msk [tilespmem:v0+s7+$0x0], $0xffff;
	v0 =	vadd.s32 $0x33, v2  }
0x3d7: {  	v13 =	vmul.f32 v13, v11;
	v15 =	vmul.f32 v15, v11;
	v27 =	vld.idx.msk [tilespmem:v5+s7+$0x0], $0xffff;
	v5 =	vadd.s32 $0x31, v2  }
0x3d8: {  	v26 =	vld.idx.msk [tilespmem:v7+s7+$0x0], $0xffff;
	v7 =	vadd.s32 $0x32, v2  }
0x3d9: {  	v13 =	vadd.f32 $-4.134148030e+01, v13;
	v15 =	vadd.f32 $6.493917080e+01, v15;
	v24 =	vld.idx.msk [tilespmem:v9+s7+$0x0], $0xffff;
	v9 =	vadd.s32 $0x34, v2  }
0x3da: {  	v22 =	vld.idx.msk [tilespmem:v4+s7+$0x0], $0xffff;
	v4 =	vadd.s32 $0x35, v2  }
0x3db: {  	v13 =	vmul.f32 v13, v11;
	v15 =	vmul.f32 v15, v11;
	v18 =	vld.idx.msk [tilespmem:v0+s7+$0x0], $0xffff;
	v0 =	vadd.s32 $0x38, v2  }
0x3dc: {  	v21 =	vld.idx.msk [tilespmem:v5+s7+$0x0], $0xffff  }
0x3dd: {  	v13 =	vadd.f32 $6.283183570e+00, v13;
	v15 =	vadd.f32 $-1.973920630e+01, v15;
	v20 =	vld.idx.msk [tilespmem:v7+s7+$0x0], $0xffff  }
0x3de: {  	v5 =	vadd.s32 $0x36, v2;
	v17 =	vld.idx.msk [tilespmem:v9+s7+$0x0], $0xffff  }
0x3df: {  	v41 =	vmul.f32 v13, v6;
	v6 =	vmul.f32 v15, v11;
	v7 =	vadd.s32 $0x37, v2;
	v15 =	vld.idx.msk [tilespmem:v4+s7+$0x0], $0xffff  }
0x3e0: {  	v9 =	vadd.s32 $0x39, v2;
	v11 =	vld.idx.msk [tilespmem:v0+s7+$0x0], $0xffff  }
0x3e1: {  	v4 =	vadd.s32 $0x3A, v2;
	v0 =	vld.idx.msk [tilespmem:v2+s7+$0x0], $0xffff  }
0x3e2: {  	v8 =	vadd.s32 $0x3C, v2  }
0x3e3: {  	v16 =	vld.idx.msk [tilespmem:v5+s7+$0x0], $0xffff  }
0x3e4: {  	v13 =	vld.idx.msk [tilespmem:v7+s7+$0x0], $0xffff  }
0x3e5: {  	v5 =	vld.idx.msk [tilespmem:v9+s7+$0x0], $0xffff  }
0x3e6: {  	v4 =	vld.idx.msk [tilespmem:v4+s7+$0x0], $0xffff;
	[tilespmem:$0x1FD90] =	vst v0  }
0x3e7: {  	v10 =	vadd.s32 $0x3B, v2;
	v0 =	vld.idx.msk [tilespmem:v8+s7+$0x0], $0xffff;
	_ =	sdelay $0x2  }
0x3e8: {  	v14 =	vadd.f32 $1.000000000e+00, v6;
	v6 =	vadd.f32 v41, v41  }
0x3e9: {  	s10 =	sor.u32 s18, s18  }
0x3ea: {  	s10 =	sor.u32 $0x380, s10;
	v3 =	vmul.f32 v14, v6;
	v7 =	vmul.f32 v6, v41;
	v6 =	vld.idx.msk [tilespmem:v10+s7+$0x0], $0xffff;
	[tilespmem:$0x1FDA0] =	vst v0  }
0x3eb: {  	s4 =	sor.u32 s9, s4;
	[tilespmem:s10+$0x8B00] =	vst v23  }
0x3ec: {  	[tilespmem:s4+$0x8B80] =	vst v43  }
0x3ed: {  	[tilespmem:s4+$0x8C00] =	vst v46  }
0x3ee: {  	[tilespmem:s4+$0x8C80] =	vst v52  }
0x3ef: {  	[tilespmem:s4+$0x8D00] =	vst v53  }
0x3f0: {  	[tilespmem:s4+$0x8D80] =	vst v57  }
0x3f1: {  	[tilespmem:s4+$0x8E00] =	vst v58  }
0x3f2: {  	[tilespmem:s4+$0x9B00] =	vst v37  }
0x3f3: {  	v9 =	vadd.s32 $0x3D, v2;
	[tilespmem:s4+$0x9B80] =	vst v62  }
0x3f4: {  	v12 =	vadd.s32 $0x3E, v2;
	v1 =	vadd.f32 v3, v3;
	[tilespmem:s4+$0x9C00] =	vst v60  }
0x3f5: {  	v19 =	vadd.s32 $0x3F, v2;
	[tilespmem:s4+$0x9C80] =	vst v61  }
0x3f6: {  	v8 =	vmul.f32 v1, v3;
	[tilespmem:s4+$0x9D00] =	vst v59  }
0x3f7: {  	v10 =	vsub.f32 $1.000000000e+00, v7;
	[tilespmem:s4+$0x9D80] =	vst v56  }
0x3f8: {  	v8 =	vsub.f32 $1.000000000e+00, v8;
	v7 =	vld.idx.msk [tilespmem:v9+s7+$0x0], $0xffff;
	[tilespmem:s4+$0x9E00] =	vst v54  }
0x3f9: {  	v1 =	vmul.f32 v10, v1;
	v9 =	vld.idx.msk [tilespmem:v12+s7+$0x0], $0xffff;
	[tilespmem:s4+$0x9E80] =	vst v55  }
0x3fa: {  	v12 =	vld.idx.msk [tilespmem:v19+s7+$0x0], $0xffff;
	[tilespmem:s4+$0x10D80] =	vst v8  }
0x3fb: {  	[tilespmem:s4+$0x10D00] =	vst v1  }
0x3fc: {  	[tilespmem:s4+$0x10C80] =	vst v10  }
0x3fd: {  	[tilespmem:s4+$0x10C00] =	vst v3  }
0x3fe: {  	[tilespmem:s4+$0x10B80] =	vst v14  }
0x3ff: {  	[tilespmem:s4+$0x10B00] =	vst v41  }
0x400: {  	v0 =	vld [tilespmem:$0x1FDB0];
	_ =	sdelay $0x4  }
0x401: {  	[tilespmem:s4+$0xAB00] =	vst v0  }
0x402: {  	v0 =	vld [tilespmem:$0x1FDC0];
	_ =	sdelay $0x2  }
0x403: {  	s29 =	simm.s32 $0x80  }
0x404: {  	s5 =	simm.s32 $0x10;
	s0 =	sand.u32 $0xC00, s29  }
0x405: {  	s17 =	sand.u32 $0x70, s5;
	s11 =	sadd.s32 s8, s0;
	[tilespmem:s4+$0xAB80] =	vst v0  }
0x406: {  	s12 =	sor.u32 s17, s11;
	v0 =	vld [tilespmem:$0x1FDD0]  }
0x407: {  	v1 =	vld [tilespmem:s12+$0x5B00];
	_ =	sdelay $0x1  }
0x408: {  	v3 =	vld [tilespmem:s12+$0x6B00];
	_ =	sdelay $0x1  }
0x409: {  	[tilespmem:s4+$0xAC00] =	vst v0  }
0x40a: {  	v1 =	vmul.u32 $0x7, v1;
	v0 =	vld [tilespmem:$0x1FDE0];
	_ =	sdelay $0x1  }
0x40b: {  	v1 =	vadd.s32 v3, v1  }
0x40c: {  	v41 =	vmul.u32 $0x41, v1;
	_ =	sdelay $0x1  }
0x40d: {  	v3 =	vadd.s32 $0x1, v41;
	[tilespmem:s4+$0xAC80] =	vst v0  }
0x40e: {  	v8 =	vadd.s32 $0x2, v41;
	v0 =	vld [tilespmem:$0x1FDF0];
	_ =	sdelay $0x1  }
0x40f: {  	v57 =	vld [tilespmem:s12+$0x7B00];
	v10 =	vadd.s32 $0x3, v41  }
0x410: {  	v14 =	vadd.s32 $0x4, v41;
	v1 =	vld.idx.msk [tilespmem:v41+s7+$0x0], $0xffff  }
0x411: {  	v19 =	vadd.s32 $0x5, v41;
	v3 =	vld.idx.msk [tilespmem:v3+s7+$0x0], $0xffff  }
0x412: {  	v23 =	vadd.s32 $0x6, v41;
	v8 =	vld.idx.msk [tilespmem:v8+s7+$0x0], $0xffff;
	[tilespmem:s4+$0xAD00] =	vst v0  }
0x413: {  	v59 =	vadd.s32 $0x7, v41;
	v0 =	vld [tilespmem:$0x1FE00]  }
0x414: {  	v10 =	vld.idx.msk [tilespmem:v10+s7+$0x0], $0xffff  }
0x415: {  	v60 =	vadd.s32 $0x8, v41;
	v14 =	vld.idx.msk [tilespmem:v14+s7+$0x0], $0xffff  }
0x416: {  	v61 =	vadd.s32 $0x9, v41;
	v19 =	vld.idx.msk [tilespmem:v19+s7+$0x0], $0xffff  }
0x417: {  	v62 =	vadd.s32 $0xA, v41;
	v23 =	vld.idx.msk [tilespmem:v23+s7+$0x0], $0xffff  }
0x418: {  	v53 =	vadd.s32 $0xB, v41;
	v54 =	vld.idx.msk [tilespmem:v59+s7+$0x0], $0xffff;
	[tilespmem:s4+$0xAD80] =	vst v0  }
0x419: {  	v55 =	vadd.s32 $0xC, v41;
	v0 =	vld [tilespmem:$0x1FE10]  }
0x41a: {  	v37 =	vld.idx.msk [tilespmem:v60+s7+$0x0], $0xffff  }
0x41b: {  	v43 =	vld.idx.msk [tilespmem:v61+s7+$0x0], $0xffff  }
0x41c: {  	v46 =	vld.idx.msk [tilespmem:v62+s7+$0x0], $0xffff  }
0x41d: {  	v58 =	vadd.s32 $0xE, v41;
	v60 =	vadd.s32 $0xD, v41;
	v52 =	vld.idx.msk [tilespmem:v53+s7+$0x0], $0xffff;
	[tilespmem:s4+$0xAE80] =	vst v63  }
0x41e: {  	s9 =	simm.s32 $0x20;
	v61 =	vadd.s32 $0xF, v41;
	v59 =	vadd.s32 $0x10, v41;
	v53 =	vld.idx.msk [tilespmem:v55+s7+$0x0], $0xffff;
	v55 =	vadd.s32 $0x11, v41;
	[tilespmem:s4+$0xAE00] =	vst v0  }
.LBB2_10:
0x41f: {  	_ =	sdelay $0x2  }
0x420: {  	v0 =	vld.idx.msk [tilespmem:v60+s7+$0x0], $0xffff;
	_ =	sdelay $0x2  }
0x421: {  	[tilespmem:s4+$0xBB00] =	vst v50  }
0x422: {  	[tilespmem:s4+$0xBB80] =	vst v51  }
0x423: {  	[tilespmem:$0x1FD40] =	vst v0;
	v0 =	vld.idx.msk [tilespmem:v58+s7+$0x0], $0xffff  }
0x424: {  	[tilespmem:s4+$0xBC00] =	vst v49  }
0x425: {  	[tilespmem:s4+$0xBC80] =	vst v47  }
0x426: {  	v56 =	vadd.s32 $0x12, v41;
	[tilespmem:s4+$0xBD00] =	vst v48  }
0x427: {  	v48 =	vadd.s32 $0x17, v41;
	[tilespmem:s4+$0xBD80] =	vst v44  }
0x428: {  	[tilespmem:$0x1FD50] =	vst v0;
	v0 =	vld.idx.msk [tilespmem:v61+s7+$0x0], $0xffff  }
0x429: {  	[tilespmem:s4+$0xBE80] =	vst v38;
	v38 =	vadd.s32 $0x1A, v41;
	v2 =	vld [tilespmem:$0x1FDA0]  }
0x42a: {  	v63 =	vadd.f32 $5.000000000e-01, v57;
	[tilespmem:s4+$0xCB00] =	vst v42;
	v42 =	vadd.s32 $0x1B, v41;
	v58 =	vld.idx.msk [tilespmem:v59+s7+$0x0], $0xffff  }
0x42b: {  	[tilespmem:s4+$0xCB80] =	vst v39;
	v39 =	vadd.s32 $0x1C, v41;
	v60 =	vld.idx.msk [tilespmem:v56+s7+$0x0], $0xffff  }
0x42c: {  	[tilespmem:s4+$0xCD80] =	vst v33;
	v33 =	vadd.s32 $0x20, v41;
	v62 =	vtrunc.f32 v63;
	v56 =	vld.idx.msk [tilespmem:v48+s7+$0x0], $0xffff  }
0x42d: {  	v51 =	vadd.s32 $0x14, v41;
	v47 =	vcvt.f32.s32 v62;
	[tilespmem:$0x1FD60] =	vst v0;
	v0 =	vld.idx.msk [tilespmem:v55+s7+$0x0], $0xffff  }
0x42e: {  	[tilespmem:s4+$0xCE00] =	vst v34;
	v34 =	vadd.s32 $0x21, v41;
	v49 =	vld.idx.msk [tilespmem:v38+s7+$0x0], $0xffff  }
0x42f: {  	[tilespmem:s4+$0xDC00] =	vst v29;
	v29 =	vadd.s32 $0x25, v41;
	v63 =	vcvt.s32.f32 v47;
	v47 =	vld.idx.msk [tilespmem:v42+s7+$0x0], $0xffff  }
0x430: {  	[tilespmem:s4+$0xDC80] =	vst v28;
	v28 =	vadd.s32 $0x26, v41;
	v48 =	vld.idx.msk [tilespmem:v39+s7+$0x0], $0xffff  }
0x431: {  	[tilespmem:s4+$0xBE00] =	vst v45;
	v62 =	vadd.s32 $0x1F, v41;
	v42 =	vld.idx.msk [tilespmem:v33+s7+$0x0], $0xffff  }
0x432: {  	v50 =	vadd.s32 $0x13, v41;
	[tilespmem:$0x1FD70] =	vst v0;
	v0 =	vld.idx.msk [tilespmem:v51+s7+$0x0], $0xffff  }
0x433: {  	v44 =	vadd.s32 $0x18, v41;
	[tilespmem:s4+$0xCC00] =	vst v40;
	v39 =	vld.idx.msk [tilespmem:v34+s7+$0x0], $0xffff  }
0x434: {  	v40 =	vadd.s32 $0x1D, v41;
	[tilespmem:s4+$0xCC80] =	vst v35;
	v33 =	vld.idx.msk [tilespmem:v29+s7+$0x0], $0xffff  }
0x435: {  	[tilespmem:s4+$0xCE80] =	vst v31;
	v31 =	vadd.s32 $0x22, v41;
	v34 =	vld.idx.msk [tilespmem:v28+s7+$0x0], $0xffff;
	v57 =	vsub.f32 v57, v63  }
0x436: {  	v45 =	vadd.s32 $0x19, v41;
	[tilespmem:s4+$0xCD00] =	vst v36;
	v38 =	vld.idx.msk [tilespmem:v62+s7+$0x0], $0xffff  }
0x437: {  	v35 =	vadd.s32 $0x1E, v41;
	v61 =	vld.idx.msk [tilespmem:v50+s7+$0x0], $0xffff;
	[tilespmem:$0x1FD80] =	vst v0;
	v0 =	vmul.f32 v57, v57  }
0x438: {  	[tilespmem:s4+$0xDB00] =	vst v32;
	v32 =	vadd.s32 $0x23, v41;
	v50 =	vld.idx.msk [tilespmem:v44+s7+$0x0], $0xffff  }
0x439: {  	[tilespmem:s4+$0xDD80] =	vst v26;
	v26 =	vadd.s32 $0x28, v41;
	v44 =	vld.idx.msk [tilespmem:v40+s7+$0x0], $0xffff;
	v62 =	vmul.f32 $6.575502400e+00, v0  }
0x43a: {  	[tilespmem:s4+$0xDB80] =	vst v30;
	v30 =	vadd.s32 $0x24, v41;
	v40 =	vld.idx.msk [tilespmem:v31+s7+$0x0], $0xffff;
	v63 =	vmul.f32 $-1.237227250e+01, v0  }
0x43b: {  	[tilespmem:s4+$0xDD00] =	vst v27;
	v27 =	vadd.s32 $0x27, v41;
	v51 =	vld.idx.msk [tilespmem:v45+s7+$0x0], $0xffff;
	v36 =	vadd.f32 $-2.600045590e+01, v62  }
0x43c: {  	[tilespmem:s4+$0xDE00] =	vst v25;
	v25 =	vadd.s32 $0x29, v41;
	v45 =	vld.idx.msk [tilespmem:v35+s7+$0x0], $0xffff;
	v63 =	vadd.f32 $4.126979830e+01, v63  }
0x43d: {  	[tilespmem:s4+$0xDE80] =	vst v24;
	v24 =	vadd.s32 $0x2A, v41;
	v35 =	vld.idx.msk [tilespmem:v32+s7+$0x0], $0xffff;
	v62 =	vmul.f32 v36, v0  }
0x43e: {  	[tilespmem:s4+$0xEB00] =	vst v22;
	v22 =	vadd.s32 $0x2B, v41;
	v32 =	vld.idx.msk [tilespmem:v26+s7+$0x0], $0xffff;
	v31 =	vmul.f32 v63, v0  }
0x43f: {  	[tilespmem:s4+$0xEB80] =	vst v21;
	v21 =	vadd.s32 $0x2C, v41;
	v36 =	vld.idx.msk [tilespmem:v30+s7+$0x0], $0xffff;
	v30 =	vadd.f32 $6.017621230e+01, v62  }
0x440: {  	[tilespmem:s4+$0xEC00] =	vst v20;
	v20 =	vadd.s32 $0x2D, v41;
	v29 =	vadd.f32 $-7.659490200e+01, v31;
	v31 =	vld.idx.msk [tilespmem:v27+s7+$0x0], $0xffff  }
0x441: {  	[tilespmem:s4+$0xEC80] =	vst v18;
	v18 =	vadd.s32 $0x2E, v41;
	v28 =	vmul.f32 v30, v0;
	v30 =	vld.idx.msk [tilespmem:v25+s7+$0x0], $0xffff  }
0x442: {  	[tilespmem:s4+$0xED00] =	vst v17;
	v17 =	vadd.s32 $0x2F, v41;
	v27 =	vmul.f32 v29, v0;
	v29 =	vld.idx.msk [tilespmem:v24+s7+$0x0], $0xffff  }
0x443: {  	[tilespmem:s4+$0xED80] =	vst v15;
	v15 =	vadd.s32 $0x30, v41;
	v26 =	vadd.f32 $-8.545116420e+01, v28;
	v28 =	vld.idx.msk [tilespmem:v22+s7+$0x0], $0xffff  }
0x444: {  	[tilespmem:s4+$0xEE00] =	vst v16;
	v16 =	vadd.s32 $0x31, v41;
	v25 =	vadd.f32 $8.159765630e+01, v27;
	v27 =	vld.idx.msk [tilespmem:v21+s7+$0x0], $0xffff  }
0x445: {  	[tilespmem:s4+$0xEE80] =	vst v13;
	v13 =	vadd.s32 $0x32, v41;
	v24 =	vmul.f32 v26, v0;
	v26 =	vld.idx.msk [tilespmem:v20+s7+$0x0], $0xffff  }
0x446: {  	[tilespmem:s4+$0xFB00] =	vst v11;
	v11 =	vadd.s32 $0x33, v41;
	v22 =	vmul.f32 v25, v0;
	v25 =	vld.idx.msk [tilespmem:v18+s7+$0x0], $0xffff  }
0x447: {  	v21 =	vadd.f32 $6.493917080e+01, v24;
	v24 =	vld.idx.msk [tilespmem:v17+s7+$0x0], $0xffff  }
0x448: {  	[tilespmem:s4+$0xFD00] =	vst v2;
	v2 =	vadd.s32 $0x37, v41;
	v20 =	vadd.f32 $-4.134148030e+01, v22;
	v22 =	vld.idx.msk [tilespmem:v15+s7+$0x0], $0xffff  }
0x449: {  	v59 =	vadd.s32 $0x15, v41;
	v18 =	vmul.f32 v21, v0;
	v21 =	vld.idx.msk [tilespmem:v16+s7+$0x0], $0xffff  }
0x44a: {  	[tilespmem:s4+$0xFB80] =	vst v5;
	v5 =	vadd.s32 $0x34, v41;
	v17 =	vmul.f32 v20, v0;
	v20 =	vld.idx.msk [tilespmem:v13+s7+$0x0], $0xffff  }
0x44b: {  	[tilespmem:s4+$0xFC00] =	vst v4;
	v4 =	vadd.s32 $0x35, v41;
	v16 =	vadd.f32 $-1.973920630e+01, v18;
	v18 =	vld.idx.msk [tilespmem:v11+s7+$0x0], $0xffff  }
0x44c: {  	[tilespmem:s4+$0xFC80] =	vst v6;
	v6 =	vadd.s32 $0x36, v41;
	v15 =	vadd.f32 $6.283183570e+00, v17;
	v11 =	vld [tilespmem:$0x1FD90]  }
0x44d: {  	v13 =	vld.idx.msk [tilespmem:v2+s7+$0x0], $0xffff;
	v2 =	vadd.s32 $0x3C, v41  }
0x44e: {  	[tilespmem:s4+$0xFD80] =	vst v7;
	v7 =	vadd.s32 $0x38, v41;
	v59 =	vld.idx.msk [tilespmem:v59+s7+$0x0], $0xffff;
	v57 =	vmul.f32 v15, v57;
	v0 =	vmul.f32 v16, v0  }
0x44f: {  	v55 =	vadd.s32 $0x16, v41;
	v17 =	vld.idx.msk [tilespmem:v5+s7+$0x0], $0xffff  }
0x450: {  	[tilespmem:s4+$0xFE00] =	vst v9;
	v5 =	vadd.s32 $0x39, v41;
	v15 =	vld.idx.msk [tilespmem:v4+s7+$0x0], $0xffff;
	v0 =	vadd.f32 $1.000000000e+00, v0;
	v9 =	vadd.f32 v57, v57  }
0x451: {  	v16 =	vld.idx.msk [tilespmem:v6+s7+$0x0], $0xffff;
	[tilespmem:s4+$0x8B00] =	vst v11;
	v11 =	vmov v1;
	v1 =	vadd.s32 $0x3B, v41  }
0x452: {  	v4 =	vadd.s32 $0x3A, v41;
	v2 =	vld.idx.msk [tilespmem:v2+s7+$0x0], $0xffff;
	v62 =	vmul.f32 v0, v9;
	v6 =	vmul.f32 v9, v57  }
0x453: {  	[tilespmem:$0x1FD90] =	vst v11;
	v11 =	vld.idx.msk [tilespmem:v7+s7+$0x0], $0xffff;
	v7 =	vadd.s32 $0x3D, v41  }
0x454: {  	[tilespmem:s4+$0xFE80] =	vst v12;
	v55 =	vld.idx.msk [tilespmem:v55+s7+$0x0], $0xffff;
	v9 =	vadd.s32 $0x3E, v41;
	v63 =	vsub.f32 $1.000000000e+00, v6;
	v12 =	vadd.f32 v62, v62  }
0x455: {  	v5 =	vld.idx.msk [tilespmem:v5+s7+$0x0], $0xffff;
	v41 =	vadd.s32 $0x3F, v41  }
0x456: {  	v6 =	vld.idx.msk [tilespmem:v1+s7+$0x0], $0xffff;
	v1 =	vmul.f32 v63, v12;
	v12 =	vmul.f32 v12, v62  }
0x457: {  	s11 =	sor.u32 s29, s5;
	s29 =	sadd.s32 $0x80, s29;
	v4 =	vld.idx.msk [tilespmem:v4+s7+$0x0], $0xffff  }
0x458: {  	s10 =	sand.u32 $0xC00, s29;
	s11 =	sor.u32 $0x380, s11;
	[tilespmem:$0x1FDA0] =	vst v2;
	v7 =	vld.idx.msk [tilespmem:v7+s7+$0x0], $0xffff;
	v2 =	vsub.f32 $1.000000000e+00, v12  }
0x459: {  	s12 =	sadd.s32 s8, s10;
	[tilespmem:s11+$0x8B00] =	vst v54;
	s4 =	sor.u32 s17, s0;
	s17 =	sand.u32 $0x70, s9;
	v9 =	vld.idx.msk [tilespmem:v9+s7+$0x0], $0xffff  }
0x45a: {  	s12 =	sor.u32 s17, s12;
	v12 =	vld.idx.msk [tilespmem:v41+s7+$0x0], $0xffff;
	[tilespmem:s4+$0x10D80] =	vst v2  }
0x45b: {  	v2 =	vld [tilespmem:s12+$0x5B00];
	[tilespmem:s4+$0x10D00] =	vst v1  }
0x45c: {  	[tilespmem:s4+$0x10C80] =	vst v63  }
0x45d: {  	v1 =	vld [tilespmem:s12+$0x6B00];
	[tilespmem:s4+$0x10C00] =	vst v62  }
0x45e: {  	[tilespmem:s4+$0x10B80] =	vst v0  }
0x45f: {  	[tilespmem:s4+$0x10B00] =	vst v57  }
0x460: {  	[tilespmem:s4+$0x8B80] =	vst v3  }
0x461: {  	[tilespmem:s4+$0x8C00] =	vst v8  }
0x462: {  	[tilespmem:s4+$0x8C80] =	vst v10  }
0x463: {  	[tilespmem:s4+$0x8D00] =	vst v14  }
0x464: {  	[tilespmem:s4+$0x8E00] =	vst v23;
	v23 =	vld [tilespmem:$0x1FD40]  }
0x465: {  	[tilespmem:s4+$0x8D80] =	vst v19  }
0x466: {  	[tilespmem:s4+$0x9B00] =	vst v37;
	v0 =	vmul.u32 $0x7, v2  }
0x467: {  	[tilespmem:s4+$0x9B80] =	vst v43  }
0x468: {  	v57 =	vld [tilespmem:s12+$0x7B00];
	v0 =	vadd.s32 v1, v0  }
0x469: {  	[tilespmem:s4+$0x9D80] =	vst v23;
	v23 =	vld [tilespmem:$0x1FD50];
	v41 =	vmul.u32 $0x41, v0;
	_ =	sdelay $0x1  }
0x46a: {  	v0 =	vadd.s32 $0x1, v41  }
0x46b: {  	v2 =	vadd.s32 $0x2, v41  }
0x46c: {  	v62 =	vld [tilespmem:$0x1FD70];
	v10 =	vadd.s32 $0x3, v41  }
0x46d: {  	v14 =	vadd.s32 $0x4, v41;
	[tilespmem:s4+$0x9E00] =	vst v23;
	v23 =	vld [tilespmem:$0x1FD60]  }
0x46e: {  	v63 =	vadd.s32 $0x8, v41;
	v1 =	vld.idx.msk [tilespmem:v41+s7+$0x0], $0xffff  }
0x46f: {  	v3 =	vld.idx.msk [tilespmem:v0+s7+$0x0], $0xffff  }
0x470: {  	[tilespmem:s4+$0x9C00] =	vst v46;
	v0 =	vadd.s32 $0x6, v41;
	v8 =	vld.idx.msk [tilespmem:v2+s7+$0x0], $0xffff  }
0x471: {  	[tilespmem:s4+$0x9C80] =	vst v52;
	v2 =	vadd.s32 $0x7, v41;
	v10 =	vld.idx.msk [tilespmem:v10+s7+$0x0], $0xffff  }
0x472: {  	[tilespmem:s4+$0x9D00] =	vst v53;
	v19 =	vadd.s32 $0x5, v41;
	v14 =	vld.idx.msk [tilespmem:v14+s7+$0x0], $0xffff  }
0x473: {  	[tilespmem:s4+$0xAB00] =	vst v58;
	v43 =	vadd.s32 $0x9, v41;
	v37 =	vld.idx.msk [tilespmem:v63+s7+$0x0], $0xffff  }
0x474: {  	[tilespmem:s4+$0xAC00] =	vst v60;
	v46 =	vadd.s32 $0xA, v41;
	v63 =	vld [tilespmem:$0x1FD80]  }
0x475: {  	[tilespmem:s4+$0x9E80] =	vst v23;
	v23 =	vld.idx.msk [tilespmem:v0+s7+$0x0], $0xffff;
	v0 =	vadd.s32 $0xB, v41  }
0x476: {  	p0 =	sne.s32 s9, $0x1F0;
	[tilespmem:s4+$0xAC80] =	vst v61;
	v54 =	vld.idx.msk [tilespmem:v2+s7+$0x0], $0xffff;
	v2 =	vadd.s32 $0xC, v41  }
.Ltmp3:
0x477: {  	[tilespmem:s4+$0xAD80] =	vst v59;
	v19 =	vld.idx.msk [tilespmem:v19+s7+$0x0], $0xffff;
	(pc) =	sbr.rel @p0 .LBB2_10-.Ltmp3, $4  }
0x478: {  	[tilespmem:s4+$0xAE00] =	vst v55;
	v43 =	vld.idx.msk [tilespmem:v43+s7+$0x0], $0xffff  }
0x479: {  	[tilespmem:s4+$0xAE80] =	vst v56;
	v46 =	vld.idx.msk [tilespmem:v46+s7+$0x0], $0xffff  }
0x47a: {  	[tilespmem:s4+$0xAB80] =	vst v62;
	v60 =	vadd.s32 $0xD, v41;
	v58 =	vadd.s32 $0xE, v41;
	v52 =	vld.idx.msk [tilespmem:v0+s7+$0x0], $0xffff  }
0x47b: {  	s5 =	smov.u32 s9;
	s0 =	smov.u32 s10;
	s9 =	sadd.s32 $0x10, s9;
	v61 =	vadd.s32 $0xF, v41;
	v59 =	vadd.s32 $0x10, v41;
	v55 =	vadd.s32 $0x11, v41;
	[tilespmem:s4+$0xAD00] =	vst v63;
	v53 =	vld.idx.msk [tilespmem:v2+s7+$0x0], $0xffff  }
0x47c: {  	_ =	sdelay $0x3  }
0x47d: {  	v0 =	vld.idx.msk [tilespmem:v60+s7+$0x0], $0xffff;
	_ =	sdelay $0x4  }
0x47e: {  	[tilespmem:$0x1FC90] =	vst v0  }
0x47f: {  	v2 =	vld.idx.msk [tilespmem:v58+s7+$0x0], $0xffff;
	_ =	sdelay $0x4  }
0x480: {  	[tilespmem:$0x1FCA0] =	vst v2  }
0x481: {  	v56 =	vld.idx.msk [tilespmem:v61+s7+$0x0], $0xffff;
	_ =	sdelay $0x4  }
0x482: {  	[tilespmem:$0x1FCB0] =	vst v56  }
0x483: {  	v56 =	vld.idx.msk [tilespmem:v59+s7+$0x0], $0xffff;
	_ =	sdelay $0x4  }
0x484: {  	[tilespmem:$0x1FCC0] =	vst v56  }
0x485: {  	v55 =	vld.idx.msk [tilespmem:v55+s7+$0x0], $0xffff  }
0x486: {  	v0 =	vadd.s32 $0x12, v41;
	_ =	sdelay $0x3  }
0x487: {  	[tilespmem:$0x1FCD0] =	vst v55  }
0x488: {  	v0 =	vld.idx.msk [tilespmem:v0+s7+$0x0], $0xffff  }
0x489: {  	v2 =	vadd.s32 $0x13, v41;
	_ =	sdelay $0x3  }
0x48a: {  	[tilespmem:$0x1FCE0] =	vst v0  }
0x48b: {  	v0 =	vld.idx.msk [tilespmem:v2+s7+$0x0], $0xffff  }
0x48c: {  	v62 =	vadd.s32 $0x14, v41;
	_ =	sdelay $0x3  }
0x48d: {  	[tilespmem:$0x1FCF0] =	vst v0  }
0x48e: {  	v0 =	vld.idx.msk [tilespmem:v62+s7+$0x0], $0xffff;
	_ =	sdelay $0x4  }
0x48f: {  	[tilespmem:$0x1FD00] =	vst v0  }
0x490: {  	[tilespmem:s4+$0xBB00] =	vst v50  }
0x491: {  	[tilespmem:s4+$0xBB80] =	vst v51  }
0x492: {  	[tilespmem:s4+$0xBC00] =	vst v49  }
0x493: {  	v0 =	vadd.f32 $5.000000000e-01, v57;
	[tilespmem:s4+$0xBC80] =	vst v47  }
0x494: {  	[tilespmem:s4+$0xBD00] =	vst v48  }
0x495: {  	v55 =	vadd.s32 $0x16, v41;
	[tilespmem:s4+$0xBD80] =	vst v44;
	v0 =	vtrunc.f32 v0  }
0x496: {  	v63 =	vadd.s32 $0x15, v41;
	[tilespmem:s4+$0xBE00] =	vst v45;
	v0 =	vcvt.f32.s32 v0  }
0x497: {  	v56 =	vadd.s32 $0x17, v41;
	[tilespmem:s4+$0xBE80] =	vst v38  }
0x498: {  	v58 =	vadd.s32 $0x19, v41;
	[tilespmem:s4+$0xCB00] =	vst v42;
	v0 =	vcvt.s32.f32 v0  }
0x499: {  	v59 =	vadd.s32 $0x1A, v41;
	[tilespmem:s4+$0xCB80] =	vst v39  }
0x49a: {  	v62 =	vld.idx.msk [tilespmem:v55+s7+$0x0], $0xffff;
	v55 =	vadd.s32 $0x1B, v41;
	[tilespmem:s4+$0xCC00] =	vst v40;
	v44 =	vsub.f32 v57, v0  }
0x49b: {  	v2 =	vadd.s32 $0x18, v41;
	v63 =	vld.idx.msk [tilespmem:v63+s7+$0x0], $0xffff;
	[tilespmem:s4+$0xCC80] =	vst v35  }
0x49c: {  	v61 =	vld.idx.msk [tilespmem:v56+s7+$0x0], $0xffff;
	v56 =	vadd.s32 $0x1C, v41;
	[tilespmem:s4+$0xCD00] =	vst v36;
	v57 =	vmul.f32 v44, v44  }
0x49d: {  	v51 =	vld.idx.msk [tilespmem:v58+s7+$0x0], $0xffff;
	v58 =	vadd.s32 $0x1E, v41;
	[tilespmem:s4+$0xCD80] =	vst v33  }
0x49e: {  	v50 =	vld.idx.msk [tilespmem:v59+s7+$0x0], $0xffff;
	v59 =	vadd.s32 $0x1F, v41;
	[tilespmem:s4+$0xCE00] =	vst v34;
	v0 =	vmul.f32 $6.575502400e+00, v57  }
0x49f: {  	[tilespmem:s4+$0xCE80] =	vst v31;
	v49 =	vld.idx.msk [tilespmem:v55+s7+$0x0], $0xffff;
	v55 =	vadd.s32 $0x20, v41  }
0x4a0: {  	v60 =	vld.idx.msk [tilespmem:v2+s7+$0x0], $0xffff;
	v2 =	vadd.s32 $0x1D, v41;
	[tilespmem:s4+$0xDB00] =	vst v32;
	v0 =	vadd.f32 $-2.600045590e+01, v0  }
0x4a1: {  	[tilespmem:s4+$0xDB80] =	vst v30;
	v48 =	vld.idx.msk [tilespmem:v56+s7+$0x0], $0xffff;
	v56 =	vadd.s32 $0x21, v41  }
0x4a2: {  	[tilespmem:s4+$0xDC00] =	vst v29;
	v45 =	vld.idx.msk [tilespmem:v58+s7+$0x0], $0xffff;
	v58 =	vadd.s32 $0x23, v41;
	v0 =	vmul.f32 v0, v57  }
0x4a3: {  	v38 =	vadd.s32 $0x22, v41;
	[tilespmem:s4+$0xDC80] =	vst v28;
	v42 =	vld.idx.msk [tilespmem:v59+s7+$0x0], $0xffff  }
0x4a4: {  	[tilespmem:s4+$0xDD00] =	vst v27;
	v59 =	vadd.s32 $0x24, v41;
	v40 =	vld.idx.msk [tilespmem:v55+s7+$0x0], $0xffff;
	v55 =	vmul.f32 $-1.237227250e+01, v57;
	v0 =	vadd.f32 $6.017621230e+01, v0  }
0x4a5: {  	[tilespmem:s4+$0xDD80] =	vst v26;
	v47 =	vld.idx.msk [tilespmem:v2+s7+$0x0], $0xffff;
	v2 =	vadd.s32 $0x25, v41  }
0x4a6: {  	[tilespmem:s4+$0xDE00] =	vst v25;
	v39 =	vld.idx.msk [tilespmem:v56+s7+$0x0], $0xffff;
	v56 =	vadd.s32 $0x26, v41;
	v55 =	vadd.f32 $4.126979830e+01, v55;
	v0 =	vmul.f32 v0, v57  }
0x4a7: {  	[tilespmem:s4+$0xDE80] =	vst v24;
	v35 =	vld.idx.msk [tilespmem:v58+s7+$0x0], $0xffff;
	v58 =	vadd.s32 $0x28, v41  }
0x4a8: {  	[tilespmem:s4+$0xEB00] =	vst v22;
	v36 =	vld.idx.msk [tilespmem:v38+s7+$0x0], $0xffff;
	v38 =	vadd.s32 $0x27, v41;
	v55 =	vmul.f32 v55, v57;
	v0 =	vadd.f32 $-8.545116420e+01, v0  }
0x4a9: {  	[tilespmem:s4+$0xEB80] =	vst v21;
	v34 =	vld.idx.msk [tilespmem:v59+s7+$0x0], $0xffff;
	v59 =	vadd.s32 $0x29, v41  }
0x4aa: {  	[tilespmem:s4+$0xEC00] =	vst v20;
	v33 =	vld.idx.msk [tilespmem:v2+s7+$0x0], $0xffff;
	v2 =	vadd.s32 $0x2A, v41;
	v55 =	vadd.f32 $-7.659490200e+01, v55;
	v0 =	vmul.f32 v0, v57  }
0x4ab: {  	[tilespmem:s4+$0xEC80] =	vst v18;
	v32 =	vld.idx.msk [tilespmem:v56+s7+$0x0], $0xffff;
	v56 =	vadd.s32 $0x2B, v41  }
0x4ac: {  	[tilespmem:s4+$0xED00] =	vst v17;
	v30 =	vld.idx.msk [tilespmem:v58+s7+$0x0], $0xffff;
	v58 =	vadd.s32 $0x2D, v41;
	v55 =	vmul.f32 v55, v57;
	v0 =	vadd.f32 $6.493917080e+01, v0  }
0x4ad: {  	[tilespmem:s4+$0xED80] =	vst v15;
	v31 =	vld.idx.msk [tilespmem:v38+s7+$0x0], $0xffff;
	v38 =	vadd.s32 $0x2C, v41  }
0x4ae: {  	[tilespmem:s4+$0xEE00] =	vst v16;
	v29 =	vld.idx.msk [tilespmem:v59+s7+$0x0], $0xffff;
	v59 =	vadd.s32 $0x2E, v41;
	v27 =	vadd.f32 $8.159765630e+01, v55;
	v0 =	vmul.f32 v0, v57  }
0x4af: {  	[tilespmem:s4+$0xEE80] =	vst v13;
	v28 =	vld.idx.msk [tilespmem:v2+s7+$0x0], $0xffff  }
0x4b0: {  	[tilespmem:s4+$0xFB00] =	vst v11;
	v55 =	vadd.s32 $0x2F, v41;
	v26 =	vld.idx.msk [tilespmem:v56+s7+$0x0], $0xffff;
	v25 =	vmul.f32 v27, v57;
	v0 =	vadd.f32 $-1.973920630e+01, v0  }
0x4b1: {  	[tilespmem:s4+$0xFB80] =	vst v5;
	v56 =	vadd.s32 $0x30, v41;
	v24 =	vld.idx.msk [tilespmem:v58+s7+$0x0], $0xffff  }
0x4b2: {  	[tilespmem:s4+$0xFC00] =	vst v4;
	v27 =	vld.idx.msk [tilespmem:v38+s7+$0x0], $0xffff;
	v38 =	vadd.s32 $0x31, v41;
	v22 =	vadd.f32 $-4.134148030e+01, v25;
	v0 =	vmul.f32 v0, v57  }
0x4b3: {  	[tilespmem:s4+$0xFC80] =	vst v6;
	v25 =	vld.idx.msk [tilespmem:v59+s7+$0x0], $0xffff;
	v59 =	vadd.s32 $0x33, v41  }
0x4b4: {  	v20 =	vmul.f32 v22, v57;
	v57 =	vadd.s32 $0x3C, v41;
	v2 =	vadd.f32 $1.000000000e+00, v0;
	v0 =	vld [tilespmem:$0x1FDA0]  }
0x4b5: {  	v21 =	vld.idx.msk [tilespmem:v55+s7+$0x0], $0xffff  }
0x4b6: {  	v58 =	vadd.s32 $0x32, v41;
	v22 =	vld.idx.msk [tilespmem:v56+s7+$0x0], $0xffff;
	[tilespmem:s4+$0xFD80] =	vst v7  }
0x4b7: {  	v55 =	vadd.s32 $0x34, v41;
	v18 =	vld.idx.msk [tilespmem:v38+s7+$0x0], $0xffff;
	[tilespmem:s4+$0xFE00] =	vst v9  }
0x4b8: {  	s5 =	sor.u32 s29, s5;
	v56 =	vadd.s32 $0x35, v41;
	v15 =	vld.idx.msk [tilespmem:v59+s7+$0x0], $0xffff;
	[tilespmem:s4+$0xFE80] =	vst v12  }
0x4b9: {  	s12 =	sor.u32 $0x380, s5;
	v38 =	vadd.s32 $0x36, v41;
	v17 =	vadd.f32 $6.283183570e+00, v20;
	v9 =	vld.idx.msk [tilespmem:v57+s7+$0x0], $0xffff;
	[tilespmem:s4+$0xFD00] =	vst v0  }
0x4ba: {  	s0 =	sor.u32 s17, s0;
	v59 =	vadd.s32 $0x38, v41;
	v57 =	vld [tilespmem:$0x1FD90];
	[tilespmem:s12+$0x8B00] =	vst v54  }
0x4bb: {  	v20 =	vld.idx.msk [tilespmem:v58+s7+$0x0], $0xffff;
	v16 =	vmul.f32 v17, v44;
	v44 =	vadd.s32 $0x39, v41;
	[tilespmem:s0+$0x8B80] =	vst v3  }
0x4bc: {  	v58 =	vadd.s32 $0x37, v41;
	v17 =	vld.idx.msk [tilespmem:v55+s7+$0x0], $0xffff;
	[tilespmem:s0+$0x8C00] =	vst v8  }
0x4bd: {  	v55 =	vadd.s32 $0x3A, v41;
	v13 =	vld.idx.msk [tilespmem:v56+s7+$0x0], $0xffff;
	[tilespmem:s0+$0x8C80] =	vst v10  }
0x4be: {  	v56 =	vadd.s32 $0x3B, v41;
	v11 =	vld.idx.msk [tilespmem:v38+s7+$0x0], $0xffff;
	[tilespmem:s0+$0x8D00] =	vst v14  }
0x4bf: {  	v4 =	vld.idx.msk [tilespmem:v59+s7+$0x0], $0xffff;
	v59 =	vadd.s32 $0x3D, v41;
	[tilespmem:s0+$0x8D80] =	vst v19  }
0x4c0: {  	v38 =	vadd.f32 v16, v16;
	v6 =	vld.idx.msk [tilespmem:v44+s7+$0x0], $0xffff;
	v44 =	vadd.s32 $0x3E, v41;
	[tilespmem:s0+$0x8E00] =	vst v23  }
0x4c1: {  	v5 =	vld.idx.msk [tilespmem:v58+s7+$0x0], $0xffff;
	v41 =	vadd.s32 $0x3F, v41;
	[tilespmem:s0+$0x9B00] =	vst v37  }
0x4c2: {  	v7 =	vmul.f32 v38, v16;
	v55 =	vld.idx.msk [tilespmem:v55+s7+$0x0], $0xffff;
	[tilespmem:s0+$0x9B80] =	vst v43  }
0x4c3: {  	v58 =	vmul.f32 v2, v38;
	v38 =	vld.idx.msk [tilespmem:v56+s7+$0x0], $0xffff;
	[tilespmem:s0+$0x9C00] =	vst v46  }
0x4c4: {  	v7 =	vsub.f32 $1.000000000e+00, v7;
	[tilespmem:s0+$0x9C80] =	vst v52;
	v12 =	vld.idx.msk [tilespmem:v59+s7+$0x0], $0xffff  }
0x4c5: {  	[tilespmem:s0+$0x9D00] =	vst v53;
	v44 =	vld.idx.msk [tilespmem:v44+s7+$0x0], $0xffff  }
0x4c6: {  	v0 =	vadd.f32 v58, v58;
	v41 =	vld.idx.msk [tilespmem:v41+s7+$0x0], $0xffff;
	[tilespmem:s0+$0x10C80] =	vst v7  }
0x4c7: {  	[tilespmem:s0+$0x10C00] =	vst v58  }
0x4c8: {  	v56 =	vmul.f32 v0, v58;
	v0 =	vmul.f32 v7, v0;
	[tilespmem:s0+$0x10B80] =	vst v2  }
0x4c9: {  	[tilespmem:s0+$0x10B00] =	vst v16  }
0x4ca: {  	v56 =	vsub.f32 $1.000000000e+00, v56;
	[tilespmem:s0+$0x10D00] =	vst v0  }
0x4cb: {  	[tilespmem:s4+$0x8B00] =	vst v57  }
0x4cc: {  	[tilespmem:s0+$0x10D80] =	vst v56  }
0x4cd: {  	v0 =	vld [tilespmem:$0x1FC90];
	_ =	sdelay $0x4  }
0x4ce: {  	[tilespmem:s0+$0x9D80] =	vst v0  }
0x4cf: {  	v0 =	vld [tilespmem:$0x1FCA0];
	_ =	sdelay $0x4  }
0x4d0: {  	[tilespmem:s0+$0x9E00] =	vst v0  }
0x4d1: {  	v0 =	vld [tilespmem:$0x1FCB0];
	_ =	sdelay $0x4  }
0x4d2: {  	[tilespmem:s0+$0x9E80] =	vst v0  }
0x4d3: {  	v0 =	vld [tilespmem:$0x1FCC0];
	_ =	sdelay $0x4  }
0x4d4: {  	[tilespmem:s0+$0xAB00] =	vst v0  }
0x4d5: {  	v0 =	vld [tilespmem:$0x1FCD0];
	_ =	sdelay $0x4  }
0x4d6: {  	[tilespmem:s0+$0xAB80] =	vst v0  }
0x4d7: {  	v0 =	vld [tilespmem:$0x1FCE0];
	_ =	sdelay $0x4  }
0x4d8: {  	[tilespmem:s0+$0xAC00] =	vst v0  }
0x4d9: {  	v0 =	vld [tilespmem:$0x1FCF0];
	_ =	sdelay $0x4  }
0x4da: {  	[tilespmem:s0+$0xAC80] =	vst v0  }
0x4db: {  	v0 =	vld [tilespmem:$0x1FD00];
	[tilespmem:s0+$0xAD80] =	vst v63  }
0x4dc: {  	[tilespmem:s0+$0xAE00] =	vst v62  }
0x4dd: {  	[tilespmem:s0+$0xAE80] =	vst v61  }
0x4de: {  	[tilespmem:s0+$0xBB00] =	vst v60  }
0x4df: {  	[tilespmem:s0+$0xBB80] =	vst v51  }
0x4e0: {  	[tilespmem:s0+$0xBC00] =	vst v50  }
0x4e1: {  	[tilespmem:s0+$0xBC80] =	vst v49  }
0x4e2: {  	[tilespmem:s0+$0xBD00] =	vst v48  }
0x4e3: {  	[tilespmem:s0+$0xBD80] =	vst v47  }
0x4e4: {  	[tilespmem:s0+$0xBE00] =	vst v45  }
0x4e5: {  	[tilespmem:s0+$0xBE80] =	vst v42  }
0x4e6: {  	[tilespmem:s0+$0xCB00] =	vst v40  }
0x4e7: {  	[tilespmem:s0+$0xCB80] =	vst v39  }
0x4e8: {  	[tilespmem:s0+$0xCC00] =	vst v36  }
0x4e9: {  	[tilespmem:s0+$0xCC80] =	vst v35  }
0x4ea: {  	[tilespmem:s0+$0xCD00] =	vst v34  }
0x4eb: {  	[tilespmem:s0+$0xCD80] =	vst v33  }
0x4ec: {  	[tilespmem:s0+$0xCE00] =	vst v32  }
0x4ed: {  	[tilespmem:s0+$0xCE80] =	vst v31  }
0x4ee: {  	[tilespmem:s0+$0xDB00] =	vst v30  }
0x4ef: {  	[tilespmem:s0+$0xDB80] =	vst v29  }
0x4f0: {  	[tilespmem:s0+$0xDC00] =	vst v28  }
0x4f1: {  	[tilespmem:s0+$0xDC80] =	vst v26  }
0x4f2: {  	[tilespmem:s0+$0xDD00] =	vst v27  }
0x4f3: {  	[tilespmem:s0+$0xDD80] =	vst v24  }
0x4f4: {  	[tilespmem:s0+$0xDE00] =	vst v25  }
0x4f5: {  	[tilespmem:s0+$0xDE80] =	vst v21  }
0x4f6: {  	[tilespmem:s0+$0xEB00] =	vst v22  }
0x4f7: {  	[tilespmem:s0+$0xEB80] =	vst v18  }
0x4f8: {  	[tilespmem:s0+$0xEC00] =	vst v20  }
0x4f9: {  	[tilespmem:s0+$0xEC80] =	vst v15  }
0x4fa: {  	[tilespmem:s0+$0xED00] =	vst v17  }
0x4fb: {  	[tilespmem:s0+$0xED80] =	vst v13  }
0x4fc: {  	[tilespmem:s0+$0xEE00] =	vst v11  }
0x4fd: {  	[tilespmem:s0+$0xEE80] =	vst v5  }
0x4fe: {  	[tilespmem:s0+$0xFB00] =	vst v4  }
0x4ff: {  	[tilespmem:s0+$0xFB80] =	vst v6  }
0x500: {  	[tilespmem:s0+$0xFC00] =	vst v55  }
0x501: {  	[tilespmem:s0+$0xFC80] =	vst v38  }
0x502: {  	[tilespmem:s0+$0xFD00] =	vst v9  }
0x503: {  	[tilespmem:s0+$0xFD80] =	vst v12  }
0x504: {  	[tilespmem:s0+$0xFE00] =	vst v44  }
0x505: {  	[tilespmem:s0+$0xFE80] =	vst v41  }
0x506: {  	[tilespmem:s0+$0x8B00] =	vst v1  }
0x507: {  	s5 =	sadd.s32 s15, s8;
	[tilespmem:s0+$0xAD00] =	vst v0  }
0x508: {  	s4 =	sshrl.u32 s5, $0x3;
	s0 =	rddreg [dreg:$0xf]  }
0x509: {  	s9 =	simm.s32 $0x8B00;
	s0 =	sadd.s32 s4, s0  }
0x50a: {  	[hbm4b:s0+s30] =	stream.strided.scatter [tilespmem:s9], [sflag:$0x3], $0x400, s31, s30, $0x38;
	[tilespmem:$0x1AB00] =	vst v63  }
0x50b: {  	s11 =	simm.s32 $0x8F00;
	s10 =	sadd.s32 $0x80, s0  }
0x50c: {  	[hbm4b:s10+s30] =	stream.strided.scatter [tilespmem:s11], [sflag:$0x3], $0x400, s31, s30, $0x38;
	[tilespmem:$0x1AB00] =	vst v63  }
0x50d: {  	s17 =	simm.s32 $0x9300;
	s12 =	sadd.s32 $0x100, s0  }
0x50e: {  	[hbm4b:s12+s30] =	stream.strided.scatter [tilespmem:s17], [sflag:$0x3], $0x400, s31, s30, $0x38;
	[tilespmem:$0x1AB00] =	vst v63  }
0x50f: {  	s5 =	sadd.s32 $0x180, s0;
	s9 =	simm.s32 $0x9700  }
0x510: {  	[hbm4b:s5+s30] =	stream.strided.scatter [tilespmem:s9], [sflag:$0x3], $0x400, s31, s30, $0x38;
	[tilespmem:$0x1AB00] =	vst v63  }
0x511: {  	s4 =	sadd.s32 $0x320000, s0;
	s10 =	simm.s32 $0x9B00  }
0x512: {  	[hbm4b:s4+s30] =	stream.strided.scatter [tilespmem:s10], [sflag:$0x3], $0x400, s31, s30, $0x38;
	[tilespmem:$0x1AB00] =	vst v63  }
0x513: {  	s11 =	sadd.s32 $0x80, s4;
	s9 =	simm.s32 $0x9F00  }
0x514: {  	[hbm4b:s11+s30] =	stream.strided.scatter [tilespmem:s9], [sflag:$0x3], $0x400, s31, s30, $0x38;
	[tilespmem:$0x1AB00] =	vst v63  }
0x515: {  	s12 =	sadd.s32 $0x100, s4;
	s17 =	simm.s32 $0xA300  }
0x516: {  	[hbm4b:s12+s30] =	stream.strided.scatter [tilespmem:s17], [sflag:$0x3], $0x400, s31, s30, $0x38;
	[tilespmem:$0x1AB00] =	vst v63  }
0x517: {  	s4 =	sadd.s32 $0x180, s4;
	s10 =	simm.s32 $0xA700  }
0x518: {  	[hbm4b:s4+s30] =	stream.strided.scatter [tilespmem:s10], [sflag:$0x3], $0x400, s31, s30, $0x38;
	[tilespmem:$0x1AB00] =	vst v63  }
0x519: {  	s11 =	simm.s32 $0xAB00;
	s4 =	sadd.s32 $0x640000, s0  }
0x51a: {  	[hbm4b:s4+s30] =	stream.strided.scatter [tilespmem:s11], [sflag:$0x3], $0x400, s31, s30, $0x38;
	[tilespmem:$0x1AB00] =	vst v63  }
0x51b: {  	s17 =	simm.s32 $0xAF00;
	s12 =	sadd.s32 $0x80, s4  }
0x51c: {  	[hbm4b:s12+s30] =	stream.strided.scatter [tilespmem:s17], [sflag:$0x3], $0x400, s31, s30, $0x38;
	[tilespmem:$0x1AB00] =	vst v63  }
0x51d: {  	s10 =	sadd.s32 $0x100, s4;
	s11 =	simm.s32 $0xB300  }
0x51e: {  	[hbm4b:s10+s30] =	stream.strided.scatter [tilespmem:s11], [sflag:$0x3], $0x400, s31, s30, $0x38;
	[tilespmem:$0x1AB00] =	vst v63  }
0x51f: {  	s4 =	sadd.s32 $0x180, s4;
	s12 =	simm.s32 $0xB700  }
0x520: {  	[hbm4b:s4+s30] =	stream.strided.scatter [tilespmem:s12], [sflag:$0x3], $0x400, s31, s30, $0x38;
	[tilespmem:$0x1AB00] =	vst v63  }
0x521: {  	s17 =	simm.s32 $0xBB00;
	s4 =	sadd.s32 $0x960000, s0  }
0x522: {  	[hbm4b:s4+s30] =	stream.strided.scatter [tilespmem:s17], [sflag:$0x3], $0x400, s31, s30, $0x38;
	[tilespmem:$0x1AB00] =	vst v63  }
0x523: {  	s10 =	simm.s32 $0xBF00;
	s9 =	sadd.s32 $0x80, s4  }
0x524: {  	[hbm4b:s9+s30] =	stream.strided.scatter [tilespmem:s10], [sflag:$0x3], $0x400, s31, s30, $0x38;
	[tilespmem:$0x1AB00] =	vst v63  }
0x525: {  	s12 =	simm.s32 $0xC300;
	s11 =	sadd.s32 $0x100, s4  }
0x526: {  	[hbm4b:s11+s30] =	stream.strided.scatter [tilespmem:s12], [sflag:$0x3], $0x400, s31, s30, $0x38;
	[tilespmem:$0x1AB00] =	vst v63  }
0x527: {  	s4 =	sadd.s32 $0x180, s4;
	s17 =	simm.s32 $0xC700  }
0x528: {  	[hbm4b:s4+s30] =	stream.strided.scatter [tilespmem:s17], [sflag:$0x3], $0x400, s31, s30, $0x38;
	[tilespmem:$0x1AB00] =	vst v63  }
0x529: {  	s9 =	simm.s32 $0xCB00;
	s4 =	sadd.s32 $0xC80000, s0  }
0x52a: {  	[hbm4b:s4+s30] =	stream.strided.scatter [tilespmem:s9], [sflag:$0x3], $0x400, s31, s30, $0x38;
	[tilespmem:$0x1AB00] =	vst v63  }
0x52b: {  	s11 =	simm.s32 $0xCF00;
	s10 =	sadd.s32 $0x80, s4  }
0x52c: {  	[hbm4b:s10+s30] =	stream.strided.scatter [tilespmem:s11], [sflag:$0x3], $0x400, s31, s30, $0x38;
	[tilespmem:$0x1AB00] =	vst v63  }
0x52d: {  	s17 =	simm.s32 $0xD300;
	s12 =	sadd.s32 $0x100, s4  }
0x52e: {  	[hbm4b:s12+s30] =	stream.strided.scatter [tilespmem:s17], [sflag:$0x3], $0x400, s31, s30, $0x38;
	[tilespmem:$0x1AB00] =	vst v63  }
0x52f: {  	s4 =	sadd.s32 $0x180, s4;
	s10 =	simm.s32 $0xD700  }
0x530: {  	[hbm4b:s4+s30] =	stream.strided.scatter [tilespmem:s10], [sflag:$0x3], $0x400, s31, s30, $0x38;
	[tilespmem:$0x1AB00] =	vst v63  }
0x531: {  	s11 =	simm.s32 $0xDB00;
	s4 =	sadd.s32 $0xFA0000, s0  }
0x532: {  	[hbm4b:s4+s30] =	stream.strided.scatter [tilespmem:s11], [sflag:$0x3], $0x400, s31, s30, $0x38;
	[tilespmem:$0x1AB00] =	vst v63  }
0x533: {  	s17 =	simm.s32 $0xDF00;
	s12 =	sadd.s32 $0x80, s4  }
0x534: {  	[hbm4b:s12+s30] =	stream.strided.scatter [tilespmem:s17], [sflag:$0x3], $0x400, s31, s30, $0x38;
	[tilespmem:$0x1AB00] =	vst v63  }
0x535: {  	s10 =	sadd.s32 $0x100, s4;
	s11 =	simm.s32 $0xE300  }
0x536: {  	[hbm4b:s10+s30] =	stream.strided.scatter [tilespmem:s11], [sflag:$0x3], $0x400, s31, s30, $0x38;
	[tilespmem:$0x1AB00] =	vst v63  }
0x537: {  	s4 =	sadd.s32 $0x180, s4;
	s12 =	simm.s32 $0xE700  }
0x538: {  	[hbm4b:s4+s30] =	stream.strided.scatter [tilespmem:s12], [sflag:$0x3], $0x400, s31, s30, $0x38;
	[tilespmem:$0x1AB00] =	vst v63  }
0x539: {  	s17 =	simm.s32 $0xEB00;
	s4 =	sadd.s32 $0x12C0000, s0  }
0x53a: {  	[hbm4b:s4+s30] =	stream.strided.scatter [tilespmem:s17], [sflag:$0x3], $0x400, s31, s30, $0x38;
	[tilespmem:$0x1AB00] =	vst v63  }
0x53b: {  	s10 =	simm.s32 $0xEF00;
	s9 =	sadd.s32 $0x80, s4  }
0x53c: {  	[hbm4b:s9+s30] =	stream.strided.scatter [tilespmem:s10], [sflag:$0x3], $0x400, s31, s30, $0x38;
	[tilespmem:$0x1AB00] =	vst v63  }
0x53d: {  	s12 =	simm.s32 $0xF300;
	s11 =	sadd.s32 $0x100, s4  }
0x53e: {  	[hbm4b:s11+s30] =	stream.strided.scatter [tilespmem:s12], [sflag:$0x3], $0x400, s31, s30, $0x38;
	[tilespmem:$0x1AB00] =	vst v63  }
0x53f: {  	s4 =	sadd.s32 $0x180, s4;
	s17 =	simm.s32 $0xF700  }
0x540: {  	[hbm4b:s4+s30] =	stream.strided.scatter [tilespmem:s17], [sflag:$0x3], $0x400, s31, s30, $0x38;
	[tilespmem:$0x1AB00] =	vst v63  }
0x541: {  	s9 =	simm.s32 $0xFB00;
	s4 =	sadd.s32 $0x15E0000, s0  }
0x542: {  	[hbm4b:s4+s30] =	stream.strided.scatter [tilespmem:s9], [sflag:$0x3], $0x400, s31, s30, $0x38;
	[tilespmem:$0x1AB00] =	vst v63  }
0x543: {  	s11 =	simm.s32 $0xFF00;
	s10 =	sadd.s32 $0x80, s4  }
0x544: {  	[hbm4b:s10+s30] =	stream.strided.scatter [tilespmem:s11], [sflag:$0x3], $0x400, s31, s30, $0x38;
	[tilespmem:$0x1AB00] =	vst v63  }
0x545: {  	s17 =	simm.s32 $0x10300;
	s12 =	sadd.s32 $0x100, s4  }
0x546: {  	[hbm4b:s12+s30] =	stream.strided.scatter [tilespmem:s17], [sflag:$0x3], $0x400, s31, s30, $0x38;
	[tilespmem:$0x1AB00] =	vst v63  }
0x547: {  	s4 =	sadd.s32 $0x180, s4;
	s10 =	simm.s32 $0x10700  }
0x548: {  	[hbm4b:s4+s30] =	stream.strided.scatter [tilespmem:s10], [sflag:$0x3], $0x400, s31, s30, $0x38;
	[tilespmem:$0x1AB00] =	vst v63  }
0x549: {  	s0 =	sadd.s32 $0x1900000, s0;
	s11 =	simm.s32 $0x10B00  }
0x54a: {  	[hbm4b:s0+s30] =	stream.strided.scatter [tilespmem:s11], [sflag:$0x3], $0x300, s31, s30, $0x38;
	[tilespmem:$0x1AB00] =	vst v63  }
0x54b: {  	s12 =	sadd.s32 $0x80, s0;
	s17 =	simm.s32 $0x10F00  }
0x54c: {  	[hbm4b:s12+s30] =	stream.strided.scatter [tilespmem:s17], [sflag:$0x3], $0x300, s31, s30, $0x38;
	[tilespmem:$0x1AB00] =	vst v63  }
0x54d: {  	s5 =	sadd.s32 $0x100, s0;
	s9 =	simm.s32 $0x11300  }
0x54e: {  	[hbm4b:s5+s30] =	stream.strided.scatter [tilespmem:s9], [sflag:$0x3], $0x300, s31, s30, $0x38;
	[tilespmem:$0x1AB00] =	vst v63  }
0x54f: {  	s10 =	simm.s32 $0x11700;
	s0 =	sadd.s32 $0x180, s0;
	s11 =	simm.s32 $0x0  }
0x550: {  	[hbm4b:s0+s30] =	stream.strided.scatter [tilespmem:s10], [sflag:$0x3], $0x300, s31, s30, $0x38;
	[tilespmem:$0x1AB00] =	vst v63  }
0x551: {  	s8 =	sor.u32 $0x80, s8;
	s12 =	sand.u32 $0xC00, s11;
	_ =	swait.ge [sflag:s2], $0x8C00  }
0x552: {  	s17 =	sand.u32 $0x70, s11;
	s10 =	sadd.s32 s8, s12;
	[sflag:s2] =	ssyncset.done $0x0  }
0x553: {  	s9 =	sor.u32 s17, s10;
	[sflag:s2] =	ssyncadd.s32 $0xFFFF7400  }
0x554: {  	v0 =	vld [tilespmem:s9+$0x5B00];
	_ =	sdelay $0x1  }
0x555: {  	v1 =	vld [tilespmem:s9+$0x6B00];
	_ =	sdelay $0x2  }
0x556: {  	v0 =	vmul.u32 $0x7, v0;
	_ =	sdelay $0x1  }
0x557: {  	v0 =	vadd.s32 v1, v0  }
0x558: {  	v12 =	vmul.u32 $0x41, v0;
	_ =	sdelay $0x1  }
0x559: {  	v0 =	vadd.s32 $0x1, v12  }
0x55a: {  	v1 =	vadd.s32 $0x2, v12  }
0x55b: {  	v2 =	vadd.s32 $0x3, v12  }
0x55c: {  	v3 =	vadd.s32 $0x4, v12  }
0x55d: {  	v7 =	vld [tilespmem:s9+$0x7B00];
	v4 =	vadd.s32 $0x5, v12  }
0x55e: {  	v8 =	vadd.s32 $0xC, v12;
	v6 =	vld.idx.msk [tilespmem:v0+s7+$0x0], $0xffff  }
0x55f: {  	v9 =	vadd.s32 $0xD, v12;
	v56 =	vld.idx.msk [tilespmem:v1+s7+$0x0], $0xffff  }
0x560: {  	v0 =	vadd.s32 $0x6, v12;
	v13 =	vld.idx.msk [tilespmem:v2+s7+$0x0], $0xffff  }
0x561: {  	v1 =	vadd.s32 $0x7, v12;
	v55 =	vld.idx.msk [tilespmem:v3+s7+$0x0], $0xffff  }
0x562: {  	v2 =	vadd.s32 $0x8, v12;
	v17 =	vld.idx.msk [tilespmem:v4+s7+$0x0], $0xffff  }
0x563: {  	v3 =	vadd.s32 $0x9, v12;
	v45 =	vld.idx.msk [tilespmem:v8+s7+$0x0], $0xffff  }
0x564: {  	v4 =	vadd.s32 $0xA, v12;
	v49 =	vld.idx.msk [tilespmem:v9+s7+$0x0], $0xffff  }
0x565: {  	v20 =	vld.idx.msk [tilespmem:v0+s7+$0x0], $0xffff;
	v0 =	vadd.s32 $0xB, v12  }
0x566: {  	v9 =	vadd.s32 $0x12, v12;
	v18 =	vld.idx.msk [tilespmem:v1+s7+$0x0], $0xffff  }
0x567: {  	v8 =	vadd.s32 $0x11, v12;
	v5 =	vld.idx.msk [tilespmem:v2+s7+$0x0], $0xffff  }
0x568: {  	v22 =	vld.idx.msk [tilespmem:v3+s7+$0x0], $0xffff;
	v3 =	vadd.s32 $0xE, v12  }
0x569: {  	v2 =	vld.idx.msk [tilespmem:v4+s7+$0x0], $0xffff;
	v4 =	vadd.s32 $0xF, v12  }
0x56a: {  	v44 =	vld.idx.msk [tilespmem:v0+s7+$0x0], $0xffff;
	v0 =	vadd.s32 $0x10, v12  }
0x56b: {  	v51 =	vld.idx.msk [tilespmem:v9+s7+$0x0], $0xffff;
	v9 =	vadd.s32 $0x17, v12  }
0x56c: {  	v46 =	vld.idx.msk [tilespmem:v8+s7+$0x0], $0xffff  }
0x56d: {  	v52 =	vld.idx.msk [tilespmem:v3+s7+$0x0], $0xffff;
	v3 =	vadd.s32 $0x13, v12  }
0x56e: {  	v53 =	vld.idx.msk [tilespmem:v4+s7+$0x0], $0xffff;
	v4 =	vadd.s32 $0x14, v12  }
0x56f: {  	v54 =	vld.idx.msk [tilespmem:v0+s7+$0x0], $0xffff;
	v0 =	vadd.s32 $0x15, v12  }
0x570: {  	v8 =	vadd.s32 $0x16, v12;
	v1 =	vld.idx.msk [tilespmem:v9+s7+$0x0], $0xffff  }
0x571: {  	v11 =	vadd.s32 $0x19, v12  }
0x572: {  	v43 =	vld.idx.msk [tilespmem:v3+s7+$0x0], $0xffff  }
0x573: {  	v3 =	vadd.s32 $0x18, v12;
	v42 =	vld.idx.msk [tilespmem:v4+s7+$0x0], $0xffff  }
0x574: {  	v10 =	vadd.f32 $5.000000000e-01, v7;
	v4 =	vld.idx.msk [tilespmem:v0+s7+$0x0], $0xffff;
	v0 =	vadd.s32 $0x1A, v12  }
0x575: {  	v41 =	vld.idx.msk [tilespmem:v8+s7+$0x0], $0xffff;
	[tilespmem:$0x1FD20] =	vst v1  }
0x576: {  	v14 =	vtrunc.f32 v10;
	v47 =	vld.idx.msk [tilespmem:v11+s7+$0x0], $0xffff;
	v11 =	vadd.s32 $0x1E, v12  }
0x577: {  	v14 =	vcvt.f32.s32 v14  }
0x578: {  	v8 =	vadd.s32 $0x1B, v12;
	v10 =	vld.idx.msk [tilespmem:v3+s7+$0x0], $0xffff  }
0x579: {  	v9 =	vadd.s32 $0x1C, v12;
	v3 =	vld.idx.msk [tilespmem:v0+s7+$0x0], $0xffff;
	v0 =	vcvt.s32.f32 v14;
	_ =	sdelay $0x1  }
0x57a: {  	v15 =	vadd.s32 $0x1D, v12;
	v7 =	vsub.f32 v7, v0;
	v0 =	vld.idx.msk [tilespmem:v11+s7+$0x0], $0xffff  }
0x57b: {  	v16 =	vadd.s32 $0x1F, v12  }
0x57c: {  	v48 =	vld.idx.msk [tilespmem:v8+s7+$0x0], $0xffff;
	v8 =	vadd.s32 $0x20, v12  }
0x57d: {  	v50 =	vld.idx.msk [tilespmem:v9+s7+$0x0], $0xffff;
	v9 =	vadd.s32 $0x21, v12  }
0x57e: {  	v14 =	vadd.s32 $0x22, v12  }
0x57f: {  	v15 =	vld.idx.msk [tilespmem:v15+s7+$0x0], $0xffff;
	v11 =	vadd.s32 $0x23, v12;
	[tilespmem:$0x1FD30] =	vst v0  }
0x580: {  	v62 =	vadd.s32 $0x39, v12;
	v57 =	vmul.f32 v7, v7;
	v25 =	vld.idx.msk [tilespmem:v16+s7+$0x0], $0xffff  }
0x581: {  	v29 =	vld.idx.msk [tilespmem:v8+s7+$0x0], $0xffff  }
0x582: {  	v19 =	vmul.f32 $-1.237227250e+01, v57;
	v16 =	vadd.s32 $0x24, v12;
	v30 =	vld.idx.msk [tilespmem:v9+s7+$0x0], $0xffff  }
0x583: {  	v21 =	vmul.f32 $6.575502400e+00, v57;
	v8 =	vadd.s32 $0x25, v12;
	v31 =	vld.idx.msk [tilespmem:v14+s7+$0x0], $0xffff  }
0x584: {  	s5 =	sor.u32 s17, s12;
	v9 =	vadd.s32 $0x26, v12;
	v19 =	vadd.f32 $4.126979830e+01, v19;
	v34 =	vld.idx.msk [tilespmem:v11+s7+$0x0], $0xffff  }
0x585: {  	v21 =	vadd.f32 $-2.600045590e+01, v21;
	v11 =	vadd.s32 $0x28, v12;
	[tilespmem:s5+$0x12B00] =	vst v5;
	v5 =	vld.idx.msk [tilespmem:v62+s7+$0x0], $0xffff  }
0x586: {  	v14 =	vadd.s32 $0x27, v12;
	v0 =	vld.idx.msk [tilespmem:v12+s7+$0x0], $0xffff;
	v19 =	vmul.f32 v19, v57  }
0x587: {  	v21 =	vmul.f32 v21, v57;
	v35 =	vld.idx.msk [tilespmem:v16+s7+$0x0], $0xffff;
	v16 =	vadd.s32 $0x29, v12  }
0x588: {  	v19 =	vadd.f32 $-7.659490200e+01, v19;
	v39 =	vld.idx.msk [tilespmem:v8+s7+$0x0], $0xffff;
	v8 =	vadd.s32 $0x2A, v12  }
0x589: {  	v21 =	vadd.f32 $6.017621230e+01, v21;
	v36 =	vld.idx.msk [tilespmem:v9+s7+$0x0], $0xffff;
	v9 =	vadd.s32 $0x2B, v12  }
0x58a: {  	v37 =	vld.idx.msk [tilespmem:v11+s7+$0x0], $0xffff;
	v11 =	vadd.s32 $0x2D, v12;
	v19 =	vmul.f32 v19, v57  }
0x58b: {  	v40 =	vld.idx.msk [tilespmem:v14+s7+$0x0], $0xffff;
	v14 =	vadd.s32 $0x2C, v12;
	v21 =	vmul.f32 v21, v57  }
0x58c: {  	v19 =	vadd.f32 $8.159765630e+01, v19;
	v38 =	vld.idx.msk [tilespmem:v16+s7+$0x0], $0xffff;
	v16 =	vadd.s32 $0x2E, v12  }
0x58d: {  	v21 =	vadd.f32 $-8.545116420e+01, v21;
	v32 =	vld.idx.msk [tilespmem:v8+s7+$0x0], $0xffff;
	v8 =	vadd.s32 $0x2F, v12  }
0x58e: {  	v33 =	vld.idx.msk [tilespmem:v9+s7+$0x0], $0xffff;
	v9 =	vadd.s32 $0x30, v12;
	v19 =	vmul.f32 v19, v57  }
0x58f: {  	v21 =	vmul.f32 v21, v57;
	v27 =	vld.idx.msk [tilespmem:v11+s7+$0x0], $0xffff;
	v11 =	vadd.s32 $0x32, v12  }
0x590: {  	v26 =	vld.idx.msk [tilespmem:v14+s7+$0x0], $0xffff;
	v14 =	vadd.s32 $0x31, v12;
	v19 =	vadd.f32 $-4.134148030e+01, v19  }
0x591: {  	v60 =	vadd.s32 $0x36, v12;
	v21 =	vadd.f32 $6.493917080e+01, v21;
	v24 =	vld.idx.msk [tilespmem:v16+s7+$0x0], $0xffff  }
0x592: {  	v58 =	vmul.f32 v19, v57;
	v28 =	vld.idx.msk [tilespmem:v8+s7+$0x0], $0xffff;
	v8 =	vadd.s32 $0x34, v12  }
0x593: {  	v59 =	vmul.f32 v21, v57;
	v16 =	vadd.s32 $0x33, v12;
	v23 =	vld.idx.msk [tilespmem:v9+s7+$0x0], $0xffff  }
0x594: {  	v9 =	vadd.s32 $0x35, v12;
	v19 =	vld.idx.msk [tilespmem:v11+s7+$0x0], $0xffff;
	v11 =	vadd.f32 $6.283183570e+00, v58  }
0x595: {  	v21 =	vld.idx.msk [tilespmem:v14+s7+$0x0], $0xffff;
	v58 =	vadd.f32 $-1.973920630e+01, v59;
	v59 =	vadd.s32 $0x38, v12  }
0x596: {  	v61 =	vadd.s32 $0x37, v12;
	v63 =	vmul.f32 v11, v7;
	v7 =	vld.idx.msk [tilespmem:v60+s7+$0x0], $0xffff  }
0x597: {  	v14 =	vld.idx.msk [tilespmem:v8+s7+$0x0], $0xffff;
	v8 =	vmul.f32 v58, v57;
	v57 =	vadd.s32 $0x3A, v12  }
0x598: {  	v16 =	vld.idx.msk [tilespmem:v16+s7+$0x0], $0xffff  }
0x599: {  	s4 =	sadd.s32 $0x11B00, s5;
	v11 =	vld.idx.msk [tilespmem:v9+s7+$0x0], $0xffff  }
0x59a: {  	[tilespmem:s4+$0x80] =	vst v6;
	v9 =	vld.idx.msk [tilespmem:v59+s7+$0x0], $0xffff  }
0x59b: {  	[tilespmem:s4+$0x100] =	vst v56;
	v58 =	vadd.f32 $1.000000000e+00, v8;
	v8 =	vld.idx.msk [tilespmem:v61+s7+$0x0], $0xffff  }
0x59c: {  	v6 =	vld.idx.msk [tilespmem:v57+s7+$0x0], $0xffff;
	[tilespmem:$0x1FD10] =	vst v0  }
0x59d: {  	[tilespmem:s4+$0x180] =	vst v13  }
0x59e: {  	v1 =	vadd.s32 $0x3B, v12;
	[tilespmem:s4+$0x200] =	vst v55  }
0x59f: {  	s11 =	sor.u32 s11, s11;
	v61 =	vadd.s32 $0x3C, v12;
	[tilespmem:s4+$0x280] =	vst v17  }
0x5a0: {  	s9 =	sor.u32 $0x380, s11;
	v62 =	vadd.s32 $0x3D, v12;
	v60 =	vadd.f32 v63, v63;
	[tilespmem:s4+$0x300] =	vst v20  }
0x5a1: {  	v56 =	vadd.s32 $0x3F, v12;
	[tilespmem:s9+$0x11B00] =	vst v18  }
0x5a2: {  	v59 =	vmul.f32 v58, v60;
	v60 =	vmul.f32 v60, v63;
	v57 =	vadd.s32 $0x3E, v12;
	[tilespmem:s5+$0x12B80] =	vst v22  }
0x5a3: {  	v13 =	vld.idx.msk [tilespmem:v1+s7+$0x0], $0xffff;
	[tilespmem:s5+$0x12C00] =	vst v2  }
0x5a4: {  	s29 =	simm.s32 $0x80;
	v0 =	vadd.f32 v59, v59;
	[tilespmem:s5+$0x12C80] =	vst v44;
	v12 =	vld.idx.msk [tilespmem:v61+s7+$0x0], $0xffff;
	v61 =	vsub.f32 $1.000000000e+00, v60  }
0x5a5: {  	s0 =	simm.s32 $0x10;
	v17 =	vld.idx.msk [tilespmem:v62+s7+$0x0], $0xffff;
	s4 =	sand.u32 $0xC00, s29;
	[tilespmem:s5+$0x12D00] =	vst v45  }
0x5a6: {  	s17 =	sand.u32 $0x70, s0;
	v18 =	vld.idx.msk [tilespmem:v56+s7+$0x0], $0xffff;
	[tilespmem:s5+$0x12D80] =	vst v49;
	s12 =	sadd.s32 s8, s4;
	v1 =	vmul.f32 v0, v59;
	v0 =	vmul.f32 v61, v0  }
0x5a7: {  	[tilespmem:s5+$0x12E00] =	vst v52;
	s9 =	sor.u32 s17, s12;
	v20 =	vld.idx.msk [tilespmem:v57+s7+$0x0], $0xffff  }
0x5a8: {  	v1 =	vsub.f32 $1.000000000e+00, v1;
	[tilespmem:s5+$0x19D00] =	vst v0;
	v0 =	vld [tilespmem:s9+$0x5B00]  }
0x5a9: {  	[tilespmem:s5+$0x12E80] =	vst v53  }
0x5aa: {  	[tilespmem:s5+$0x19D80] =	vst v1;
	v1 =	vld [tilespmem:s9+$0x6B00]  }
0x5ab: {  	[tilespmem:s5+$0x13B00] =	vst v54  }
0x5ac: {  	[tilespmem:s5+$0x13B80] =	vst v46  }
0x5ad: {  	[tilespmem:s5+$0x13C00] =	vst v51;
	v0 =	vmul.u32 $0x7, v0  }
0x5ae: {  	[tilespmem:s5+$0x13C80] =	vst v43  }
0x5af: {  	[tilespmem:s5+$0x13D00] =	vst v42;
	v0 =	vadd.s32 v1, v0  }
0x5b0: {  	[tilespmem:s5+$0x13D80] =	vst v4;
	v1 =	vmul.u32 $0x41, v0  }
0x5b1: {  	[tilespmem:s5+$0x13E00] =	vst v41  }
0x5b2: {  	[tilespmem:s5+$0x19C80] =	vst v61;
	v0 =	vadd.s32 $0x1, v1  }
0x5b3: {  	[tilespmem:s5+$0x19C00] =	vst v59  }
0x5b4: {  	[tilespmem:s5+$0x19B80] =	vst v58  }
0x5b5: {  	[tilespmem:s5+$0x19B00] =	vst v63  }
0x5b6: {  	v41 =	vld [tilespmem:$0x1FD20]  }
0x5b7: {  	v46 =	vld.idx.msk [tilespmem:v0+s7+$0x0], $0xffff;
	v0 =	vadd.s32 $0x6, v1  }
0x5b8: {  	v22 =	vadd.s32 $0x2, v1  }
0x5b9: {  	v58 =	vadd.s32 $0x3, v1  }
0x5ba: {  	v49 =	vld [tilespmem:s9+$0x7B00];
	v59 =	vadd.s32 $0x4, v1  }
0x5bb: {  	[tilespmem:s5+$0x14B00] =	vst v10;
	v60 =	vadd.s32 $0x5, v1;
	v2 =	vld.idx.msk [tilespmem:v1+s7+$0x0], $0xffff  }
0x5bc: {  	[tilespmem:s5+$0x13E80] =	vst v41;
	v41 =	vld.idx.msk [tilespmem:v0+s7+$0x0], $0xffff;
	v0 =	vadd.s32 $0xB, v1  }
0x5bd: {  	[tilespmem:s5+$0x14B80] =	vst v47;
	v45 =	vld.idx.msk [tilespmem:v22+s7+$0x0], $0xffff  }
0x5be: {  	[tilespmem:s5+$0x14C00] =	vst v3;
	v4 =	vadd.s32 $0x8, v1;
	v44 =	vld.idx.msk [tilespmem:v58+s7+$0x0], $0xffff  }
0x5bf: {  	[tilespmem:s5+$0x14C80] =	vst v48;
	v61 =	vadd.s32 $0x9, v1;
	v43 =	vld.idx.msk [tilespmem:v59+s7+$0x0], $0xffff  }
0x5c0: {  	[tilespmem:s5+$0x14D00] =	vst v50;
	v62 =	vadd.s32 $0xA, v1;
	v42 =	vld.idx.msk [tilespmem:v60+s7+$0x0], $0xffff  }
0x5c1: {  	[tilespmem:s5+$0x14D80] =	vst v15;
	v63 =	vadd.s32 $0xC, v1;
	v10 =	vld.idx.msk [tilespmem:v0+s7+$0x0], $0xffff  }
0x5c2: {  	v22 =	vadd.s32 $0x7, v1;
	v0 =	vld [tilespmem:$0x1FD30]  }
0x5c3: {  	v47 =	vld.idx.msk [tilespmem:v4+s7+$0x0], $0xffff  }
0x5c4: {  	v3 =	vld.idx.msk [tilespmem:v61+s7+$0x0], $0xffff  }
0x5c5: {  	v4 =	vld.idx.msk [tilespmem:v62+s7+$0x0], $0xffff  }
0x5c6: {  	v52 =	vadd.s32 $0xD, v1;
	v50 =	vadd.s32 $0xE, v1;
	v15 =	vld.idx.msk [tilespmem:v63+s7+$0x0], $0xffff  }
0x5c7: {  	s9 =	simm.s32 $0x20;
	v53 =	vadd.s32 $0xF, v1;
	v51 =	vadd.s32 $0x10, v1;
	v54 =	vadd.s32 $0x11, v1;
	v22 =	vld.idx.msk [tilespmem:v22+s7+$0x0], $0xffff;
	[tilespmem:s5+$0x14E00] =	vst v0  }
.LBB2_12:
0x5c8: {  	_ =	sdelay $0x2  }
0x5c9: {  	v0 =	vld.idx.msk [tilespmem:v52+s7+$0x0], $0xffff  }
0x5ca: {  	[tilespmem:s5+$0x14E80] =	vst v25;
	v25 =	vld.idx.msk [tilespmem:v50+s7+$0x0], $0xffff  }
0x5cb: {  	[tilespmem:s5+$0x15B00] =	vst v29;
	v29 =	vld.idx.msk [tilespmem:v53+s7+$0x0], $0xffff;
	_ =	sdelay $0x1  }
0x5cc: {  	[tilespmem:s5+$0x15B80] =	vst v30  }
0x5cd: {  	[tilespmem:$0x1FC60] =	vst v0;
	v0 =	vadd.s32 $0x12, v1  }
0x5ce: {  	[tilespmem:$0x1FC70] =	vst v25;
	v25 =	vadd.s32 $0x13, v1  }
0x5cf: {  	v51 =	vld.idx.msk [tilespmem:v51+s7+$0x0], $0xffff;
	[tilespmem:$0x1FC80] =	vst v29;
	v29 =	vadd.s32 $0x14, v1  }
0x5d0: {  	v30 =	vadd.s32 $0x15, v1;
	[tilespmem:s5+$0x15C00] =	vst v31;
	v52 =	vld.idx.msk [tilespmem:v54+s7+$0x0], $0xffff  }
0x5d1: {  	v31 =	vadd.s32 $0x16, v1;
	[tilespmem:s5+$0x18C80] =	vst v13;
	v13 =	vld [tilespmem:$0x1FD10]  }
0x5d2: {  	v53 =	vld.idx.msk [tilespmem:v0+s7+$0x0], $0xffff;
	v0 =	vadd.s32 $0x17, v1  }
0x5d3: {  	[tilespmem:s5+$0x15C80] =	vst v34;
	v50 =	vld.idx.msk [tilespmem:v25+s7+$0x0], $0xffff;
	v25 =	vadd.s32 $0x18, v1  }
0x5d4: {  	[tilespmem:s5+$0x15D00] =	vst v35;
	v63 =	vadd.f32 $5.000000000e-01, v49;
	v55 =	vld.idx.msk [tilespmem:v29+s7+$0x0], $0xffff;
	v29 =	vadd.s32 $0x19, v1  }
0x5d5: {  	[tilespmem:s5+$0x15D80] =	vst v39;
	v56 =	vld.idx.msk [tilespmem:v30+s7+$0x0], $0xffff;
	v30 =	vadd.s32 $0x1A, v1  }
0x5d6: {  	[tilespmem:s5+$0x15E00] =	vst v36;
	v34 =	vtrunc.f32 v63;
	v57 =	vld.idx.msk [tilespmem:v31+s7+$0x0], $0xffff;
	v31 =	vadd.s32 $0x1B, v1  }
0x5d7: {  	[tilespmem:s5+$0x15E80] =	vst v40;
	v34 =	vcvt.f32.s32 v34;
	v58 =	vld.idx.msk [tilespmem:v0+s7+$0x0], $0xffff;
	v0 =	vadd.s32 $0x1C, v1  }
0x5d8: {  	[tilespmem:s5+$0x16B00] =	vst v37;
	v59 =	vld.idx.msk [tilespmem:v25+s7+$0x0], $0xffff;
	v25 =	vadd.s32 $0x1D, v1  }
0x5d9: {  	[tilespmem:s5+$0x16B80] =	vst v38;
	v39 =	vcvt.s32.f32 v34;
	v60 =	vld.idx.msk [tilespmem:v29+s7+$0x0], $0xffff;
	v29 =	vadd.s32 $0x1E, v1  }
0x5da: {  	[tilespmem:s5+$0x16C00] =	vst v32;
	v61 =	vld.idx.msk [tilespmem:v30+s7+$0x0], $0xffff;
	v30 =	vadd.s32 $0x1F, v1  }
0x5db: {  	[tilespmem:s5+$0x16D00] =	vst v26;
	v26 =	vadd.s32 $0x20, v1;
	v49 =	vsub.f32 v49, v39;
	v62 =	vld.idx.msk [tilespmem:v31+s7+$0x0], $0xffff  }
0x5dc: {  	[tilespmem:s5+$0x16D80] =	vst v27;
	v27 =	vadd.s32 $0x21, v1;
	v63 =	vld.idx.msk [tilespmem:v0+s7+$0x0], $0xffff  }
0x5dd: {  	[tilespmem:s5+$0x17B00] =	vst v23;
	v23 =	vadd.s32 $0x24, v1;
	v54 =	vld.idx.msk [tilespmem:v25+s7+$0x0], $0xffff;
	v0 =	vmul.f32 v49, v49  }
0x5de: {  	[tilespmem:s5+$0x16E00] =	vst v24;
	v24 =	vadd.s32 $0x22, v1;
	v48 =	vld.idx.msk [tilespmem:v29+s7+$0x0], $0xffff  }
0x5df: {  	[tilespmem:s5+$0x17C00] =	vst v19;
	v19 =	vadd.s32 $0x26, v1;
	v25 =	vld.idx.msk [tilespmem:v30+s7+$0x0], $0xffff;
	v31 =	vmul.f32 $-1.237227250e+01, v0;
	v40 =	vmul.f32 $6.575502400e+00, v0  }
0x5e0: {  	[tilespmem:s5+$0x17B80] =	vst v21;
	v21 =	vadd.s32 $0x25, v1;
	v29 =	vld.idx.msk [tilespmem:v26+s7+$0x0], $0xffff  }
0x5e1: {  	[tilespmem:s5+$0x17D00] =	vst v14;
	v14 =	vadd.s32 $0x28, v1;
	v30 =	vld.idx.msk [tilespmem:v27+s7+$0x0], $0xffff;
	v26 =	vadd.f32 $4.126979830e+01, v31;
	v27 =	vadd.f32 $-2.600045590e+01, v40  }
0x5e2: {  	[tilespmem:s5+$0x17C80] =	vst v16;
	v16 =	vadd.s32 $0x27, v1;
	v35 =	vld.idx.msk [tilespmem:v23+s7+$0x0], $0xffff  }
0x5e3: {  	[tilespmem:s5+$0x17E00] =	vst v7;
	v7 =	vadd.s32 $0x2A, v1;
	v31 =	vld.idx.msk [tilespmem:v24+s7+$0x0], $0xffff;
	v24 =	vmul.f32 v26, v0;
	v26 =	vmul.f32 v27, v0  }
0x5e4: {  	[tilespmem:s5+$0x17D80] =	vst v11;
	v11 =	vadd.s32 $0x29, v1;
	v36 =	vld.idx.msk [tilespmem:v19+s7+$0x0], $0xffff  }
0x5e5: {  	[tilespmem:s5+$0x16E80] =	vst v28;
	v28 =	vadd.s32 $0x23, v1;
	v39 =	vld.idx.msk [tilespmem:v21+s7+$0x0], $0xffff;
	v21 =	vadd.f32 $-7.659490200e+01, v24;
	v23 =	vadd.f32 $6.017621230e+01, v26  }
0x5e6: {  	[tilespmem:s5+$0x17E80] =	vst v8;
	v8 =	vadd.s32 $0x2B, v1;
	v37 =	vld.idx.msk [tilespmem:v14+s7+$0x0], $0xffff  }
0x5e7: {  	[tilespmem:s5+$0x18B80] =	vst v5;
	v5 =	vadd.s32 $0x2D, v1;
	v40 =	vld.idx.msk [tilespmem:v16+s7+$0x0], $0xffff;
	v16 =	vmul.f32 v21, v0;
	v19 =	vmul.f32 v23, v0  }
0x5e8: {  	[tilespmem:s5+$0x16C80] =	vst v33;
	v32 =	vld.idx.msk [tilespmem:v7+s7+$0x0], $0xffff;
	v7 =	vadd.s32 $0x2F, v1  }
0x5e9: {  	[tilespmem:s5+$0x18B00] =	vst v9;
	v9 =	vadd.s32 $0x2C, v1;
	v38 =	vld.idx.msk [tilespmem:v11+s7+$0x0], $0xffff;
	v11 =	vadd.f32 $8.159765630e+01, v16;
	v14 =	vadd.f32 $-8.545116420e+01, v19  }
0x5ea: {  	[tilespmem:s5+$0x18C00] =	vst v6;
	v6 =	vadd.s32 $0x2E, v1;
	v34 =	vld.idx.msk [tilespmem:v28+s7+$0x0], $0xffff  }
0x5eb: {  	[tilespmem:s5+$0x18D00] =	vst v12;
	v33 =	vld.idx.msk [tilespmem:v8+s7+$0x0], $0xffff;
	v8 =	vadd.s32 $0x30, v1;
	v11 =	vmul.f32 v11, v0;
	v12 =	vmul.f32 v14, v0  }
0x5ec: {  	v27 =	vld.idx.msk [tilespmem:v5+s7+$0x0], $0xffff;
	v5 =	vadd.s32 $0x32, v1  }
0x5ed: {  	[tilespmem:s5+$0x11B00] =	vst v13;
	v13 =	vmovc v2;
	v2 =	vadd.s32 $0x34, v1;
	v28 =	vld.idx.msk [tilespmem:v7+s7+$0x0], $0xffff;
	v11 =	vadd.f32 $-4.134148030e+01, v11;
	v12 =	vadd.f32 $6.493917080e+01, v12  }
0x5ee: {  	v26 =	vld.idx.msk [tilespmem:v9+s7+$0x0], $0xffff;
	v9 =	vadd.s32 $0x31, v1  }
0x5ef: {  	v24 =	vld.idx.msk [tilespmem:v6+s7+$0x0], $0xffff;
	v6 =	vadd.s32 $0x33, v1;
	v7 =	vmul.f32 v11, v0;
	v11 =	vmul.f32 v12, v0  }
0x5f0: {  	v23 =	vld.idx.msk [tilespmem:v8+s7+$0x0], $0xffff;
	v8 =	vadd.s32 $0x35, v1  }
0x5f1: {  	v19 =	vld.idx.msk [tilespmem:v5+s7+$0x0], $0xffff;
	v5 =	vadd.s32 $0x37, v1;
	v7 =	vadd.f32 $6.283183570e+00, v7;
	v11 =	vadd.f32 $-1.973920630e+01, v11  }
0x5f2: {  	v14 =	vld.idx.msk [tilespmem:v2+s7+$0x0], $0xffff;
	v2 =	vadd.s32 $0x39, v1  }
0x5f3: {  	[tilespmem:s5+$0x18D80] =	vst v17;
	v21 =	vld.idx.msk [tilespmem:v9+s7+$0x0], $0xffff;
	v9 =	vadd.s32 $0x36, v1;
	v49 =	vmul.f32 v7, v49;
	v0 =	vmul.f32 v11, v0  }
0x5f4: {  	[tilespmem:s5+$0x18E00] =	vst v20;
	v16 =	vld.idx.msk [tilespmem:v6+s7+$0x0], $0xffff;
	v6 =	vadd.s32 $0x38, v1  }
0x5f5: {  	[tilespmem:$0x1FD10] =	vst v13;
	v12 =	vadd.s32 $0x3A, v1;
	v11 =	vld.idx.msk [tilespmem:v8+s7+$0x0], $0xffff;
	v0 =	vadd.f32 $1.000000000e+00, v0;
	v13 =	vadd.f32 v49, v49  }
0x5f6: {  	[tilespmem:s5+$0x18E80] =	vst v18;
	v17 =	vadd.s32 $0x3B, v1;
	v18 =	vadd.s32 $0x3C, v1;
	v20 =	vadd.s32 $0x3D, v1;
	s11 =	sor.u32 s29, s0;
	s5 =	sor.u32 s17, s4;
	v8 =	vld.idx.msk [tilespmem:v5+s7+$0x0], $0xffff  }
0x5f7: {  	s11 =	sor.u32 $0x380, s11;
	[tilespmem:s5+$0x12B00] =	vst v47;
	v5 =	vld.idx.msk [tilespmem:v2+s7+$0x0], $0xffff;
	v2 =	vadd.s32 $0x3E, v1;
	v1 =	vadd.s32 $0x3F, v1;
	v47 =	vmul.f32 v0, v13  }
0x5f8: {  	[tilespmem:s11+$0x11B00] =	vst v22;
	s10 =	sadd.s32 $0x11B00, s5;
	v7 =	vld.idx.msk [tilespmem:v9+s7+$0x0], $0xffff  }
0x5f9: {  	[tilespmem:s10+$0x80] =	vst v46;
	v9 =	vld.idx.msk [tilespmem:v6+s7+$0x0], $0xffff;
	v13 =	vmul.f32 v13, v49;
	v46 =	vadd.f32 v47, v47  }
0x5fa: {  	[tilespmem:s10+$0x100] =	vst v45;
	v6 =	vld.idx.msk [tilespmem:v12+s7+$0x0], $0xffff  }
0x5fb: {  	[tilespmem:s10+$0x180] =	vst v44;
	v12 =	vld.idx.msk [tilespmem:v18+s7+$0x0], $0xffff;
	v45 =	vsub.f32 $1.000000000e+00, v13;
	v44 =	vmul.f32 v46, v47  }
0x5fc: {  	s29 =	sadd.s32 $0x80, s29;
	[tilespmem:s10+$0x200] =	vst v43;
	v18 =	vld.idx.msk [tilespmem:v1+s7+$0x0], $0xffff  }
0x5fd: {  	s4 =	sand.u32 $0xC00, s29;
	[tilespmem:s10+$0x280] =	vst v42;
	v13 =	vld.idx.msk [tilespmem:v17+s7+$0x0], $0xffff;
	v43 =	vmul.f32 v45, v46;
	v46 =	vsub.f32 $1.000000000e+00, v44  }
0x5fe: {  	s17 =	sand.u32 $0x70, s9;
	s12 =	sadd.s32 s8, s4;
	[tilespmem:s10+$0x300] =	vst v41;
	v17 =	vld.idx.msk [tilespmem:v20+s7+$0x0], $0xffff  }
0x5ff: {  	s12 =	sor.u32 s17, s12;
	v20 =	vld.idx.msk [tilespmem:v2+s7+$0x0], $0xffff;
	[tilespmem:s5+$0x19D80] =	vst v46  }
0x600: {  	v1 =	vld [tilespmem:s12+$0x5B00];
	[tilespmem:s5+$0x19D00] =	vst v43  }
0x601: {  	[tilespmem:s5+$0x19C80] =	vst v45  }
0x602: {  	v2 =	vld [tilespmem:s12+$0x6B00];
	_ =	sdelay $0x2  }
0x603: {  	[tilespmem:s5+$0x19B80] =	vst v0;
	v0 =	vmul.u32 $0x7, v1;
	_ =	sdelay $0x1  }
0x604: {  	v0 =	vadd.s32 v2, v0;
	v2 =	vld [tilespmem:$0x1FC70]  }
0x605: {  	[tilespmem:s5+$0x19C00] =	vst v47  }
0x606: {  	[tilespmem:s5+$0x19B00] =	vst v49  }
0x607: {  	[tilespmem:s5+$0x12B80] =	vst v3  }
0x608: {  	[tilespmem:s5+$0x12C00] =	vst v4;
	v1 =	vmul.u32 $0x41, v0;
	v0 =	vld [tilespmem:$0x1FC60]  }
0x609: {  	[tilespmem:s5+$0x12E00] =	vst v2;
	v2 =	vld [tilespmem:$0x1FC80]  }
0x60a: {  	[tilespmem:s5+$0x12C80] =	vst v10  }
0x60b: {  	[tilespmem:s5+$0x12D00] =	vst v15;
	v3 =	vadd.s32 $0x2, v1  }
0x60c: {  	[tilespmem:s5+$0x13B00] =	vst v51;
	v4 =	vadd.s32 $0x3, v1  }
0x60d: {  	[tilespmem:s5+$0x12D80] =	vst v0;
	v0 =	vadd.s32 $0x1, v1  }
0x60e: {  	v10 =	vadd.s32 $0x4, v1;
	[tilespmem:s5+$0x12E80] =	vst v2  }
0x60f: {  	v15 =	vadd.s32 $0x5, v1;
	v49 =	vld [tilespmem:s12+$0x7B00];
	[tilespmem:s5+$0x13B80] =	vst v52  }
0x610: {  	v45 =	vld.idx.msk [tilespmem:v3+s7+$0x0], $0xffff;
	[tilespmem:s5+$0x13C00] =	vst v53  }
0x611: {  	v3 =	vadd.s32 $0x7, v1;
	v44 =	vld.idx.msk [tilespmem:v4+s7+$0x0], $0xffff;
	[tilespmem:s5+$0x13C80] =	vst v50  }
0x612: {  	v46 =	vld.idx.msk [tilespmem:v0+s7+$0x0], $0xffff;
	v0 =	vadd.s32 $0x6, v1;
	[tilespmem:s5+$0x13D00] =	vst v55  }
0x613: {  	v4 =	vadd.s32 $0x8, v1;
	v43 =	vld.idx.msk [tilespmem:v10+s7+$0x0], $0xffff;
	[tilespmem:s5+$0x13D80] =	vst v56  }
0x614: {  	v10 =	vadd.s32 $0x9, v1;
	v42 =	vld.idx.msk [tilespmem:v15+s7+$0x0], $0xffff;
	[tilespmem:s5+$0x13E00] =	vst v57  }
0x615: {  	v15 =	vadd.s32 $0xA, v1;
	v2 =	vld.idx.msk [tilespmem:v1+s7+$0x0], $0xffff;
	[tilespmem:s5+$0x13E80] =	vst v58  }
0x616: {  	[tilespmem:s5+$0x14B00] =	vst v59;
	v59 =	vadd.s32 $0xC, v1;
	v22 =	vld.idx.msk [tilespmem:v3+s7+$0x0], $0xffff  }
0x617: {  	p0 =	sne.s32 s9, $0x1F0;
	[tilespmem:s5+$0x14B80] =	vst v60;
	v41 =	vld.idx.msk [tilespmem:v0+s7+$0x0], $0xffff;
	v0 =	vadd.s32 $0xB, v1  }
.Ltmp4:
0x618: {  	[tilespmem:s5+$0x14C00] =	vst v61;
	v47 =	vld.idx.msk [tilespmem:v4+s7+$0x0], $0xffff;
	(pc) =	sbr.rel @p0 .LBB2_12-.Ltmp4, $4  }
0x619: {  	[tilespmem:s5+$0x14C80] =	vst v62;
	v3 =	vld.idx.msk [tilespmem:v10+s7+$0x0], $0xffff  }
0x61a: {  	[tilespmem:s5+$0x14D00] =	vst v63;
	v4 =	vld.idx.msk [tilespmem:v15+s7+$0x0], $0xffff  }
0x61b: {  	v51 =	vadd.s32 $0x10, v1;
	v52 =	vadd.s32 $0xD, v1;
	[tilespmem:s5+$0x14D80] =	vst v54;
	v15 =	vld.idx.msk [tilespmem:v59+s7+$0x0], $0xffff  }
0x61c: {  	s0 =	smov.u32 s9;
	s9 =	sadd.s32 $0x10, s9;
	v50 =	vadd.s32 $0xE, v1;
	v53 =	vadd.s32 $0xF, v1;
	v54 =	vadd.s32 $0x11, v1;
	[tilespmem:s5+$0x14E00] =	vst v48;
	v10 =	vld.idx.msk [tilespmem:v0+s7+$0x0], $0xffff  }
0x61d: {  	_ =	sdelay $0x3  }
0x61e: {  	v0 =	vld.idx.msk [tilespmem:v52+s7+$0x0], $0xffff;
	_ =	sdelay $0x4  }
0x61f: {  	[tilespmem:$0x1FC40] =	vst v0  }
0x620: {  	v0 =	vld.idx.msk [tilespmem:v50+s7+$0x0], $0xffff;
	_ =	sdelay $0x2  }
0x621: {  	v62 =	vadd.f32 $5.000000000e-01, v49  }
0x622: {  	v55 =	vadd.s32 $0x12, v1  }
0x623: {  	v56 =	vadd.s32 $0x13, v1;
	v62 =	vtrunc.f32 v62;
	[tilespmem:$0x1FC50] =	vst v0  }
0x624: {  	v57 =	vadd.s32 $0x14, v1;
	v62 =	vcvt.f32.s32 v62;
	v50 =	vld.idx.msk [tilespmem:v53+s7+$0x0], $0xffff  }
0x625: {  	v58 =	vadd.s32 $0x15, v1;
	v51 =	vld.idx.msk [tilespmem:v51+s7+$0x0], $0xffff  }
0x626: {  	v59 =	vadd.s32 $0x16, v1;
	v62 =	vcvt.s32.f32 v62;
	v52 =	vld.idx.msk [tilespmem:v54+s7+$0x0], $0xffff  }
0x627: {  	v60 =	vadd.s32 $0x17, v1;
	v53 =	vld.idx.msk [tilespmem:v55+s7+$0x0], $0xffff;
	[tilespmem:s5+$0x14E80] =	vst v25  }
0x628: {  	v61 =	vadd.s32 $0x18, v1;
	v49 =	vsub.f32 v49, v62;
	v54 =	vld.idx.msk [tilespmem:v56+s7+$0x0], $0xffff;
	[tilespmem:s5+$0x15B00] =	vst v29  }
0x629: {  	v0 =	vadd.s32 $0x1B, v1;
	v55 =	vld.idx.msk [tilespmem:v57+s7+$0x0], $0xffff;
	[tilespmem:s5+$0x15B80] =	vst v30  }
0x62a: {  	v62 =	vmul.f32 v49, v49;
	v57 =	vadd.s32 $0x19, v1;
	v56 =	vld.idx.msk [tilespmem:v58+s7+$0x0], $0xffff;
	[tilespmem:s5+$0x15C00] =	vst v31  }
0x62b: {  	v58 =	vadd.s32 $0x1A, v1;
	v48 =	vld.idx.msk [tilespmem:v59+s7+$0x0], $0xffff;
	[tilespmem:s5+$0x15C80] =	vst v34  }
0x62c: {  	v63 =	vmul.f32 $-1.237227250e+01, v62;
	v29 =	vld.idx.msk [tilespmem:v60+s7+$0x0], $0xffff;
	v60 =	vadd.s32 $0x1C, v1;
	[tilespmem:s5+$0x15D00] =	vst v35  }
0x62d: {  	v30 =	vld.idx.msk [tilespmem:v61+s7+$0x0], $0xffff;
	v61 =	vadd.s32 $0x1D, v1;
	[tilespmem:s5+$0x15D80] =	vst v39  }
0x62e: {  	v25 =	vadd.s32 $0x1F, v1;
	[tilespmem:s5+$0x15E00] =	vst v36;
	v63 =	vadd.f32 $4.126979830e+01, v63;
	v35 =	vld.idx.msk [tilespmem:v0+s7+$0x0], $0xffff  }
0x62f: {  	[tilespmem:s5+$0x15E80] =	vst v40;
	v0 =	vadd.s32 $0x20, v1;
	v31 =	vld.idx.msk [tilespmem:v57+s7+$0x0], $0xffff  }
0x630: {  	[tilespmem:s5+$0x16B00] =	vst v37;
	v63 =	vmul.f32 v63, v62;
	v57 =	vadd.s32 $0x1E, v1;
	v34 =	vld.idx.msk [tilespmem:v58+s7+$0x0], $0xffff  }
0x631: {  	[tilespmem:s5+$0x16B80] =	vst v38;
	v39 =	vld.idx.msk [tilespmem:v60+s7+$0x0], $0xffff;
	v60 =	vadd.s32 $0x21, v1  }
0x632: {  	[tilespmem:s5+$0x16C00] =	vst v32;
	v36 =	vld.idx.msk [tilespmem:v61+s7+$0x0], $0xffff;
	v61 =	vadd.s32 $0x22, v1;
	v63 =	vadd.f32 $-7.659490200e+01, v63  }
0x633: {  	[tilespmem:s5+$0x16C80] =	vst v33;
	v37 =	vld.idx.msk [tilespmem:v25+s7+$0x0], $0xffff;
	v58 =	vadd.s32 $0x24, v1  }
0x634: {  	[tilespmem:s5+$0x17B80] =	vst v21;
	v25 =	vmul.f32 $6.575502400e+00, v62;
	v21 =	vmul.f32 v63, v62;
	v63 =	vadd.s32 $0x2D, v1;
	v38 =	vld.idx.msk [tilespmem:v0+s7+$0x0], $0xffff  }
0x635: {  	[tilespmem:s5+$0x16D00] =	vst v26;
	v0 =	vadd.s32 $0x25, v1;
	v40 =	vld.idx.msk [tilespmem:v57+s7+$0x0], $0xffff  }
0x636: {  	[tilespmem:s5+$0x16D80] =	vst v27;
	v59 =	vadd.f32 $-2.600045590e+01, v25;
	v57 =	vadd.s32 $0x23, v1;
	v32 =	vld.idx.msk [tilespmem:v60+s7+$0x0], $0xffff  }
0x637: {  	[tilespmem:s5+$0x16E00] =	vst v24;
	v60 =	vadd.s32 $0x26, v1;
	v33 =	vld.idx.msk [tilespmem:v61+s7+$0x0], $0xffff  }
0x638: {  	[tilespmem:s5+$0x16E80] =	vst v28;
	v59 =	vmul.f32 v59, v62;
	v27 =	vld.idx.msk [tilespmem:v58+s7+$0x0], $0xffff;
	v58 =	vadd.s32 $0x29, v1  }
0x639: {  	[tilespmem:s5+$0x17E00] =	vst v7;
	v61 =	vadd.s32 $0x27, v1;
	v7 =	vld.idx.msk [tilespmem:v63+s7+$0x0], $0xffff  }
0x63a: {  	[tilespmem:s5+$0x17B00] =	vst v23;
	v59 =	vadd.f32 $6.017621230e+01, v59;
	v63 =	vadd.s32 $0x32, v1;
	v25 =	vld.idx.msk [tilespmem:v0+s7+$0x0], $0xffff  }
0x63b: {  	[tilespmem:s5+$0x17C00] =	vst v19;
	v0 =	vadd.s32 $0x2A, v1;
	v26 =	vld.idx.msk [tilespmem:v57+s7+$0x0], $0xffff  }
0x63c: {  	[tilespmem:s5+$0x17C80] =	vst v16;
	v59 =	vmul.f32 v59, v62;
	v28 =	vld.idx.msk [tilespmem:v60+s7+$0x0], $0xffff;
	v60 =	vadd.s32 $0x2B, v1  }
0x63d: {  	[tilespmem:s5+$0x17D00] =	vst v14;
	v23 =	vld.idx.msk [tilespmem:v58+s7+$0x0], $0xffff;
	v58 =	vadd.s32 $0x2E, v1  }
0x63e: {  	[tilespmem:s5+$0x17D80] =	vst v11;
	v16 =	vadd.f32 $8.159765630e+01, v21;
	v57 =	vadd.s32 $0x28, v1;
	v24 =	vld.idx.msk [tilespmem:v61+s7+$0x0], $0xffff;
	v21 =	vadd.f32 $-8.545116420e+01, v59  }
0x63f: {  	[tilespmem:s5+$0x18C80] =	vst v13;
	v61 =	vadd.s32 $0x2C, v1;
	v13 =	vld.idx.msk [tilespmem:v63+s7+$0x0], $0xffff  }
0x640: {  	[tilespmem:s5+$0x17E80] =	vst v8;
	v11 =	vmul.f32 v16, v62;
	v59 =	vadd.s32 $0x2F, v1;
	v19 =	vld.idx.msk [tilespmem:v0+s7+$0x0], $0xffff;
	v0 =	vmul.f32 v21, v62  }
0x641: {  	[tilespmem:s5+$0x18B00] =	vst v9;
	v14 =	vld.idx.msk [tilespmem:v60+s7+$0x0], $0xffff;
	v60 =	vadd.s32 $0x30, v1  }
0x642: {  	[tilespmem:s5+$0x18B80] =	vst v5;
	v8 =	vadd.f32 $-4.134148030e+01, v11;
	v16 =	vld.idx.msk [tilespmem:v58+s7+$0x0], $0xffff;
	v58 =	vadd.s32 $0x33, v1;
	v0 =	vadd.f32 $6.493917080e+01, v0  }
0x643: {  	[tilespmem:s5+$0x18C00] =	vst v6;
	v57 =	vld.idx.msk [tilespmem:v57+s7+$0x0], $0xffff  }
0x644: {  	[tilespmem:s5+$0x18D00] =	vst v12;
	v5 =	vmul.f32 v8, v62;
	v21 =	vld.idx.msk [tilespmem:v61+s7+$0x0], $0xffff;
	v61 =	vadd.s32 $0x31, v1;
	v8 =	vmul.f32 v0, v62  }
0x645: {  	[tilespmem:s5+$0x18D80] =	vst v17;
	v9 =	vld.idx.msk [tilespmem:v59+s7+$0x0], $0xffff;
	v59 =	vadd.s32 $0x34, v1  }
0x646: {  	s4 =	sor.u32 s17, s4;
	[tilespmem:s5+$0x18E00] =	vst v20;
	v11 =	vld.idx.msk [tilespmem:v60+s7+$0x0], $0xffff;
	v60 =	vadd.s32 $0x35, v1;
	v8 =	vadd.f32 $-1.973920630e+01, v8  }
0x647: {  	s12 =	sadd.s32 $0x11B00, s4;
	[tilespmem:s5+$0x18E80] =	vst v18;
	v0 =	vadd.s32 $0x36, v1;
	v12 =	vld.idx.msk [tilespmem:v58+s7+$0x0], $0xffff  }
0x648: {  	v5 =	vadd.f32 $6.283183570e+00, v5;
	v58 =	vadd.s32 $0x38, v1;
	v8 =	vmul.f32 v8, v62;
	v62 =	vld [tilespmem:$0x1FD10];
	[tilespmem:s12+$0x80] =	vst v46  }
0x649: {  	v63 =	vadd.s32 $0x37, v1;
	v6 =	vld.idx.msk [tilespmem:v61+s7+$0x0], $0xffff;
	[tilespmem:s12+$0x100] =	vst v45  }
0x64a: {  	v5 =	vmul.f32 v5, v49;
	v49 =	vadd.s32 $0x39, v1;
	v17 =	vld.idx.msk [tilespmem:v59+s7+$0x0], $0xffff;
	[tilespmem:s12+$0x180] =	vst v44  }
0x64b: {  	v59 =	vadd.s32 $0x3A, v1;
	[tilespmem:s12+$0x200] =	vst v43;
	v20 =	vld.idx.msk [tilespmem:v60+s7+$0x0], $0xffff  }
0x64c: {  	v18 =	vadd.f32 v5, v5;
	v61 =	vadd.s32 $0x3B, v1;
	[tilespmem:s12+$0x280] =	vst v42;
	v8 =	vadd.f32 $1.000000000e+00, v8;
	v60 =	vld.idx.msk [tilespmem:v0+s7+$0x0], $0xffff  }
0x64d: {  	[tilespmem:s12+$0x300] =	vst v41;
	v46 =	vld.idx.msk [tilespmem:v58+s7+$0x0], $0xffff;
	v0 =	vadd.s32 $0x3D, v1  }
0x64e: {  	s0 =	sor.u32 s29, s0;
	v58 =	vmul.f32 v8, v18;
	[tilespmem:s5+$0x11B00] =	vst v62;
	v62 =	vld.idx.msk [tilespmem:v63+s7+$0x0], $0xffff;
	v63 =	vadd.s32 $0x3C, v1  }
0x64f: {  	s0 =	sor.u32 $0x380, s0;
	v45 =	vld.idx.msk [tilespmem:v49+s7+$0x0], $0xffff;
	v49 =	vadd.s32 $0x3E, v1;
	[tilespmem:s4+$0x12B00] =	vst v47  }
0x650: {  	[tilespmem:s0+$0x11B00] =	vst v22;
	v44 =	vld.idx.msk [tilespmem:v59+s7+$0x0], $0xffff;
	v1 =	vadd.s32 $0x3F, v1;
	v59 =	vadd.f32 v58, v58  }
0x651: {  	[tilespmem:s4+$0x12B80] =	vst v3;
	v43 =	vld.idx.msk [tilespmem:v61+s7+$0x0], $0xffff;
	v18 =	vmul.f32 v18, v5  }
0x652: {  	[tilespmem:s4+$0x12C00] =	vst v4;
	v61 =	vmul.f32 v59, v58;
	v0 =	vld.idx.msk [tilespmem:v0+s7+$0x0], $0xffff  }
0x653: {  	[tilespmem:s4+$0x12C80] =	vst v10;
	v18 =	vsub.f32 $1.000000000e+00, v18;
	v42 =	vld.idx.msk [tilespmem:v63+s7+$0x0], $0xffff  }
0x654: {  	[tilespmem:s4+$0x12D00] =	vst v15;
	v41 =	vsub.f32 $1.000000000e+00, v61;
	v61 =	vld.idx.msk [tilespmem:v49+s7+$0x0], $0xffff  }
0x655: {  	v1 =	vld.idx.msk [tilespmem:v1+s7+$0x0], $0xffff;
	[tilespmem:s4+$0x19C80] =	vst v18  }
0x656: {  	[tilespmem:s4+$0x19C00] =	vst v58  }
0x657: {  	[tilespmem:s4+$0x19B80] =	vst v8  }
0x658: {  	v63 =	vmul.f32 v18, v59;
	[tilespmem:s4+$0x19B00] =	vst v5  }
0x659: {  	[tilespmem:s4+$0x19D80] =	vst v41  }
0x65a: {  	[tilespmem:s4+$0x19D00] =	vst v63  }
0x65b: {  	v3 =	vld [tilespmem:$0x1FC40];
	_ =	sdelay $0x4  }
0x65c: {  	[tilespmem:s4+$0x12D80] =	vst v3  }
0x65d: {  	v3 =	vld [tilespmem:$0x1FC50];
	[tilespmem:s4+$0x12E80] =	vst v50  }
0x65e: {  	[tilespmem:s4+$0x13B00] =	vst v51  }
0x65f: {  	[tilespmem:s4+$0x13B80] =	vst v52  }
0x660: {  	[tilespmem:s4+$0x13C00] =	vst v53  }
0x661: {  	[tilespmem:s4+$0x13C80] =	vst v54  }
0x662: {  	[tilespmem:s4+$0x13D00] =	vst v55  }
0x663: {  	[tilespmem:s4+$0x13D80] =	vst v56  }
0x664: {  	[tilespmem:s4+$0x13E00] =	vst v48  }
0x665: {  	[tilespmem:s4+$0x13E80] =	vst v29  }
0x666: {  	[tilespmem:s4+$0x14B00] =	vst v30  }
0x667: {  	[tilespmem:s4+$0x14B80] =	vst v31  }
0x668: {  	[tilespmem:s4+$0x14C00] =	vst v34  }
0x669: {  	[tilespmem:s4+$0x14C80] =	vst v35  }
0x66a: {  	[tilespmem:s4+$0x14D00] =	vst v39  }
0x66b: {  	[tilespmem:s4+$0x14D80] =	vst v36  }
0x66c: {  	[tilespmem:s4+$0x14E00] =	vst v40  }
0x66d: {  	[tilespmem:s4+$0x14E80] =	vst v37  }
0x66e: {  	[tilespmem:s4+$0x15B00] =	vst v38  }
0x66f: {  	[tilespmem:s4+$0x15B80] =	vst v32  }
0x670: {  	[tilespmem:s4+$0x15C00] =	vst v33  }
0x671: {  	[tilespmem:s4+$0x15C80] =	vst v26  }
0x672: {  	[tilespmem:s4+$0x15D00] =	vst v27  }
0x673: {  	[tilespmem:s4+$0x15D80] =	vst v25  }
0x674: {  	[tilespmem:s4+$0x15E00] =	vst v28  }
0x675: {  	[tilespmem:s4+$0x15E80] =	vst v24  }
0x676: {  	[tilespmem:s4+$0x16B00] =	vst v57  }
0x677: {  	[tilespmem:s4+$0x16B80] =	vst v23  }
0x678: {  	[tilespmem:s4+$0x16C00] =	vst v19  }
0x679: {  	[tilespmem:s4+$0x16C80] =	vst v14  }
0x67a: {  	[tilespmem:s4+$0x16D00] =	vst v21  }
0x67b: {  	[tilespmem:s4+$0x16D80] =	vst v7  }
0x67c: {  	[tilespmem:s4+$0x16E00] =	vst v16  }
0x67d: {  	[tilespmem:s4+$0x16E80] =	vst v9  }
0x67e: {  	[tilespmem:s4+$0x17B00] =	vst v11  }
0x67f: {  	[tilespmem:s4+$0x17B80] =	vst v6  }
0x680: {  	[tilespmem:s4+$0x17C00] =	vst v13  }
0x681: {  	[tilespmem:s4+$0x17C80] =	vst v12  }
0x682: {  	[tilespmem:s4+$0x17D00] =	vst v17  }
0x683: {  	[tilespmem:s4+$0x17D80] =	vst v20  }
0x684: {  	[tilespmem:s4+$0x17E00] =	vst v60  }
0x685: {  	[tilespmem:s4+$0x17E80] =	vst v62  }
0x686: {  	[tilespmem:s4+$0x18B00] =	vst v46  }
0x687: {  	[tilespmem:s4+$0x18B80] =	vst v45  }
0x688: {  	[tilespmem:s4+$0x18C00] =	vst v44  }
0x689: {  	[tilespmem:s4+$0x18C80] =	vst v43  }
0x68a: {  	[tilespmem:s4+$0x18D00] =	vst v42  }
0x68b: {  	[tilespmem:s4+$0x18D80] =	vst v0  }
0x68c: {  	s17 =	sadd.s32 s15, s8;
	[tilespmem:s4+$0x18E00] =	vst v61  }
0x68d: {  	s0 =	sshrl.u32 s17, $0x3;
	[tilespmem:s4+$0x18E80] =	vst v1  }
0x68e: {  	s0 =	sor.u32 $0x4000, s0;
	[tilespmem:s4+$0x11B00] =	vst v2  }
0x68f: {  	s29 =	simm.s32 $0x11B00;
	s0 =	sadd.s32 s6, s0;
	[tilespmem:s4+$0x12E00] =	vst v3  }
0x690: {  	[hbm4b:s0+s30] =	stream.strided.scatter [tilespmem:s29], [sflag:$0x4], $0x400, s31, s30, $0x38;
	[tilespmem:$0x1AB00] =	vst v63  }
0x691: {  	s8 =	simm.s32 $0x11F00;
	s5 =	sadd.s32 $0x80, s0  }
0x692: {  	[hbm4b:s5+s30] =	stream.strided.scatter [tilespmem:s8], [sflag:$0x4], $0x400, s31, s30, $0x38;
	[tilespmem:$0x1AB00] =	vst v63  }
0x693: {  	s10 =	simm.s32 $0x12300;
	s9 =	sadd.s32 $0x100, s0  }
0x694: {  	[hbm4b:s9+s30] =	stream.strided.scatter [tilespmem:s10], [sflag:$0x4], $0x400, s31, s30, $0x38;
	[tilespmem:$0x1AB00] =	vst v63  }
0x695: {  	s12 =	simm.s32 $0x12700;
	s11 =	sadd.s32 $0x180, s0  }
0x696: {  	[hbm4b:s11+s30] =	stream.strided.scatter [tilespmem:s12], [sflag:$0x4], $0x400, s31, s30, $0x38;
	[tilespmem:$0x1AB00] =	vst v63  }
0x697: {  	s17 =	sadd.s32 $0x320000, s0;
	s29 =	simm.s32 $0x12B00  }
0x698: {  	[hbm4b:s17+s30] =	stream.strided.scatter [tilespmem:s29], [sflag:$0x4], $0x400, s31, s30, $0x38;
	[tilespmem:$0x1AB00] =	vst v63  }
0x699: {  	s8 =	sadd.s32 $0x80, s17;
	s9 =	simm.s32 $0x12F00  }
0x69a: {  	[hbm4b:s8+s30] =	stream.strided.scatter [tilespmem:s9], [sflag:$0x4], $0x400, s31, s30, $0x38;
	[tilespmem:$0x1AB00] =	vst v63  }
0x69b: {  	s10 =	sadd.s32 $0x100, s17;
	s11 =	simm.s32 $0x13300  }
0x69c: {  	[hbm4b:s10+s30] =	stream.strided.scatter [tilespmem:s11], [sflag:$0x4], $0x400, s31, s30, $0x38;
	[tilespmem:$0x1AB00] =	vst v63  }
0x69d: {  	s4 =	sadd.s32 $0x180, s17;
	s12 =	simm.s32 $0x13700  }
0x69e: {  	[hbm4b:s4+s30] =	stream.strided.scatter [tilespmem:s12], [sflag:$0x4], $0x400, s31, s30, $0x38;
	[tilespmem:$0x1AB00] =	vst v63  }
0x69f: {  	s17 =	sadd.s32 $0x640000, s0;
	s29 =	simm.s32 $0x13B00  }
0x6a0: {  	[hbm4b:s17+s30] =	stream.strided.scatter [tilespmem:s29], [sflag:$0x4], $0x400, s31, s30, $0x38;
	[tilespmem:$0x1AB00] =	vst v63  }
0x6a1: {  	s8 =	sadd.s32 $0x80, s17;
	s9 =	simm.s32 $0x13F00  }
0x6a2: {  	[hbm4b:s8+s30] =	stream.strided.scatter [tilespmem:s9], [sflag:$0x4], $0x400, s31, s30, $0x38;
	[tilespmem:$0x1AB00] =	vst v63  }
0x6a3: {  	s10 =	sadd.s32 $0x100, s17;
	s11 =	simm.s32 $0x14300  }
0x6a4: {  	[hbm4b:s10+s30] =	stream.strided.scatter [tilespmem:s11], [sflag:$0x4], $0x400, s31, s30, $0x38;
	[tilespmem:$0x1AB00] =	vst v63  }
0x6a5: {  	s4 =	sadd.s32 $0x180, s17;
	s12 =	simm.s32 $0x14700  }
0x6a6: {  	[hbm4b:s4+s30] =	stream.strided.scatter [tilespmem:s12], [sflag:$0x4], $0x400, s31, s30, $0x38;
	[tilespmem:$0x1AB00] =	vst v63  }
0x6a7: {  	s17 =	sadd.s32 $0x960000, s0;
	s29 =	simm.s32 $0x14B00  }
0x6a8: {  	[hbm4b:s17+s30] =	stream.strided.scatter [tilespmem:s29], [sflag:$0x4], $0x400, s31, s30, $0x38;
	[tilespmem:$0x1AB00] =	vst v63  }
0x6a9: {  	s8 =	sadd.s32 $0x80, s17;
	s9 =	simm.s32 $0x14F00  }
0x6aa: {  	[hbm4b:s8+s30] =	stream.strided.scatter [tilespmem:s9], [sflag:$0x4], $0x400, s31, s30, $0x38;
	[tilespmem:$0x1AB00] =	vst v63  }
0x6ab: {  	s10 =	sadd.s32 $0x100, s17;
	s11 =	simm.s32 $0x15300  }
0x6ac: {  	[hbm4b:s10+s30] =	stream.strided.scatter [tilespmem:s11], [sflag:$0x4], $0x400, s31, s30, $0x38;
	[tilespmem:$0x1AB00] =	vst v63  }
0x6ad: {  	s4 =	sadd.s32 $0x180, s17;
	s12 =	simm.s32 $0x15700  }
0x6ae: {  	[hbm4b:s4+s30] =	stream.strided.scatter [tilespmem:s12], [sflag:$0x4], $0x400, s31, s30, $0x38;
	[tilespmem:$0x1AB00] =	vst v63  }
0x6af: {  	s17 =	sadd.s32 $0xC80000, s0;
	s29 =	simm.s32 $0x15B00  }
0x6b0: {  	[hbm4b:s17+s30] =	stream.strided.scatter [tilespmem:s29], [sflag:$0x4], $0x400, s31, s30, $0x38;
	[tilespmem:$0x1AB00] =	vst v63  }
0x6b1: {  	s8 =	sadd.s32 $0x80, s17;
	s9 =	simm.s32 $0x15F00  }
0x6b2: {  	[hbm4b:s8+s30] =	stream.strided.scatter [tilespmem:s9], [sflag:$0x4], $0x400, s31, s30, $0x38;
	[tilespmem:$0x1AB00] =	vst v63  }
0x6b3: {  	s10 =	sadd.s32 $0x100, s17;
	s11 =	simm.s32 $0x16300  }
0x6b4: {  	[hbm4b:s10+s30] =	stream.strided.scatter [tilespmem:s11], [sflag:$0x4], $0x400, s31, s30, $0x38;
	[tilespmem:$0x1AB00] =	vst v63  }
0x6b5: {  	s4 =	sadd.s32 $0x180, s17;
	s12 =	simm.s32 $0x16700  }
0x6b6: {  	[hbm4b:s4+s30] =	stream.strided.scatter [tilespmem:s12], [sflag:$0x4], $0x400, s31, s30, $0x38;
	[tilespmem:$0x1AB00] =	vst v63  }
0x6b7: {  	s17 =	sadd.s32 $0xFA0000, s0;
	s29 =	simm.s32 $0x16B00  }
0x6b8: {  	[hbm4b:s17+s30] =	stream.strided.scatter [tilespmem:s29], [sflag:$0x4], $0x400, s31, s30, $0x38;
	[tilespmem:$0x1AB00] =	vst v63  }
0x6b9: {  	s8 =	sadd.s32 $0x80, s17;
	s9 =	simm.s32 $0x16F00  }
0x6ba: {  	[hbm4b:s8+s30] =	stream.strided.scatter [tilespmem:s9], [sflag:$0x4], $0x400, s31, s30, $0x38;
	[tilespmem:$0x1AB00] =	vst v63  }
0x6bb: {  	s10 =	sadd.s32 $0x100, s17;
	s11 =	simm.s32 $0x17300  }
0x6bc: {  	[hbm4b:s10+s30] =	stream.strided.scatter [tilespmem:s11], [sflag:$0x4], $0x400, s31, s30, $0x38;
	[tilespmem:$0x1AB00] =	vst v63  }
0x6bd: {  	s4 =	sadd.s32 $0x180, s17;
	s12 =	simm.s32 $0x17700  }
0x6be: {  	[hbm4b:s4+s30] =	stream.strided.scatter [tilespmem:s12], [sflag:$0x4], $0x400, s31, s30, $0x38;
	[tilespmem:$0x1AB00] =	vst v63  }
0x6bf: {  	s17 =	sadd.s32 $0x12C0000, s0;
	s29 =	simm.s32 $0x17B00  }
0x6c0: {  	[hbm4b:s17+s30] =	stream.strided.scatter [tilespmem:s29], [sflag:$0x4], $0x400, s31, s30, $0x38;
	[tilespmem:$0x1AB00] =	vst v63  }
0x6c1: {  	s8 =	sadd.s32 $0x80, s17  }
0x6c2: {  	[hbm4b:s8+s30] =	stream.strided.scatter [tilespmem:s13], [sflag:$0x4], $0x400, s31, s30, $0x38;
	[tilespmem:$0x1AB00] =	vst v63  }
0x6c3: {  	s9 =	sadd.s32 $0x100, s17  }
0x6c4: {  	[hbm4b:s9+s30] =	stream.strided.scatter [tilespmem:s14], [sflag:$0x4], $0x400, s31, s30, $0x38;
	[tilespmem:$0x1AB00] =	vst v63  }
0x6c5: {  	s4 =	sadd.s32 $0x180, s17  }
0x6c6: {  	[hbm4b:s4+s30] =	stream.strided.scatter [tilespmem:s20], [sflag:$0x4], $0x400, s31, s30, $0x38;
	[tilespmem:$0x1AB00] =	vst v63  }
0x6c7: {  	s10 =	sadd.s32 $0x15E0000, s0  }
0x6c8: {  	[hbm4b:s10+s30] =	stream.strided.scatter [tilespmem:s21], [sflag:$0x4], $0x400, s31, s30, $0x38;
	[tilespmem:$0x1AB00] =	vst v63  }
0x6c9: {  	s11 =	sadd.s32 $0x80, s10  }
0x6ca: {  	[hbm4b:s11+s30] =	stream.strided.scatter [tilespmem:s25], [sflag:$0x4], $0x400, s31, s30, $0x38;
	[tilespmem:$0x1AB00] =	vst v63  }
0x6cb: {  	s12 =	sadd.s32 $0x100, s10  }
0x6cc: {  	[hbm4b:s12+s30] =	stream.strided.scatter [tilespmem:s26], [sflag:$0x4], $0x400, s31, s30, $0x38;
	[tilespmem:$0x1AB00] =	vst v63  }
0x6cd: {  	s4 =	sadd.s32 $0x180, s10  }
0x6ce: {  	[hbm4b:s4+s30] =	stream.strided.scatter [tilespmem:s28], [sflag:$0x4], $0x400, s31, s30, $0x38;
	[tilespmem:$0x1AB00] =	vst v63  }
0x6cf: {  	s19 =	sadd.s32 $0x1, s19;
	s0 =	sadd.s32 $0x1900000, s0  }
0x6d0: {  	[hbm4b:s0+s30] =	stream.strided.scatter [tilespmem:s22], [sflag:$0x4], $0x300, s31, s30, $0x38;
	[tilespmem:$0x1AB00] =	vst v63  }
0x6d1: {  	p0 =	sne.s32 s19, $0x4;
	s17 =	sadd.s32 $0x80, s0  }
0x6d2: {  	[hbm4b:s17+s30] =	stream.strided.scatter [tilespmem:s23], [sflag:$0x4], $0x300, s31, s30, $0x38;
	[tilespmem:$0x1AB00] =	vst v63  }
.Ltmp5:
0x6d3: {  	_ = 	snop;
	(pc) =	sbr.rel @p0 .LBB2_9-.Ltmp5, $4  }
0x6d4: {  	s29 =	sadd.s32 $0x100, s0  }
0x6d5: {  	[hbm4b:s29+s30] =	stream.strided.scatter [tilespmem:s24], [sflag:$0x4], $0x300, s31, s30, $0x38;
	[tilespmem:$0x1AB00] =	vst v63  }
0x6d6: {  	s0 =	sadd.s32 $0x180, s0  }
0x6d7: {  	[hbm4b:s0+s30] =	stream.strided.scatter [tilespmem:s16], [sflag:$0x4], $0x300, s31, s30, $0x38;
	[tilespmem:$0x1AB00] =	vst v63  }
0x6d8: {  	p0 =	seq.s32 s3, $0xB  }
.Ltmp6:
0x6d9: {  	_ = 	snop;
	(pc) =	sbr.rel @p0 .LBB2_16-.Ltmp6, $1  }
0x6da: {  	_ =	sdelay $0x3  }
0x6db: {  	s0 =	rddreg [dreg:$0xe]  }
0x6dc: {  	s4 =	rddreg [dreg:$0x14]  }
0x6dd: {  	s0 =	sadd.s32 s0, s4  }
0x6de: {  	s12 =	rddreg [dreg:$0x0];
	s0 =	sshrl.u32 s0, $0x3  }
0x6df: {  	s5 =	simm.s32 $0x5B00;
	s4 =	sadd.s32 s12, s0  }
0x6e0: {  	[tilespmem:s5], [sflag:$0x2] =	stream.linear.gather [hbm4b:s4+s7], $0x1000, $0x38;
	[tilespmem:$0x1AB00] =	vst v63  }
.Ltmp7:
0x6e1: {  	s15 =	rddreg [dreg:$0x1];
	s17 =	simm.s32 $0x6B00;
	(pc) =	sbr.rel .LBB2_2-.Ltmp7, $4  }
0x6e2: {  	s18 =	rddreg [dreg:$0x2];
	s19 =	simm.s32 $0x7B00;
	s4 =	sadd.s32 s15, s0  }
0x6e3: {  	[tilespmem:s17], [sflag:$0x2] =	stream.linear.gather [hbm4b:s4+s7], $0x1000, $0x38;
	[tilespmem:$0x1AB00] =	vst v63  }
0x6e4: {  	s3 =	sadd.s32 $0x1, s3;
	s29 =	rddreg [dreg:$0x6];
	s0 =	sadd.s32 s18, s0  }
0x6e5: {  	[tilespmem:s19], [sflag:$0x2] =	stream.linear.gather [hbm4b:s0+s7], $0x1000, $0x38;
	[tilespmem:$0x1AB00] =	vst v63  }
.LBB2_16:
0x6e6: {  	s0 =	simm.s32 $0x1  }
0x6e7: {  	_ =	swait.ge [sflag:s0], $0x1000  }
0x6e8: {  	[sflag:s0] =	ssyncset.done $0x0  }
0x6e9: {  	[sflag:s0] =	ssyncadd.s32 $0xFFFFF000  }
0x6ea: {  	_ =	swait.ge [sflag:s0], $0x1000  }
0x6eb: {  	[sflag:s0] =	ssyncset.done $0x0  }
0x6ec: {  	[sflag:s0] =	ssyncadd.s32 $0xFFFFF000  }
0x6ed: {  	_ =	swait.ge [sflag:s0], $0x1000  }
0x6ee: {  	s3 =	simm.s32 $0x0;
	[sflag:s0] =	ssyncset.done $0x0  }
0x6ef: {  	s15 =	simm.s32 $0x0;
	s29 =	rddreg [dreg:$0x6];
	[sflag:s0] =	ssyncadd.s32 $0xFFFFF000  }
.LBB2_17:
0x6f0: {  	_ =	swait.ge [sflag:s1], $0x8C00;
	s0 =	sand.u32 $0x70, s3;
	s4 =	sand.u32 $0xC00, s3  }
0x6f1: {  	s18 =	sshll.u32 s15, $0x8;
	[sflag:s1] =	ssyncset.done $0x0;
	s19 =	sor.u32 s0, s4  }
0x6f2: {  	[sflag:s1] =	ssyncadd.s32 $0xFFFF7400;
	s0 =	sor.u32 s18, s19  }
0x6f3: {  	v0 =	vld [tilespmem:s0+$0x2B00];
	_ =	sdelay $0x1  }
0x6f4: {  	v1 =	vld [tilespmem:s0+$0x3B00];
	_ =	sdelay $0x2  }
0x6f5: {  	v0 =	vmul.u32 $0x7, v0;
	_ =	sdelay $0x1  }
0x6f6: {  	v0 =	vadd.s32 v1, v0  }
0x6f7: {  	v0 =	vmul.u32 $0x41, v0;
	_ =	sdelay $0x1  }
0x6f8: {  	v1 =	vadd.s32 $0x1, v0  }
0x6f9: {  	v3 =	vadd.s32 $0x2, v0  }
0x6fa: {  	v4 =	vadd.s32 $0x3, v0  }
0x6fb: {  	v2 =	vld [tilespmem:s0+$0x4B00];
	v5 =	vadd.s32 $0x4, v0  }
0x6fc: {  	v7 =	vadd.s32 $0x5, v0;
	v6 =	vld.idx.msk [tilespmem:v0+s7+$0x0], $0xffff  }
0x6fd: {  	v8 =	vadd.s32 $0x6, v0;
	v1 =	vld.idx.msk [tilespmem:v1+s7+$0x0], $0xffff  }
0x6fe: {  	v9 =	vadd.s32 $0x7, v0;
	v3 =	vld.idx.msk [tilespmem:v3+s7+$0x0], $0xffff  }
0x6ff: {  	v12 =	vadd.s32 $0xA, v0;
	v4 =	vld.idx.msk [tilespmem:v4+s7+$0x0], $0xffff  }
0x700: {  	v10 =	vadd.s32 $0x8, v0;
	v5 =	vld.idx.msk [tilespmem:v5+s7+$0x0], $0xffff  }
0x701: {  	v11 =	vadd.s32 $0x9, v0;
	v7 =	vld.idx.msk [tilespmem:v7+s7+$0x0], $0xffff  }
0x702: {  	v13 =	vld.idx.msk [tilespmem:v8+s7+$0x0], $0xffff;
	v8 =	vadd.s32 $0xB, v0;
	[tilespmem:s19+$0x8B00] =	vst v6  }
0x703: {  	[tilespmem:s19+$0x8B80] =	vst v1;
	v1 =	vld.idx.msk [tilespmem:v9+s7+$0x0], $0xffff;
	v9 =	vadd.s32 $0xC, v0  }
0x704: {  	[tilespmem:s19+$0x8C00] =	vst v3;
	v3 =	vld.idx.msk [tilespmem:v12+s7+$0x0], $0xffff;
	v12 =	vadd.s32 $0xD, v0  }
0x705: {  	v6 =	vld.idx.msk [tilespmem:v10+s7+$0x0], $0xffff;
	v10 =	vadd.s32 $0xE, v0;
	[tilespmem:s19+$0x8C80] =	vst v4  }
0x706: {  	v4 =	vld.idx.msk [tilespmem:v11+s7+$0x0], $0xffff;
	[tilespmem:s19+$0x8D00] =	vst v5;
	v11 =	vadd.s32 $0xF, v0  }
0x707: {  	[tilespmem:s19+$0x8D80] =	vst v7;
	v5 =	vld.idx.msk [tilespmem:v8+s7+$0x0], $0xffff;
	v8 =	vadd.s32 $0x10, v0  }
0x708: {  	s5 =	simm.s32 $0x10;
	s4 =	simm.s32 $0x0;
	s0 =	simm.s32 $0x0;
	[tilespmem:s19+$0x8E00] =	vst v13;
	v7 =	vld.idx.msk [tilespmem:v9+s7+$0x0], $0xffff;
	v9 =	vadd.s32 $0x11, v0  }
.LBB2_18:
0x709: {  	p0 =	sne.s32 s5, $0x1F0;
	v12 =	vld.idx.msk [tilespmem:v12+s7+$0x0], $0xffff;
	v13 =	vadd.s32 $0x12, v0  }
0x70a: {  	[tilespmem:s19+$0x9B00] =	vst v6;
	v6 =	vld.idx.msk [tilespmem:v10+s7+$0x0], $0xffff;
	v10 =	vadd.s32 $0x13, v0  }
0x70b: {  	[tilespmem:s19+$0x9B80] =	vst v4;
	v4 =	vld.idx.msk [tilespmem:v11+s7+$0x0], $0xffff;
	v11 =	vadd.s32 $0x14, v0  }
0x70c: {  	[tilespmem:s19+$0x9C00] =	vst v3;
	v3 =	vld.idx.msk [tilespmem:v8+s7+$0x0], $0xffff;
	v8 =	vadd.s32 $0x15, v0  }
0x70d: {  	[tilespmem:s19+$0x9C80] =	vst v5;
	v5 =	vld.idx.msk [tilespmem:v9+s7+$0x0], $0xffff;
	v9 =	vadd.s32 $0x16, v0  }
0x70e: {  	[tilespmem:s19+$0x9D00] =	vst v7;
	v7 =	vld.idx.msk [tilespmem:v13+s7+$0x0], $0xffff;
	v13 =	vadd.s32 $0x17, v0  }
0x70f: {  	[tilespmem:s19+$0x9D80] =	vst v12;
	v10 =	vld.idx.msk [tilespmem:v10+s7+$0x0], $0xffff;
	v12 =	vadd.s32 $0x18, v0  }
0x710: {  	v14 =	vadd.f32 $5.000000000e-01, v2;
	[tilespmem:s19+$0x9E00] =	vst v6;
	v6 =	vld.idx.msk [tilespmem:v11+s7+$0x0], $0xffff;
	v11 =	vadd.s32 $0x19, v0  }
0x711: {  	[tilespmem:s19+$0x9E80] =	vst v4;
	v4 =	vld.idx.msk [tilespmem:v8+s7+$0x0], $0xffff;
	v8 =	vadd.s32 $0x1A, v0  }
0x712: {  	v14 =	vtrunc.f32 v14;
	[tilespmem:s19+$0xAB00] =	vst v3;
	v3 =	vld.idx.msk [tilespmem:v9+s7+$0x0], $0xffff;
	v9 =	vadd.s32 $0x1B, v0  }
0x713: {  	v14 =	vcvt.f32.s32 v14;
	[tilespmem:s19+$0xAB80] =	vst v5;
	v5 =	vld.idx.msk [tilespmem:v13+s7+$0x0], $0xffff;
	v13 =	vadd.s32 $0x1C, v0  }
0x714: {  	[tilespmem:s19+$0xAC00] =	vst v7;
	v7 =	vld.idx.msk [tilespmem:v12+s7+$0x0], $0xffff;
	v12 =	vadd.s32 $0x1D, v0  }
0x715: {  	v14 =	vcvt.s32.f32 v14;
	[tilespmem:s19+$0xAC80] =	vst v10;
	v10 =	vld.idx.msk [tilespmem:v11+s7+$0x0], $0xffff;
	v11 =	vadd.s32 $0x1E, v0  }
0x716: {  	[tilespmem:s19+$0xAD00] =	vst v6;
	v6 =	vld.idx.msk [tilespmem:v8+s7+$0x0], $0xffff;
	v8 =	vadd.s32 $0x1F, v0  }
0x717: {  	v2 =	vsub.f32 v2, v14;
	[tilespmem:s19+$0xAD80] =	vst v4;
	v4 =	vld.idx.msk [tilespmem:v9+s7+$0x0], $0xffff;
	v9 =	vadd.s32 $0x20, v0  }
0x718: {  	[tilespmem:s19+$0xAE00] =	vst v3;
	v3 =	vld.idx.msk [tilespmem:v13+s7+$0x0], $0xffff;
	v13 =	vadd.s32 $0x21, v0  }
0x719: {  	v14 =	vmul.f32 v2, v2;
	[tilespmem:s19+$0xAE80] =	vst v5;
	v5 =	vld.idx.msk [tilespmem:v12+s7+$0x0], $0xffff;
	v12 =	vadd.s32 $0x22, v0  }
0x71a: {  	[tilespmem:s19+$0xBB00] =	vst v7;
	v7 =	vld.idx.msk [tilespmem:v11+s7+$0x0], $0xffff;
	v11 =	vadd.s32 $0x23, v0  }
0x71b: {  	v15 =	vmul.f32 $-1.237227250e+01, v14;
	v16 =	vmul.f32 $6.575502400e+00, v14;
	[tilespmem:s19+$0xBB80] =	vst v10;
	v8 =	vld.idx.msk [tilespmem:v8+s7+$0x0], $0xffff;
	v10 =	vadd.s32 $0x24, v0  }
0x71c: {  	[tilespmem:s19+$0xBC00] =	vst v6;
	v6 =	vld.idx.msk [tilespmem:v9+s7+$0x0], $0xffff;
	v9 =	vadd.s32 $0x25, v0  }
0x71d: {  	v15 =	vadd.f32 $4.126979830e+01, v15;
	v16 =	vadd.f32 $-2.600045590e+01, v16;
	[tilespmem:s19+$0xBC80] =	vst v4;
	v4 =	vld.idx.msk [tilespmem:v13+s7+$0x0], $0xffff;
	v13 =	vadd.s32 $0x26, v0  }
0x71e: {  	[tilespmem:s19+$0xBD00] =	vst v3;
	v3 =	vld.idx.msk [tilespmem:v12+s7+$0x0], $0xffff;
	v12 =	vadd.s32 $0x27, v0  }
0x71f: {  	v15 =	vmul.f32 v15, v14;
	v16 =	vmul.f32 v16, v14;
	[tilespmem:s19+$0xBD80] =	vst v5;
	v5 =	vld.idx.msk [tilespmem:v11+s7+$0x0], $0xffff;
	v11 =	vadd.s32 $0x28, v0  }
0x720: {  	[tilespmem:s19+$0xBE00] =	vst v7;
	v7 =	vld.idx.msk [tilespmem:v10+s7+$0x0], $0xffff;
	v10 =	vadd.s32 $0x29, v0  }
0x721: {  	v15 =	vadd.f32 $-7.659490200e+01, v15;
	v16 =	vadd.f32 $6.017621230e+01, v16;
	[tilespmem:s19+$0xBE80] =	vst v8;
	v8 =	vld.idx.msk [tilespmem:v9+s7+$0x0], $0xffff;
	v9 =	vadd.s32 $0x2A, v0  }
0x722: {  	[tilespmem:s19+$0xCB00] =	vst v6;
	v6 =	vld.idx.msk [tilespmem:v13+s7+$0x0], $0xffff;
	v13 =	vadd.s32 $0x2B, v0  }
0x723: {  	v15 =	vmul.f32 v15, v14;
	v16 =	vmul.f32 v16, v14;
	[tilespmem:s19+$0xCB80] =	vst v4;
	v4 =	vld.idx.msk [tilespmem:v12+s7+$0x0], $0xffff;
	v12 =	vadd.s32 $0x2C, v0  }
0x724: {  	[tilespmem:s19+$0xCC00] =	vst v3;
	v3 =	vld.idx.msk [tilespmem:v11+s7+$0x0], $0xffff;
	v11 =	vadd.s32 $0x2D, v0  }
0x725: {  	v15 =	vadd.f32 $8.159765630e+01, v15;
	v16 =	vadd.f32 $-8.545116420e+01, v16;
	[tilespmem:s19+$0xCC80] =	vst v5;
	v5 =	vld.idx.msk [tilespmem:v10+s7+$0x0], $0xffff;
	v10 =	vadd.s32 $0x2E, v0  }
0x726: {  	[tilespmem:s19+$0xCD00] =	vst v7;
	v7 =	vld.idx.msk [tilespmem:v9+s7+$0x0], $0xffff;
	v9 =	vadd.s32 $0x2F, v0  }
0x727: {  	v15 =	vmul.f32 v15, v14;
	v16 =	vmul.f32 v16, v14;
	[tilespmem:s19+$0xCD80] =	vst v8;
	v8 =	vld.idx.msk [tilespmem:v13+s7+$0x0], $0xffff;
	v13 =	vadd.s32 $0x30, v0  }
0x728: {  	[tilespmem:s19+$0xCE00] =	vst v6;
	v6 =	vld.idx.msk [tilespmem:v12+s7+$0x0], $0xffff;
	v12 =	vadd.s32 $0x31, v0  }
0x729: {  	v15 =	vadd.f32 $-4.134148030e+01, v15;
	v16 =	vadd.f32 $6.493917080e+01, v16;
	[tilespmem:s19+$0xCE80] =	vst v4;
	v4 =	vld.idx.msk [tilespmem:v11+s7+$0x0], $0xffff;
	v11 =	vadd.s32 $0x32, v0  }
0x72a: {  	[tilespmem:s19+$0xDB00] =	vst v3;
	v3 =	vld.idx.msk [tilespmem:v10+s7+$0x0], $0xffff;
	v10 =	vadd.s32 $0x33, v0  }
0x72b: {  	v15 =	vmul.f32 v15, v14;
	v16 =	vmul.f32 v16, v14;
	[tilespmem:s19+$0xDB80] =	vst v5;
	v5 =	vld.idx.msk [tilespmem:v9+s7+$0x0], $0xffff;
	v9 =	vadd.s32 $0x34, v0  }
0x72c: {  	[tilespmem:s19+$0xDC00] =	vst v7;
	v7 =	vld.idx.msk [tilespmem:v13+s7+$0x0], $0xffff;
	v13 =	vadd.s32 $0x35, v0  }
0x72d: {  	v15 =	vadd.f32 $6.283183570e+00, v15;
	v16 =	vadd.f32 $-1.973920630e+01, v16;
	[tilespmem:s19+$0xDC80] =	vst v8;
	v8 =	vld.idx.msk [tilespmem:v12+s7+$0x0], $0xffff;
	v12 =	vadd.s32 $0x36, v0  }
0x72e: {  	[tilespmem:s19+$0xDD00] =	vst v6;
	v6 =	vld.idx.msk [tilespmem:v11+s7+$0x0], $0xffff;
	v11 =	vadd.s32 $0x37, v0  }
0x72f: {  	v2 =	vmul.f32 v15, v2;
	v14 =	vmul.f32 v16, v14;
	[tilespmem:s19+$0xDD80] =	vst v4;
	v4 =	vld.idx.msk [tilespmem:v10+s7+$0x0], $0xffff;
	v10 =	vadd.s32 $0x38, v0  }
0x730: {  	[tilespmem:s19+$0xDE00] =	vst v3;
	v3 =	vld.idx.msk [tilespmem:v9+s7+$0x0], $0xffff;
	v9 =	vadd.s32 $0x39, v0  }
0x731: {  	v14 =	vadd.f32 $1.000000000e+00, v14;
	v15 =	vadd.f32 v2, v2;
	[tilespmem:s19+$0xDE80] =	vst v5;
	v5 =	vld.idx.msk [tilespmem:v13+s7+$0x0], $0xffff;
	v13 =	vadd.s32 $0x3A, v0  }
0x732: {  	[tilespmem:s19+$0xEB00] =	vst v7;
	v7 =	vld.idx.msk [tilespmem:v12+s7+$0x0], $0xffff;
	v12 =	vadd.s32 $0x3B, v0  }
0x733: {  	v16 =	vmul.f32 v14, v15;
	v15 =	vmul.f32 v15, v2;
	[tilespmem:s19+$0xEB80] =	vst v8;
	v8 =	vld.idx.msk [tilespmem:v11+s7+$0x0], $0xffff;
	v11 =	vadd.s32 $0x3C, v0  }
0x734: {  	[tilespmem:s19+$0xEC00] =	vst v6;
	v6 =	vld.idx.msk [tilespmem:v10+s7+$0x0], $0xffff;
	v10 =	vadd.s32 $0x3D, v0  }
0x735: {  	v15 =	vsub.f32 $1.000000000e+00, v15;
	v17 =	vadd.f32 v16, v16;
	[tilespmem:s19+$0xEC80] =	vst v4;
	v4 =	vld.idx.msk [tilespmem:v9+s7+$0x0], $0xffff;
	v9 =	vadd.s32 $0x3E, v0  }
0x736: {  	v0 =	vadd.s32 $0x3F, v0;
	[tilespmem:s19+$0xED00] =	vst v3;
	v3 =	vld.idx.msk [tilespmem:v13+s7+$0x0], $0xffff  }
0x737: {  	v13 =	vmul.f32 v17, v16;
	[tilespmem:s19+$0xED80] =	vst v5;
	v5 =	vld.idx.msk [tilespmem:v12+s7+$0x0], $0xffff;
	v12 =	vmul.f32 v15, v17  }
0x738: {  	s8 =	sor.u32 s0, s4;
	s0 =	sadd.s32 $0x80, s0;
	s4 =	smov.u32 s5;
	[tilespmem:s19+$0xEE00] =	vst v7;
	v7 =	vld.idx.msk [tilespmem:v11+s7+$0x0], $0xffff  }
0x739: {  	s9 =	sand.u32 $0x70, s5;
	s10 =	sand.u32 $0xC00, s0;
	s8 =	sor.u32 $0x380, s8;
	[tilespmem:s19+$0xEE80] =	vst v8;
	v8 =	vld.idx.msk [tilespmem:v10+s7+$0x0], $0xffff;
	v10 =	vsub.f32 $1.000000000e+00, v13  }
0x73a: {  	s9 =	sor.u32 s9, s10;
	[tilespmem:s8+$0x8B00] =	vst v1;
	v1 =	vld.idx.msk [tilespmem:v9+s7+$0x0], $0xffff  }
0x73b: {  	s8 =	sor.u32 s18, s9;
	v9 =	vld.idx.msk [tilespmem:v0+s7+$0x0], $0xffff;
	[tilespmem:s19+$0x10D80] =	vst v10  }
0x73c: {  	v0 =	vld [tilespmem:s8+$0x2B00];
	[tilespmem:s19+$0x10D00] =	vst v12  }
0x73d: {  	[tilespmem:s19+$0x10C80] =	vst v15  }
0x73e: {  	v10 =	vld [tilespmem:s8+$0x3B00];
	[tilespmem:s19+$0x10C00] =	vst v16  }
0x73f: {  	[tilespmem:s19+$0x10B80] =	vst v14  }
0x740: {  	[tilespmem:s19+$0x10B00] =	vst v2  }
0x741: {  	v0 =	vmul.u32 $0x7, v0;
	[tilespmem:s19+$0xFB00] =	vst v6  }
0x742: {  	[tilespmem:s19+$0xFB80] =	vst v4  }
0x743: {  	v0 =	vadd.s32 v10, v0;
	[tilespmem:s19+$0xFC00] =	vst v3  }
0x744: {  	v0 =	vmul.u32 $0x41, v0;
	[tilespmem:s19+$0xFC80] =	vst v5  }
0x745: {  	[tilespmem:s19+$0xFD00] =	vst v7  }
0x746: {  	v3 =	vadd.s32 $0x1, v0;
	[tilespmem:s19+$0xFD80] =	vst v8  }
0x747: {  	v4 =	vadd.s32 $0x2, v0;
	[tilespmem:s19+$0xFE00] =	vst v1  }
0x748: {  	v1 =	vadd.s32 $0x3, v0;
	[tilespmem:s19+$0xFE80] =	vst v9;
	s19 =	smov.u32 s9  }
0x749: {  	v5 =	vadd.s32 $0x4, v0;
	v2 =	vld [tilespmem:s8+$0x4B00]  }
0x74a: {  	v7 =	vadd.s32 $0x5, v0;
	v6 =	vld.idx.msk [tilespmem:v0+s7+$0x0], $0xffff  }
0x74b: {  	v8 =	vadd.s32 $0x6, v0;
	v3 =	vld.idx.msk [tilespmem:v3+s7+$0x0], $0xffff  }
0x74c: {  	v9 =	vadd.s32 $0x7, v0;
	v4 =	vld.idx.msk [tilespmem:v4+s7+$0x0], $0xffff  }
0x74d: {  	v11 =	vadd.s32 $0x8, v0;
	v10 =	vld.idx.msk [tilespmem:v1+s7+$0x0], $0xffff  }
0x74e: {  	v13 =	vadd.s32 $0x9, v0;
	v5 =	vld.idx.msk [tilespmem:v5+s7+$0x0], $0xffff  }
0x74f: {  	v14 =	vadd.s32 $0xA, v0;
	v7 =	vld.idx.msk [tilespmem:v7+s7+$0x0], $0xffff  }
0x750: {  	[tilespmem:s19+$0x8B00] =	vst v6;
	v15 =	vld.idx.msk [tilespmem:v8+s7+$0x0], $0xffff;
	v8 =	vadd.s32 $0xB, v0  }
0x751: {  	[tilespmem:s19+$0x8B80] =	vst v3;
	v1 =	vld.idx.msk [tilespmem:v9+s7+$0x0], $0xffff;
	v9 =	vadd.s32 $0xC, v0  }
.Ltmp8:
0x752: {  	v12 =	vadd.s32 $0xD, v0;
	[tilespmem:s19+$0x8C00] =	vst v4;
	v6 =	vld.idx.msk [tilespmem:v11+s7+$0x0], $0xffff;
	(pc) =	sbr.rel @p0 .LBB2_18-.Ltmp8, $4  }
0x753: {  	[tilespmem:s19+$0x8C80] =	vst v10;
	v4 =	vld.idx.msk [tilespmem:v13+s7+$0x0], $0xffff;
	v10 =	vadd.s32 $0xE, v0  }
0x754: {  	v11 =	vadd.s32 $0xF, v0;
	[tilespmem:s19+$0x8D00] =	vst v5;
	v3 =	vld.idx.msk [tilespmem:v14+s7+$0x0], $0xffff  }
0x755: {  	[tilespmem:s19+$0x8D80] =	vst v7;
	v5 =	vld.idx.msk [tilespmem:v8+s7+$0x0], $0xffff;
	v8 =	vadd.s32 $0x10, v0  }
0x756: {  	s5 =	sadd.s32 $0x10, s5;
	[tilespmem:s19+$0x8E00] =	vst v15;
	v7 =	vld.idx.msk [tilespmem:v9+s7+$0x0], $0xffff;
	v9 =	vadd.s32 $0x11, v0  }
0x757: {  	_ =	sdelay $0x3  }
0x758: {  	v12 =	vld.idx.msk [tilespmem:v12+s7+$0x0], $0xffff;
	v13 =	vadd.s32 $0x12, v0  }
0x759: {  	v10 =	vld.idx.msk [tilespmem:v10+s7+$0x0], $0xffff;
	v14 =	vadd.s32 $0x13, v0;
	[tilespmem:s19+$0x9B00] =	vst v6  }
0x75a: {  	v6 =	vld.idx.msk [tilespmem:v11+s7+$0x0], $0xffff;
	v11 =	vadd.s32 $0x14, v0;
	[tilespmem:s19+$0x9B80] =	vst v4  }
0x75b: {  	v4 =	vld.idx.msk [tilespmem:v8+s7+$0x0], $0xffff;
	v8 =	vadd.s32 $0x15, v0;
	[tilespmem:s19+$0x9C00] =	vst v3  }
0x75c: {  	v3 =	vld.idx.msk [tilespmem:v9+s7+$0x0], $0xffff;
	v9 =	vadd.s32 $0x16, v0;
	[tilespmem:s19+$0x9C80] =	vst v5  }
0x75d: {  	[tilespmem:s19+$0x9D00] =	vst v7;
	v5 =	vld.idx.msk [tilespmem:v13+s7+$0x0], $0xffff;
	v13 =	vadd.s32 $0x17, v0  }
0x75e: {  	v7 =	vld.idx.msk [tilespmem:v14+s7+$0x0], $0xffff;
	v14 =	vadd.s32 $0x18, v0;
	[tilespmem:s19+$0x9D80] =	vst v12  }
0x75f: {  	v11 =	vld.idx.msk [tilespmem:v11+s7+$0x0], $0xffff;
	v12 =	vadd.s32 $0x19, v0;
	[tilespmem:s19+$0x9E00] =	vst v10  }
0x760: {  	v15 =	vadd.s32 $0x1A, v0;
	v10 =	vadd.f32 $5.000000000e-01, v2;
	[tilespmem:s19+$0x9E80] =	vst v6;
	v8 =	vld.idx.msk [tilespmem:v8+s7+$0x0], $0xffff  }
0x761: {  	[tilespmem:s19+$0xAB00] =	vst v4;
	v6 =	vld.idx.msk [tilespmem:v9+s7+$0x0], $0xffff;
	v9 =	vadd.s32 $0x1B, v0  }
0x762: {  	v4 =	vtrunc.f32 v10;
	[tilespmem:s19+$0xAB80] =	vst v3;
	v10 =	vld.idx.msk [tilespmem:v13+s7+$0x0], $0xffff;
	v13 =	vadd.s32 $0x1C, v0  }
0x763: {  	v3 =	vcvt.f32.s32 v4;
	v4 =	vld.idx.msk [tilespmem:v14+s7+$0x0], $0xffff;
	v14 =	vadd.s32 $0x1D, v0;
	[tilespmem:s19+$0xAC00] =	vst v5  }
0x764: {  	v5 =	vld.idx.msk [tilespmem:v12+s7+$0x0], $0xffff;
	v12 =	vadd.s32 $0x1E, v0;
	[tilespmem:s19+$0xAC80] =	vst v7  }
0x765: {  	v3 =	vcvt.s32.f32 v3;
	v7 =	vld.idx.msk [tilespmem:v15+s7+$0x0], $0xffff;
	v15 =	vadd.s32 $0x1F, v0;
	[tilespmem:s19+$0xAD00] =	vst v11  }
0x766: {  	v11 =	vadd.s32 $0x20, v0;
	[tilespmem:s19+$0xAD80] =	vst v8;
	v9 =	vld.idx.msk [tilespmem:v9+s7+$0x0], $0xffff  }
0x767: {  	v8 =	vadd.s32 $0x21, v0;
	v2 =	vsub.f32 v2, v3;
	[tilespmem:s19+$0xAE00] =	vst v6;
	v3 =	vld.idx.msk [tilespmem:v13+s7+$0x0], $0xffff  }
0x768: {  	v6 =	vld.idx.msk [tilespmem:v14+s7+$0x0], $0xffff;
	v13 =	vadd.s32 $0x22, v0;
	[tilespmem:s19+$0xAE80] =	vst v10  }
0x769: {  	v10 =	vmul.f32 v2, v2;
	v12 =	vld.idx.msk [tilespmem:v12+s7+$0x0], $0xffff;
	v14 =	vadd.s32 $0x23, v0;
	[tilespmem:s19+$0xBB00] =	vst v4  }
0x76a: {  	v4 =	vld.idx.msk [tilespmem:v15+s7+$0x0], $0xffff;
	v15 =	vadd.s32 $0x24, v0;
	[tilespmem:s19+$0xBB80] =	vst v5  }
0x76b: {  	v17 =	vadd.s32 $0x25, v0;
	v11 =	vld.idx.msk [tilespmem:v11+s7+$0x0], $0xffff;
	[tilespmem:s19+$0xBC00] =	vst v7;
	v5 =	vmul.f32 $-1.237227250e+01, v10;
	v16 =	vmul.f32 $6.575502400e+00, v10  }
0x76c: {  	v7 =	vld.idx.msk [tilespmem:v8+s7+$0x0], $0xffff;
	v8 =	vadd.s32 $0x26, v0;
	[tilespmem:s19+$0xBC80] =	vst v9  }
0x76d: {  	v5 =	vadd.f32 $4.126979830e+01, v5;
	v9 =	vadd.f32 $-2.600045590e+01, v16;
	v16 =	vadd.s32 $0x27, v0;
	v13 =	vld.idx.msk [tilespmem:v13+s7+$0x0], $0xffff;
	[tilespmem:s19+$0xBD00] =	vst v3  }
0x76e: {  	v3 =	vld.idx.msk [tilespmem:v14+s7+$0x0], $0xffff;
	v14 =	vadd.s32 $0x28, v0;
	[tilespmem:s19+$0xBD80] =	vst v6  }
0x76f: {  	[tilespmem:s19+$0xBE00] =	vst v12;
	v5 =	vmul.f32 v5, v10;
	v6 =	vmul.f32 v9, v10;
	v9 =	vld.idx.msk [tilespmem:v15+s7+$0x0], $0xffff;
	v15 =	vadd.s32 $0x29, v0  }
0x770: {  	v12 =	vld.idx.msk [tilespmem:v17+s7+$0x0], $0xffff;
	v17 =	vadd.s32 $0x2A, v0;
	[tilespmem:s19+$0xBE80] =	vst v4  }
0x771: {  	[tilespmem:s19+$0xCB00] =	vst v11;
	v4 =	vadd.f32 $-7.659490200e+01, v5;
	v5 =	vadd.f32 $6.017621230e+01, v6;
	v6 =	vld.idx.msk [tilespmem:v8+s7+$0x0], $0xffff;
	v8 =	vadd.s32 $0x2B, v0  }
0x772: {  	[tilespmem:s19+$0xCB80] =	vst v7;
	v11 =	vld.idx.msk [tilespmem:v16+s7+$0x0], $0xffff;
	v16 =	vadd.s32 $0x2C, v0  }
0x773: {  	v4 =	vmul.f32 v4, v10;
	v5 =	vmul.f32 v5, v10;
	v7 =	vld.idx.msk [tilespmem:v14+s7+$0x0], $0xffff;
	v14 =	vadd.s32 $0x2D, v0;
	[tilespmem:s19+$0xCC00] =	vst v13  }
0x774: {  	[tilespmem:s19+$0xCC80] =	vst v3;
	v13 =	vld.idx.msk [tilespmem:v15+s7+$0x0], $0xffff;
	v15 =	vadd.s32 $0x2E, v0  }
0x775: {  	[tilespmem:s19+$0xCD80] =	vst v12;
	v3 =	vadd.f32 $8.159765630e+01, v4;
	v4 =	vadd.f32 $-8.545116420e+01, v5;
	v5 =	vld.idx.msk [tilespmem:v17+s7+$0x0], $0xffff;
	v17 =	vadd.s32 $0x2F, v0  }
0x776: {  	[tilespmem:s19+$0xCD00] =	vst v9;
	v9 =	vadd.s32 $0x30, v0;
	v8 =	vld.idx.msk [tilespmem:v8+s7+$0x0], $0xffff  }
0x777: {  	[tilespmem:s19+$0xCE00] =	vst v6;
	v3 =	vmul.f32 v3, v10;
	v4 =	vmul.f32 v4, v10;
	v12 =	vld.idx.msk [tilespmem:v16+s7+$0x0], $0xffff;
	v16 =	vadd.s32 $0x31, v0  }
0x778: {  	[tilespmem:s19+$0xCE80] =	vst v11;
	v6 =	vld.idx.msk [tilespmem:v14+s7+$0x0], $0xffff;
	v14 =	vadd.s32 $0x32, v0  }
0x779: {  	[tilespmem:s19+$0xDB00] =	vst v7;
	v3 =	vadd.f32 $-4.134148030e+01, v3;
	v4 =	vadd.f32 $6.493917080e+01, v4;
	v11 =	vld.idx.msk [tilespmem:v15+s7+$0x0], $0xffff;
	v15 =	vadd.s32 $0x33, v0  }
0x77a: {  	[tilespmem:s19+$0xDB80] =	vst v13;
	v7 =	vld.idx.msk [tilespmem:v17+s7+$0x0], $0xffff;
	v17 =	vadd.s32 $0x34, v0  }
0x77b: {  	v9 =	vld.idx.msk [tilespmem:v9+s7+$0x0], $0xffff;
	v13 =	vadd.s32 $0x35, v0;
	[tilespmem:s19+$0xDC00] =	vst v5;
	v3 =	vmul.f32 v3, v10;
	v4 =	vmul.f32 v4, v10  }
0x77c: {  	[tilespmem:s19+$0xDC80] =	vst v8;
	v5 =	vld.idx.msk [tilespmem:v16+s7+$0x0], $0xffff;
	v16 =	vadd.s32 $0x36, v0  }
0x77d: {  	s0 =	sor.u32 s0, s4;
	[tilespmem:s19+$0xDD00] =	vst v12;
	v3 =	vadd.f32 $6.283183570e+00, v3;
	v4 =	vadd.f32 $-1.973920630e+01, v4;
	v8 =	vld.idx.msk [tilespmem:v14+s7+$0x0], $0xffff;
	v14 =	vadd.s32 $0x37, v0  }
0x77e: {  	s0 =	sor.u32 $0x380, s0;
	[tilespmem:s19+$0xDD80] =	vst v6;
	v6 =	vadd.s32 $0x39, v0;
	v12 =	vld.idx.msk [tilespmem:v15+s7+$0x0], $0xffff  }
0x77f: {  	[tilespmem:s0+$0x8B00] =	vst v1;
	v15 =	vadd.s32 $0x38, v0;
	v2 =	vmul.f32 v3, v2;
	v3 =	vmul.f32 v4, v10;
	v4 =	vld.idx.msk [tilespmem:v17+s7+$0x0], $0xffff  }
0x780: {  	[tilespmem:s19+$0xDE00] =	vst v11;
	v11 =	vadd.s32 $0x3A, v0;
	v10 =	vld.idx.msk [tilespmem:v13+s7+$0x0], $0xffff  }
0x781: {  	[tilespmem:s19+$0xEB00] =	vst v9;
	v13 =	vld.idx.msk [tilespmem:v16+s7+$0x0], $0xffff;
	v16 =	vadd.s32 $0x3B, v0  }
0x782: {  	[tilespmem:s19+$0xDE80] =	vst v7;
	v17 =	vadd.s32 $0x3D, v0;
	v9 =	vld.idx.msk [tilespmem:v14+s7+$0x0], $0xffff  }
0x783: {  	[tilespmem:s19+$0xEB80] =	vst v5;
	v14 =	vadd.s32 $0x3C, v0;
	v6 =	vld.idx.msk [tilespmem:v6+s7+$0x0], $0xffff  }
0x784: {  	v3 =	vadd.f32 $1.000000000e+00, v3;
	v7 =	vadd.f32 v2, v2;
	[tilespmem:s19+$0xEC00] =	vst v8;
	v8 =	vadd.s32 $0x3E, v0;
	v15 =	vld.idx.msk [tilespmem:v15+s7+$0x0], $0xffff  }
0x785: {  	v0 =	vadd.s32 $0x3F, v0;
	[tilespmem:s19+$0xEC80] =	vst v12;
	v11 =	vld.idx.msk [tilespmem:v11+s7+$0x0], $0xffff  }
0x786: {  	v5 =	vmul.f32 v3, v7;
	v7 =	vmul.f32 v7, v2;
	[tilespmem:s19+$0xED00] =	vst v4;
	v4 =	vld.idx.msk [tilespmem:v16+s7+$0x0], $0xffff  }
0x787: {  	[tilespmem:s19+$0xEE00] =	vst v13;
	v13 =	vld.idx.msk [tilespmem:v17+s7+$0x0], $0xffff  }
0x788: {  	[tilespmem:s19+$0xED80] =	vst v10;
	v7 =	vsub.f32 $1.000000000e+00, v7;
	v14 =	vld.idx.msk [tilespmem:v14+s7+$0x0], $0xffff  }
0x789: {  	[tilespmem:s19+$0xEE80] =	vst v9;
	v8 =	vld.idx.msk [tilespmem:v8+s7+$0x0], $0xffff  }
0x78a: {  	v0 =	vld.idx.msk [tilespmem:v0+s7+$0x0], $0xffff;
	[tilespmem:s19+$0x10C80] =	vst v7  }
0x78b: {  	v12 =	vadd.f32 v5, v5;
	[tilespmem:s19+$0x10C00] =	vst v5  }
0x78c: {  	[tilespmem:s19+$0x10B80] =	vst v3  }
0x78d: {  	v10 =	vmul.f32 v12, v5;
	[tilespmem:s19+$0x10B00] =	vst v2  }
0x78e: {  	[tilespmem:s19+$0xFB80] =	vst v6  }
0x78f: {  	[tilespmem:s19+$0xFB00] =	vst v15;
	v9 =	vsub.f32 $1.000000000e+00, v10  }
0x790: {  	[tilespmem:s19+$0xFC00] =	vst v11;
	v10 =	vmul.f32 v7, v12  }
0x791: {  	[tilespmem:s19+$0x10D80] =	vst v9  }
0x792: {  	[tilespmem:s19+$0x10D00] =	vst v10  }
0x793: {  	[tilespmem:s19+$0xFC80] =	vst v4  }
0x794: {  	[tilespmem:s19+$0xFD80] =	vst v13  }
0x795: {  	[tilespmem:s19+$0xFD00] =	vst v14  }
0x796: {  	[tilespmem:s19+$0xFE00] =	vst v8  }
0x797: {  	s9 =	sor.u32 s29, s18;
	[tilespmem:s19+$0xFE80] =	vst v0  }
0x798: {  	s8 =	sshrl.u32 s9, $0x3;
	s10 =	rddreg [dreg:$0x10]  }
0x799: {  	s11 =	simm.s32 $0x8B00;
	s0 =	sadd.s32 s8, s10  }
0x79a: {  	[hbm4b:s0+s30] =	stream.strided.scatter [tilespmem:s11], [sflag:$0x3], $0x400, s31, s30, $0x38;
	[tilespmem:$0x1AB00] =	vst v63  }
0x79b: {  	s5 =	simm.s32 $0x8F00;
	s12 =	sadd.s32 $0x80, s0  }
0x79c: {  	[hbm4b:s12+s30] =	stream.strided.scatter [tilespmem:s5], [sflag:$0x3], $0x400, s31, s30, $0x38;
	[tilespmem:$0x1AB00] =	vst v63  }
0x79d: {  	s19 =	simm.s32 $0x9300;
	s17 =	sadd.s32 $0x100, s0  }
0x79e: {  	[hbm4b:s17+s30] =	stream.strided.scatter [tilespmem:s19], [sflag:$0x3], $0x400, s31, s30, $0x38;
	[tilespmem:$0x1AB00] =	vst v63  }
0x79f: {  	s9 =	simm.s32 $0x9700;
	s5 =	sadd.s32 $0x180, s0  }
0x7a0: {  	[hbm4b:s5+s30] =	stream.strided.scatter [tilespmem:s9], [sflag:$0x3], $0x400, s31, s30, $0x38;
	[tilespmem:$0x1AB00] =	vst v63  }
0x7a1: {  	s10 =	sadd.s32 $0x320000, s0;
	s11 =	simm.s32 $0x9B00  }
0x7a2: {  	[hbm4b:s10+s30] =	stream.strided.scatter [tilespmem:s11], [sflag:$0x3], $0x400, s31, s30, $0x38;
	[tilespmem:$0x1AB00] =	vst v63  }
0x7a3: {  	s12 =	sadd.s32 $0x80, s10;
	s9 =	simm.s32 $0x9F00  }
0x7a4: {  	[hbm4b:s12+s30] =	stream.strided.scatter [tilespmem:s9], [sflag:$0x3], $0x400, s31, s30, $0x38;
	[tilespmem:$0x1AB00] =	vst v63  }
0x7a5: {  	s17 =	sadd.s32 $0x100, s10;
	s19 =	simm.s32 $0xA300  }
0x7a6: {  	[hbm4b:s17+s30] =	stream.strided.scatter [tilespmem:s19], [sflag:$0x3], $0x400, s31, s30, $0x38;
	[tilespmem:$0x1AB00] =	vst v63  }
0x7a7: {  	s4 =	sadd.s32 $0x180, s10;
	s9 =	simm.s32 $0xA700  }
0x7a8: {  	[hbm4b:s4+s30] =	stream.strided.scatter [tilespmem:s9], [sflag:$0x3], $0x400, s31, s30, $0x38;
	[tilespmem:$0x1AB00] =	vst v63  }
0x7a9: {  	s10 =	simm.s32 $0xAB00;
	s4 =	sadd.s32 $0x640000, s0  }
0x7aa: {  	[hbm4b:s4+s30] =	stream.strided.scatter [tilespmem:s10], [sflag:$0x3], $0x400, s31, s30, $0x38;
	[tilespmem:$0x1AB00] =	vst v63  }
0x7ab: {  	s12 =	simm.s32 $0xAF00;
	s11 =	sadd.s32 $0x80, s4  }
0x7ac: {  	[hbm4b:s11+s30] =	stream.strided.scatter [tilespmem:s12], [sflag:$0x3], $0x400, s31, s30, $0x38;
	[tilespmem:$0x1AB00] =	vst v63  }
0x7ad: {  	s19 =	simm.s32 $0xB300;
	s17 =	sadd.s32 $0x100, s4  }
0x7ae: {  	[hbm4b:s17+s30] =	stream.strided.scatter [tilespmem:s19], [sflag:$0x3], $0x400, s31, s30, $0x38;
	[tilespmem:$0x1AB00] =	vst v63  }
0x7af: {  	s9 =	simm.s32 $0xB700;
	s4 =	sadd.s32 $0x180, s4  }
0x7b0: {  	[hbm4b:s4+s30] =	stream.strided.scatter [tilespmem:s9], [sflag:$0x3], $0x400, s31, s30, $0x38;
	[tilespmem:$0x1AB00] =	vst v63  }
0x7b1: {  	s10 =	simm.s32 $0xBB00;
	s4 =	sadd.s32 $0x960000, s0  }
0x7b2: {  	[hbm4b:s4+s30] =	stream.strided.scatter [tilespmem:s10], [sflag:$0x3], $0x400, s31, s30, $0x38;
	[tilespmem:$0x1AB00] =	vst v63  }
0x7b3: {  	s12 =	simm.s32 $0xBF00;
	s11 =	sadd.s32 $0x80, s4  }
0x7b4: {  	[hbm4b:s11+s30] =	stream.strided.scatter [tilespmem:s12], [sflag:$0x3], $0x400, s31, s30, $0x38;
	[tilespmem:$0x1AB00] =	vst v63  }
0x7b5: {  	s19 =	simm.s32 $0xC300;
	s17 =	sadd.s32 $0x100, s4  }
0x7b6: {  	[hbm4b:s17+s30] =	stream.strided.scatter [tilespmem:s19], [sflag:$0x3], $0x400, s31, s30, $0x38;
	[tilespmem:$0x1AB00] =	vst v63  }
0x7b7: {  	s9 =	simm.s32 $0xC700;
	s4 =	sadd.s32 $0x180, s4  }
0x7b8: {  	[hbm4b:s4+s30] =	stream.strided.scatter [tilespmem:s9], [sflag:$0x3], $0x400, s31, s30, $0x38;
	[tilespmem:$0x1AB00] =	vst v63  }
0x7b9: {  	s10 =	simm.s32 $0xCB00;
	s4 =	sadd.s32 $0xC80000, s0  }
0x7ba: {  	[hbm4b:s4+s30] =	stream.strided.scatter [tilespmem:s10], [sflag:$0x3], $0x400, s31, s30, $0x38;
	[tilespmem:$0x1AB00] =	vst v63  }
0x7bb: {  	s12 =	simm.s32 $0xCF00;
	s11 =	sadd.s32 $0x80, s4  }
0x7bc: {  	[hbm4b:s11+s30] =	stream.strided.scatter [tilespmem:s12], [sflag:$0x3], $0x400, s31, s30, $0x38;
	[tilespmem:$0x1AB00] =	vst v63  }
0x7bd: {  	s19 =	simm.s32 $0xD300;
	s17 =	sadd.s32 $0x100, s4  }
0x7be: {  	[hbm4b:s17+s30] =	stream.strided.scatter [tilespmem:s19], [sflag:$0x3], $0x400, s31, s30, $0x38;
	[tilespmem:$0x1AB00] =	vst v63  }
0x7bf: {  	s4 =	sadd.s32 $0x180, s4;
	s10 =	simm.s32 $0xD700  }
0x7c0: {  	[hbm4b:s4+s30] =	stream.strided.scatter [tilespmem:s10], [sflag:$0x3], $0x400, s31, s30, $0x38;
	[tilespmem:$0x1AB00] =	vst v63  }
0x7c1: {  	s11 =	sadd.s32 $0xFA0000, s0;
	s12 =	simm.s32 $0xDB00  }
0x7c2: {  	[hbm4b:s11+s30] =	stream.strided.scatter [tilespmem:s12], [sflag:$0x3], $0x400, s31, s30, $0x38;
	[tilespmem:$0x1AB00] =	vst v63  }
0x7c3: {  	s17 =	sadd.s32 $0x80, s11;
	s19 =	simm.s32 $0xDF00  }
0x7c4: {  	[hbm4b:s17+s30] =	stream.strided.scatter [tilespmem:s19], [sflag:$0x3], $0x400, s31, s30, $0x38;
	[tilespmem:$0x1AB00] =	vst v63  }
0x7c5: {  	s9 =	sadd.s32 $0x100, s11;
	s10 =	simm.s32 $0xE300  }
0x7c6: {  	[hbm4b:s9+s30] =	stream.strided.scatter [tilespmem:s10], [sflag:$0x3], $0x400, s31, s30, $0x38;
	[tilespmem:$0x1AB00] =	vst v63  }
0x7c7: {  	s4 =	sadd.s32 $0x180, s11;
	s11 =	simm.s32 $0xE700  }
0x7c8: {  	[hbm4b:s4+s30] =	stream.strided.scatter [tilespmem:s11], [sflag:$0x3], $0x400, s31, s30, $0x38;
	[tilespmem:$0x1AB00] =	vst v63  }
0x7c9: {  	s12 =	simm.s32 $0xEB00;
	s4 =	sadd.s32 $0x12C0000, s0  }
0x7ca: {  	[hbm4b:s4+s30] =	stream.strided.scatter [tilespmem:s12], [sflag:$0x3], $0x400, s31, s30, $0x38;
	[tilespmem:$0x1AB00] =	vst v63  }
0x7cb: {  	s19 =	simm.s32 $0xEF00;
	s17 =	sadd.s32 $0x80, s4  }
0x7cc: {  	[hbm4b:s17+s30] =	stream.strided.scatter [tilespmem:s19], [sflag:$0x3], $0x400, s31, s30, $0x38;
	[tilespmem:$0x1AB00] =	vst v63  }
0x7cd: {  	s11 =	simm.s32 $0xF300;
	s10 =	sadd.s32 $0x100, s4  }
0x7ce: {  	[hbm4b:s10+s30] =	stream.strided.scatter [tilespmem:s11], [sflag:$0x3], $0x400, s31, s30, $0x38;
	[tilespmem:$0x1AB00] =	vst v63  }
0x7cf: {  	s4 =	sadd.s32 $0x180, s4;
	s12 =	simm.s32 $0xF700  }
0x7d0: {  	[hbm4b:s4+s30] =	stream.strided.scatter [tilespmem:s12], [sflag:$0x3], $0x400, s31, s30, $0x38;
	[tilespmem:$0x1AB00] =	vst v63  }
0x7d1: {  	s17 =	sadd.s32 $0x15E0000, s0;
	s19 =	simm.s32 $0xFB00  }
0x7d2: {  	[hbm4b:s17+s30] =	stream.strided.scatter [tilespmem:s19], [sflag:$0x3], $0x400, s31, s30, $0x38;
	[tilespmem:$0x1AB00] =	vst v63  }
0x7d3: {  	s9 =	sadd.s32 $0x80, s17;
	s10 =	simm.s32 $0xFF00  }
0x7d4: {  	[hbm4b:s9+s30] =	stream.strided.scatter [tilespmem:s10], [sflag:$0x3], $0x400, s31, s30, $0x38;
	[tilespmem:$0x1AB00] =	vst v63  }
0x7d5: {  	s11 =	sadd.s32 $0x100, s17;
	s12 =	simm.s32 $0x10300  }
0x7d6: {  	[hbm4b:s11+s30] =	stream.strided.scatter [tilespmem:s12], [sflag:$0x3], $0x400, s31, s30, $0x38;
	[tilespmem:$0x1AB00] =	vst v63  }
0x7d7: {  	s4 =	sadd.s32 $0x180, s17;
	s17 =	simm.s32 $0x10700  }
0x7d8: {  	[hbm4b:s4+s30] =	stream.strided.scatter [tilespmem:s17], [sflag:$0x3], $0x400, s31, s30, $0x38;
	[tilespmem:$0x1AB00] =	vst v63  }
0x7d9: {  	s0 =	sadd.s32 $0x1900000, s0;
	s19 =	simm.s32 $0x10B00  }
0x7da: {  	[hbm4b:s0+s30] =	stream.strided.scatter [tilespmem:s19], [sflag:$0x3], $0x300, s31, s30, $0x38;
	[tilespmem:$0x1AB00] =	vst v63  }
0x7db: {  	s5 =	sadd.s32 $0x80, s0;
	s9 =	simm.s32 $0x10F00  }
0x7dc: {  	[hbm4b:s5+s30] =	stream.strided.scatter [tilespmem:s9], [sflag:$0x3], $0x300, s31, s30, $0x38;
	[tilespmem:$0x1AB00] =	vst v63  }
0x7dd: {  	s10 =	sadd.s32 $0x100, s0;
	s11 =	simm.s32 $0x11300  }
0x7de: {  	[hbm4b:s10+s30] =	stream.strided.scatter [tilespmem:s11], [sflag:$0x3], $0x300, s31, s30, $0x38;
	[tilespmem:$0x1AB00] =	vst v63  }
0x7df: {  	s12 =	simm.s32 $0x11700;
	s0 =	sadd.s32 $0x180, s0;
	s5 =	simm.s32 $0x0  }
0x7e0: {  	[hbm4b:s0+s30] =	stream.strided.scatter [tilespmem:s12], [sflag:$0x3], $0x300, s31, s30, $0x38;
	[tilespmem:$0x1AB00] =	vst v63  }
0x7e1: {  	s17 =	sand.u32 $0x70, s5;
	s19 =	sand.u32 $0xC00, s5;
	_ =	swait.ge [sflag:s2], $0x8C00  }
0x7e2: {  	s0 =	sor.u32 s17, s19;
	[sflag:s2] =	ssyncset.done $0x0  }
0x7e3: {  	s4 =	sor.u32 s18, s0;
	[sflag:s2] =	ssyncadd.s32 $0xFFFF7400  }
0x7e4: {  	v0 =	vld [tilespmem:s4+$0x2B80];
	_ =	sdelay $0x1  }
0x7e5: {  	v1 =	vld [tilespmem:s4+$0x3B80];
	_ =	sdelay $0x2  }
0x7e6: {  	v0 =	vmul.u32 $0x7, v0;
	_ =	sdelay $0x1  }
0x7e7: {  	v0 =	vadd.s32 v1, v0  }
0x7e8: {  	v0 =	vmul.u32 $0x41, v0;
	_ =	sdelay $0x1  }
0x7e9: {  	v1 =	vadd.s32 $0x1, v0  }
0x7ea: {  	v2 =	vadd.s32 $0x2, v0  }
0x7eb: {  	v3 =	vadd.s32 $0x3, v0  }
0x7ec: {  	v8 =	vld [tilespmem:s4+$0x4B80];
	v4 =	vadd.s32 $0x4, v0  }
0x7ed: {  	v10 =	vadd.s32 $0x5, v0;
	v9 =	vld.idx.msk [tilespmem:v0+s7+$0x0], $0xffff  }
0x7ee: {  	v12 =	vadd.s32 $0x8, v0;
	v7 =	vld.idx.msk [tilespmem:v1+s7+$0x0], $0xffff  }
0x7ef: {  	v14 =	vadd.s32 $0x9, v0;
	v6 =	vld.idx.msk [tilespmem:v2+s7+$0x0], $0xffff  }
0x7f0: {  	v1 =	vadd.s32 $0x6, v0;
	v5 =	vld.idx.msk [tilespmem:v3+s7+$0x0], $0xffff  }
0x7f1: {  	v11 =	vadd.s32 $0x7, v0;
	v4 =	vld.idx.msk [tilespmem:v4+s7+$0x0], $0xffff  }
0x7f2: {  	v3 =	vld.idx.msk [tilespmem:v10+s7+$0x0], $0xffff;
	v10 =	vadd.s32 $0xA, v0  }
0x7f3: {  	v15 =	vadd.s32 $0xB, v0;
	v13 =	vld.idx.msk [tilespmem:v12+s7+$0x0], $0xffff  }
0x7f4: {  	v19 =	vadd.s32 $0xC, v0;
	v12 =	vld.idx.msk [tilespmem:v14+s7+$0x0], $0xffff  }
0x7f5: {  	v18 =	vadd.s32 $0xD, v0;
	v2 =	vld.idx.msk [tilespmem:v1+s7+$0x0], $0xffff  }
0x7f6: {  	v17 =	vadd.s32 $0xE, v0;
	v1 =	vld.idx.msk [tilespmem:v11+s7+$0x0], $0xffff  }
0x7f7: {  	v16 =	vadd.s32 $0xF, v0;
	v11 =	vld.idx.msk [tilespmem:v10+s7+$0x0], $0xffff  }
0x7f8: {  	v10 =	vld.idx.msk [tilespmem:v15+s7+$0x0], $0xffff;
	v15 =	vadd.s32 $0x10, v0  }
0x7f9: {  	s9 =	simm.s32 $0x10;
	s4 =	simm.s32 $0x0;
	v14 =	vadd.s32 $0x11, v0;
	[tilespmem:s0+$0x11B00] =	vst v9;
	v9 =	vld.idx.msk [tilespmem:v19+s7+$0x0], $0xffff  }
.LBB2_20:
0x7fa: {  	p0 =	sne.s32 s9, $0x1F0;
	v18 =	vld.idx.msk [tilespmem:v18+s7+$0x0], $0xffff;
	v19 =	vadd.s32 $0x12, v0  }
0x7fb: {  	[tilespmem:s0+$0x12B00] =	vst v13;
	v13 =	vld.idx.msk [tilespmem:v17+s7+$0x0], $0xffff;
	v17 =	vadd.s32 $0x13, v0  }
0x7fc: {  	[tilespmem:s0+$0x12B80] =	vst v12;
	v12 =	vld.idx.msk [tilespmem:v16+s7+$0x0], $0xffff;
	v16 =	vadd.s32 $0x14, v0  }
0x7fd: {  	[tilespmem:s0+$0x12C00] =	vst v11;
	v11 =	vld.idx.msk [tilespmem:v15+s7+$0x0], $0xffff;
	v15 =	vadd.s32 $0x15, v0  }
0x7fe: {  	[tilespmem:s0+$0x12C80] =	vst v10;
	v10 =	vld.idx.msk [tilespmem:v14+s7+$0x0], $0xffff;
	v14 =	vadd.s32 $0x16, v0  }
0x7ff: {  	[tilespmem:s0+$0x12D00] =	vst v9;
	v9 =	vld.idx.msk [tilespmem:v19+s7+$0x0], $0xffff;
	v19 =	vadd.s32 $0x17, v0  }
0x800: {  	[tilespmem:s0+$0x12D80] =	vst v18;
	v17 =	vld.idx.msk [tilespmem:v17+s7+$0x0], $0xffff;
	v18 =	vadd.s32 $0x18, v0  }
0x801: {  	v20 =	vadd.f32 $5.000000000e-01, v8;
	[tilespmem:s0+$0x12E00] =	vst v13;
	v13 =	vld.idx.msk [tilespmem:v16+s7+$0x0], $0xffff;
	v16 =	vadd.s32 $0x19, v0  }
0x802: {  	[tilespmem:s0+$0x12E80] =	vst v12;
	v12 =	vld.idx.msk [tilespmem:v15+s7+$0x0], $0xffff;
	v15 =	vadd.s32 $0x1A, v0  }
0x803: {  	v20 =	vtrunc.f32 v20;
	[tilespmem:s0+$0x13B00] =	vst v11;
	v11 =	vld.idx.msk [tilespmem:v14+s7+$0x0], $0xffff;
	v14 =	vadd.s32 $0x1B, v0  }
0x804: {  	v20 =	vcvt.f32.s32 v20;
	[tilespmem:s0+$0x13B80] =	vst v10;
	v10 =	vld.idx.msk [tilespmem:v19+s7+$0x0], $0xffff;
	v19 =	vadd.s32 $0x1C, v0  }
0x805: {  	[tilespmem:s0+$0x13C00] =	vst v9;
	v9 =	vld.idx.msk [tilespmem:v18+s7+$0x0], $0xffff;
	v18 =	vadd.s32 $0x1D, v0  }
0x806: {  	v20 =	vcvt.s32.f32 v20;
	[tilespmem:s0+$0x13C80] =	vst v17;
	v16 =	vld.idx.msk [tilespmem:v16+s7+$0x0], $0xffff;
	v17 =	vadd.s32 $0x1E, v0  }
0x807: {  	[tilespmem:s0+$0x13D00] =	vst v13;
	v13 =	vld.idx.msk [tilespmem:v15+s7+$0x0], $0xffff;
	v15 =	vadd.s32 $0x1F, v0  }
0x808: {  	v8 =	vsub.f32 v8, v20;
	[tilespmem:s0+$0x13D80] =	vst v12;
	v12 =	vld.idx.msk [tilespmem:v14+s7+$0x0], $0xffff;
	v14 =	vadd.s32 $0x20, v0  }
0x809: {  	[tilespmem:s0+$0x13E00] =	vst v11;
	v11 =	vld.idx.msk [tilespmem:v19+s7+$0x0], $0xffff;
	v19 =	vadd.s32 $0x21, v0  }
0x80a: {  	v20 =	vmul.f32 v8, v8;
	[tilespmem:s0+$0x13E80] =	vst v10;
	v10 =	vld.idx.msk [tilespmem:v18+s7+$0x0], $0xffff;
	v18 =	vadd.s32 $0x22, v0  }
0x80b: {  	[tilespmem:s0+$0x14B00] =	vst v9;
	v9 =	vld.idx.msk [tilespmem:v17+s7+$0x0], $0xffff;
	v17 =	vadd.s32 $0x23, v0  }
0x80c: {  	v21 =	vmul.f32 $-1.237227250e+01, v20;
	v22 =	vmul.f32 $6.575502400e+00, v20;
	[tilespmem:s0+$0x14B80] =	vst v16;
	v15 =	vld.idx.msk [tilespmem:v15+s7+$0x0], $0xffff;
	v16 =	vadd.s32 $0x24, v0  }
0x80d: {  	[tilespmem:s0+$0x14C00] =	vst v13;
	v13 =	vld.idx.msk [tilespmem:v14+s7+$0x0], $0xffff;
	v14 =	vadd.s32 $0x25, v0  }
0x80e: {  	v21 =	vadd.f32 $4.126979830e+01, v21;
	v22 =	vadd.f32 $-2.600045590e+01, v22;
	[tilespmem:s0+$0x14C80] =	vst v12;
	v12 =	vld.idx.msk [tilespmem:v19+s7+$0x0], $0xffff;
	v19 =	vadd.s32 $0x26, v0  }
0x80f: {  	[tilespmem:s0+$0x14D00] =	vst v11;
	v11 =	vld.idx.msk [tilespmem:v18+s7+$0x0], $0xffff;
	v18 =	vadd.s32 $0x27, v0  }
0x810: {  	v21 =	vmul.f32 v21, v20;
	v22 =	vmul.f32 v22, v20;
	[tilespmem:s0+$0x14D80] =	vst v10;
	v10 =	vld.idx.msk [tilespmem:v17+s7+$0x0], $0xffff;
	v17 =	vadd.s32 $0x28, v0  }
0x811: {  	[tilespmem:s0+$0x14E00] =	vst v9;
	v9 =	vld.idx.msk [tilespmem:v16+s7+$0x0], $0xffff;
	v16 =	vadd.s32 $0x29, v0  }
0x812: {  	v21 =	vadd.f32 $-7.659490200e+01, v21;
	v22 =	vadd.f32 $6.017621230e+01, v22;
	[tilespmem:s0+$0x14E80] =	vst v15;
	v14 =	vld.idx.msk [tilespmem:v14+s7+$0x0], $0xffff;
	v15 =	vadd.s32 $0x2A, v0  }
0x813: {  	[tilespmem:s0+$0x15B00] =	vst v13;
	v13 =	vld.idx.msk [tilespmem:v19+s7+$0x0], $0xffff;
	v19 =	vadd.s32 $0x2B, v0  }
0x814: {  	v21 =	vmul.f32 v21, v20;
	v22 =	vmul.f32 v22, v20;
	[tilespmem:s0+$0x15B80] =	vst v12;
	v12 =	vld.idx.msk [tilespmem:v18+s7+$0x0], $0xffff;
	v18 =	vadd.s32 $0x2C, v0  }
0x815: {  	[tilespmem:s0+$0x15C00] =	vst v11;
	v11 =	vld.idx.msk [tilespmem:v17+s7+$0x0], $0xffff;
	v17 =	vadd.s32 $0x2D, v0  }
0x816: {  	v21 =	vadd.f32 $8.159765630e+01, v21;
	v22 =	vadd.f32 $-8.545116420e+01, v22;
	[tilespmem:s0+$0x15C80] =	vst v10;
	v10 =	vld.idx.msk [tilespmem:v16+s7+$0x0], $0xffff;
	v16 =	vadd.s32 $0x2E, v0  }
0x817: {  	[tilespmem:s0+$0x15D00] =	vst v9;
	v9 =	vld.idx.msk [tilespmem:v15+s7+$0x0], $0xffff;
	v15 =	vadd.s32 $0x2F, v0  }
0x818: {  	v21 =	vmul.f32 v21, v20;
	v22 =	vmul.f32 v22, v20;
	[tilespmem:s0+$0x15D80] =	vst v14;
	v14 =	vld.idx.msk [tilespmem:v19+s7+$0x0], $0xffff;
	v19 =	vadd.s32 $0x30, v0  }
0x819: {  	[tilespmem:s0+$0x15E00] =	vst v13;
	v13 =	vld.idx.msk [tilespmem:v18+s7+$0x0], $0xffff;
	v18 =	vadd.s32 $0x31, v0  }
0x81a: {  	v21 =	vadd.f32 $-4.134148030e+01, v21;
	v22 =	vadd.f32 $6.493917080e+01, v22;
	[tilespmem:s0+$0x15E80] =	vst v12;
	v12 =	vld.idx.msk [tilespmem:v17+s7+$0x0], $0xffff;
	v17 =	vadd.s32 $0x32, v0  }
0x81b: {  	[tilespmem:s0+$0x16B00] =	vst v11;
	v11 =	vld.idx.msk [tilespmem:v16+s7+$0x0], $0xffff;
	v16 =	vadd.s32 $0x33, v0  }
0x81c: {  	v21 =	vmul.f32 v21, v20;
	v22 =	vmul.f32 v22, v20;
	[tilespmem:s0+$0x16B80] =	vst v10;
	v10 =	vld.idx.msk [tilespmem:v15+s7+$0x0], $0xffff;
	v15 =	vadd.s32 $0x34, v0  }
0x81d: {  	[tilespmem:s0+$0x16C00] =	vst v9;
	v9 =	vld.idx.msk [tilespmem:v19+s7+$0x0], $0xffff;
	v19 =	vadd.s32 $0x35, v0  }
0x81e: {  	v21 =	vadd.f32 $6.283183570e+00, v21;
	v22 =	vadd.f32 $-1.973920630e+01, v22;
	[tilespmem:s0+$0x16C80] =	vst v14;
	v14 =	vld.idx.msk [tilespmem:v18+s7+$0x0], $0xffff;
	v18 =	vadd.s32 $0x36, v0  }
0x81f: {  	[tilespmem:s0+$0x16D00] =	vst v13;
	v13 =	vld.idx.msk [tilespmem:v17+s7+$0x0], $0xffff;
	v17 =	vadd.s32 $0x37, v0  }
0x820: {  	v8 =	vmul.f32 v21, v8;
	v20 =	vmul.f32 v22, v20;
	[tilespmem:s0+$0x16D80] =	vst v12;
	v12 =	vld.idx.msk [tilespmem:v16+s7+$0x0], $0xffff;
	v16 =	vadd.s32 $0x38, v0  }
0x821: {  	[tilespmem:s0+$0x16E00] =	vst v11;
	v11 =	vld.idx.msk [tilespmem:v15+s7+$0x0], $0xffff;
	v15 =	vadd.s32 $0x39, v0  }
0x822: {  	v20 =	vadd.f32 $1.000000000e+00, v20;
	v21 =	vadd.f32 v8, v8;
	[tilespmem:s0+$0x16E80] =	vst v10;
	v10 =	vld.idx.msk [tilespmem:v19+s7+$0x0], $0xffff;
	v19 =	vadd.s32 $0x3A, v0  }
0x823: {  	[tilespmem:s0+$0x17B00] =	vst v9;
	v9 =	vld.idx.msk [tilespmem:v18+s7+$0x0], $0xffff;
	v18 =	vadd.s32 $0x3B, v0  }
0x824: {  	s10 =	sadd.s32 $0x11B00, s0;
	v22 =	vmul.f32 v20, v21;
	v21 =	vmul.f32 v21, v8;
	[tilespmem:s0+$0x17B80] =	vst v14;
	v14 =	vld.idx.msk [tilespmem:v17+s7+$0x0], $0xffff;
	v17 =	vadd.s32 $0x3C, v0  }
0x825: {  	[tilespmem:s10+$0x80] =	vst v7;
	v7 =	vld.idx.msk [tilespmem:v16+s7+$0x0], $0xffff;
	v16 =	vadd.s32 $0x3D, v0  }
0x826: {  	v21 =	vsub.f32 $1.000000000e+00, v21;
	v23 =	vadd.f32 v22, v22;
	[tilespmem:s10+$0x100] =	vst v6;
	v6 =	vld.idx.msk [tilespmem:v15+s7+$0x0], $0xffff;
	v15 =	vadd.s32 $0x3E, v0  }
0x827: {  	v0 =	vadd.s32 $0x3F, v0;
	[tilespmem:s10+$0x180] =	vst v5;
	v5 =	vld.idx.msk [tilespmem:v19+s7+$0x0], $0xffff  }
0x828: {  	v19 =	vmul.f32 v23, v22;
	[tilespmem:s10+$0x200] =	vst v4;
	v4 =	vld.idx.msk [tilespmem:v18+s7+$0x0], $0xffff;
	v18 =	vmul.f32 v21, v23  }
0x829: {  	s11 =	sor.u32 s4, s5;
	s4 =	sadd.s32 $0x80, s4;
	s5 =	smov.u32 s9;
	[tilespmem:s10+$0x280] =	vst v3;
	v3 =	vld.idx.msk [tilespmem:v17+s7+$0x0], $0xffff  }
0x82a: {  	s12 =	sand.u32 $0x70, s9;
	s17 =	sand.u32 $0xC00, s4;
	[tilespmem:s10+$0x300] =	vst v2;
	s10 =	sor.u32 $0x380, s11;
	v2 =	vld.idx.msk [tilespmem:v16+s7+$0x0], $0xffff;
	v16 =	vsub.f32 $1.000000000e+00, v19  }
0x82b: {  	s17 =	sor.u32 s12, s17;
	[tilespmem:s10+$0x11B00] =	vst v1;
	v1 =	vld.idx.msk [tilespmem:v15+s7+$0x0], $0xffff  }
0x82c: {  	s10 =	sor.u32 s18, s17;
	v15 =	vld.idx.msk [tilespmem:v0+s7+$0x0], $0xffff;
	[tilespmem:s0+$0x19D80] =	vst v16  }
0x82d: {  	v0 =	vld [tilespmem:s10+$0x2B80];
	[tilespmem:s0+$0x19D00] =	vst v18  }
0x82e: {  	[tilespmem:s0+$0x19C80] =	vst v21  }
0x82f: {  	v16 =	vld [tilespmem:s10+$0x3B80];
	[tilespmem:s0+$0x19C00] =	vst v22  }
0x830: {  	[tilespmem:s0+$0x19B80] =	vst v20  }
0x831: {  	[tilespmem:s0+$0x19B00] =	vst v8  }
0x832: {  	v0 =	vmul.u32 $0x7, v0;
	[tilespmem:s0+$0x17C00] =	vst v13  }
0x833: {  	[tilespmem:s0+$0x17C80] =	vst v12  }
0x834: {  	v0 =	vadd.s32 v16, v0;
	[tilespmem:s0+$0x17D00] =	vst v11  }
0x835: {  	v0 =	vmul.u32 $0x41, v0;
	[tilespmem:s0+$0x17D80] =	vst v10  }
0x836: {  	[tilespmem:s0+$0x17E00] =	vst v9  }
0x837: {  	v9 =	vadd.s32 $0x1, v0;
	[tilespmem:s0+$0x17E80] =	vst v14  }
0x838: {  	v10 =	vadd.s32 $0x2, v0;
	[tilespmem:s0+$0x18B00] =	vst v7  }
0x839: {  	v11 =	vadd.s32 $0x3, v0;
	[tilespmem:s0+$0x18B80] =	vst v6  }
0x83a: {  	v12 =	vadd.s32 $0x4, v0;
	v8 =	vld [tilespmem:s10+$0x4B80];
	[tilespmem:s0+$0x18C00] =	vst v5  }
0x83b: {  	v14 =	vadd.s32 $0x5, v0;
	v13 =	vld.idx.msk [tilespmem:v0+s7+$0x0], $0xffff;
	[tilespmem:s0+$0x18C80] =	vst v4  }
0x83c: {  	v7 =	vld.idx.msk [tilespmem:v9+s7+$0x0], $0xffff;
	v9 =	vadd.s32 $0x6, v0;
	[tilespmem:s0+$0x18D00] =	vst v3  }
0x83d: {  	v6 =	vld.idx.msk [tilespmem:v10+s7+$0x0], $0xffff;
	v10 =	vadd.s32 $0x7, v0;
	[tilespmem:s0+$0x18D80] =	vst v2  }
0x83e: {  	v5 =	vld.idx.msk [tilespmem:v11+s7+$0x0], $0xffff;
	v11 =	vadd.s32 $0x8, v0;
	[tilespmem:s0+$0x18E00] =	vst v1  }
0x83f: {  	v4 =	vld.idx.msk [tilespmem:v12+s7+$0x0], $0xffff;
	v12 =	vadd.s32 $0x9, v0;
	[tilespmem:s0+$0x18E80] =	vst v15;
	s0 =	smov.u32 s17  }
0x840: {  	v3 =	vld.idx.msk [tilespmem:v14+s7+$0x0], $0xffff;
	v14 =	vadd.s32 $0xA, v0  }
0x841: {  	[tilespmem:s0+$0x11B00] =	vst v13;
	v2 =	vld.idx.msk [tilespmem:v9+s7+$0x0], $0xffff;
	v9 =	vadd.s32 $0xB, v0  }
0x842: {  	v19 =	vadd.s32 $0xC, v0;
	v1 =	vld.idx.msk [tilespmem:v10+s7+$0x0], $0xffff  }
.Ltmp9:
0x843: {  	v18 =	vadd.s32 $0xD, v0;
	v13 =	vld.idx.msk [tilespmem:v11+s7+$0x0], $0xffff;
	(pc) =	sbr.rel @p0 .LBB2_20-.Ltmp9, $4  }
0x844: {  	v17 =	vadd.s32 $0xE, v0;
	v12 =	vld.idx.msk [tilespmem:v12+s7+$0x0], $0xffff  }
0x845: {  	v16 =	vadd.s32 $0xF, v0;
	v11 =	vld.idx.msk [tilespmem:v14+s7+$0x0], $0xffff  }
0x846: {  	v15 =	vadd.s32 $0x10, v0;
	v10 =	vld.idx.msk [tilespmem:v9+s7+$0x0], $0xffff  }
0x847: {  	s9 =	sadd.s32 $0x10, s9;
	v14 =	vadd.s32 $0x11, v0;
	v9 =	vld.idx.msk [tilespmem:v19+s7+$0x0], $0xffff  }
0x848: {  	s9 =	sadd.s32 $0x11B00, s0;
	[tilespmem:s0+$0x12B00] =	vst v13  }
0x849: {  	[tilespmem:s9+$0x80] =	vst v7  }
0x84a: {  	[tilespmem:s9+$0x100] =	vst v6  }
0x84b: {  	[tilespmem:s9+$0x180] =	vst v5  }
0x84c: {  	[tilespmem:s9+$0x200] =	vst v4  }
0x84d: {  	[tilespmem:s9+$0x280] =	vst v3  }
0x84e: {  	[tilespmem:s9+$0x300] =	vst v2  }
0x84f: {  	v18 =	vld.idx.msk [tilespmem:v18+s7+$0x0], $0xffff;
	v19 =	vadd.s32 $0x12, v0;
	s4 =	sor.u32 s4, s5;
	[tilespmem:s0+$0x12B80] =	vst v12  }
0x850: {  	v17 =	vld.idx.msk [tilespmem:v17+s7+$0x0], $0xffff;
	v20 =	vadd.s32 $0x13, v0;
	s4 =	sor.u32 $0x380, s4;
	[tilespmem:s0+$0x12C00] =	vst v11  }
0x851: {  	v16 =	vld.idx.msk [tilespmem:v16+s7+$0x0], $0xffff;
	v21 =	vadd.s32 $0x14, v0;
	[tilespmem:s4+$0x11B00] =	vst v1  }
0x852: {  	v50 =	vld.idx.msk [tilespmem:v15+s7+$0x0], $0xffff;
	v51 =	vadd.s32 $0x15, v0;
	[tilespmem:s0+$0x12C80] =	vst v10  }
0x853: {  	v52 =	vld.idx.msk [tilespmem:v14+s7+$0x0], $0xffff;
	v53 =	vadd.s32 $0x16, v0;
	[tilespmem:s0+$0x12D00] =	vst v9  }
0x854: {  	v55 =	vadd.s32 $0x17, v0;
	v54 =	vld.idx.msk [tilespmem:v19+s7+$0x0], $0xffff;
	[tilespmem:s0+$0x12D80] =	vst v18  }
0x855: {  	v57 =	vadd.s32 $0x18, v0;
	v56 =	vld.idx.msk [tilespmem:v20+s7+$0x0], $0xffff;
	[tilespmem:s0+$0x12E00] =	vst v17  }
0x856: {  	v59 =	vadd.s32 $0x19, v0;
	v58 =	vld.idx.msk [tilespmem:v21+s7+$0x0], $0xffff;
	[tilespmem:s0+$0x12E80] =	vst v16  }
0x857: {  	v61 =	vadd.s32 $0x1A, v0;
	v15 =	vld.idx.msk [tilespmem:v51+s7+$0x0], $0xffff;
	[tilespmem:s0+$0x13B00] =	vst v50  }
0x858: {  	v63 =	vadd.s32 $0x1B, v0;
	v62 =	vld.idx.msk [tilespmem:v53+s7+$0x0], $0xffff;
	[tilespmem:s0+$0x13B80] =	vst v52  }
0x859: {  	v25 =	vadd.s32 $0x1C, v0;
	v24 =	vld.idx.msk [tilespmem:v55+s7+$0x0], $0xffff;
	[tilespmem:s0+$0x13C00] =	vst v54  }
0x85a: {  	v28 =	vadd.s32 $0x1D, v0;
	v27 =	vld.idx.msk [tilespmem:v57+s7+$0x0], $0xffff;
	[tilespmem:s0+$0x13C80] =	vst v56  }
0x85b: {  	v29 =	vadd.s32 $0x1E, v0;
	v3 =	vld.idx.msk [tilespmem:v59+s7+$0x0], $0xffff;
	[tilespmem:s0+$0x13D00] =	vst v58  }
0x85c: {  	v31 =	vadd.s32 $0x1F, v0;
	v30 =	vld.idx.msk [tilespmem:v61+s7+$0x0], $0xffff;
	[tilespmem:s0+$0x13D80] =	vst v15  }
0x85d: {  	v32 =	vadd.s32 $0x20, v0;
	v14 =	vld.idx.msk [tilespmem:v63+s7+$0x0], $0xffff;
	[tilespmem:s0+$0x13E00] =	vst v62  }
0x85e: {  	v34 =	vadd.s32 $0x21, v0;
	v33 =	vld.idx.msk [tilespmem:v25+s7+$0x0], $0xffff;
	[tilespmem:s0+$0x13E80] =	vst v24  }
0x85f: {  	v36 =	vadd.s32 $0x22, v0;
	v35 =	vld.idx.msk [tilespmem:v28+s7+$0x0], $0xffff;
	[tilespmem:s0+$0x14B00] =	vst v27  }
0x860: {  	v60 =	vadd.f32 $5.000000000e-01, v8;
	v37 =	vadd.s32 $0x23, v0;
	v9 =	vld.idx.msk [tilespmem:v29+s7+$0x0], $0xffff;
	[tilespmem:s0+$0x14B80] =	vst v3  }
0x861: {  	v39 =	vadd.s32 $0x24, v0;
	v38 =	vld.idx.msk [tilespmem:v31+s7+$0x0], $0xffff;
	[tilespmem:s0+$0x14C00] =	vst v30  }
0x862: {  	v49 =	vadd.s32 $0x29, v0;
	v23 =	vtrunc.f32 v60;
	v17 =	vld.idx.msk [tilespmem:v32+s7+$0x0], $0xffff;
	[tilespmem:s0+$0x14C80] =	vst v14  }
0x863: {  	v26 =	vcvt.f32.s32 v23;
	v23 =	vadd.s32 $0x25, v0;
	v41 =	vld.idx.msk [tilespmem:v34+s7+$0x0], $0xffff;
	[tilespmem:s0+$0x14D00] =	vst v33  }
0x864: {  	v42 =	vadd.s32 $0x26, v0;
	v19 =	vld.idx.msk [tilespmem:v36+s7+$0x0], $0xffff;
	[tilespmem:s0+$0x14D80] =	vst v35  }
0x865: {  	v44 =	vadd.s32 $0x27, v0;
	v45 =	vld.idx.msk [tilespmem:v37+s7+$0x0], $0xffff;
	[tilespmem:s0+$0x14E00] =	vst v9  }
0x866: {  	v46 =	vadd.s32 $0x28, v0;
	v10 =	vcvt.s32.f32 v26;
	v48 =	vld.idx.msk [tilespmem:v39+s7+$0x0], $0xffff;
	[tilespmem:s0+$0x14E80] =	vst v38  }
0x867: {  	v51 =	vadd.s32 $0x2A, v0;
	v60 =	vld.idx.msk [tilespmem:v49+s7+$0x0], $0xffff;
	[tilespmem:s0+$0x15B00] =	vst v17  }
0x868: {  	v55 =	vadd.s32 $0x2B, v0;
	v8 =	vsub.f32 v8, v10;
	v50 =	vld.idx.msk [tilespmem:v23+s7+$0x0], $0xffff;
	[tilespmem:s0+$0x15B80] =	vst v41  }
0x869: {  	v57 =	vadd.s32 $0x2C, v0;
	v54 =	vld.idx.msk [tilespmem:v42+s7+$0x0], $0xffff;
	[tilespmem:s0+$0x15C00] =	vst v19  }
0x86a: {  	v59 =	vadd.s32 $0x2D, v0;
	v6 =	vmul.f32 v8, v8;
	v56 =	vld.idx.msk [tilespmem:v44+s7+$0x0], $0xffff;
	[tilespmem:s0+$0x15C80] =	vst v45  }
0x86b: {  	v61 =	vadd.s32 $0x2E, v0;
	v58 =	vld.idx.msk [tilespmem:v46+s7+$0x0], $0xffff;
	[tilespmem:s0+$0x15D00] =	vst v48  }
0x86c: {  	v63 =	vadd.s32 $0x2F, v0;
	v62 =	vld.idx.msk [tilespmem:v51+s7+$0x0], $0xffff;
	[tilespmem:s0+$0x16B80] =	vst v60;
	v40 =	vmul.f32 $-1.237227250e+01, v6;
	v22 =	vmul.f32 $6.575502400e+00, v6  }
0x86d: {  	v25 =	vadd.s32 $0x30, v0;
	v24 =	vld.idx.msk [tilespmem:v55+s7+$0x0], $0xffff;
	[tilespmem:s0+$0x15D80] =	vst v50  }
0x86e: {  	v37 =	vadd.s32 $0x35, v0;
	v26 =	vld.idx.msk [tilespmem:v57+s7+$0x0], $0xffff;
	v4 =	vadd.f32 $4.126979830e+01, v40;
	v43 =	vadd.f32 $-2.600045590e+01, v22;
	[tilespmem:s0+$0x15E00] =	vst v54  }
0x86f: {  	v39 =	vadd.s32 $0x36, v0;
	v28 =	vld.idx.msk [tilespmem:v59+s7+$0x0], $0xffff;
	[tilespmem:s0+$0x15E80] =	vst v56  }
0x870: {  	v29 =	vadd.s32 $0x32, v0;
	v32 =	vld.idx.msk [tilespmem:v61+s7+$0x0], $0xffff;
	v4 =	vmul.f32 v4, v6;
	v47 =	vmul.f32 v43, v6;
	[tilespmem:s0+$0x16B00] =	vst v58  }
0x871: {  	v27 =	vadd.s32 $0x31, v0;
	v34 =	vld.idx.msk [tilespmem:v63+s7+$0x0], $0xffff;
	[tilespmem:s0+$0x16C00] =	vst v62  }
0x872: {  	v33 =	vadd.s32 $0x33, v0;
	v36 =	vld.idx.msk [tilespmem:v25+s7+$0x0], $0xffff;
	[tilespmem:s0+$0x16C80] =	vst v24;
	v52 =	vadd.f32 $-7.659490200e+01, v4;
	v53 =	vadd.f32 $6.017621230e+01, v47  }
0x873: {  	v35 =	vadd.s32 $0x34, v0;
	v46 =	vld.idx.msk [tilespmem:v37+s7+$0x0], $0xffff;
	[tilespmem:s0+$0x16D00] =	vst v26  }
0x874: {  	v41 =	vadd.s32 $0x37, v0;
	v49 =	vld.idx.msk [tilespmem:v39+s7+$0x0], $0xffff;
	[tilespmem:s0+$0x16D80] =	vst v28;
	v3 =	vmul.f32 v52, v6;
	v4 =	vmul.f32 v53, v6  }
0x875: {  	v45 =	vadd.s32 $0x39, v0;
	v40 =	vld.idx.msk [tilespmem:v29+s7+$0x0], $0xffff;
	[tilespmem:s0+$0x16E00] =	vst v32  }
0x876: {  	v50 =	vadd.s32 $0x3B, v0;
	v38 =	vld.idx.msk [tilespmem:v27+s7+$0x0], $0xffff;
	[tilespmem:s0+$0x16E80] =	vst v34;
	v3 =	vadd.f32 $8.159765630e+01, v3;
	v4 =	vadd.f32 $-8.545116420e+01, v4  }
0x877: {  	v42 =	vld.idx.msk [tilespmem:v33+s7+$0x0], $0xffff;
	v43 =	vadd.s32 $0x38, v0;
	[tilespmem:s0+$0x17B00] =	vst v36  }
0x878: {  	v44 =	vld.idx.msk [tilespmem:v35+s7+$0x0], $0xffff;
	v54 =	vadd.s32 $0x3D, v0;
	[tilespmem:s0+$0x17D80] =	vst v46;
	v3 =	vmul.f32 v3, v6;
	v4 =	vmul.f32 v4, v6  }
0x879: {  	v51 =	vld.idx.msk [tilespmem:v41+s7+$0x0], $0xffff;
	v58 =	vadd.s32 $0x3F, v0;
	[tilespmem:s0+$0x17E00] =	vst v49  }
0x87a: {  	v55 =	vld.idx.msk [tilespmem:v45+s7+$0x0], $0xffff;
	v47 =	vadd.s32 $0x3A, v0;
	[tilespmem:s0+$0x17C00] =	vst v40;
	v30 =	vadd.f32 $-4.134148030e+01, v3;
	v31 =	vadd.f32 $6.493917080e+01, v4  }
0x87b: {  	v60 =	vld.idx.msk [tilespmem:v50+s7+$0x0], $0xffff;
	v52 =	vadd.s32 $0x3C, v0;
	[tilespmem:s0+$0x17B80] =	vst v38  }
0x87c: {  	v21 =	vld.idx.msk [tilespmem:v43+s7+$0x0], $0xffff;
	[tilespmem:s0+$0x17C80] =	vst v42;
	v2 =	vmul.f32 v30, v6;
	v3 =	vmul.f32 v31, v6  }
0x87d: {  	v62 =	vld.idx.msk [tilespmem:v54+s7+$0x0], $0xffff;
	[tilespmem:s0+$0x17D00] =	vst v44  }
0x87e: {  	v56 =	vadd.s32 $0x3E, v0;
	v0 =	vld.idx.msk [tilespmem:v58+s7+$0x0], $0xffff;
	[tilespmem:s0+$0x17E80] =	vst v51;
	v2 =	vadd.f32 $6.283183570e+00, v2;
	v3 =	vadd.f32 $-1.973920630e+01, v3  }
0x87f: {  	[tilespmem:s0+$0x18B80] =	vst v55;
	v16 =	vld.idx.msk [tilespmem:v47+s7+$0x0], $0xffff  }
0x880: {  	[tilespmem:s0+$0x18C80] =	vst v60;
	v20 =	vld.idx.msk [tilespmem:v52+s7+$0x0], $0xffff;
	v2 =	vmul.f32 v2, v8;
	v3 =	vmul.f32 v3, v6  }
0x881: {  	[tilespmem:s0+$0x18B00] =	vst v21  }
0x882: {  	[tilespmem:s0+$0x18D80] =	vst v62;
	v3 =	vadd.f32 $1.000000000e+00, v3;
	v48 =	vadd.f32 v2, v2  }
0x883: {  	[tilespmem:s0+$0x18E80] =	vst v0;
	v8 =	vld.idx.msk [tilespmem:v56+s7+$0x0], $0xffff  }
0x884: {  	[tilespmem:s0+$0x18C00] =	vst v16;
	v53 =	vmul.f32 v3, v48  }
0x885: {  	[tilespmem:s0+$0x18D00] =	vst v20;
	v59 =	vmul.f32 v48, v2  }
0x886: {  	[tilespmem:s0+$0x19B00] =	vst v2;
	v57 =	vadd.f32 v53, v53  }
0x887: {  	[tilespmem:s0+$0x19B80] =	vst v3;
	v4 =	vsub.f32 $1.000000000e+00, v59  }
0x888: {  	[tilespmem:s0+$0x18E00] =	vst v8;
	v61 =	vmul.f32 v57, v53  }
0x889: {  	[tilespmem:s0+$0x19C00] =	vst v53;
	v17 =	vmul.f32 v4, v57  }
0x88a: {  	[tilespmem:s0+$0x19C80] =	vst v4;
	v63 =	vsub.f32 $1.000000000e+00, v61  }
0x88b: {  	[tilespmem:s0+$0x19D00] =	vst v17  }
0x88c: {  	[tilespmem:s0+$0x19D80] =	vst v63  }
0x88d: {  	s0 =	rddreg [dreg:$0x11]  }
0x88e: {  	s0 =	sadd.s32 s8, s0;
	s8 =	simm.s32 $0x11B00  }
0x88f: {  	[hbm4b:s0+s30] =	stream.strided.scatter [tilespmem:s8], [sflag:$0x4], $0x400, s31, s30, $0x38;
	[tilespmem:$0x1AB00] =	vst v63  }
0x890: {  	s10 =	simm.s32 $0x11F00;
	s9 =	sadd.s32 $0x80, s0  }
0x891: {  	[hbm4b:s9+s30] =	stream.strided.scatter [tilespmem:s10], [sflag:$0x4], $0x400, s31, s30, $0x38;
	[tilespmem:$0x1AB00] =	vst v63  }
0x892: {  	s12 =	simm.s32 $0x12300;
	s11 =	sadd.s32 $0x100, s0  }
0x893: {  	[hbm4b:s11+s30] =	stream.strided.scatter [tilespmem:s12], [sflag:$0x4], $0x400, s31, s30, $0x38;
	[tilespmem:$0x1AB00] =	vst v63  }
0x894: {  	s18 =	simm.s32 $0x12700;
	s17 =	sadd.s32 $0x180, s0  }
0x895: {  	[hbm4b:s17+s30] =	stream.strided.scatter [tilespmem:s18], [sflag:$0x4], $0x400, s31, s30, $0x38;
	[tilespmem:$0x1AB00] =	vst v63  }
0x896: {  	s19 =	sadd.s32 $0x320000, s0;
	s9 =	simm.s32 $0x12B00  }
0x897: {  	[hbm4b:s19+s30] =	stream.strided.scatter [tilespmem:s9], [sflag:$0x4], $0x400, s31, s30, $0x38;
	[tilespmem:$0x1AB00] =	vst v63  }
0x898: {  	s10 =	sadd.s32 $0x80, s19;
	s11 =	simm.s32 $0x12F00  }
0x899: {  	[hbm4b:s10+s30] =	stream.strided.scatter [tilespmem:s11], [sflag:$0x4], $0x400, s31, s30, $0x38;
	[tilespmem:$0x1AB00] =	vst v63  }
0x89a: {  	s12 =	sadd.s32 $0x100, s19;
	s17 =	simm.s32 $0x13300  }
0x89b: {  	[hbm4b:s12+s30] =	stream.strided.scatter [tilespmem:s17], [sflag:$0x4], $0x400, s31, s30, $0x38;
	[tilespmem:$0x1AB00] =	vst v63  }
0x89c: {  	s4 =	sadd.s32 $0x180, s19;
	s18 =	simm.s32 $0x13700  }
0x89d: {  	[hbm4b:s4+s30] =	stream.strided.scatter [tilespmem:s18], [sflag:$0x4], $0x400, s31, s30, $0x38;
	[tilespmem:$0x1AB00] =	vst v63  }
0x89e: {  	s19 =	sadd.s32 $0x640000, s0;
	s9 =	simm.s32 $0x13B00  }
0x89f: {  	[hbm4b:s19+s30] =	stream.strided.scatter [tilespmem:s9], [sflag:$0x4], $0x400, s31, s30, $0x38;
	[tilespmem:$0x1AB00] =	vst v63  }
0x8a0: {  	s10 =	sadd.s32 $0x80, s19;
	s11 =	simm.s32 $0x13F00  }
0x8a1: {  	[hbm4b:s10+s30] =	stream.strided.scatter [tilespmem:s11], [sflag:$0x4], $0x400, s31, s30, $0x38;
	[tilespmem:$0x1AB00] =	vst v63  }
0x8a2: {  	s12 =	sadd.s32 $0x100, s19;
	s17 =	simm.s32 $0x14300  }
0x8a3: {  	[hbm4b:s12+s30] =	stream.strided.scatter [tilespmem:s17], [sflag:$0x4], $0x400, s31, s30, $0x38;
	[tilespmem:$0x1AB00] =	vst v63  }
0x8a4: {  	s4 =	sadd.s32 $0x180, s19;
	s18 =	simm.s32 $0x14700  }
0x8a5: {  	[hbm4b:s4+s30] =	stream.strided.scatter [tilespmem:s18], [sflag:$0x4], $0x400, s31, s30, $0x38;
	[tilespmem:$0x1AB00] =	vst v63  }
0x8a6: {  	s19 =	sadd.s32 $0x960000, s0;
	s9 =	simm.s32 $0x14B00  }
0x8a7: {  	[hbm4b:s19+s30] =	stream.strided.scatter [tilespmem:s9], [sflag:$0x4], $0x400, s31, s30, $0x38;
	[tilespmem:$0x1AB00] =	vst v63  }
0x8a8: {  	s10 =	sadd.s32 $0x80, s19;
	s11 =	simm.s32 $0x14F00  }
0x8a9: {  	[hbm4b:s10+s30] =	stream.strided.scatter [tilespmem:s11], [sflag:$0x4], $0x400, s31, s30, $0x38;
	[tilespmem:$0x1AB00] =	vst v63  }
0x8aa: {  	s12 =	sadd.s32 $0x100, s19;
	s17 =	simm.s32 $0x15300  }
0x8ab: {  	[hbm4b:s12+s30] =	stream.strided.scatter [tilespmem:s17], [sflag:$0x4], $0x400, s31, s30, $0x38;
	[tilespmem:$0x1AB00] =	vst v63  }
0x8ac: {  	s4 =	sadd.s32 $0x180, s19;
	s18 =	simm.s32 $0x15700  }
0x8ad: {  	[hbm4b:s4+s30] =	stream.strided.scatter [tilespmem:s18], [sflag:$0x4], $0x400, s31, s30, $0x38;
	[tilespmem:$0x1AB00] =	vst v63  }
0x8ae: {  	s19 =	sadd.s32 $0xC80000, s0;
	s9 =	simm.s32 $0x15B00  }
0x8af: {  	[hbm4b:s19+s30] =	stream.strided.scatter [tilespmem:s9], [sflag:$0x4], $0x400, s31, s30, $0x38;
	[tilespmem:$0x1AB00] =	vst v63  }
0x8b0: {  	s10 =	sadd.s32 $0x80, s19;
	s11 =	simm.s32 $0x15F00  }
0x8b1: {  	[hbm4b:s10+s30] =	stream.strided.scatter [tilespmem:s11], [sflag:$0x4], $0x400, s31, s30, $0x38;
	[tilespmem:$0x1AB00] =	vst v63  }
0x8b2: {  	s12 =	sadd.s32 $0x100, s19;
	s17 =	simm.s32 $0x16300  }
0x8b3: {  	[hbm4b:s12+s30] =	stream.strided.scatter [tilespmem:s17], [sflag:$0x4], $0x400, s31, s30, $0x38;
	[tilespmem:$0x1AB00] =	vst v63  }
0x8b4: {  	s4 =	sadd.s32 $0x180, s19;
	s18 =	simm.s32 $0x16700  }
0x8b5: {  	[hbm4b:s4+s30] =	stream.strided.scatter [tilespmem:s18], [sflag:$0x4], $0x400, s31, s30, $0x38;
	[tilespmem:$0x1AB00] =	vst v63  }
0x8b6: {  	s19 =	sadd.s32 $0xFA0000, s0;
	s9 =	simm.s32 $0x16B00  }
0x8b7: {  	[hbm4b:s19+s30] =	stream.strided.scatter [tilespmem:s9], [sflag:$0x4], $0x400, s31, s30, $0x38;
	[tilespmem:$0x1AB00] =	vst v63  }
0x8b8: {  	s10 =	sadd.s32 $0x80, s19;
	s11 =	simm.s32 $0x16F00  }
0x8b9: {  	[hbm4b:s10+s30] =	stream.strided.scatter [tilespmem:s11], [sflag:$0x4], $0x400, s31, s30, $0x38;
	[tilespmem:$0x1AB00] =	vst v63  }
0x8ba: {  	s12 =	sadd.s32 $0x100, s19;
	s17 =	simm.s32 $0x17300  }
0x8bb: {  	[hbm4b:s12+s30] =	stream.strided.scatter [tilespmem:s17], [sflag:$0x4], $0x400, s31, s30, $0x38;
	[tilespmem:$0x1AB00] =	vst v63  }
0x8bc: {  	s4 =	sadd.s32 $0x180, s19;
	s18 =	simm.s32 $0x17700  }
0x8bd: {  	[hbm4b:s4+s30] =	stream.strided.scatter [tilespmem:s18], [sflag:$0x4], $0x400, s31, s30, $0x38;
	[tilespmem:$0x1AB00] =	vst v63  }
0x8be: {  	s8 =	simm.s32 $0x17B00;
	s19 =	sadd.s32 $0x12C0000, s0  }
0x8bf: {  	[hbm4b:s19+s30] =	stream.strided.scatter [tilespmem:s8], [sflag:$0x4], $0x400, s31, s30, $0x38;
	[tilespmem:$0x1AB00] =	vst v63  }
0x8c0: {  	s9 =	sadd.s32 $0x80, s19  }
0x8c1: {  	[hbm4b:s9+s30] =	stream.strided.scatter [tilespmem:s13], [sflag:$0x4], $0x400, s31, s30, $0x38;
	[tilespmem:$0x1AB00] =	vst v63  }
0x8c2: {  	s10 =	sadd.s32 $0x100, s19  }
0x8c3: {  	[hbm4b:s10+s30] =	stream.strided.scatter [tilespmem:s14], [sflag:$0x4], $0x400, s31, s30, $0x38;
	[tilespmem:$0x1AB00] =	vst v63  }
0x8c4: {  	s4 =	sadd.s32 $0x180, s19  }
0x8c5: {  	[hbm4b:s4+s30] =	stream.strided.scatter [tilespmem:s20], [sflag:$0x4], $0x400, s31, s30, $0x38;
	[tilespmem:$0x1AB00] =	vst v63  }
0x8c6: {  	s11 =	sadd.s32 $0x15E0000, s0  }
0x8c7: {  	[hbm4b:s11+s30] =	stream.strided.scatter [tilespmem:s21], [sflag:$0x4], $0x400, s31, s30, $0x38;
	[tilespmem:$0x1AB00] =	vst v63  }
0x8c8: {  	s12 =	sadd.s32 $0x80, s11  }
0x8c9: {  	[hbm4b:s12+s30] =	stream.strided.scatter [tilespmem:s25], [sflag:$0x4], $0x400, s31, s30, $0x38;
	[tilespmem:$0x1AB00] =	vst v63  }
0x8ca: {  	s17 =	sadd.s32 $0x100, s11  }
0x8cb: {  	[hbm4b:s17+s30] =	stream.strided.scatter [tilespmem:s26], [sflag:$0x4], $0x400, s31, s30, $0x38;
	[tilespmem:$0x1AB00] =	vst v63  }
0x8cc: {  	s4 =	sadd.s32 $0x180, s11  }
0x8cd: {  	[hbm4b:s4+s30] =	stream.strided.scatter [tilespmem:s28], [sflag:$0x4], $0x400, s31, s30, $0x38;
	[tilespmem:$0x1AB00] =	vst v63  }
0x8ce: {  	s15 =	sadd.s32 $0x1, s15;
	s0 =	sadd.s32 $0x1900000, s0  }
0x8cf: {  	[hbm4b:s0+s30] =	stream.strided.scatter [tilespmem:s22], [sflag:$0x4], $0x300, s31, s30, $0x38;
	[tilespmem:$0x1AB00] =	vst v63  }
0x8d0: {  	p0 =	sne.s32 s15, $0x4;
	s18 =	sadd.s32 $0x80, s0  }
0x8d1: {  	[hbm4b:s18+s30] =	stream.strided.scatter [tilespmem:s23], [sflag:$0x4], $0x300, s31, s30, $0x38;
	[tilespmem:$0x1AB00] =	vst v63  }
.Ltmp10:
0x8d2: {  	_ = 	snop;
	(pc) =	sbr.rel @p0 .LBB2_17-.Ltmp10, $4  }
0x8d3: {  	s19 =	sadd.s32 $0x100, s0  }
0x8d4: {  	[hbm4b:s19+s30] =	stream.strided.scatter [tilespmem:s24], [sflag:$0x4], $0x300, s31, s30, $0x38;
	[tilespmem:$0x1AB00] =	vst v63  }
0x8d5: {  	s0 =	sadd.s32 $0x180, s0  }
0x8d6: {  	[hbm4b:s0+s30] =	stream.strided.scatter [tilespmem:s16], [sflag:$0x4], $0x300, s31, s30, $0x38;
	[tilespmem:$0x1AB00] =	vst v63  }
0x8d7: {  	_ =	swait.ge [sflag:s1], $0x8C00  }
0x8d8: {  	[sflag:s1] =	ssyncset.done $0x0  }
0x8d9: {  	[sflag:s1] =	ssyncadd.s32 $0xFFFF7400  }
0x8da: {  	_ =	swait.ge [sflag:s2], $0x8C00  }
0x8db: {  	s3 =	rddreg [dreg:$0x13]  }
0x8dc: {  	s0 =	rddreg [dreg:$0x12];
	s3 =	sadd.s32 $0x1, s3  }
0x8dd: {  	p0 =	sne.s32 s3, s0  }
.Ltmp11:
0x8de: {  	_ = 	snop;
	(pc) =	sbr.rel @p0 .LBB2_1-.Ltmp11, $3  }
0x8df: {  	_ =	sdelay $0x1  }
0x8e0: {  	[sflag:s2] =	ssyncset.done $0x0  }
0x8e1: {  	[sflag:s2] =	ssyncadd.s32 $0xFFFF7400  }
0x8e2: {  	_ =	sfence.sel $0x180000  }
0x8e3: {  	[bflag:$0x0] =	sbarrier.arrive $0xFFFF  }
0x8e4: {  	_ =	strace $0x90000047  }
0x8e5: {  	s0 =	stileid.u32;
	[bflag:$0x2] =	sbarrier.arrive $0xFFFF  }
0x8e6: {  	p0 =	sne.s32 s0, $0x0;
	s0 =	rddreg [dreg:$0x5]  }
0x8e7: {  	s0 =	sadd.s32 @!p0 $0x100000, s0  }
0x8e8: {  	[sflag:s0] =	ssyncadd.tile.s32 @!p0 $0x1;
	_ =	shalt  }
.Lfunc_end2:
_tile_overlayer_lowered:
.L_overlay_start_2:
0x8e9: {  	(tag) =	ssettag $0x2  }
0x8ea: {  	s0 =	rddreg [dreg:$0x0];
	s2 =	stileid.u32  }
0x8eb: {  	s1 =	rddreg [dreg:$0x1];
	p0 =	sne.s32 s2, $0x0  }
0x8ec: {  	s3 =	rddreg [dreg:$0x2];
	[bflag:$0x3] =	sbarrier.arrive $0xFFFF;
	s2 =	simm.s32 @!p0 $0x1C05  }
0x8ed: {  	[timem:s3], [sflag:s2] =	dma.local @!p0 [hbm:s0], s1  }
0x8ee: {  	s0 =	simm.s32 @!p0 $0x5  }
0x8ef: {  	_ =	swait.ge @!p0 [sflag:s0], s1  }
0x8f0: {  	s1 =	ssub.s32 @!p0 $0x0, s1;
	[sflag:s0] =	ssyncset.done @!p0 $0x0  }
0x8f1: {  	[sflag:s0] =	ssyncadd.s32 @!p0 s1  }
0x8f2: {  	[bflag:$0x3] =	sbarrier.arrive $0xFFFF  }
0x8f3: {  	_ =	shalt  }

</sc_bundles>
